<compile_context>
chip_gen: v7x
topology: tpu7x:2x2x1
jax: 0.10.2.dev20260603
libtpu: 0.0.44.dev20260713+nightly
codegen_flags: <defaults>
</compile_context>

<pallas_src>
import functools

import jax
import jax.numpy as jnp
from jax import lax
from jax.experimental import pallas as pl
from jax.experimental.pallas import tpu as pltpu
from jax.experimental.pallas import tpu_sc as plsc

N_NODES = 10000
N_EDGES = 320000
D = 128
DH = 64
D_OUT = 64
N_GRAPHS = 128

NC = 2
NS = 16
EPT = N_EDGES // NS
CH = 128
IBLK = 8
NBLK = 20
EPT_PAD = NBLK * IBLK * CH
NPAD = 10240
ZR = NPAD // NS
SRT = N_NODES // NS
SCH = 125
NBUF = 3


def _zero_fill(ref, nrows, ncols16, value=0.0):
    v16 = jnp.full((16,), value, jnp.float32)

    def row(i, _):
        for q in range(ncols16):
            ref[i, pl.ds(q * 16, 16)] = v16
        return 0

    lax.fori_loop(0, nrows, row, 0)


@functools.cache
def _sc_mesh():
    return plsc.VectorSubcoreMesh(core_axis_name="c", subcore_axis_name="s",
                                  num_cores=NC, num_subcores=NS)


_SC_PARAMS = pltpu.CompilerParams(use_tc_tiling_on_sc=False)


def _stage_and_zero(table, tab, acc, rows, c, s):
    _zero_fill(rows, CH, DH // 16)
    base = s * ZR
    for q in range(ZR // CH):
        pltpu.sync_copy(rows, acc.at[pl.ds(base + q * CH, CH)])
    tbase = s * SRT
    for q in range(SRT // SCH):
        r0 = tbase + q * SCH
        pltpu.sync_copy(table.at[pl.ds(r0, SCH), pl.ds(c * DH, DH)],
                        rows.at[pl.ds(0, SCH)])
        pltpu.sync_copy(rows.at[pl.ds(0, SCH)], tab.at[pl.ds(r0, SCH)])


def _write_back(acc, rows, out, c, s):
    base = s * ZR
    for q in range(ZR // CH):
        r0 = base + q * CH
        pltpu.sync_copy(acc.at[pl.ds(r0, CH)], rows)
        pltpu.sync_copy(rows, out.at[c, pl.ds(r0, CH)])


def _seg_sum_cnt_body(table, src_r, dst_r, agg_out, cnt_out,
                      srcv, dstv, rows, rows2, rows3, onesb, tab, acc, accc,
                      sem0, sem1, sem2, sg0, sg1, sg2):
    c = lax.axis_index("c")
    s = lax.axis_index("s")

    _stage_and_zero(table, tab, acc, rows, c, s)
    _zero_fill(onesb, CH, 1)
    base = s * ZR
    for q in range(ZR // CH):
        pltpu.sync_copy(onesb, accc.at[pl.ds(base + q * CH, CH)])
    _zero_fill(onesb, CH, 1, value=1.0)
    plsc.subcore_barrier()

    bufs = (rows, rows2, rows3)
    sems = (sem0, sem1, sem2)
    semg = (sg0, sg1, sg2)

    def outer(b, _):
        pltpu.sync_copy(src_r.at[s, b], srcv)
        pltpu.sync_copy(dst_r.at[s, b], dstv)
        scat = [None] * IBLK
        gath = [None] * IBLK
        gath[0] = pltpu.async_copy(tab.at[srcv.at[0]], bufs[0], semg[0])
        for j in range(IBLK):
            if j + 1 < IBLK:
                if j + 1 >= NBUF:
                    scat[j + 1 - NBUF].wait()
                gath[j + 1] = pltpu.async_copy(
                    tab.at[srcv.at[j + 1]], bufs[(j + 1) % NBUF],
                    semg[(j + 1) % NBUF])
            gath[j].wait()
            scat[j] = pltpu.async_copy(bufs[j % NBUF], acc.at[dstv.at[j]],
                                       sems[j % NBUF], add=True)

        @pl.when((b % 2) == c)
        def _cnt():
            for j in range(IBLK):
                pltpu.sync_copy(onesb, accc.at[dstv.at[j]], add=True)

        for j in range(IBLK - NBUF, IBLK):
            scat[j].wait()
        return 0

    lax.fori_loop(0, NBLK, outer, 0)
    plsc.subcore_barrier()

    _write_back(acc, rows, agg_out, c, s)
    for q in range(ZR // CH):
        r0 = base + q * CH
        pltpu.sync_copy(accc.at[pl.ds(r0, CH)], onesb)
        pltpu.sync_copy(onesb, cnt_out.at[c, pl.ds(r0, CH)])


@functools.cache
def _make_seg_sum_cnt_sc():
    return pl.kernel(
        _seg_sum_cnt_body,
        out_type=(
            jax.ShapeDtypeStruct((NC, NPAD, DH), jnp.float32),
            jax.ShapeDtypeStruct((NC, NPAD, 16), jnp.float32),
        ),
        mesh=_sc_mesh(),
        compiler_params=_SC_PARAMS,
        scratch_types=[
            pltpu.VMEM((IBLK, CH), jnp.int32),
            pltpu.VMEM((IBLK, CH), jnp.int32),
            pltpu.VMEM((CH, DH), jnp.float32),
            pltpu.VMEM((CH, DH), jnp.float32),
            pltpu.VMEM((CH, DH), jnp.float32),
            pltpu.VMEM((CH, 16), jnp.float32),
            pltpu.VMEM_SHARED((NPAD, DH), jnp.float32),
            pltpu.VMEM_SHARED((NPAD, DH), jnp.float32),
            pltpu.VMEM_SHARED((NPAD, 16), jnp.float32),
            pltpu.SemaphoreType.DMA,
            pltpu.SemaphoreType.DMA,
            pltpu.SemaphoreType.DMA,
            pltpu.SemaphoreType.DMA,
            pltpu.SemaphoreType.DMA,
            pltpu.SemaphoreType.DMA,
        ],
    )


def _seg_sum_cnt_sc(table, src_r, dst_r):
    return _make_seg_sum_cnt_sc()(table, src_r, dst_r)


def _seg_sum_body(table, src_r, dst_r, agg_out,
                  srcv, dstv, rows, rows2, rows3, tab, acc,
                  sem0, sem1, sem2, sg0, sg1, sg2):
    c = lax.axis_index("c")
    s = lax.axis_index("s")

    _stage_and_zero(table, tab, acc, rows, c, s)
    plsc.subcore_barrier()

    bufs = (rows, rows2, rows3)
    sems = (sem0, sem1, sem2)
    semg = (sg0, sg1, sg2)

    def outer(b, _):
        pltpu.sync_copy(src_r.at[s, b], srcv)
        pltpu.sync_copy(dst_r.at[s, b], dstv)
        scat = [None] * IBLK
        gath = [None] * IBLK
        gath[0] = pltpu.async_copy(tab.at[srcv.at[0]], bufs[0], semg[0])
        for j in range(IBLK):
            if j + 1 < IBLK:
                if j + 1 >= NBUF:
                    scat[j + 1 - NBUF].wait()
                gath[j + 1] = pltpu.async_copy(
                    tab.at[srcv.at[j + 1]], bufs[(j + 1) % NBUF],
                    semg[(j + 1) % NBUF])
            gath[j].wait()
            scat[j] = pltpu.async_copy(bufs[j % NBUF], acc.at[dstv.at[j]],
                                       sems[j % NBUF], add=True)
        for j in range(IBLK - NBUF, IBLK):
            scat[j].wait()
        return 0

    lax.fori_loop(0, NBLK, outer, 0)
    plsc.subcore_barrier()

    _write_back(acc, rows, agg_out, c, s)


@functools.cache
def _make_seg_sum_sc():
    return pl.kernel(
        _seg_sum_body,
        out_type=jax.ShapeDtypeStruct((NC, NPAD, DH), jnp.float32),
        mesh=_sc_mesh(),
        compiler_params=_SC_PARAMS,
        scratch_types=[
            pltpu.VMEM((IBLK, CH), jnp.int32),
            pltpu.VMEM((IBLK, CH), jnp.int32),
            pltpu.VMEM((CH, DH), jnp.float32),
            pltpu.VMEM((CH, DH), jnp.float32),
            pltpu.VMEM((CH, DH), jnp.float32),
            pltpu.VMEM_SHARED((NPAD, DH), jnp.float32),
            pltpu.VMEM_SHARED((NPAD, DH), jnp.float32),
            pltpu.SemaphoreType.DMA,
            pltpu.SemaphoreType.DMA,
            pltpu.SemaphoreType.DMA,
            pltpu.SemaphoreType.DMA,
            pltpu.SemaphoreType.DMA,
            pltpu.SemaphoreType.DMA,
        ],
    )


def _seg_sum_sc(table, src_r, dst_r):
    return _make_seg_sum_sc()(table, src_r, dst_r)


_R = 2000
_G = N_NODES // _R


def _sage_layer_body(h_ref, a_ref, c_ref, wl_ref, wr_ref, bl_ref, g_ref,
                     be_ref, o_ref):
    agg = jnp.concatenate([a_ref[0], a_ref[1]], axis=1)
    cnt = c_ref[0][:, 0:1] + c_ref[1][:, 0:1]
    mean = agg / jnp.maximum(cnt, 1.0)
    z = (jnp.dot(mean, wl_ref[...], preferred_element_type=jnp.float32)
         + jnp.dot(h_ref[...], wr_ref[...], preferred_element_type=jnp.float32)
         + bl_ref[...])
    mu = jnp.mean(z, axis=1, keepdims=True)
    zc = z - mu
    var = jnp.mean(zc * zc, axis=1, keepdims=True)
    y = zc * lax.rsqrt(var + 1e-5) * g_ref[...] + be_ref[...]
    o_ref[...] = jnp.maximum(y, 0.0)


def _sage_layer_tc(h, agg2, cnt2, W_l, b_l, W_r, g, beta):
    return pl.pallas_call(
        _sage_layer_body,
        grid=(_G,),
        in_specs=[
            pl.BlockSpec((_R, D), lambda i: (i, 0)),
            pl.BlockSpec((NC, _R, DH), lambda i: (0, i, 0)),
            pl.BlockSpec((NC, _R, 16), lambda i: (0, i, 0)),
            pl.BlockSpec((D, D), lambda i: (0, 0)),
            pl.BlockSpec((D, D), lambda i: (0, 0)),
            pl.BlockSpec((1, D), lambda i: (0, 0)),
            pl.BlockSpec((1, D), lambda i: (0, 0)),
            pl.BlockSpec((1, D), lambda i: (0, 0)),
        ],
        out_specs=pl.BlockSpec((_R, D), lambda i: (i, 0)),
        out_shape=jax.ShapeDtypeStruct((N_NODES, D), jnp.float32),
    )(h, agg2, cnt2, W_l, W_r, b_l.reshape(1, D), g.reshape(1, D),
      beta.reshape(1, D))


def _sage_layer_pool_body(h_ref, a_ref, c_ref, wl_ref, wr_ref, bl_ref, g_ref,
                          be_ref, b_ref, wo_ref, bo_ref, o_ref, acc_ref,
                          cg_ref):
    i = pl.program_id(0)
    agg = jnp.concatenate([a_ref[0], a_ref[1]], axis=1)
    cnt = c_ref[0][:, 0:1] + c_ref[1][:, 0:1]
    mean = agg / jnp.maximum(cnt, 1.0)
    z = (jnp.dot(mean, wl_ref[...], preferred_element_type=jnp.float32)
         + jnp.dot(h_ref[...], wr_ref[...], preferred_element_type=jnp.float32)
         + bl_ref[...])
    mu = jnp.mean(z, axis=1, keepdims=True)
    zc = z - mu
    var = jnp.mean(zc * zc, axis=1, keepdims=True)
    y = zc * lax.rsqrt(var + 1e-5) * g_ref[...] + be_ref[...]
    y = jnp.maximum(y, 0.0)

    @pl.when(i == 0)
    def _init():
        acc_ref[...] = jnp.zeros_like(acc_ref)
        cg_ref[...] = jnp.zeros_like(cg_ref)

    oneh = (b_ref[...] == lax.broadcasted_iota(jnp.int32, (_R, N_GRAPHS), 1)
            ).astype(jnp.float32)
    acc_ref[...] += lax.dot_general(oneh, y, (((0,), (0,)), ((), ())),
                                    preferred_element_type=jnp.float32)
    cg_ref[...] += lax.dot_general(oneh, jnp.ones((_R, 1), jnp.float32),
                                   (((0,), (0,)), ((), ())),
                                   preferred_element_type=jnp.float32)

    @pl.when(i == _G - 1)
    def _fin():
        pooled = acc_ref[...] / jnp.maximum(cg_ref[...], 1.0)
        o_ref[...] = (jnp.dot(pooled, wo_ref[...],
                              preferred_element_type=jnp.float32) + bo_ref[...])


def _sage_layer_pool_tc(h, agg2, cnt2, W_l, b_l, W_r, g, beta, batch2d,
                        W_out, b_out):
    return pl.pallas_call(
        _sage_layer_pool_body,
        grid=(_G,),
        in_specs=[
            pl.BlockSpec((_R, D), lambda i: (i, 0)),
            pl.BlockSpec((NC, _R, DH), lambda i: (0, i, 0)),
            pl.BlockSpec((NC, _R, 16), lambda i: (0, i, 0)),
            pl.BlockSpec((D, D), lambda i: (0, 0)),
            pl.BlockSpec((D, D), lambda i: (0, 0)),
            pl.BlockSpec((1, D), lambda i: (0, 0)),
            pl.BlockSpec((1, D), lambda i: (0, 0)),
            pl.BlockSpec((1, D), lambda i: (0, 0)),
            pl.BlockSpec((_R, 1), lambda i: (i, 0)),
            pl.BlockSpec((D, D_OUT), lambda i: (0, 0)),
            pl.BlockSpec((1, D_OUT), lambda i: (0, 0)),
        ],
        out_specs=pl.BlockSpec((N_GRAPHS, D_OUT), lambda i: (0, 0)),
        out_shape=jax.ShapeDtypeStruct((N_GRAPHS, D_OUT), jnp.float32),
        scratch_shapes=[pltpu.VMEM((N_GRAPHS, D), jnp.float32),
                        pltpu.VMEM((N_GRAPHS, 1), jnp.float32)],
    )(h, agg2, cnt2, W_l, W_r, b_l.reshape(1, D), g.reshape(1, D),
      beta.reshape(1, D), batch2d, W_out, b_out.reshape(1, D_OUT))


def kernel(x, edge_index, batch, W_l0, b_l0, W_r0, g0, beta0,
           W_l1, b_l1, W_r1, g1, beta1, W_out, b_out):
    pad = EPT_PAD - EPT
    src = edge_index[0].astype(jnp.int32).reshape(NS, EPT)
    src = jnp.pad(src, ((0, 0), (0, pad))).reshape(NS, NBLK, IBLK, CH)
    dst = edge_index[1].astype(jnp.int32).reshape(NS, EPT)
    dst = jnp.pad(dst, ((0, 0), (0, pad)),
                  constant_values=N_NODES).reshape(NS, NBLK, IBLK, CH)
    batch2d = batch.astype(jnp.int32).reshape(N_NODES, 1)

    agg0, cnt2 = _seg_sum_cnt_sc(x, src, dst)
    h1 = _sage_layer_tc(x, agg0, cnt2, W_l0, b_l0, W_r0, g0, beta0)
    agg1 = _seg_sum_sc(h1, src, dst)
    return _sage_layer_pool_tc(h1, agg1, cnt2, W_l1, b_l1, W_r1, g1, beta1,
                               batch2d, W_out, b_out)

# --- scband reference (transcript-rebuilt; emitter-appended) ---
"""Pipeline reference for scband-graph-sage-model-19121194401868 (READ-ONLY COPY).

The authoritative reference and input builder live on the scoring server;
editing this copy changes nothing except your own understanding.
"""

import jax, jax.numpy as jnp
import numpy as np

N_NODES = 10000
N_EDGES = 320000
D_IN = 128
D_HID = 128
D_OUT = 64
N_GRAPHS = 128


def setup_inputs(seed: int = 0) -> dict:
    key = jax.random.key(seed)
    ks = jax.random.split(key, 16)
    x = jax.random.normal(ks[0], (N_NODES, D_IN), dtype=jnp.float32)
    edge_index = jax.random.randint(ks[1], (2, N_EDGES), 0, N_NODES, dtype=jnp.int64)
    batch = jnp.sort(jax.random.randint(ks[2], (N_NODES,), 0, N_GRAPHS, dtype=jnp.int64))
    s = 1.0 / np.sqrt(D_IN)
    W_l0 = jax.random.uniform(ks[3], (D_IN, D_HID), jnp.float32, -s, s)
    b_l0 = jnp.zeros((D_HID,), jnp.float32)
    W_r0 = jax.random.uniform(ks[4], (D_IN, D_HID), jnp.float32, -s, s)
    g0 = jnp.ones((D_HID,), jnp.float32)
    beta0 = jnp.zeros((D_HID,), jnp.float32)
    s2 = 1.0 / np.sqrt(D_HID)
    W_l1 = jax.random.uniform(ks[5], (D_HID, D_HID), jnp.float32, -s2, s2)
    b_l1 = jnp.zeros((D_HID,), jnp.float32)
    W_r1 = jax.random.uniform(ks[6], (D_HID, D_HID), jnp.float32, -s2, s2)
    g1 = jnp.ones((D_HID,), jnp.float32)
    beta1 = jnp.zeros((D_HID,), jnp.float32)
    W_out = jax.random.uniform(ks[7], (D_HID, D_OUT), jnp.float32, -s2, s2)
    b_out = jnp.zeros((D_OUT,), jnp.float32)
    return {"x": x, "edge_index": edge_index, "batch": batch,
            "W_l0": W_l0, "b_l0": b_l0, "W_r0": W_r0, "g0": g0, "beta0": beta0,
            "W_l1": W_l1, "b_l1": b_l1, "W_r1": W_r1, "g1": g1, "beta1": beta1,
            "W_out": W_out, "b_out": b_out}


def _layer_norm(h, g, b, eps=1e-5):
    mu = jnp.mean(h, axis=-1, keepdims=True)
    var = jnp.mean((h - mu) ** 2, axis=-1, keepdims=True)
    return (h - mu) / jnp.sqrt(var + eps) * g + b


def _sage_conv(h, src, dst, W_l, b_l, W_r):
    # PyG SAGEConv (mean aggr): out = lin_l(mean_j x_j) + lin_r(x_i)
    msg = jnp.take(h, src, axis=0)
    agg = jax.ops.segment_sum(msg, dst, num_segments=N_NODES)
    cnt = jax.ops.segment_sum(jnp.ones((src.shape[0],), h.dtype), dst, num_segments=N_NODES)
    mean = agg / jnp.maximum(cnt, 1.0)[:, None]
    return mean @ W_l + b_l + h @ W_r


def reference(x, edge_index, batch, W_l0, b_l0, W_r0, g0, beta0,
              W_l1, b_l1, W_r1, g1, beta1, W_out, b_out):
    src = edge_index[0]
    dst = edge_index[1]
    h = _sage_conv(x, src, dst, W_l0, b_l0, W_r0)
    h = _layer_norm(h, g0, beta0)
    h = jax.nn.relu(h)
    # dropout is identity in eval mode
    h = _sage_conv(h, src, dst, W_l1, b_l1, W_r1)
    h = _layer_norm(h, g1, beta1)
    h = jax.nn.relu(h)
    # global_mean_pool over batch ids
    pooled = jax.ops.segment_sum(h, batch, num_segments=N_GRAPHS)
    cnt = jax.ops.segment_sum(jnp.ones((h.shape[0],), h.dtype), batch, num_segments=N_GRAPHS)
    pooled = pooled / jnp.maximum(cnt, 1.0)[:, None]
    return pooled @ W_out + b_out

if __name__ == "__main__":
    import jax
    _d = setup_inputs()
    print(jax.jit(kernel)(*tuple(_d.values())))

</pallas_src>

<mosaic_0001>
#map = affine_map<(d0, d1) -> (0, 0)>
#map1 = affine_map<(d0, d1) -> (0, 0, 0, 0)>
#map2 = affine_map<(d0, d1) -> (0, 0, 0)>
module attributes {stable_mosaic.version = 14 : i64} {
  func.func @_seg_sum_cnt_body(%arg0: i32, %arg1: i32, %arg2: memref<10000x128xf32, #tpu.memory_space<hbm>>, %arg3: memref<16x20x8x128xi32, #tpu.memory_space<hbm>>, %arg4: memref<16x20x8x128xi32, #tpu.memory_space<hbm>>, %arg5: memref<2x10240x64xf32, #tpu.memory_space<hbm>>, %arg6: memref<2x10240x16xf32, #tpu.memory_space<hbm>>, %arg7: memref<8x128xi32, #tpu.memory_space<vmem>>, %arg8: memref<8x128xi32, #tpu.memory_space<vmem>>, %arg9: memref<128x64xf32, #tpu.memory_space<vmem>>, %arg10: memref<128x64xf32, #tpu.memory_space<vmem>>, %arg11: memref<128x64xf32, #tpu.memory_space<vmem>>, %arg12: memref<128x16xf32, #tpu.memory_space<vmem>>, %arg13: memref<10240x64xf32, #tpu.memory_space<vmem_shared>>, %arg14: memref<10240x64xf32, #tpu.memory_space<vmem_shared>>, %arg15: memref<10240x16xf32, #tpu.memory_space<vmem_shared>>, %arg16: memref<!tpu.dma_semaphore, #tpu.memory_space<semaphore_mem>>, %arg17: memref<!tpu.dma_semaphore, #tpu.memory_space<semaphore_mem>>, %arg18: memref<!tpu.dma_semaphore, #tpu.memory_space<semaphore_mem>>, %arg19: memref<!tpu.dma_semaphore, #tpu.memory_space<semaphore_mem>>, %arg20: memref<!tpu.dma_semaphore, #tpu.memory_space<semaphore_mem>>, %arg21: memref<!tpu.dma_semaphore, #tpu.memory_space<semaphore_mem>>) attributes {dimension_semantics = [#tpu.dimension_semantics<core_parallel>, #tpu.dimension_semantics<subcore_parallel>], iteration_bounds = array<i64: 2, 16>, scalar_prefetch = 0 : i64, scratch_operands = 15 : i64, tpu.core_type = #tpu.core_type<sc_vector_subcore>, window_params = [{transform_indices = #map}, {transform_indices = #map1}, {transform_indices = #map1}, {transform_indices = #map2}, {transform_indices = #map2}]} {
    %broadcast_in_dim3A = arith.constant 0.000000e+00 : f32
    %broadcast_in_dim3A_0 = vector.broadcast %broadcast_in_dim3A : f32 to vector<16xf32>
    %scan3A = arith.constant 0 : i32
    %scan3A_1 = arith.constant 0 : i32
    %scan3A_2 = arith.constant 128 : i32
    %scan3A_3 = arith.addi %scan3A_1, %scan3A_2 : i32
    %scan3A_4 = arith.constant 1 : i32
    %scan3A_5 = scf.for %scan3A_99 = %scan3A_1 to %scan3A_3 step %scan3A_4 iter_args(%scan3A_100 = %scan3A) -> (i32)  : i32 {
      %swap3A = arith.index_cast %scan3A_99 : i32 to index
      %swap3A_101 = arith.constant 0 : index
      %swap3A_102 = tpu.vector_load %arg9[%swap3A, %swap3A_101] {strides = array<i32>} : memref<128x64xf32, #tpu.memory_space<vmem>>, vector<1x16xf32>,
      %swap3A_103 = vector.shape_cast %swap3A_102 : vector<1x16xf32> to vector<16xf32>
      %swap3A_104 = vector.shape_cast %broadcast_in_dim3A_0 : vector<16xf32> to vector<1x16xf32>
      tpu.vector_store %arg9[%swap3A, %swap3A_101], %swap3A_104 {strides = array<i32>} : memref<128x64xf32, #tpu.memory_space<vmem>>, vector<1x16xf32>,
      %swap3A_105 = arith.index_cast %scan3A_99 : i32 to index
      %swap3A_106 = arith.constant 16 : index
      %swap3A_107 = tpu.vector_load %arg9[%swap3A_105, %swap3A_106] {strides = array<i32>} : memref<128x64xf32, #tpu.memory_space<vmem>>, vector<1x16xf32>,
      %swap3A_108 = vector.shape_cast %swap3A_107 : vector<1x16xf32> to vector<16xf32>
      %swap3A_109 = vector.shape_cast %broadcast_in_dim3A_0 : vector<16xf32> to vector<1x16xf32>
      tpu.vector_store %arg9[%swap3A_105, %swap3A_106], %swap3A_109 {strides = array<i32>} : memref<128x64xf32, #tpu.memory_space<vmem>>, vector<1x16xf32>,
      %swap3A_110 = arith.index_cast %scan3A_99 : i32 to index
      %swap3A_111 = arith.constant 32 : index
      %swap3A_112 = tpu.vector_load %arg9[%swap3A_110, %swap3A_111] {strides = array<i32>} : memref<128x64xf32, #tpu.memory_space<vmem>>, vector<1x16xf32>,
      %swap3A_113 = vector.shape_cast %swap3A_112 : vector<1x16xf32> to vector<16xf32>
      %swap3A_114 = vector.shape_cast %broadcast_in_dim3A_0 : vector<16xf32> to vector<1x16xf32>
      tpu.vector_store %arg9[%swap3A_110, %swap3A_111], %swap3A_114 {strides = array<i32>} : memref<128x64xf32, #tpu.memory_space<vmem>>, vector<1x16xf32>,
      %swap3A_115 = arith.index_cast %scan3A_99 : i32 to index
      %swap3A_116 = arith.constant 48 : index
      %swap3A_117 = tpu.vector_load %arg9[%swap3A_115, %swap3A_116] {strides = array<i32>} : memref<128x64xf32, #tpu.memory_space<vmem>>, vector<1x16xf32>,
      %swap3A_118 = vector.shape_cast %swap3A_117 : vector<1x16xf32> to vector<16xf32>
      %swap3A_119 = vector.shape_cast %broadcast_in_dim3A_0 : vector<16xf32> to vector<1x16xf32>
      tpu.vector_store %arg9[%swap3A_115, %swap3A_116], %swap3A_119 {strides = array<i32>} : memref<128x64xf32, #tpu.memory_space<vmem>>, vector<1x16xf32>,
      %scan3A_120 = arith.constant 0 : i32
      scf.yield %scan3A_120 : i32
    }
    %scan3A_6 = arith.constant 128 : i32
    %mul3A = arith.constant 640 : i32
    %mul3A_7 = arith.muli %arg1, %mul3A : i32
    %add3A = arith.constant 0 : i32
    %add3A_8 = arith.addi %mul3A_7, %add3A : i32
    "tpu.region"() ({
      %run_scoped3A = tpu.sem_alloc : memref<!tpu.dma_semaphore, #tpu.memory_space<semaphore_mem>>
      %dma_start3A = arith.constant 0 : i32
      %dma_start3A_99 = tpu.memref_slice %arg14[%add3A_8, %dma_start3A] : memref<10240x64xf32, #tpu.memory_space<vmem_shared>> -> memref<128x64xf32, #tpu.memory_space<vmem_shared>>
      %dma_start3A_100 = arith.constant 0 : i32
      %dma_start3A_101 = tpu.memref_slice %arg14[%add3A_8, %dma_start3A_100] : memref<10240x64xf32, #tpu.memory_space<vmem_shared>> -> memref<128x64xf32, #tpu.memory_space<vmem_shared>>
      tpu.enqueue_dma source(%arg9 : memref<128x64xf32, #tpu.memory_space<vmem>>) target(%dma_start3A_101 : memref<128x64xf32, #tpu.memory_space<vmem_shared>>) target_semaphore(%run_scoped3A : memref<!tpu.dma_semaphore, #tpu.memory_space<semaphore_mem>>)
      %dma_wait3A = arith.constant 0 : i32
      %dma_wait3A_102 = tpu.memref_slice %arg14[%add3A_8, %dma_wait3A] : memref<10240x64xf32, #tpu.memory_space<vmem_shared>> -> memref<128x64xf32, #tpu.memory_space<vmem_shared>>
      %dma_wait3A_103 = arith.constant 0 : i32
      %dma_wait3A_104 = tpu.memref_slice %arg14[%add3A_8, %dma_wait3A_103] : memref<10240x64xf32, #tpu.memory_space<vmem_shared>> -> memref<128x64xf32, #tpu.memory_space<vmem_shared>>
      tpu.wait_dma2 semaphore(%run_scoped3A : memref<!tpu.dma_semaphore, #tpu.memory_space<semaphore_mem>>) src(%arg9 : memref<128x64xf32, #tpu.memory_space<vmem>>) dst(%dma_wait3A_104 : memref<128x64xf32, #tpu.memory_space<vmem_shared>>)
      tpu.yield
    }) : () -> ()
    %add3A_9 = arith.constant 128 : i32
    %add3A_10 = arith.addi %mul3A_7, %add3A_9 : i32
    "tpu.region"() ({
      %run_scoped3A = tpu.sem_alloc : memref<!tpu.dma_semaphore, #tpu.memory_space<semaphore_mem>>
      %dma_start3A = arith.constant 0 : i32
      %dma_start3A_99 = tpu.memref_slice %arg14[%add3A_10, %dma_start3A] : memref<10240x64xf32, #tpu.memory_space<vmem_shared>> -> memref<128x64xf32, #tpu.memory_space<vmem_shared>>
      %dma_start3A_100 = arith.constant 0 : i32
      %dma_start3A_101 = tpu.memref_slice %arg14[%add3A_10, %dma_start3A_100] : memref<10240x64xf32, #tpu.memory_space<vmem_shared>> -> memref<128x64xf32, #tpu.memory_space<vmem_shared>>
      tpu.enqueue_dma source(%arg9 : memref<128x64xf32, #tpu.memory_space<vmem>>) target(%dma_start3A_101 : memref<128x64xf32, #tpu.memory_space<vmem_shared>>) target_semaphore(%run_scoped3A : memref<!tpu.dma_semaphore, #tpu.memory_space<semaphore_mem>>)
      %dma_wait3A = arith.constant 0 : i32
      %dma_wait3A_102 = tpu.memref_slice %arg14[%add3A_10, %dma_wait3A] : memref<10240x64xf32, #tpu.memory_space<vmem_shared>> -> memref<128x64xf32, #tpu.memory_space<vmem_shared>>
      %dma_wait3A_103 = arith.constant 0 : i32
      %dma_wait3A_104 = tpu.memref_slice %arg14[%add3A_10, %dma_wait3A_103] : memref<10240x64xf32, #tpu.memory_space<vmem_shared>> -> memref<128x64xf32, #tpu.memory_space<vmem_shared>>
      tpu.wait_dma2 semaphore(%run_scoped3A : memref<!tpu.dma_semaphore, #tpu.memory_space<semaphore_mem>>) src(%arg9 : memref<128x64xf32, #tpu.memory_space<vmem>>) dst(%dma_wait3A_104 : memref<128x64xf32, #tpu.memory_space<vmem_shared>>)
      tpu.yield
    }) : () -> ()
    %add3A_11 = arith.constant 256 : i32
    %add3A_12 = arith.addi %mul3A_7, %add3A_11 : i32
    "tpu.region"() ({
      %run_scoped3A = tpu.sem_alloc : memref<!tpu.dma_semaphore, #tpu.memory_space<semaphore_mem>>
      %dma_start3A = arith.constant 0 : i32
      %dma_start3A_99 = tpu.memref_slice %arg14[%add3A_12, %dma_start3A] : memref<10240x64xf32, #tpu.memory_space<vmem_shared>> -> memref<128x64xf32, #tpu.memory_space<vmem_shared>>
      %dma_start3A_100 = arith.constant 0 : i32
      %dma_start3A_101 = tpu.memref_slice %arg14[%add3A_12, %dma_start3A_100] : memref<10240x64xf32, #tpu.memory_space<vmem_shared>> -> memref<128x64xf32, #tpu.memory_space<vmem_shared>>
      tpu.enqueue_dma source(%arg9 : memref<128x64xf32, #tpu.memory_space<vmem>>) target(%dma_start3A_101 : memref<128x64xf32, #tpu.memory_space<vmem_shared>>) target_semaphore(%run_scoped3A : memref<!tpu.dma_semaphore, #tpu.memory_space<semaphore_mem>>)
      %dma_wait3A = arith.constant 0 : i32
      %dma_wait3A_102 = tpu.memref_slice %arg14[%add3A_12, %dma_wait3A] : memref<10240x64xf32, #tpu.memory_space<vmem_shared>> -> memref<128x64xf32, #tpu.memory_space<vmem_shared>>
      %dma_wait3A_103 = arith.constant 0 : i32
      %dma_wait3A_104 = tpu.memref_slice %arg14[%add3A_12, %dma_wait3A_103] : memref<10240x64xf32, #tpu.memory_space<vmem_shared>> -> memref<128x64xf32, #tpu.memory_space<vmem_shared>>
      tpu.wait_dma2 semaphore(%run_scoped3A : memref<!tpu.dma_semaphore, #tpu.memory_space<semaphore_mem>>) src(%arg9 : memref<128x64xf32, #tpu.memory_space<vmem>>) dst(%dma_wait3A_104 : memref<128x64xf32, #tpu.memory_space<vmem_shared>>)
      tpu.yield
    }) : () -> ()
    %add3A_13 = arith.constant 384 : i32
    %add3A_14 = arith.addi %mul3A_7, %add3A_13 : i32
    "tpu.region"() ({
      %run_scoped3A = tpu.sem_alloc : memref<!tpu.dma_semaphore, #tpu.memory_space<semaphore_mem>>
      %dma_start3A = arith.constant 0 : i32
      %dma_start3A_99 = tpu.memref_slice %arg14[%add3A_14, %dma_start3A] : memref<10240x64xf32, #tpu.memory_space<vmem_shared>> -> memref<128x64xf32, #tpu.memory_space<vmem_shared>>
      %dma_start3A_100 = arith.constant 0 : i32
      %dma_start3A_101 = tpu.memref_slice %arg14[%add3A_14, %dma_start3A_100] : memref<10240x64xf32, #tpu.memory_space<vmem_shared>> -> memref<128x64xf32, #tpu.memory_space<vmem_shared>>
      tpu.enqueue_dma source(%arg9 : memref<128x64xf32, #tpu.memory_space<vmem>>) target(%dma_start3A_101 : memref<128x64xf32, #tpu.memory_space<vmem_shared>>) target_semaphore(%run_scoped3A : memref<!tpu.dma_semaphore, #tpu.memory_space<semaphore_mem>>)
      %dma_wait3A = arith.constant 0 : i32
      %dma_wait3A_102 = tpu.memref_slice %arg14[%add3A_14, %dma_wait3A] : memref<10240x64xf32, #tpu.memory_space<vmem_shared>> -> memref<128x64xf32, #tpu.memory_space<vmem_shared>>
      %dma_wait3A_103 = arith.constant 0 : i32
      %dma_wait3A_104 = tpu.memref_slice %arg14[%add3A_14, %dma_wait3A_103] : memref<10240x64xf32, #tpu.memory_space<vmem_shared>> -> memref<128x64xf32, #tpu.memory_space<vmem_shared>>
      tpu.wait_dma2 semaphore(%run_scoped3A : memref<!tpu.dma_semaphore, #tpu.memory_space<semaphore_mem>>) src(%arg9 : memref<128x64xf32, #tpu.memory_space<vmem>>) dst(%dma_wait3A_104 : memref<128x64xf32, #tpu.memory_space<vmem_shared>>)
      tpu.yield
    }) : () -> ()
    %add3A_15 = arith.constant 512 : i32
    %add3A_16 = arith.addi %mul3A_7, %add3A_15 : i32
    "tpu.region"() ({
      %run_scoped3A = tpu.sem_alloc : memref<!tpu.dma_semaphore, #tpu.memory_space<semaphore_mem>>
      %dma_start3A = arith.constant 0 : i32
      %dma_start3A_99 = tpu.memref_slice %arg14[%add3A_16, %dma_start3A] : memref<10240x64xf32, #tpu.memory_space<vmem_shared>> -> memref<128x64xf32, #tpu.memory_space<vmem_shared>>
      %dma_start3A_100 = arith.constant 0 : i32
      %dma_start3A_101 = tpu.memref_slice %arg14[%add3A_16, %dma_start3A_100] : memref<10240x64xf32, #tpu.memory_space<vmem_shared>> -> memref<128x64xf32, #tpu.memory_space<vmem_shared>>
      tpu.enqueue_dma source(%arg9 : memref<128x64xf32, #tpu.memory_space<vmem>>) target(%dma_start3A_101 : memref<128x64xf32, #tpu.memory_space<vmem_shared>>) target_semaphore(%run_scoped3A : memref<!tpu.dma_semaphore, #tpu.memory_space<semaphore_mem>>)
      %dma_wait3A = arith.constant 0 : i32
      %dma_wait3A_102 = tpu.memref_slice %arg14[%add3A_16, %dma_wait3A] : memref<10240x64xf32, #tpu.memory_space<vmem_shared>> -> memref<128x64xf32, #tpu.memory_space<vmem_shared>>
      %dma_wait3A_103 = arith.constant 0 : i32
      %dma_wait3A_104 = tpu.memref_slice %arg14[%add3A_16, %dma_wait3A_103] : memref<10240x64xf32, #tpu.memory_space<vmem_shared>> -> memref<128x64xf32, #tpu.memory_space<vmem_shared>>
      tpu.wait_dma2 semaphore(%run_scoped3A : memref<!tpu.dma_semaphore, #tpu.memory_space<semaphore_mem>>) src(%arg9 : memref<128x64xf32, #tpu.memory_space<vmem>>) dst(%dma_wait3A_104 : memref<128x64xf32, #tpu.memory_space<vmem_shared>>)
      tpu.yield
    }) : () -> ()
    %mul3A_17 = arith.constant 625 : i32
    %mul3A_18 = arith.muli %arg1, %mul3A_17 : i32
    %add3A_19 = arith.constant 0 : i32
    %add3A_20 = arith.addi %mul3A_18, %add3A_19 : i32
    %mul3A_21 = arith.constant 64 : i32
    %mul3A_22 = arith.muli %arg0, %mul3A_21 : i32
    "tpu.region"() ({
      %run_scoped3A = tpu.sem_alloc : memref<!tpu.dma_semaphore, #tpu.memory_space<semaphore_mem>>
      %dma_start3A = arith.constant 0 : i32
      %dma_start3A_99 = arith.constant 0 : i32
      %dma_start3A_100 = tpu.memref_slice %arg9[%dma_start3A, %dma_start3A_99] : memref<128x64xf32, #tpu.memory_space<vmem>> -> memref<125x64xf32, #tpu.memory_space<vmem>>
      %dma_start3A_101 = tpu.memref_slice %arg2[%add3A_20, %mul3A_22] : memref<10000x128xf32, #tpu.memory_space<hbm>> -> memref<125x64xf32, #tpu.memory_space<hbm>>
      %dma_start3A_102 = arith.constant 0 : i32
      %dma_start3A_103 = arith.constant 0 : i32
      %dma_start3A_104 = tpu.memref_slice %arg9[%dma_start3A_102, %dma_start3A_103] : memref<128x64xf32, #tpu.memory_space<vmem>> -> memref<125x64xf32, #tpu.memory_space<vmem>>
      %dma_start3A_105 = tpu.memref_slice %arg2[%add3A_20, %mul3A_22] : memref<10000x128xf32, #tpu.memory_space<hbm>> -> memref<125x64xf32, #tpu.memory_space<hbm>>
      tpu.enqueue_dma source(%dma_start3A_105 : memref<125x64xf32, #tpu.memory_space<hbm>>) target(%dma_start3A_104 : memref<125x64xf32, #tpu.memory_space<vmem>>) target_semaphore(%run_scoped3A : memref<!tpu.dma_semaphore, #tpu.memory_space<semaphore_mem>>)
      %dma_wait3A = arith.constant 0 : i32
      %dma_wait3A_106 = arith.constant 0 : i32
      %dma_wait3A_107 = tpu.memref_slice %arg9[%dma_wait3A, %dma_wait3A_106] : memref<128x64xf32, #tpu.memory_space<vmem>> -> memref<125x64xf32, #tpu.memory_space<vmem>>
      %dma_wait3A_108 = tpu.memref_slice %arg2[%add3A_20, %mul3A_22] : memref<10000x128xf32, #tpu.memory_space<hbm>> -> memref<125x64xf32, #tpu.memory_space<hbm>>
      %dma_wait3A_109 = arith.constant 0 : i32
      %dma_wait3A_110 = arith.constant 0 : i32
      %dma_wait3A_111 = tpu.memref_slice %arg9[%dma_wait3A_109, %dma_wait3A_110] : memref<128x64xf32, #tpu.memory_space<vmem>> -> memref<125x64xf32, #tpu.memory_space<vmem>>
      %dma_wait3A_112 = tpu.memref_slice %arg2[%add3A_20, %mul3A_22] : memref<10000x128xf32, #tpu.memory_space<hbm>> -> memref<125x64xf32, #tpu.memory_space<hbm>>
      tpu.wait_dma2 semaphore(%run_scoped3A : memref<!tpu.dma_semaphore, #tpu.memory_space<semaphore_mem>>) src(%dma_wait3A_112 : memref<125x64xf32, #tpu.memory_space<hbm>>) dst(%dma_wait3A_111 : memref<125x64xf32, #tpu.memory_space<vmem>>)
      tpu.yield
    }) : () -> ()
    "tpu.region"() ({
      %run_scoped3A = tpu.sem_alloc : memref<!tpu.dma_semaphore, #tpu.memory_space<semaphore_mem>>
      %dma_start3A = arith.constant 0 : i32
      %dma_start3A_99 = arith.constant 0 : i32
      %dma_start3A_100 = tpu.memref_slice %arg9[%dma_start3A, %dma_start3A_99] : memref<128x64xf32, #tpu.memory_space<vmem>> -> memref<125x64xf32, #tpu.memory_space<vmem>>
      %dma_start3A_101 = arith.constant 0 : i32
      %dma_start3A_102 = tpu.memref_slice %arg13[%add3A_20, %dma_start3A_101] : memref<10240x64xf32, #tpu.memory_space<vmem_shared>> -> memref<125x64xf32, #tpu.memory_space<vmem_shared>>
      %dma_start3A_103 = arith.constant 0 : i32
      %dma_start3A_104 = tpu.memref_slice %arg13[%add3A_20, %dma_start3A_103] : memref<10240x64xf32, #tpu.memory_space<vmem_shared>> -> memref<125x64xf32, #tpu.memory_space<vmem_shared>>
      %dma_start3A_105 = arith.constant 0 : i32
      %dma_start3A_106 = arith.constant 0 : i32
      %dma_start3A_107 = tpu.memref_slice %arg9[%dma_start3A_105, %dma_start3A_106] : memref<128x64xf32, #tpu.memory_space<vmem>> -> memref<125x64xf32, #tpu.memory_space<vmem>>
      tpu.enqueue_dma source(%dma_start3A_107 : memref<125x64xf32, #tpu.memory_space<vmem>>) target(%dma_start3A_104 : memref<125x64xf32, #tpu.memory_space<vmem_shared>>) target_semaphore(%run_scoped3A : memref<!tpu.dma_semaphore, #tpu.memory_space<semaphore_mem>>)
      %dma_wait3A = arith.constant 0 : i32
      %dma_wait3A_108 = arith.constant 0 : i32
      %dma_wait3A_109 = tpu.memref_slice %arg9[%dma_wait3A, %dma_wait3A_108] : memref<128x64xf32, #tpu.memory_space<vmem>> -> memref<125x64xf32, #tpu.memory_space<vmem>>
      %dma_wait3A_110 = arith.constant 0 : i32
      %dma_wait3A_111 = tpu.memref_slice %arg13[%add3A_20, %dma_wait3A_110] : memref<10240x64xf32, #tpu.memory_space<vmem_shared>> -> memref<125x64xf32, #tpu.memory_space<vmem_shared>>
      %dma_wait3A_112 = arith.constant 0 : i32
      %dma_wait3A_113 = tpu.memref_slice %arg13[%add3A_20, %dma_wait3A_112] : memref<10240x64xf32, #tpu.memory_space<vmem_shared>> -> memref<125x64xf32, #tpu.memory_space<vmem_shared>>
      %dma_wait3A_114 = arith.constant 0 : i32
      %dma_wait3A_115 = arith.constant 0 : i32
      %dma_wait3A_116 = tpu.memref_slice %arg9[%dma_wait3A_114, %dma_wait3A_115] : memref<128x64xf32, #tpu.memory_space<vmem>> -> memref<125x64xf32, #tpu.memory_space<vmem>>
      tpu.wait_dma2 semaphore(%run_scoped3A : memref<!tpu.dma_semaphore, #tpu.memory_space<semaphore_mem>>) src(%dma_wait3A_116 : memref<125x64xf32, #tpu.memory_space<vmem>>) dst(%dma_wait3A_113 : memref<125x64xf32, #tpu.memory_space<vmem_shared>>)
      tpu.yield
    }) : () -> ()
    %add3A_23 = arith.constant 125 : i32
    %add3A_24 = arith.addi %mul3A_18, %add3A_23 : i32
    %mul3A_25 = arith.constant 64 : i32
    %mul3A_26 = arith.muli %arg0, %mul3A_25 : i32
    "tpu.region"() ({
      %run_scoped3A = tpu.sem_alloc : memref<!tpu.dma_semaphore, #tpu.memory_space<semaphore_mem>>
      %dma_start3A = arith.constant 0 : i32
      %dma_start3A_99 = arith.constant 0 : i32
      %dma_start3A_100 = tpu.memref_slice %arg9[%dma_start3A, %dma_start3A_99] : memref<128x64xf32, #tpu.memory_space<vmem>> -> memref<125x64xf32, #tpu.memory_space<vmem>>
      %dma_start3A_101 = tpu.memref_slice %arg2[%add3A_24, %mul3A_26] : memref<10000x128xf32, #tpu.memory_space<hbm>> -> memref<125x64xf32, #tpu.memory_space<hbm>>
      %dma_start3A_102 = arith.constant 0 : i32
      %dma_start3A_103 = arith.constant 0 : i32
      %dma_start3A_104 = tpu.memref_slice %arg9[%dma_start3A_102, %dma_start3A_103] : memref<128x64xf32, #tpu.memory_space<vmem>> -> memref<125x64xf32, #tpu.memory_space<vmem>>
      %dma_start3A_105 = tpu.memref_slice %arg2[%add3A_24, %mul3A_26] : memref<10000x128xf32, #tpu.memory_space<hbm>> -> memref<125x64xf32, #tpu.memory_space<hbm>>
      tpu.enqueue_dma source(%dma_start3A_105 : memref<125x64xf32, #tpu.memory_space<hbm>>) target(%dma_start3A_104 : memref<125x64xf32, #tpu.memory_space<vmem>>) target_semaphore(%run_scoped3A : memref<!tpu.dma_semaphore, #tpu.memory_space<semaphore_mem>>)
      %dma_wait3A = arith.constant 0 : i32
      %dma_wait3A_106 = arith.constant 0 : i32
      %dma_wait3A_107 = tpu.memref_slice %arg9[%dma_wait3A, %dma_wait3A_106] : memref<128x64xf32, #tpu.memory_space<vmem>> -> memref<125x64xf32, #tpu.memory_space<vmem>>
      %dma_wait3A_108 = tpu.memref_slice %arg2[%add3A_24, %mul3A_26] : memref<10000x128xf32, #tpu.memory_space<hbm>> -> memref<125x64xf32, #tpu.memory_space<hbm>>
      %dma_wait3A_109 = arith.constant 0 : i32
      %dma_wait3A_110 = arith.constant 0 : i32
      %dma_wait3A_111 = tpu.memref_slice %arg9[%dma_wait3A_109, %dma_wait3A_110] : memref<128x64xf32, #tpu.memory_space<vmem>> -> memref<125x64xf32, #tpu.memory_space<vmem>>
      %dma_wait3A_112 = tpu.memref_slice %arg2[%add3A_24, %mul3A_26] : memref<10000x128xf32, #tpu.memory_space<hbm>> -> memref<125x64xf32, #tpu.memory_space<hbm>>
      tpu.wait_dma2 semaphore(%run_scoped3A : memref<!tpu.dma_semaphore, #tpu.memory_space<semaphore_mem>>) src(%dma_wait3A_112 : memref<125x64xf32, #tpu.memory_space<hbm>>) dst(%dma_wait3A_111 : memref<125x64xf32, #tpu.memory_space<vmem>>)
      tpu.yield
    }) : () -> ()
    "tpu.region"() ({
      %run_scoped3A = tpu.sem_alloc : memref<!tpu.dma_semaphore, #tpu.memory_space<semaphore_mem>>
      %dma_start3A = arith.constant 0 : i32
      %dma_start3A_99 = arith.constant 0 : i32
      %dma_start3A_100 = tpu.memref_slice %arg9[%dma_start3A, %dma_start3A_99] : memref<128x64xf32, #tpu.memory_space<vmem>> -> memref<125x64xf32, #tpu.memory_space<vmem>>
      %dma_start3A_101 = arith.constant 0 : i32
      %dma_start3A_102 = tpu.memref_slice %arg13[%add3A_24, %dma_start3A_101] : memref<10240x64xf32, #tpu.memory_space<vmem_shared>> -> memref<125x64xf32, #tpu.memory_space<vmem_shared>>
      %dma_start3A_103 = arith.constant 0 : i32
      %dma_start3A_104 = tpu.memref_slice %arg13[%add3A_24, %dma_start3A_103] : memref<10240x64xf32, #tpu.memory_space<vmem_shared>> -> memref<125x64xf32, #tpu.memory_space<vmem_shared>>
      %dma_start3A_105 = arith.constant 0 : i32
      %dma_start3A_106 = arith.constant 0 : i32
      %dma_start3A_107 = tpu.memref_slice %arg9[%dma_start3A_105, %dma_start3A_106] : memref<128x64xf32, #tpu.memory_space<vmem>> -> memref<125x64xf32, #tpu.memory_space<vmem>>
      tpu.enqueue_dma source(%dma_start3A_107 : memref<125x64xf32, #tpu.memory_space<vmem>>) target(%dma_start3A_104 : memref<125x64xf32, #tpu.memory_space<vmem_shared>>) target_semaphore(%run_scoped3A : memref<!tpu.dma_semaphore, #tpu.memory_space<semaphore_mem>>)
      %dma_wait3A = arith.constant 0 : i32
      %dma_wait3A_108 = arith.constant 0 : i32
      %dma_wait3A_109 = tpu.memref_slice %arg9[%dma_wait3A, %dma_wait3A_108] : memref<128x64xf32, #tpu.memory_space<vmem>> -> memref<125x64xf32, #tpu.memory_space<vmem>>
      %dma_wait3A_110 = arith.constant 0 : i32
      %dma_wait3A_111 = tpu.memref_slice %arg13[%add3A_24, %dma_wait3A_110] : memref<10240x64xf32, #tpu.memory_space<vmem_shared>> -> memref<125x64xf32, #tpu.memory_space<vmem_shared>>
      %dma_wait3A_112 = arith.constant 0 : i32
      %dma_wait3A_113 = tpu.memref_slice %arg13[%add3A_24, %dma_wait3A_112] : memref<10240x64xf32, #tpu.memory_space<vmem_shared>> -> memref<125x64xf32, #tpu.memory_space<vmem_shared>>
      %dma_wait3A_114 = arith.constant 0 : i32
      %dma_wait3A_115 = arith.constant 0 : i32
      %dma_wait3A_116 = tpu.memref_slice %arg9[%dma_wait3A_114, %dma_wait3A_115] : memref<128x64xf32, #tpu.memory_space<vmem>> -> memref<125x64xf32, #tpu.memory_space<vmem>>
      tpu.wait_dma2 semaphore(%run_scoped3A : memref<!tpu.dma_semaphore, #tpu.memory_space<semaphore_mem>>) src(%dma_wait3A_116 : memref<125x64xf32, #tpu.memory_space<vmem>>) dst(%dma_wait3A_113 : memref<125x64xf32, #tpu.memory_space<vmem_shared>>)
      tpu.yield
    }) : () -> ()
    %add3A_27 = arith.constant 250 : i32
    %add3A_28 = arith.addi %mul3A_18, %add3A_27 : i32
    %mul3A_29 = arith.constant 64 : i32
    %mul3A_30 = arith.muli %arg0, %mul3A_29 : i32
    "tpu.region"() ({
      %run_scoped3A = tpu.sem_alloc : memref<!tpu.dma_semaphore, #tpu.memory_space<semaphore_mem>>
      %dma_start3A = arith.constant 0 : i32
      %dma_start3A_99 = arith.constant 0 : i32
      %dma_start3A_100 = tpu.memref_slice %arg9[%dma_start3A, %dma_start3A_99] : memref<128x64xf32, #tpu.memory_space<vmem>> -> memref<125x64xf32, #tpu.memory_space<vmem>>
      %dma_start3A_101 = tpu.memref_slice %arg2[%add3A_28, %mul3A_30] : memref<10000x128xf32, #tpu.memory_space<hbm>> -> memref<125x64xf32, #tpu.memory_space<hbm>>
      %dma_start3A_102 = arith.constant 0 : i32
      %dma_start3A_103 = arith.constant 0 : i32
      %dma_start3A_104 = tpu.memref_slice %arg9[%dma_start3A_102, %dma_start3A_103] : memref<128x64xf32, #tpu.memory_space<vmem>> -> memref<125x64xf32, #tpu.memory_space<vmem>>
      %dma_start3A_105 = tpu.memref_slice %arg2[%add3A_28, %mul3A_30] : memref<10000x128xf32, #tpu.memory_space<hbm>> -> memref<125x64xf32, #tpu.memory_space<hbm>>
      tpu.enqueue_dma source(%dma_start3A_105 : memref<125x64xf32, #tpu.memory_space<hbm>>) target(%dma_start3A_104 : memref<125x64xf32, #tpu.memory_space<vmem>>) target_semaphore(%run_scoped3A : memref<!tpu.dma_semaphore, #tpu.memory_space<semaphore_mem>>)
      %dma_wait3A = arith.constant 0 : i32
      %dma_wait3A_106 = arith.constant 0 : i32
      %dma_wait3A_107 = tpu.memref_slice %arg9[%dma_wait3A, %dma_wait3A_106] : memref<128x64xf32, #tpu.memory_space<vmem>> -> memref<125x64xf32, #tpu.memory_space<vmem>>
      %dma_wait3A_108 = tpu.memref_slice %arg2[%add3A_28, %mul3A_30] : memref<10000x128xf32, #tpu.memory_space<hbm>> -> memref<125x64xf32, #tpu.memory_space<hbm>>
      %dma_wait3A_109 = arith.constant 0 : i32
      %dma_wait3A_110 = arith.constant 0 : i32
      %dma_wait3A_111 = tpu.memref_slice %arg9[%dma_wait3A_109, %dma_wait3A_110] : memref<128x64xf32, #tpu.memory_space<vmem>> -> memref<125x64xf32, #tpu.memory_space<vmem>>
      %dma_wait3A_112 = tpu.memref_slice %arg2[%add3A_28, %mul3A_30] : memref<10000x128xf32, #tpu.memory_space<hbm>> -> memref<125x64xf32, #tpu.memory_space<hbm>>
      tpu.wait_dma2 semaphore(%run_scoped3A : memref<!tpu.dma_semaphore, #tpu.memory_space<semaphore_mem>>) src(%dma_wait3A_112 : memref<125x64xf32, #tpu.memory_space<hbm>>) dst(%dma_wait3A_111 : memref<125x64xf32, #tpu.memory_space<vmem>>)
      tpu.yield
    }) : () -> ()
    "tpu.region"() ({
      %run_scoped3A = tpu.sem_alloc : memref<!tpu.dma_semaphore, #tpu.memory_space<semaphore_mem>>
      %dma_start3A = arith.constant 0 : i32
      %dma_start3A_99 = arith.constant 0 : i32
      %dma_start3A_100 = tpu.memref_slice %arg9[%dma_start3A, %dma_start3A_99] : memref<128x64xf32, #tpu.memory_space<vmem>> -> memref<125x64xf32, #tpu.memory_space<vmem>>
      %dma_start3A_101 = arith.constant 0 : i32
      %dma_start3A_102 = tpu.memref_slice %arg13[%add3A_28, %dma_start3A_101] : memref<10240x64xf32, #tpu.memory_space<vmem_shared>> -> memref<125x64xf32, #tpu.memory_space<vmem_shared>>
      %dma_start3A_103 = arith.constant 0 : i32
      %dma_start3A_104 = tpu.memref_slice %arg13[%add3A_28, %dma_start3A_103] : memref<10240x64xf32, #tpu.memory_space<vmem_shared>> -> memref<125x64xf32, #tpu.memory_space<vmem_shared>>
      %dma_start3A_105 = arith.constant 0 : i32
      %dma_start3A_106 = arith.constant 0 : i32
      %dma_start3A_107 = tpu.memref_slice %arg9[%dma_start3A_105, %dma_start3A_106] : memref<128x64xf32, #tpu.memory_space<vmem>> -> memref<125x64xf32, #tpu.memory_space<vmem>>
      tpu.enqueue_dma source(%dma_start3A_107 : memref<125x64xf32, #tpu.memory_space<vmem>>) target(%dma_start3A_104 : memref<125x64xf32, #tpu.memory_space<vmem_shared>>) target_semaphore(%run_scoped3A : memref<!tpu.dma_semaphore, #tpu.memory_space<semaphore_mem>>)
      %dma_wait3A = arith.constant 0 : i32
      %dma_wait3A_108 = arith.constant 0 : i32
      %dma_wait3A_109 = tpu.memref_slice %arg9[%dma_wait3A, %dma_wait3A_108] : memref<128x64xf32, #tpu.memory_space<vmem>> -> memref<125x64xf32, #tpu.memory_space<vmem>>
      %dma_wait3A_110 = arith.constant 0 : i32
      %dma_wait3A_111 = tpu.memref_slice %arg13[%add3A_28, %dma_wait3A_110] : memref<10240x64xf32, #tpu.memory_space<vmem_shared>> -> memref<125x64xf32, #tpu.memory_space<vmem_shared>>
      %dma_wait3A_112 = arith.constant 0 : i32
      %dma_wait3A_113 = tpu.memref_slice %arg13[%add3A_28, %dma_wait3A_112] : memref<10240x64xf32, #tpu.memory_space<vmem_shared>> -> memref<125x64xf32, #tpu.memory_space<vmem_shared>>
      %dma_wait3A_114 = arith.constant 0 : i32
      %dma_wait3A_115 = arith.constant 0 : i32
      %dma_wait3A_116 = tpu.memref_slice %arg9[%dma_wait3A_114, %dma_wait3A_115] : memref<128x64xf32, #tpu.memory_space<vmem>> -> memref<125x64xf32, #tpu.memory_space<vmem>>
      tpu.wait_dma2 semaphore(%run_scoped3A : memref<!tpu.dma_semaphore, #tpu.memory_space<semaphore_mem>>) src(%dma_wait3A_116 : memref<125x64xf32, #tpu.memory_space<vmem>>) dst(%dma_wait3A_113 : memref<125x64xf32, #tpu.memory_space<vmem_shared>>)
      tpu.yield
    }) : () -> ()
    %add3A_31 = arith.constant 375 : i32
    %add3A_32 = arith.addi %mul3A_18, %add3A_31 : i32
    %mul3A_33 = arith.constant 64 : i32
    %mul3A_34 = arith.muli %arg0, %mul3A_33 : i32
    "tpu.region"() ({
      %run_scoped3A = tpu.sem_alloc : memref<!tpu.dma_semaphore, #tpu.memory_space<semaphore_mem>>
      %dma_start3A = arith.constant 0 : i32
      %dma_start3A_99 = arith.constant 0 : i32
      %dma_start3A_100 = tpu.memref_slice %arg9[%dma_start3A, %dma_start3A_99] : memref<128x64xf32, #tpu.memory_space<vmem>> -> memref<125x64xf32, #tpu.memory_space<vmem>>
      %dma_start3A_101 = tpu.memref_slice %arg2[%add3A_32, %mul3A_34] : memref<10000x128xf32, #tpu.memory_space<hbm>> -> memref<125x64xf32, #tpu.memory_space<hbm>>
      %dma_start3A_102 = arith.constant 0 : i32
      %dma_start3A_103 = arith.constant 0 : i32
      %dma_start3A_104 = tpu.memref_slice %arg9[%dma_start3A_102, %dma_start3A_103] : memref<128x64xf32, #tpu.memory_space<vmem>> -> memref<125x64xf32, #tpu.memory_space<vmem>>
      %dma_start3A_105 = tpu.memref_slice %arg2[%add3A_32, %mul3A_34] : memref<10000x128xf32, #tpu.memory_space<hbm>> -> memref<125x64xf32, #tpu.memory_space<hbm>>
      tpu.enqueue_dma source(%dma_start3A_105 : memref<125x64xf32, #tpu.memory_space<hbm>>) target(%dma_start3A_104 : memref<125x64xf32, #tpu.memory_space<vmem>>) target_semaphore(%run_scoped3A : memref<!tpu.dma_semaphore, #tpu.memory_space<semaphore_mem>>)
      %dma_wait3A = arith.constant 0 : i32
      %dma_wait3A_106 = arith.constant 0 : i32
      %dma_wait3A_107 = tpu.memref_slice %arg9[%dma_wait3A, %dma_wait3A_106] : memref<128x64xf32, #tpu.memory_space<vmem>> -> memref<125x64xf32, #tpu.memory_space<vmem>>
      %dma_wait3A_108 = tpu.memref_slice %arg2[%add3A_32, %mul3A_34] : memref<10000x128xf32, #tpu.memory_space<hbm>> -> memref<125x64xf32, #tpu.memory_space<hbm>>
      %dma_wait3A_109 = arith.constant 0 : i32
      %dma_wait3A_110 = arith.constant 0 : i32
      %dma_wait3A_111 = tpu.memref_slice %arg9[%dma_wait3A_109, %dma_wait3A_110] : memref<128x64xf32, #tpu.memory_space<vmem>> -> memref<125x64xf32, #tpu.memory_space<vmem>>
      %dma_wait3A_112 = tpu.memref_slice %arg2[%add3A_32, %mul3A_34] : memref<10000x128xf32, #tpu.memory_space<hbm>> -> memref<125x64xf32, #tpu.memory_space<hbm>>
      tpu.wait_dma2 semaphore(%run_scoped3A : memref<!tpu.dma_semaphore, #tpu.memory_space<semaphore_mem>>) src(%dma_wait3A_112 : memref<125x64xf32, #tpu.memory_space<hbm>>) dst(%dma_wait3A_111 : memref<125x64xf32, #tpu.memory_space<vmem>>)
      tpu.yield
    }) : () -> ()
    "tpu.region"() ({
      %run_scoped3A = tpu.sem_alloc : memref<!tpu.dma_semaphore, #tpu.memory_space<semaphore_mem>>
      %dma_start3A = arith.constant 0 : i32
      %dma_start3A_99 = arith.constant 0 : i32
      %dma_start3A_100 = tpu.memref_slice %arg9[%dma_start3A, %dma_start3A_99] : memref<128x64xf32, #tpu.memory_space<vmem>> -> memref<125x64xf32, #tpu.memory_space<vmem>>
      %dma_start3A_101 = arith.constant 0 : i32
      %dma_start3A_102 = tpu.memref_slice %arg13[%add3A_32, %dma_start3A_101] : memref<10240x64xf32, #tpu.memory_space<vmem_shared>> -> memref<125x64xf32, #tpu.memory_space<vmem_shared>>
      %dma_start3A_103 = arith.constant 0 : i32
      %dma_start3A_104 = tpu.memref_slice %arg13[%add3A_32, %dma_start3A_103] : memref<10240x64xf32, #tpu.memory_space<vmem_shared>> -> memref<125x64xf32, #tpu.memory_space<vmem_shared>>
      %dma_start3A_105 = arith.constant 0 : i32
      %dma_start3A_106 = arith.constant 0 : i32
      %dma_start3A_107 = tpu.memref_slice %arg9[%dma_start3A_105, %dma_start3A_106] : memref<128x64xf32, #tpu.memory_space<vmem>> -> memref<125x64xf32, #tpu.memory_space<vmem>>
      tpu.enqueue_dma source(%dma_start3A_107 : memref<125x64xf32, #tpu.memory_space<vmem>>) target(%dma_start3A_104 : memref<125x64xf32, #tpu.memory_space<vmem_shared>>) target_semaphore(%run_scoped3A : memref<!tpu.dma_semaphore, #tpu.memory_space<semaphore_mem>>)
      %dma_wait3A = arith.constant 0 : i32
      %dma_wait3A_108 = arith.constant 0 : i32
      %dma_wait3A_109 = tpu.memref_slice %arg9[%dma_wait3A, %dma_wait3A_108] : memref<128x64xf32, #tpu.memory_space<vmem>> -> memref<125x64xf32, #tpu.memory_space<vmem>>
      %dma_wait3A_110 = arith.constant 0 : i32
      %dma_wait3A_111 = tpu.memref_slice %arg13[%add3A_32, %dma_wait3A_110] : memref<10240x64xf32, #tpu.memory_space<vmem_shared>> -> memref<125x64xf32, #tpu.memory_space<vmem_shared>>
      %dma_wait3A_112 = arith.constant 0 : i32
      %dma_wait3A_113 = tpu.memref_slice %arg13[%add3A_32, %dma_wait3A_112] : memref<10240x64xf32, #tpu.memory_space<vmem_shared>> -> memref<125x64xf32, #tpu.memory_space<vmem_shared>>
      %dma_wait3A_114 = arith.constant 0 : i32
      %dma_wait3A_115 = arith.constant 0 : i32
      %dma_wait3A_116 = tpu.memref_slice %arg9[%dma_wait3A_114, %dma_wait3A_115] : memref<128x64xf32, #tpu.memory_space<vmem>> -> memref<125x64xf32, #tpu.memory_space<vmem>>
      tpu.wait_dma2 semaphore(%run_scoped3A : memref<!tpu.dma_semaphore, #tpu.memory_space<semaphore_mem>>) src(%dma_wait3A_116 : memref<125x64xf32, #tpu.memory_space<vmem>>) dst(%dma_wait3A_113 : memref<125x64xf32, #tpu.memory_space<vmem_shared>>)
      tpu.yield
    }) : () -> ()
    %add3A_35 = arith.constant 500 : i32
    %add3A_36 = arith.addi %mul3A_18, %add3A_35 : i32
    %mul3A_37 = arith.constant 64 : i32
    %mul3A_38 = arith.muli %arg0, %mul3A_37 : i32
    "tpu.region"() ({
      %run_scoped3A = tpu.sem_alloc : memref<!tpu.dma_semaphore, #tpu.memory_space<semaphore_mem>>
      %dma_start3A = arith.constant 0 : i32
      %dma_start3A_99 = arith.constant 0 : i32
      %dma_start3A_100 = tpu.memref_slice %arg9[%dma_start3A, %dma_start3A_99] : memref<128x64xf32, #tpu.memory_space<vmem>> -> memref<125x64xf32, #tpu.memory_space<vmem>>
      %dma_start3A_101 = tpu.memref_slice %arg2[%add3A_36, %mul3A_38] : memref<10000x128xf32, #tpu.memory_space<hbm>> -> memref<125x64xf32, #tpu.memory_space<hbm>>
      %dma_start3A_102 = arith.constant 0 : i32
      %dma_start3A_103 = arith.constant 0 : i32
      %dma_start3A_104 = tpu.memref_slice %arg9[%dma_start3A_102, %dma_start3A_103] : memref<128x64xf32, #tpu.memory_space<vmem>> -> memref<125x64xf32, #tpu.memory_space<vmem>>
      %dma_start3A_105 = tpu.memref_slice %arg2[%add3A_36, %mul3A_38] : memref<10000x128xf32, #tpu.memory_space<hbm>> -> memref<125x64xf32, #tpu.memory_space<hbm>>
      tpu.enqueue_dma source(%dma_start3A_105 : memref<125x64xf32, #tpu.memory_space<hbm>>) target(%dma_start3A_104 : memref<125x64xf32, #tpu.memory_space<vmem>>) target_semaphore(%run_scoped3A : memref<!tpu.dma_semaphore, #tpu.memory_space<semaphore_mem>>)
      %dma_wait3A = arith.constant 0 : i32
      %dma_wait3A_106 = arith.constant 0 : i32
      %dma_wait3A_107 = tpu.memref_slice %arg9[%dma_wait3A, %dma_wait3A_106] : memref<128x64xf32, #tpu.memory_space<vmem>> -> memref<125x64xf32, #tpu.memory_space<vmem>>
      %dma_wait3A_108 = tpu.memref_slice %arg2[%add3A_36, %mul3A_38] : memref<10000x128xf32, #tpu.memory_space<hbm>> -> memref<125x64xf32, #tpu.memory_space<hbm>>
      %dma_wait3A_109 = arith.constant 0 : i32
      %dma_wait3A_110 = arith.constant 0 : i32
      %dma_wait3A_111 = tpu.memref_slice %arg9[%dma_wait3A_109, %dma_wait3A_110] : memref<128x64xf32, #tpu.memory_space<vmem>> -> memref<125x64xf32, #tpu.memory_space<vmem>>
      %dma_wait3A_112 = tpu.memref_slice %arg2[%add3A_36, %mul3A_38] : memref<10000x128xf32, #tpu.memory_space<hbm>> -> memref<125x64xf32, #tpu.memory_space<hbm>>
      tpu.wait_dma2 semaphore(%run_scoped3A : memref<!tpu.dma_semaphore, #tpu.memory_space<semaphore_mem>>) src(%dma_wait3A_112 : memref<125x64xf32, #tpu.memory_space<hbm>>) dst(%dma_wait3A_111 : memref<125x64xf32, #tpu.memory_space<vmem>>)
      tpu.yield
    }) : () -> ()
    "tpu.region"() ({
      %run_scoped3A = tpu.sem_alloc : memref<!tpu.dma_semaphore, #tpu.memory_space<semaphore_mem>>
      %dma_start3A = arith.constant 0 : i32
      %dma_start3A_99 = arith.constant 0 : i32
      %dma_start3A_100 = tpu.memref_slice %arg9[%dma_start3A, %dma_start3A_99] : memref<128x64xf32, #tpu.memory_space<vmem>> -> memref<125x64xf32, #tpu.memory_space<vmem>>
      %dma_start3A_101 = arith.constant 0 : i32
      %dma_start3A_102 = tpu.memref_slice %arg13[%add3A_36, %dma_start3A_101] : memref<10240x64xf32, #tpu.memory_space<vmem_shared>> -> memref<125x64xf32, #tpu.memory_space<vmem_shared>>
      %dma_start3A_103 = arith.constant 0 : i32
      %dma_start3A_104 = tpu.memref_slice %arg13[%add3A_36, %dma_start3A_103] : memref<10240x64xf32, #tpu.memory_space<vmem_shared>> -> memref<125x64xf32, #tpu.memory_space<vmem_shared>>
      %dma_start3A_105 = arith.constant 0 : i32
      %dma_start3A_106 = arith.constant 0 : i32
      %dma_start3A_107 = tpu.memref_slice %arg9[%dma_start3A_105, %dma_start3A_106] : memref<128x64xf32, #tpu.memory_space<vmem>> -> memref<125x64xf32, #tpu.memory_space<vmem>>
      tpu.enqueue_dma source(%dma_start3A_107 : memref<125x64xf32, #tpu.memory_space<vmem>>) target(%dma_start3A_104 : memref<125x64xf32, #tpu.memory_space<vmem_shared>>) target_semaphore(%run_scoped3A : memref<!tpu.dma_semaphore, #tpu.memory_space<semaphore_mem>>)
      %dma_wait3A = arith.constant 0 : i32
      %dma_wait3A_108 = arith.constant 0 : i32
      %dma_wait3A_109 = tpu.memref_slice %arg9[%dma_wait3A, %dma_wait3A_108] : memref<128x64xf32, #tpu.memory_space<vmem>> -> memref<125x64xf32, #tpu.memory_space<vmem>>
      %dma_wait3A_110 = arith.constant 0 : i32
      %dma_wait3A_111 = tpu.memref_slice %arg13[%add3A_36, %dma_wait3A_110] : memref<10240x64xf32, #tpu.memory_space<vmem_shared>> -> memref<125x64xf32, #tpu.memory_space<vmem_shared>>
      %dma_wait3A_112 = arith.constant 0 : i32
      %dma_wait3A_113 = tpu.memref_slice %arg13[%add3A_36, %dma_wait3A_112] : memref<10240x64xf32, #tpu.memory_space<vmem_shared>> -> memref<125x64xf32, #tpu.memory_space<vmem_shared>>
      %dma_wait3A_114 = arith.constant 0 : i32
      %dma_wait3A_115 = arith.constant 0 : i32
      %dma_wait3A_116 = tpu.memref_slice %arg9[%dma_wait3A_114, %dma_wait3A_115] : memref<128x64xf32, #tpu.memory_space<vmem>> -> memref<125x64xf32, #tpu.memory_space<vmem>>
      tpu.wait_dma2 semaphore(%run_scoped3A : memref<!tpu.dma_semaphore, #tpu.memory_space<semaphore_mem>>) src(%dma_wait3A_116 : memref<125x64xf32, #tpu.memory_space<vmem>>) dst(%dma_wait3A_113 : memref<125x64xf32, #tpu.memory_space<vmem_shared>>)
      tpu.yield
    }) : () -> ()
    %broadcast_in_dim3A_39 = arith.constant 0.000000e+00 : f32
    %broadcast_in_dim3A_40 = vector.broadcast %broadcast_in_dim3A_39 : f32 to vector<16xf32>
    %scan3A_41 = arith.constant 0 : i32
    %scan3A_42 = arith.constant 0 : i32
    %scan3A_43 = arith.constant 128 : i32
    %scan3A_44 = arith.addi %scan3A_42, %scan3A_43 : i32
    %scan3A_45 = arith.constant 1 : i32
    %scan3A_46 = scf.for %scan3A_99 = %scan3A_42 to %scan3A_44 step %scan3A_45 iter_args(%scan3A_100 = %scan3A_41) -> (i32)  : i32 {
      %swap3A = arith.index_cast %scan3A_99 : i32 to index
      %swap3A_101 = arith.constant 0 : index
      %swap3A_102 = tpu.vector_load %arg12[%swap3A, %swap3A_101] {strides = array<i32>} : memref<128x16xf32, #tpu.memory_space<vmem>>, vector<1x16xf32>,
      %swap3A_103 = vector.shape_cast %swap3A_102 : vector<1x16xf32> to vector<16xf32>
      %swap3A_104 = vector.shape_cast %broadcast_in_dim3A_40 : vector<16xf32> to vector<1x16xf32>
      tpu.vector_store %arg12[%swap3A, %swap3A_101], %swap3A_104 {strides = array<i32>} : memref<128x16xf32, #tpu.memory_space<vmem>>, vector<1x16xf32>,
      %scan3A_105 = arith.constant 0 : i32
      scf.yield %scan3A_105 : i32
    }
    %scan3A_47 = arith.constant 128 : i32
    %mul3A_48 = arith.constant 640 : i32
    %mul3A_49 = arith.muli %arg1, %mul3A_48 : i32
    %add3A_50 = arith.constant 0 : i32
    %add3A_51 = arith.addi %mul3A_49, %add3A_50 : i32
    "tpu.region"() ({
      %run_scoped3A = tpu.sem_alloc : memref<!tpu.dma_semaphore, #tpu.memory_space<semaphore_mem>>
      %dma_start3A = arith.constant 0 : i32
      %dma_start3A_99 = tpu.memref_slice %arg15[%add3A_51, %dma_start3A] : memref<10240x16xf32, #tpu.memory_space<vmem_shared>> -> memref<128x16xf32, #tpu.memory_space<vmem_shared>>
      %dma_start3A_100 = arith.constant 0 : i32
      %dma_start3A_101 = tpu.memref_slice %arg15[%add3A_51, %dma_start3A_100] : memref<10240x16xf32, #tpu.memory_space<vmem_shared>> -> memref<128x16xf32, #tpu.memory_space<vmem_shared>>
      tpu.enqueue_dma source(%arg12 : memref<128x16xf32, #tpu.memory_space<vmem>>) target(%dma_start3A_101 : memref<128x16xf32, #tpu.memory_space<vmem_shared>>) target_semaphore(%run_scoped3A : memref<!tpu.dma_semaphore, #tpu.memory_space<semaphore_mem>>)
      %dma_wait3A = arith.constant 0 : i32
      %dma_wait3A_102 = tpu.memref_slice %arg15[%add3A_51, %dma_wait3A] : memref<10240x16xf32, #tpu.memory_space<vmem_shared>> -> memref<128x16xf32, #tpu.memory_space<vmem_shared>>
      %dma_wait3A_103 = arith.constant 0 : i32
      %dma_wait3A_104 = tpu.memref_slice %arg15[%add3A_51, %dma_wait3A_103] : memref<10240x16xf32, #tpu.memory_space<vmem_shared>> -> memref<128x16xf32, #tpu.memory_space<vmem_shared>>
      tpu.wait_dma2 semaphore(%run_scoped3A : memref<!tpu.dma_semaphore, #tpu.memory_space<semaphore_mem>>) src(%arg12 : memref<128x16xf32, #tpu.memory_space<vmem>>) dst(%dma_wait3A_104 : memref<128x16xf32, #tpu.memory_space<vmem_shared>>)
      tpu.yield
    }) : () -> ()
    %add3A_52 = arith.constant 128 : i32
    %add3A_53 = arith.addi %mul3A_49, %add3A_52 : i32
    "tpu.region"() ({
      %run_scoped3A = tpu.sem_alloc : memref<!tpu.dma_semaphore, #tpu.memory_space<semaphore_mem>>
      %dma_start3A = arith.constant 0 : i32
      %dma_start3A_99 = tpu.memref_slice %arg15[%add3A_53, %dma_start3A] : memref<10240x16xf32, #tpu.memory_space<vmem_shared>> -> memref<128x16xf32, #tpu.memory_space<vmem_shared>>
      %dma_start3A_100 = arith.constant 0 : i32
      %dma_start3A_101 = tpu.memref_slice %arg15[%add3A_53, %dma_start3A_100] : memref<10240x16xf32, #tpu.memory_space<vmem_shared>> -> memref<128x16xf32, #tpu.memory_space<vmem_shared>>
      tpu.enqueue_dma source(%arg12 : memref<128x16xf32, #tpu.memory_space<vmem>>) target(%dma_start3A_101 : memref<128x16xf32, #tpu.memory_space<vmem_shared>>) target_semaphore(%run_scoped3A : memref<!tpu.dma_semaphore, #tpu.memory_space<semaphore_mem>>)
      %dma_wait3A = arith.constant 0 : i32
      %dma_wait3A_102 = tpu.memref_slice %arg15[%add3A_53, %dma_wait3A] : memref<10240x16xf32, #tpu.memory_space<vmem_shared>> -> memref<128x16xf32, #tpu.memory_space<vmem_shared>>
      %dma_wait3A_103 = arith.constant 0 : i32
      %dma_wait3A_104 = tpu.memref_slice %arg15[%add3A_53, %dma_wait3A_103] : memref<10240x16xf32, #tpu.memory_space<vmem_shared>> -> memref<128x16xf32, #tpu.memory_space<vmem_shared>>
      tpu.wait_dma2 semaphore(%run_scoped3A : memref<!tpu.dma_semaphore, #tpu.memory_space<semaphore_mem>>) src(%arg12 : memref<128x16xf32, #tpu.memory_space<vmem>>) dst(%dma_wait3A_104 : memref<128x16xf32, #tpu.memory_space<vmem_shared>>)
      tpu.yield
    }) : () -> ()
    %add3A_54 = arith.constant 256 : i32
    %add3A_55 = arith.addi %mul3A_49, %add3A_54 : i32
    "tpu.region"() ({
      %run_scoped3A = tpu.sem_alloc : memref<!tpu.dma_semaphore, #tpu.memory_space<semaphore_mem>>
      %dma_start3A = arith.constant 0 : i32
      %dma_start3A_99 = tpu.memref_slice %arg15[%add3A_55, %dma_start3A] : memref<10240x16xf32, #tpu.memory_space<vmem_shared>> -> memref<128x16xf32, #tpu.memory_space<vmem_shared>>
      %dma_start3A_100 = arith.constant 0 : i32
      %dma_start3A_101 = tpu.memref_slice %arg15[%add3A_55, %dma_start3A_100] : memref<10240x16xf32, #tpu.memory_space<vmem_shared>> -> memref<128x16xf32, #tpu.memory_space<vmem_shared>>
      tpu.enqueue_dma source(%arg12 : memref<128x16xf32, #tpu.memory_space<vmem>>) target(%dma_start3A_101 : memref<128x16xf32, #tpu.memory_space<vmem_shared>>) target_semaphore(%run_scoped3A : memref<!tpu.dma_semaphore, #tpu.memory_space<semaphore_mem>>)
      %dma_wait3A = arith.constant 0 : i32
      %dma_wait3A_102 = tpu.memref_slice %arg15[%add3A_55, %dma_wait3A] : memref<10240x16xf32, #tpu.memory_space<vmem_shared>> -> memref<128x16xf32, #tpu.memory_space<vmem_shared>>
      %dma_wait3A_103 = arith.constant 0 : i32
      %dma_wait3A_104 = tpu.memref_slice %arg15[%add3A_55, %dma_wait3A_103] : memref<10240x16xf32, #tpu.memory_space<vmem_shared>> -> memref<128x16xf32, #tpu.memory_space<vmem_shared>>
      tpu.wait_dma2 semaphore(%run_scoped3A : memref<!tpu.dma_semaphore, #tpu.memory_space<semaphore_mem>>) src(%arg12 : memref<128x16xf32, #tpu.memory_space<vmem>>) dst(%dma_wait3A_104 : memref<128x16xf32, #tpu.memory_space<vmem_shared>>)
      tpu.yield
    }) : () -> ()
    %add3A_56 = arith.constant 384 : i32
    %add3A_57 = arith.addi %mul3A_49, %add3A_56 : i32
    "tpu.region"() ({
      %run_scoped3A = tpu.sem_alloc : memref<!tpu.dma_semaphore, #tpu.memory_space<semaphore_mem>>
      %dma_start3A = arith.constant 0 : i32
      %dma_start3A_99 = tpu.memref_slice %arg15[%add3A_57, %dma_start3A] : memref<10240x16xf32, #tpu.memory_space<vmem_shared>> -> memref<128x16xf32, #tpu.memory_space<vmem_shared>>
      %dma_start3A_100 = arith.constant 0 : i32
      %dma_start3A_101 = tpu.memref_slice %arg15[%add3A_57, %dma_start3A_100] : memref<10240x16xf32, #tpu.memory_space<vmem_shared>> -> memref<128x16xf32, #tpu.memory_space<vmem_shared>>
      tpu.enqueue_dma source(%arg12 : memref<128x16xf32, #tpu.memory_space<vmem>>) target(%dma_start3A_101 : memref<128x16xf32, #tpu.memory_space<vmem_shared>>) target_semaphore(%run_scoped3A : memref<!tpu.dma_semaphore, #tpu.memory_space<semaphore_mem>>)
      %dma_wait3A = arith.constant 0 : i32
      %dma_wait3A_102 = tpu.memref_slice %arg15[%add3A_57, %dma_wait3A] : memref<10240x16xf32, #tpu.memory_space<vmem_shared>> -> memref<128x16xf32, #tpu.memory_space<vmem_shared>>
      %dma_wait3A_103 = arith.constant 0 : i32
      %dma_wait3A_104 = tpu.memref_slice %arg15[%add3A_57, %dma_wait3A_103] : memref<10240x16xf32, #tpu.memory_space<vmem_shared>> -> memref<128x16xf32, #tpu.memory_space<vmem_shared>>
      tpu.wait_dma2 semaphore(%run_scoped3A : memref<!tpu.dma_semaphore, #tpu.memory_space<semaphore_mem>>) src(%arg12 : memref<128x16xf32, #tpu.memory_space<vmem>>) dst(%dma_wait3A_104 : memref<128x16xf32, #tpu.memory_space<vmem_shared>>)
      tpu.yield
    }) : () -> ()
    %add3A_58 = arith.constant 512 : i32
    %add3A_59 = arith.addi %mul3A_49, %add3A_58 : i32
    "tpu.region"() ({
      %run_scoped3A = tpu.sem_alloc : memref<!tpu.dma_semaphore, #tpu.memory_space<semaphore_mem>>
      %dma_start3A = arith.constant 0 : i32
      %dma_start3A_99 = tpu.memref_slice %arg15[%add3A_59, %dma_start3A] : memref<10240x16xf32, #tpu.memory_space<vmem_shared>> -> memref<128x16xf32, #tpu.memory_space<vmem_shared>>
      %dma_start3A_100 = arith.constant 0 : i32
      %dma_start3A_101 = tpu.memref_slice %arg15[%add3A_59, %dma_start3A_100] : memref<10240x16xf32, #tpu.memory_space<vmem_shared>> -> memref<128x16xf32, #tpu.memory_space<vmem_shared>>
      tpu.enqueue_dma source(%arg12 : memref<128x16xf32, #tpu.memory_space<vmem>>) target(%dma_start3A_101 : memref<128x16xf32, #tpu.memory_space<vmem_shared>>) target_semaphore(%run_scoped3A : memref<!tpu.dma_semaphore, #tpu.memory_space<semaphore_mem>>)
      %dma_wait3A = arith.constant 0 : i32
      %dma_wait3A_102 = tpu.memref_slice %arg15[%add3A_59, %dma_wait3A] : memref<10240x16xf32, #tpu.memory_space<vmem_shared>> -> memref<128x16xf32, #tpu.memory_space<vmem_shared>>
      %dma_wait3A_103 = arith.constant 0 : i32
      %dma_wait3A_104 = tpu.memref_slice %arg15[%add3A_59, %dma_wait3A_103] : memref<10240x16xf32, #tpu.memory_space<vmem_shared>> -> memref<128x16xf32, #tpu.memory_space<vmem_shared>>
      tpu.wait_dma2 semaphore(%run_scoped3A : memref<!tpu.dma_semaphore, #tpu.memory_space<semaphore_mem>>) src(%arg12 : memref<128x16xf32, #tpu.memory_space<vmem>>) dst(%dma_wait3A_104 : memref<128x16xf32, #tpu.memory_space<vmem_shared>>)
      tpu.yield
    }) : () -> ()
    %broadcast_in_dim3A_60 = arith.constant 1.000000e+00 : f32
    %broadcast_in_dim3A_61 = vector.broadcast %broadcast_in_dim3A_60 : f32 to vector<16xf32>
    %scan3A_62 = arith.constant 0 : i32
    %scan3A_63 = arith.constant 0 : i32
    %scan3A_64 = arith.constant 128 : i32
    %scan3A_65 = arith.addi %scan3A_63, %scan3A_64 : i32
    %scan3A_66 = arith.constant 1 : i32
    %scan3A_67 = scf.for %scan3A_99 = %scan3A_63 to %scan3A_65 step %scan3A_66 iter_args(%scan3A_100 = %scan3A_62) -> (i32)  : i32 {
      %swap3A = arith.index_cast %scan3A_99 : i32 to index
      %swap3A_101 = arith.constant 0 : index
      %swap3A_102 = tpu.vector_load %arg12[%swap3A, %swap3A_101] {strides = array<i32>} : memref<128x16xf32, #tpu.memory_space<vmem>>, vector<1x16xf32>,
      %swap3A_103 = vector.shape_cast %swap3A_102 : vector<1x16xf32> to vector<16xf32>
      %swap3A_104 = vector.shape_cast %broadcast_in_dim3A_61 : vector<16xf32> to vector<1x16xf32>
      tpu.vector_store %arg12[%swap3A, %swap3A_101], %swap3A_104 {strides = array<i32>} : memref<128x16xf32, #tpu.memory_space<vmem>>, vector<1x16xf32>,
      %scan3A_105 = arith.constant 0 : i32
      scf.yield %scan3A_105 : i32
    }
    %scan3A_68 = arith.constant 128 : i32
    %barrier3A = arith.constant 0 : index
    tpu.barrier barrier_id(%barrier3A)
    %scan3A_69 = arith.constant 0 : i32
    %scan3A_70 = arith.constant 0 : i32
    %scan3A_71 = arith.constant 20 : i32
    %scan3A_72 = arith.addi %scan3A_70, %scan3A_71 : i32
    %scan3A_73 = arith.constant 1 : i32
    %scan3A_74 = scf.for %scan3A_99 = %scan3A_70 to %scan3A_72 step %scan3A_73 iter_args(%scan3A_100 = %scan3A_69) -> (i32)  : i32 {
      "tpu.region"() ({
        %run_scoped3A = tpu.sem_alloc : memref<!tpu.dma_semaphore, #tpu.memory_space<semaphore_mem>>
        %dma_start3A_335 = arith.constant 0 : i32
        %dma_start3A_336 = arith.constant 0 : i32
        %dma_start3A_337 = tpu.memref_slice %arg3[%arg1, %scan3A_99, %dma_start3A_335, %dma_start3A_336] : memref<16x20x8x128xi32, #tpu.memory_space<hbm>> -> memref<1x1x8x128xi32, #tpu.memory_space<hbm>>
        %dma_start3A_338 = tpu.memref_squeeze %dma_start3A_337 : memref<1x1x8x128xi32, #tpu.memory_space<hbm>> -> memref<8x128xi32, #tpu.memory_space<hbm>>
        %dma_start3A_339 = arith.constant 0 : i32
        %dma_start3A_340 = arith.constant 0 : i32
        %dma_start3A_341 = tpu.memref_slice %arg3[%arg1, %scan3A_99, %dma_start3A_339, %dma_start3A_340] : memref<16x20x8x128xi32, #tpu.memory_space<hbm>> -> memref<1x1x8x128xi32, #tpu.memory_space<hbm>>
        %dma_start3A_342 = tpu.memref_squeeze %dma_start3A_341 : memref<1x1x8x128xi32, #tpu.memory_space<hbm>> -> memref<8x128xi32, #tpu.memory_space<hbm>>
        tpu.enqueue_dma source(%dma_start3A_342 : memref<8x128xi32, #tpu.memory_space<hbm>>) target(%arg7 : memref<8x128xi32, #tpu.memory_space<vmem>>) target_semaphore(%run_scoped3A : memref<!tpu.dma_semaphore, #tpu.memory_space<semaphore_mem>>)
        %dma_wait3A_343 = arith.constant 0 : i32
        %dma_wait3A_344 = arith.constant 0 : i32
        %dma_wait3A_345 = tpu.memref_slice %arg3[%arg1, %scan3A_99, %dma_wait3A_343, %dma_wait3A_344] : memref<16x20x8x128xi32, #tpu.memory_space<hbm>> -> memref<1x1x8x128xi32, #tpu.memory_space<hbm>>
        %dma_wait3A_346 = tpu.memref_squeeze %dma_wait3A_345 : memref<1x1x8x128xi32, #tpu.memory_space<hbm>> -> memref<8x128xi32, #tpu.memory_space<hbm>>
        %dma_wait3A_347 = arith.constant 0 : i32
        %dma_wait3A_348 = arith.constant 0 : i32
        %dma_wait3A_349 = tpu.memref_slice %arg3[%arg1, %scan3A_99, %dma_wait3A_347, %dma_wait3A_348] : memref<16x20x8x128xi32, #tpu.memory_space<hbm>> -> memref<1x1x8x128xi32, #tpu.memory_space<hbm>>
        %dma_wait3A_350 = tpu.memref_squeeze %dma_wait3A_349 : memref<1x1x8x128xi32, #tpu.memory_space<hbm>> -> memref<8x128xi32, #tpu.memory_space<hbm>>
        tpu.wait_dma2 semaphore(%run_scoped3A : memref<!tpu.dma_semaphore, #tpu.memory_space<semaphore_mem>>) src(%dma_wait3A_350 : memref<8x128xi32, #tpu.memory_space<hbm>>) dst(%arg7 : memref<8x128xi32, #tpu.memory_space<vmem>>)
        tpu.yield
      }) : () -> ()
      "tpu.region"() ({
        %run_scoped3A = tpu.sem_alloc : memref<!tpu.dma_semaphore, #tpu.memory_space<semaphore_mem>>
        %dma_start3A_335 = arith.constant 0 : i32
        %dma_start3A_336 = arith.constant 0 : i32
        %dma_start3A_337 = tpu.memref_slice %arg4[%arg1, %scan3A_99, %dma_start3A_335, %dma_start3A_336] : memref<16x20x8x128xi32, #tpu.memory_space<hbm>> -> memref<1x1x8x128xi32, #tpu.memory_space<hbm>>
        %dma_start3A_338 = tpu.memref_squeeze %dma_start3A_337 : memref<1x1x8x128xi32, #tpu.memory_space<hbm>> -> memref<8x128xi32, #tpu.memory_space<hbm>>
        %dma_start3A_339 = arith.constant 0 : i32
        %dma_start3A_340 = arith.constant 0 : i32
        %dma_start3A_341 = tpu.memref_slice %arg4[%arg1, %scan3A_99, %dma_start3A_339, %dma_start3A_340] : memref<16x20x8x128xi32, #tpu.memory_space<hbm>> -> memref<1x1x8x128xi32, #tpu.memory_space<hbm>>
        %dma_start3A_342 = tpu.memref_squeeze %dma_start3A_341 : memref<1x1x8x128xi32, #tpu.memory_space<hbm>> -> memref<8x128xi32, #tpu.memory_space<hbm>>
        tpu.enqueue_dma source(%dma_start3A_342 : memref<8x128xi32, #tpu.memory_space<hbm>>) target(%arg8 : memref<8x128xi32, #tpu.memory_space<vmem>>) target_semaphore(%run_scoped3A : memref<!tpu.dma_semaphore, #tpu.memory_space<semaphore_mem>>)
        %dma_wait3A_343 = arith.constant 0 : i32
        %dma_wait3A_344 = arith.constant 0 : i32
        %dma_wait3A_345 = tpu.memref_slice %arg4[%arg1, %scan3A_99, %dma_wait3A_343, %dma_wait3A_344] : memref<16x20x8x128xi32, #tpu.memory_space<hbm>> -> memref<1x1x8x128xi32, #tpu.memory_space<hbm>>
        %dma_wait3A_346 = tpu.memref_squeeze %dma_wait3A_345 : memref<1x1x8x128xi32, #tpu.memory_space<hbm>> -> memref<8x128xi32, #tpu.memory_space<hbm>>
        %dma_wait3A_347 = arith.constant 0 : i32
        %dma_wait3A_348 = arith.constant 0 : i32
        %dma_wait3A_349 = tpu.memref_slice %arg4[%arg1, %scan3A_99, %dma_wait3A_347, %dma_wait3A_348] : memref<16x20x8x128xi32, #tpu.memory_space<hbm>> -> memref<1x1x8x128xi32, #tpu.memory_space<hbm>>
        %dma_wait3A_350 = tpu.memref_squeeze %dma_wait3A_349 : memref<1x1x8x128xi32, #tpu.memory_space<hbm>> -> memref<8x128xi32, #tpu.memory_space<hbm>>
        tpu.wait_dma2 semaphore(%run_scoped3A : memref<!tpu.dma_semaphore, #tpu.memory_space<semaphore_mem>>) src(%dma_wait3A_350 : memref<8x128xi32, #tpu.memory_space<hbm>>) dst(%arg8 : memref<8x128xi32, #tpu.memory_space<vmem>>)
        tpu.yield
      }) : () -> ()
      %dma_start3A = arith.constant 0 : i32
      %dma_start3A_101 = arith.constant 0 : i32
      %dma_start3A_102 = tpu.memref_slice %arg7[%dma_start3A, %dma_start3A_101] : memref<8x128xi32, #tpu.memory_space<vmem>> -> memref<1x128xi32, #tpu.memory_space<vmem>>
      %dma_start3A_103 = tpu.memref_squeeze %dma_start3A_102 : memref<1x128xi32, #tpu.memory_space<vmem>> -> memref<128xi32, #tpu.memory_space<vmem>>
      %dma_start3A_104 = arith.constant 0 : i32
      %dma_start3A_105 = arith.constant 0 : i32
      %dma_start3A_106 = tpu.memref_slice %arg13[%dma_start3A_104, %dma_start3A_105] : memref<10240x64xf32, #tpu.memory_space<vmem_shared>> -> memref<10240x64xf32, #tpu.memory_space<vmem_shared>>
      tpu.enqueue_indirect_dma source(%dma_start3A_106 : memref<10240x64xf32, #tpu.memory_space<vmem_shared>>) target(%arg9 : memref<128x64xf32, #tpu.memory_space<vmem>>) offsets(%dma_start3A_103 : memref<128xi32, #tpu.memory_space<vmem>>) semaphore(%arg19 : memref<!tpu.dma_semaphore, #tpu.memory_space<semaphore_mem>>)
      %dma_start3A_107 = arith.constant 1 : i32
      %dma_start3A_108 = arith.constant 0 : i32
      %dma_start3A_109 = tpu.memref_slice %arg7[%dma_start3A_107, %dma_start3A_108] : memref<8x128xi32, #tpu.memory_space<vmem>> -> memref<1x128xi32, #tpu.memory_space<vmem>>
      %dma_start3A_110 = tpu.memref_squeeze %dma_start3A_109 : memref<1x128xi32, #tpu.memory_space<vmem>> -> memref<128xi32, #tpu.memory_space<vmem>>
      %dma_start3A_111 = arith.constant 0 : i32
      %dma_start3A_112 = arith.constant 0 : i32
      %dma_start3A_113 = tpu.memref_slice %arg13[%dma_start3A_111, %dma_start3A_112] : memref<10240x64xf32, #tpu.memory_space<vmem_shared>> -> memref<10240x64xf32, #tpu.memory_space<vmem_shared>>
      tpu.enqueue_indirect_dma source(%dma_start3A_113 : memref<10240x64xf32, #tpu.memory_space<vmem_shared>>) target(%arg10 : memref<128x64xf32, #tpu.memory_space<vmem>>) offsets(%dma_start3A_110 : memref<128xi32, #tpu.memory_space<vmem>>) semaphore(%arg20 : memref<!tpu.dma_semaphore, #tpu.memory_space<semaphore_mem>>)
      %dma_wait3A = arith.constant 0 : i32
      %dma_wait3A_114 = arith.constant 0 : i32
      %dma_wait3A_115 = tpu.memref_slice %arg7[%dma_wait3A, %dma_wait3A_114] : memref<8x128xi32, #tpu.memory_space<vmem>> -> memref<1x128xi32, #tpu.memory_space<vmem>>
      %dma_wait3A_116 = tpu.memref_squeeze %dma_wait3A_115 : memref<1x128xi32, #tpu.memory_space<vmem>> -> memref<128xi32, #tpu.memory_space<vmem>>
      %dma_wait3A_117 = arith.constant 0 : i32
      %dma_wait3A_118 = arith.constant 0 : i32
      %dma_wait3A_119 = tpu.memref_slice %arg13[%dma_wait3A_117, %dma_wait3A_118] : memref<10240x64xf32, #tpu.memory_space<vmem_shared>> -> memref<10240x64xf32, #tpu.memory_space<vmem_shared>>
      tpu.wait_indirect_dma semaphore(%arg19 : memref<!tpu.dma_semaphore, #tpu.memory_space<semaphore_mem>>) src(%dma_wait3A_119 : memref<10240x64xf32, #tpu.memory_space<vmem_shared>>) dst(%arg9 : memref<128x64xf32, #tpu.memory_space<vmem>>)
      %dma_start3A_120 = arith.constant 0 : i32
      %dma_start3A_121 = arith.constant 0 : i32
      %dma_start3A_122 = tpu.memref_slice %arg8[%dma_start3A_120, %dma_start3A_121] : memref<8x128xi32, #tpu.memory_space<vmem>> -> memref<1x128xi32, #tpu.memory_space<vmem>>
      %dma_start3A_123 = tpu.memref_squeeze %dma_start3A_122 : memref<1x128xi32, #tpu.memory_space<vmem>> -> memref<128xi32, #tpu.memory_space<vmem>>
      %dma_start3A_124 = arith.constant 0 : i32
      %dma_start3A_125 = arith.constant 0 : i32
      %dma_start3A_126 = tpu.memref_slice %arg14[%dma_start3A_124, %dma_start3A_125] : memref<10240x64xf32, #tpu.memory_space<vmem_shared>> -> memref<10240x64xf32, #tpu.memory_space<vmem_shared>>
      tpu.enqueue_indirect_dma source(%arg9 : memref<128x64xf32, #tpu.memory_space<vmem>>) target(%dma_start3A_126 : memref<10240x64xf32, #tpu.memory_space<vmem_shared>>) offsets(%dma_start3A_123 : memref<128xi32, #tpu.memory_space<vmem>>) semaphore(%arg16 : memref<!tpu.dma_semaphore, #tpu.memory_space<semaphore_mem>>) {add = true}
      %dma_start3A_127 = arith.constant 2 : i32
      %dma_start3A_128 = arith.constant 0 : i32
      %dma_start3A_129 = tpu.memref_slice %arg7[%dma_start3A_127, %dma_start3A_128] : memref<8x128xi32, #tpu.memory_space<vmem>> -> memref<1x128xi32, #tpu.memory_space<vmem>>
      %dma_start3A_130 = tpu.memref_squeeze %dma_start3A_129 : memref<1x128xi32, #tpu.memory_space<vmem>> -> memref<128xi32, #tpu.memory_space<vmem>>
      %dma_start3A_131 = arith.constant 0 : i32
      %dma_start3A_132 = arith.constant 0 : i32
      %dma_start3A_133 = tpu.memref_slice %arg13[%dma_start3A_131, %dma_start3A_132] : memref<10240x64xf32, #tpu.memory_space<vmem_shared>> -> memref<10240x64xf32, #tpu.memory_space<vmem_shared>>
      tpu.enqueue_indirect_dma source(%dma_start3A_133 : memref<10240x64xf32, #tpu.memory_space<vmem_shared>>) target(%arg11 : memref<128x64xf32, #tpu.memory_space<vmem>>) offsets(%dma_start3A_130 : memref<128xi32, #tpu.memory_space<vmem>>) semaphore(%arg21 : memref<!tpu.dma_semaphore, #tpu.memory_space<semaphore_mem>>)
      %dma_wait3A_134 = arith.constant 1 : i32
      %dma_wait3A_135 = arith.constant 0 : i32
      %dma_wait3A_136 = tpu.memref_slice %arg7[%dma_wait3A_134, %dma_wait3A_135] : memref<8x128xi32, #tpu.memory_space<vmem>> -> memref<1x128xi32, #tpu.memory_space<vmem>>
      %dma_wait3A_137 = tpu.memref_squeeze %dma_wait3A_136 : memref<1x128xi32, #tpu.memory_space<vmem>> -> memref<128xi32, #tpu.memory_space<vmem>>
      %dma_wait3A_138 = arith.constant 0 : i32
      %dma_wait3A_139 = arith.constant 0 : i32
      %dma_wait3A_140 = tpu.memref_slice %arg13[%dma_wait3A_138, %dma_wait3A_139] : memref<10240x64xf32, #tpu.memory_space<vmem_shared>> -> memref<10240x64xf32, #tpu.memory_space<vmem_shared>>
      tpu.wait_indirect_dma semaphore(%arg20 : memref<!tpu.dma_semaphore, #tpu.memory_space<semaphore_mem>>) src(%dma_wait3A_140 : memref<10240x64xf32, #tpu.memory_space<vmem_shared>>) dst(%arg10 : memref<128x64xf32, #tpu.memory_space<vmem>>)
      %dma_start3A_141 = arith.constant 1 : i32
      %dma_start3A_142 = arith.constant 0 : i32
      %dma_start3A_143 = tpu.memref_slice %arg8[%dma_start3A_141, %dma_start3A_142] : memref<8x128xi32, #tpu.memory_space<vmem>> -> memref<1x128xi32, #tpu.memory_space<vmem>>
      %dma_start3A_144 = tpu.memref_squeeze %dma_start3A_143 : memref<1x128xi32, #tpu.memory_space<vmem>> -> memref<128xi32, #tpu.memory_space<vmem>>
      %dma_start3A_145 = arith.constant 0 : i32
      %dma_start3A_146 = arith.constant 0 : i32
      %dma_start3A_147 = tpu.memref_slice %arg14[%dma_start3A_145, %dma_start3A_146] : memref<10240x64xf32, #tpu.memory_space<vmem_shared>> -> memref<10240x64xf32, #tpu.memory_space<vmem_shared>>
      tpu.enqueue_indirect_dma source(%arg10 : memref<128x64xf32, #tpu.memory_space<vmem>>) target(%dma_start3A_147 : memref<10240x64xf32, #tpu.memory_space<vmem_shared>>) offsets(%dma_start3A_144 : memref<128xi32, #tpu.memory_space<vmem>>) semaphore(%arg17 : memref<!tpu.dma_semaphore, #tpu.memory_space<semaphore_mem>>) {add = true}
      %dma_wait3A_148 = arith.constant 0 : i32
      %dma_wait3A_149 = arith.constant 0 : i32
      %dma_wait3A_150 = tpu.memref_slice %arg8[%dma_wait3A_148, %dma_wait3A_149] : memref<8x128xi32, #tpu.memory_space<vmem>> -> memref<1x128xi32, #tpu.memory_space<vmem>>
      %dma_wait3A_151 = tpu.memref_squeeze %dma_wait3A_150 : memref<1x128xi32, #tpu.memory_space<vmem>> -> memref<128xi32, #tpu.memory_space<vmem>>
      %dma_wait3A_152 = arith.constant 0 : i32
      %dma_wait3A_153 = arith.constant 0 : i32
      %dma_wait3A_154 = tpu.memref_slice %arg14[%dma_wait3A_152, %dma_wait3A_153] : memref<10240x64xf32, #tpu.memory_space<vmem_shared>> -> memref<10240x64xf32, #tpu.memory_space<vmem_shared>>
      tpu.wait_indirect_dma semaphore(%arg16 : memref<!tpu.dma_semaphore, #tpu.memory_space<semaphore_mem>>) src(%arg9 : memref<128x64xf32, #tpu.memory_space<vmem>>) dst(%dma_wait3A_154 : memref<10240x64xf32, #tpu.memory_space<vmem_shared>>)
      %dma_start3A_155 = arith.constant 3 : i32
      %dma_start3A_156 = arith.constant 0 : i32
      %dma_start3A_157 = tpu.memref_slice %arg7[%dma_start3A_155, %dma_start3A_156] : memref<8x128xi32, #tpu.memory_space<vmem>> -> memref<1x128xi32, #tpu.memory_space<vmem>>
      %dma_start3A_158 = tpu.memref_squeeze %dma_start3A_157 : memref<1x128xi32, #tpu.memory_space<vmem>> -> memref<128xi32, #tpu.memory_space<vmem>>
      %dma_start3A_159 = arith.constant 0 : i32
      %dma_start3A_160 = arith.constant 0 : i32
      %dma_start3A_161 = tpu.memref_slice %arg13[%dma_start3A_159, %dma_start3A_160] : memref<10240x64xf32, #tpu.memory_space<vmem_shared>> -> memref<10240x64xf32, #tpu.memory_space<vmem_shared>>
      tpu.enqueue_indirect_dma source(%dma_start3A_161 : memref<10240x64xf32, #tpu.memory_space<vmem_shared>>) target(%arg9 : memref<128x64xf32, #tpu.memory_space<vmem>>) offsets(%dma_start3A_158 : memref<128xi32, #tpu.memory_space<vmem>>) semaphore(%arg19 : memref<!tpu.dma_semaphore, #tpu.memory_space<semaphore_mem>>)
      %dma_wait3A_162 = arith.constant 2 : i32
      %dma_wait3A_163 = arith.constant 0 : i32
      %dma_wait3A_164 = tpu.memref_slice %arg7[%dma_wait3A_162, %dma_wait3A_163] : memref<8x128xi32, #tpu.memory_space<vmem>> -> memref<1x128xi32, #tpu.memory_space<vmem>>
      %dma_wait3A_165 = tpu.memref_squeeze %dma_wait3A_164 : memref<1x128xi32, #tpu.memory_space<vmem>> -> memref<128xi32, #tpu.memory_space<vmem>>
      %dma_wait3A_166 = arith.constant 0 : i32
      %dma_wait3A_167 = arith.constant 0 : i32
      %dma_wait3A_168 = tpu.memref_slice %arg13[%dma_wait3A_166, %dma_wait3A_167] : memref<10240x64xf32, #tpu.memory_space<vmem_shared>> -> memref<10240x64xf32, #tpu.memory_space<vmem_shared>>
      tpu.wait_indirect_dma semaphore(%arg21 : memref<!tpu.dma_semaphore, #tpu.memory_space<semaphore_mem>>) src(%dma_wait3A_168 : memref<10240x64xf32, #tpu.memory_space<vmem_shared>>) dst(%arg11 : memref<128x64xf32, #tpu.memory_space<vmem>>)
      %dma_start3A_169 = arith.constant 2 : i32
      %dma_start3A_170 = arith.constant 0 : i32
      %dma_start3A_171 = tpu.memref_slice %arg8[%dma_start3A_169, %dma_start3A_170] : memref<8x128xi32, #tpu.memory_space<vmem>> -> memref<1x128xi32, #tpu.memory_space<vmem>>
      %dma_start3A_172 = tpu.memref_squeeze %dma_start3A_171 : memref<1x128xi32, #tpu.memory_space<vmem>> -> memref<128xi32, #tpu.memory_space<vmem>>
      %dma_start3A_173 = arith.constant 0 : i32
      %dma_start3A_174 = arith.constant 0 : i32
      %dma_start3A_175 = tpu.memref_slice %arg14[%dma_start3A_173, %dma_start3A_174] : memref<10240x64xf32, #tpu.memory_space<vmem_shared>> -> memref<10240x64xf32, #tpu.memory_space<vmem_shared>>
      tpu.enqueue_indirect_dma source(%arg11 : memref<128x64xf32, #tpu.memory_space<vmem>>) target(%dma_start3A_175 : memref<10240x64xf32, #tpu.memory_space<vmem_shared>>) offsets(%dma_start3A_172 : memref<128xi32, #tpu.memory_space<vmem>>) semaphore(%arg18 : memref<!tpu.dma_semaphore, #tpu.memory_space<semaphore_mem>>) {add = true}
      %dma_wait3A_176 = arith.constant 1 : i32
      %dma_wait3A_177 = arith.constant 0 : i32
      %dma_wait3A_178 = tpu.memref_slice %arg8[%dma_wait3A_176, %dma_wait3A_177] : memref<8x128xi32, #tpu.memory_space<vmem>> -> memref<1x128xi32, #tpu.memory_space<vmem>>
      %dma_wait3A_179 = tpu.memref_squeeze %dma_wait3A_178 : memref<1x128xi32, #tpu.memory_space<vmem>> -> memref<128xi32, #tpu.memory_space<vmem>>
      %dma_wait3A_180 = arith.constant 0 : i32
      %dma_wait3A_181 = arith.constant 0 : i32
      %dma_wait3A_182 = tpu.memref_slice %arg14[%dma_wait3A_180, %dma_wait3A_181] : memref<10240x64xf32, #tpu.memory_space<vmem_shared>> -> memref<10240x64xf32, #tpu.memory_space<vmem_shared>>
      tpu.wait_indirect_dma semaphore(%arg17 : memref<!tpu.dma_semaphore, #tpu.memory_space<semaphore_mem>>) src(%arg10 : memref<128x64xf32, #tpu.memory_space<vmem>>) dst(%dma_wait3A_182 : memref<10240x64xf32, #tpu.memory_space<vmem_shared>>)
      %dma_start3A_183 = arith.constant 4 : i32
      %dma_start3A_184 = arith.constant 0 : i32
      %dma_start3A_185 = tpu.memref_slice %arg7[%dma_start3A_183, %dma_start3A_184] : memref<8x128xi32, #tpu.memory_space<vmem>> -> memref<1x128xi32, #tpu.memory_space<vmem>>
      %dma_start3A_186 = tpu.memref_squeeze %dma_start3A_185 : memref<1x128xi32, #tpu.memory_space<vmem>> -> memref<128xi32, #tpu.memory_space<vmem>>
      %dma_start3A_187 = arith.constant 0 : i32
      %dma_start3A_188 = arith.constant 0 : i32
      %dma_start3A_189 = tpu.memref_slice %arg13[%dma_start3A_187, %dma_start3A_188] : memref<10240x64xf32, #tpu.memory_space<vmem_shared>> -> memref<10240x64xf32, #tpu.memory_space<vmem_shared>>
      tpu.enqueue_indirect_dma source(%dma_start3A_189 : memref<10240x64xf32, #tpu.memory_space<vmem_shared>>) target(%arg10 : memref<128x64xf32, #tpu.memory_space<vmem>>) offsets(%dma_start3A_186 : memref<128xi32, #tpu.memory_space<vmem>>) semaphore(%arg20 : memref<!tpu.dma_semaphore, #tpu.memory_space<semaphore_mem>>)
      %dma_wait3A_190 = arith.constant 3 : i32
      %dma_wait3A_191 = arith.constant 0 : i32
      %dma_wait3A_192 = tpu.memref_slice %arg7[%dma_wait3A_190, %dma_wait3A_191] : memref<8x128xi32, #tpu.memory_space<vmem>> -> memref<1x128xi32, #tpu.memory_space<vmem>>
      %dma_wait3A_193 = tpu.memref_squeeze %dma_wait3A_192 : memref<1x128xi32, #tpu.memory_space<vmem>> -> memref<128xi32, #tpu.memory_space<vmem>>
      %dma_wait3A_194 = arith.constant 0 : i32
      %dma_wait3A_195 = arith.constant 0 : i32
      %dma_wait3A_196 = tpu.memref_slice %arg13[%dma_wait3A_194, %dma_wait3A_195] : memref<10240x64xf32, #tpu.memory_space<vmem_shared>> -> memref<10240x64xf32, #tpu.memory_space<vmem_shared>>
      tpu.wait_indirect_dma semaphore(%arg19 : memref<!tpu.dma_semaphore, #tpu.memory_space<semaphore_mem>>) src(%dma_wait3A_196 : memref<10240x64xf32, #tpu.memory_space<vmem_shared>>) dst(%arg9 : memref<128x64xf32, #tpu.memory_space<vmem>>)
      %dma_start3A_197 = arith.constant 3 : i32
      %dma_start3A_198 = arith.constant 0 : i32
      %dma_start3A_199 = tpu.memref_slice %arg8[%dma_start3A_197, %dma_start3A_198] : memref<8x128xi32, #tpu.memory_space<vmem>> -> memref<1x128xi32, #tpu.memory_space<vmem>>
      %dma_start3A_200 = tpu.memref_squeeze %dma_start3A_199 : memref<1x128xi32, #tpu.memory_space<vmem>> -> memref<128xi32, #tpu.memory_space<vmem>>
      %dma_start3A_201 = arith.constant 0 : i32
      %dma_start3A_202 = arith.constant 0 : i32
      %dma_start3A_203 = tpu.memref_slice %arg14[%dma_start3A_201, %dma_start3A_202] : memref<10240x64xf32, #tpu.memory_space<vmem_shared>> -> memref<10240x64xf32, #tpu.memory_space<vmem_shared>>
      tpu.enqueue_indirect_dma source(%arg9 : memref<128x64xf32, #tpu.memory_space<vmem>>) target(%dma_start3A_203 : memref<10240x64xf32, #tpu.memory_space<vmem_shared>>) offsets(%dma_start3A_200 : memref<128xi32, #tpu.memory_space<vmem>>) semaphore(%arg16 : memref<!tpu.dma_semaphore, #tpu.memory_space<semaphore_mem>>) {add = true}
      %dma_wait3A_204 = arith.constant 2 : i32
      %dma_wait3A_205 = arith.constant 0 : i32
      %dma_wait3A_206 = tpu.memref_slice %arg8[%dma_wait3A_204, %dma_wait3A_205] : memref<8x128xi32, #tpu.memory_space<vmem>> -> memref<1x128xi32, #tpu.memory_space<vmem>>
      %dma_wait3A_207 = tpu.memref_squeeze %dma_wait3A_206 : memref<1x128xi32, #tpu.memory_space<vmem>> -> memref<128xi32, #tpu.memory_space<vmem>>
      %dma_wait3A_208 = arith.constant 0 : i32
      %dma_wait3A_209 = arith.constant 0 : i32
      %dma_wait3A_210 = tpu.memref_slice %arg14[%dma_wait3A_208, %dma_wait3A_209] : memref<10240x64xf32, #tpu.memory_space<vmem_shared>> -> memref<10240x64xf32, #tpu.memory_space<vmem_shared>>
      tpu.wait_indirect_dma semaphore(%arg18 : memref<!tpu.dma_semaphore, #tpu.memory_space<semaphore_mem>>) src(%arg11 : memref<128x64xf32, #tpu.memory_space<vmem>>) dst(%dma_wait3A_210 : memref<10240x64xf32, #tpu.memory_space<vmem_shared>>)
      %dma_start3A_211 = arith.constant 5 : i32
      %dma_start3A_212 = arith.constant 0 : i32
      %dma_start3A_213 = tpu.memref_slice %arg7[%dma_start3A_211, %dma_start3A_212] : memref<8x128xi32, #tpu.memory_space<vmem>> -> memref<1x128xi32, #tpu.memory_space<vmem>>
      %dma_start3A_214 = tpu.memref_squeeze %dma_start3A_213 : memref<1x128xi32, #tpu.memory_space<vmem>> -> memref<128xi32, #tpu.memory_space<vmem>>
      %dma_start3A_215 = arith.constant 0 : i32
      %dma_start3A_216 = arith.constant 0 : i32
      %dma_start3A_217 = tpu.memref_slice %arg13[%dma_start3A_215, %dma_start3A_216] : memref<10240x64xf32, #tpu.memory_space<vmem_shared>> -> memref<10240x64xf32, #tpu.memory_space<vmem_shared>>
      tpu.enqueue_indirect_dma source(%dma_start3A_217 : memref<10240x64xf32, #tpu.memory_space<vmem_shared>>) target(%arg11 : memref<128x64xf32, #tpu.memory_space<vmem>>) offsets(%dma_start3A_214 : memref<128xi32, #tpu.memory_space<vmem>>) semaphore(%arg21 : memref<!tpu.dma_semaphore, #tpu.memory_space<semaphore_mem>>)
      %dma_wait3A_218 = arith.constant 4 : i32
      %dma_wait3A_219 = arith.constant 0 : i32
      %dma_wait3A_220 = tpu.memref_slice %arg7[%dma_wait3A_218, %dma_wait3A_219] : memref<8x128xi32, #tpu.memory_space<vmem>> -> memref<1x128xi32, #tpu.memory_space<vmem>>
      %dma_wait3A_221 = tpu.memref_squeeze %dma_wait3A_220 : memref<1x128xi32, #tpu.memory_space<vmem>> -> memref<128xi32, #tpu.memory_space<vmem>>
      %dma_wait3A_222 = arith.constant 0 : i32
      %dma_wait3A_223 = arith.constant 0 : i32
      %dma_wait3A_224 = tpu.memref_slice %arg13[%dma_wait3A_222, %dma_wait3A_223] : memref<10240x64xf32, #tpu.memory_space<vmem_shared>> -> memref<10240x64xf32, #tpu.memory_space<vmem_shared>>
      tpu.wait_indirect_dma semaphore(%arg20 : memref<!tpu.dma_semaphore, #tpu.memory_space<semaphore_mem>>) src(%dma_wait3A_224 : memref<10240x64xf32, #tpu.memory_space<vmem_shared>>) dst(%arg10 : memref<128x64xf32, #tpu.memory_space<vmem>>)
      %dma_start3A_225 = arith.constant 4 : i32
      %dma_start3A_226 = arith.constant 0 : i32
      %dma_start3A_227 = tpu.memref_slice %arg8[%dma_start3A_225, %dma_start3A_226] : memref<8x128xi32, #tpu.memory_space<vmem>> -> memref<1x128xi32, #tpu.memory_space<vmem>>
      %dma_start3A_228 = tpu.memref_squeeze %dma_start3A_227 : memref<1x128xi32, #tpu.memory_space<vmem>> -> memref<128xi32, #tpu.memory_space<vmem>>
      %dma_start3A_229 = arith.constant 0 : i32
      %dma_start3A_230 = arith.constant 0 : i32
      %dma_start3A_231 = tpu.memref_slice %arg14[%dma_start3A_229, %dma_start3A_230] : memref<10240x64xf32, #tpu.memory_space<vmem_shared>> -> memref<10240x64xf32, #tpu.memory_space<vmem_shared>>
      tpu.enqueue_indirect_dma source(%arg10 : memref<128x64xf32, #tpu.memory_space<vmem>>) target(%dma_start3A_231 : memref<10240x64xf32, #tpu.memory_space<vmem_shared>>) offsets(%dma_start3A_228 : memref<128xi32, #tpu.memory_space<vmem>>) semaphore(%arg17 : memref<!tpu.dma_semaphore, #tpu.memory_space<semaphore_mem>>) {add = true}
      %dma_wait3A_232 = arith.constant 3 : i32
      %dma_wait3A_233 = arith.constant 0 : i32
      %dma_wait3A_234 = tpu.memref_slice %arg8[%dma_wait3A_232, %dma_wait3A_233] : memref<8x128xi32, #tpu.memory_space<vmem>> -> memref<1x128xi32, #tpu.memory_space<vmem>>
      %dma_wait3A_235 = tpu.memref_squeeze %dma_wait3A_234 : memref<1x128xi32, #tpu.memory_space<vmem>> -> memref<128xi32, #tpu.memory_space<vmem>>
      %dma_wait3A_236 = arith.constant 0 : i32
      %dma_wait3A_237 = arith.constant 0 : i32
      %dma_wait3A_238 = tpu.memref_slice %arg14[%dma_wait3A_236, %dma_wait3A_237] : memref<10240x64xf32, #tpu.memory_space<vmem_shared>> -> memref<10240x64xf32, #tpu.memory_space<vmem_shared>>
      tpu.wait_indirect_dma semaphore(%arg16 : memref<!tpu.dma_semaphore, #tpu.memory_space<semaphore_mem>>) src(%arg9 : memref<128x64xf32, #tpu.memory_space<vmem>>) dst(%dma_wait3A_238 : memref<10240x64xf32, #tpu.memory_space<vmem_shared>>)
      %dma_start3A_239 = arith.constant 6 : i32
      %dma_start3A_240 = arith.constant 0 : i32
      %dma_start3A_241 = tpu.memref_slice %arg7[%dma_start3A_239, %dma_start3A_240] : memref<8x128xi32, #tpu.memory_space<vmem>> -> memref<1x128xi32, #tpu.memory_space<vmem>>
      %dma_start3A_242 = tpu.memref_squeeze %dma_start3A_241 : memref<1x128xi32, #tpu.memory_space<vmem>> -> memref<128xi32, #tpu.memory_space<vmem>>
      %dma_start3A_243 = arith.constant 0 : i32
      %dma_start3A_244 = arith.constant 0 : i32
      %dma_start3A_245 = tpu.memref_slice %arg13[%dma_start3A_243, %dma_start3A_244] : memref<10240x64xf32, #tpu.memory_space<vmem_shared>> -> memref<10240x64xf32, #tpu.memory_space<vmem_shared>>
      tpu.enqueue_indirect_dma source(%dma_start3A_245 : memref<10240x64xf32, #tpu.memory_space<vmem_shared>>) target(%arg9 : memref<128x64xf32, #tpu.memory_space<vmem>>) offsets(%dma_start3A_242 : memref<128xi32, #tpu.memory_space<vmem>>) semaphore(%arg19 : memref<!tpu.dma_semaphore, #tpu.memory_space<semaphore_mem>>)
      %dma_wait3A_246 = arith.constant 5 : i32
      %dma_wait3A_247 = arith.constant 0 : i32
      %dma_wait3A_248 = tpu.memref_slice %arg7[%dma_wait3A_246, %dma_wait3A_247] : memref<8x128xi32, #tpu.memory_space<vmem>> -> memref<1x128xi32, #tpu.memory_space<vmem>>
      %dma_wait3A_249 = tpu.memref_squeeze %dma_wait3A_248 : memref<1x128xi32, #tpu.memory_space<vmem>> -> memref<128xi32, #tpu.memory_space<vmem>>
      %dma_wait3A_250 = arith.constant 0 : i32
      %dma_wait3A_251 = arith.constant 0 : i32
      %dma_wait3A_252 = tpu.memref_slice %arg13[%dma_wait3A_250, %dma_wait3A_251] : memref<10240x64xf32, #tpu.memory_space<vmem_shared>> -> memref<10240x64xf32, #tpu.memory_space<vmem_shared>>
      tpu.wait_indirect_dma semaphore(%arg21 : memref<!tpu.dma_semaphore, #tpu.memory_space<semaphore_mem>>) src(%dma_wait3A_252 : memref<10240x64xf32, #tpu.memory_space<vmem_shared>>) dst(%arg11 : memref<128x64xf32, #tpu.memory_space<vmem>>)
      %dma_start3A_253 = arith.constant 5 : i32
      %dma_start3A_254 = arith.constant 0 : i32
      %dma_start3A_255 = tpu.memref_slice %arg8[%dma_start3A_253, %dma_start3A_254] : memref<8x128xi32, #tpu.memory_space<vmem>> -> memref<1x128xi32, #tpu.memory_space<vmem>>
      %dma_start3A_256 = tpu.memref_squeeze %dma_start3A_255 : memref<1x128xi32, #tpu.memory_space<vmem>> -> memref<128xi32, #tpu.memory_space<vmem>>
      %dma_start3A_257 = arith.constant 0 : i32
      %dma_start3A_258 = arith.constant 0 : i32
      %dma_start3A_259 = tpu.memref_slice %arg14[%dma_start3A_257, %dma_start3A_258] : memref<10240x64xf32, #tpu.memory_space<vmem_shared>> -> memref<10240x64xf32, #tpu.memory_space<vmem_shared>>
      tpu.enqueue_indirect_dma source(%arg11 : memref<128x64xf32, #tpu.memory_space<vmem>>) target(%dma_start3A_259 : memref<10240x64xf32, #tpu.memory_space<vmem_shared>>) offsets(%dma_start3A_256 : memref<128xi32, #tpu.memory_space<vmem>>) semaphore(%arg18 : memref<!tpu.dma_semaphore, #tpu.memory_space<semaphore_mem>>) {add = true}
      %dma_wait3A_260 = arith.constant 4 : i32
      %dma_wait3A_261 = arith.constant 0 : i32
      %dma_wait3A_262 = tpu.memref_slice %arg8[%dma_wait3A_260, %dma_wait3A_261] : memref<8x128xi32, #tpu.memory_space<vmem>> -> memref<1x128xi32, #tpu.memory_space<vmem>>
      %dma_wait3A_263 = tpu.memref_squeeze %dma_wait3A_262 : memref<1x128xi32, #tpu.memory_space<vmem>> -> memref<128xi32, #tpu.memory_space<vmem>>
      %dma_wait3A_264 = arith.constant 0 : i32
      %dma_wait3A_265 = arith.constant 0 : i32
      %dma_wait3A_266 = tpu.memref_slice %arg14[%dma_wait3A_264, %dma_wait3A_265] : memref<10240x64xf32, #tpu.memory_space<vmem_shared>> -> memref<10240x64xf32, #tpu.memory_space<vmem_shared>>
      tpu.wait_indirect_dma semaphore(%arg17 : memref<!tpu.dma_semaphore, #tpu.memory_space<semaphore_mem>>) src(%arg10 : memref<128x64xf32, #tpu.memory_space<vmem>>) dst(%dma_wait3A_266 : memref<10240x64xf32, #tpu.memory_space<vmem_shared>>)
      %dma_start3A_267 = arith.constant 7 : i32
      %dma_start3A_268 = arith.constant 0 : i32
      %dma_start3A_269 = tpu.memref_slice %arg7[%dma_start3A_267, %dma_start3A_268] : memref<8x128xi32, #tpu.memory_space<vmem>> -> memref<1x128xi32, #tpu.memory_space<vmem>>
      %dma_start3A_270 = tpu.memref_squeeze %dma_start3A_269 : memref<1x128xi32, #tpu.memory_space<vmem>> -> memref<128xi32, #tpu.memory_space<vmem>>
      %dma_start3A_271 = arith.constant 0 : i32
      %dma_start3A_272 = arith.constant 0 : i32
      %dma_start3A_273 = tpu.memref_slice %arg13[%dma_start3A_271, %dma_start3A_272] : memref<10240x64xf32, #tpu.memory_space<vmem_shared>> -> memref<10240x64xf32, #tpu.memory_space<vmem_shared>>
      tpu.enqueue_indirect_dma source(%dma_start3A_273 : memref<10240x64xf32, #tpu.memory_space<vmem_shared>>) target(%arg10 : memref<128x64xf32, #tpu.memory_space<vmem>>) offsets(%dma_start3A_270 : memref<128xi32, #tpu.memory_space<vmem>>) semaphore(%arg20 : memref<!tpu.dma_semaphore, #tpu.memory_space<semaphore_mem>>)
      %dma_wait3A_274 = arith.constant 6 : i32
      %dma_wait3A_275 = arith.constant 0 : i32
      %dma_wait3A_276 = tpu.memref_slice %arg7[%dma_wait3A_274, %dma_wait3A_275] : memref<8x128xi32, #tpu.memory_space<vmem>> -> memref<1x128xi32, #tpu.memory_space<vmem>>
      %dma_wait3A_277 = tpu.memref_squeeze %dma_wait3A_276 : memref<1x128xi32, #tpu.memory_space<vmem>> -> memref<128xi32, #tpu.memory_space<vmem>>
      %dma_wait3A_278 = arith.constant 0 : i32
      %dma_wait3A_279 = arith.constant 0 : i32
      %dma_wait3A_280 = tpu.memref_slice %arg13[%dma_wait3A_278, %dma_wait3A_279] : memref<10240x64xf32, #tpu.memory_space<vmem_shared>> -> memref<10240x64xf32, #tpu.memory_space<vmem_shared>>
      tpu.wait_indirect_dma semaphore(%arg19 : memref<!tpu.dma_semaphore, #tpu.memory_space<semaphore_mem>>) src(%dma_wait3A_280 : memref<10240x64xf32, #tpu.memory_space<vmem_shared>>) dst(%arg9 : memref<128x64xf32, #tpu.memory_space<vmem>>)
      %dma_start3A_281 = arith.constant 6 : i32
      %dma_start3A_282 = arith.constant 0 : i32
      %dma_start3A_283 = tpu.memref_slice %arg8[%dma_start3A_281, %dma_start3A_282] : memref<8x128xi32, #tpu.memory_space<vmem>> -> memref<1x128xi32, #tpu.memory_space<vmem>>
      %dma_start3A_284 = tpu.memref_squeeze %dma_start3A_283 : memref<1x128xi32, #tpu.memory_space<vmem>> -> memref<128xi32, #tpu.memory_space<vmem>>
      %dma_start3A_285 = arith.constant 0 : i32
      %dma_start3A_286 = arith.constant 0 : i32
      %dma_start3A_287 = tpu.memref_slice %arg14[%dma_start3A_285, %dma_start3A_286] : memref<10240x64xf32, #tpu.memory_space<vmem_shared>> -> memref<10240x64xf32, #tpu.memory_space<vmem_shared>>
      tpu.enqueue_indirect_dma source(%arg9 : memref<128x64xf32, #tpu.memory_space<vmem>>) target(%dma_start3A_287 : memref<10240x64xf32, #tpu.memory_space<vmem_shared>>) offsets(%dma_start3A_284 : memref<128xi32, #tpu.memory_space<vmem>>) semaphore(%arg16 : memref<!tpu.dma_semaphore, #tpu.memory_space<semaphore_mem>>) {add = true}
      %dma_wait3A_288 = arith.constant 7 : i32
      %dma_wait3A_289 = arith.constant 0 : i32
      %dma_wait3A_290 = tpu.memref_slice %arg7[%dma_wait3A_288, %dma_wait3A_289] : memref<8x128xi32, #tpu.memory_space<vmem>> -> memref<1x128xi32, #tpu.memory_space<vmem>>
      %dma_wait3A_291 = tpu.memref_squeeze %dma_wait3A_290 : memref<1x128xi32, #tpu.memory_space<vmem>> -> memref<128xi32, #tpu.memory_space<vmem>>
      %dma_wait3A_292 = arith.constant 0 : i32
      %dma_wait3A_293 = arith.constant 0 : i32
      %dma_wait3A_294 = tpu.memref_slice %arg13[%dma_wait3A_292, %dma_wait3A_293] : memref<10240x64xf32, #tpu.memory_space<vmem_shared>> -> memref<10240x64xf32, #tpu.memory_space<vmem_shared>>
      tpu.wait_indirect_dma semaphore(%arg20 : memref<!tpu.dma_semaphore, #tpu.memory_space<semaphore_mem>>) src(%dma_wait3A_294 : memref<10240x64xf32, #tpu.memory_space<vmem_shared>>) dst(%arg10 : memref<128x64xf32, #tpu.memory_space<vmem>>)
      %dma_start3A_295 = arith.constant 7 : i32
      %dma_start3A_296 = arith.constant 0 : i32
      %dma_start3A_297 = tpu.memref_slice %arg8[%dma_start3A_295, %dma_start3A_296] : memref<8x128xi32, #tpu.memory_space<vmem>> -> memref<1x128xi32, #tpu.memory_space<vmem>>
      %dma_start3A_298 = tpu.memref_squeeze %dma_start3A_297 : memref<1x128xi32, #tpu.memory_space<vmem>> -> memref<128xi32, #tpu.memory_space<vmem>>
      %dma_start3A_299 = arith.constant 0 : i32
      %dma_start3A_300 = arith.constant 0 : i32
      %dma_start3A_301 = tpu.memref_slice %arg14[%dma_start3A_299, %dma_start3A_300] : memref<10240x64xf32, #tpu.memory_space<vmem_shared>> -> memref<10240x64xf32, #tpu.memory_space<vmem_shared>>
      tpu.enqueue_indirect_dma source(%arg10 : memref<128x64xf32, #tpu.memory_space<vmem>>) target(%dma_start3A_301 : memref<10240x64xf32, #tpu.memory_space<vmem_shared>>) offsets(%dma_start3A_298 : memref<128xi32, #tpu.memory_space<vmem>>) semaphore(%arg17 : memref<!tpu.dma_semaphore, #tpu.memory_space<semaphore_mem>>) {add = true}
      %jit3A = arith.constant 2 : i32
      %eq3A = arith.constant 0 : i32
      %eq3A_302 = arith.cmpi eq, %jit3A, %eq3A : i32
      %jit3A_303 = arith.constant 1 : i32
      %select_n3A = arith.select %eq3A_302, %jit3A_303, %jit3A : i32
      %rem3A = arith.remsi %scan3A_99, %select_n3A : i32
      %ne3A = arith.constant 0 : i32
      %ne3A_304 = arith.cmpi ne, %rem3A, %ne3A : i32
      %lt3A = arith.constant 0 : i32
      %lt3A_305 = arith.cmpi slt, %rem3A, %lt3A : i32
      %lt3A_306 = arith.constant 0 : i32
      %lt3A_307 = arith.cmpi slt, %select_n3A, %lt3A_306 : i32
      %ne3A_308 = arith.xori %lt3A_305, %lt3A_307 : i1
      %and3A = arith.andi %ne3A_308, %ne3A_304 : i1
      %add3A_309 = arith.addi %rem3A, %select_n3A : i32
      %select_n3A_310 = arith.select %and3A, %add3A_309, %rem3A : i32
      %eq3A_311 = arith.cmpi eq, %select_n3A_310, %arg0 : i32
      %convert_element_type3A = arith.extui %eq3A_311 : i1 to i32
      %cond3A = arith.constant 0 : i32
      %cond3A_312 = arith.cmpi ne, %convert_element_type3A, %cond3A : i32
      scf.if %cond3A_312 {
        %run_scoped3A = arith.constant 0 : i32
        "tpu.region"() ({
          %run_scoped3A_342 = tpu.sem_alloc : memref<!tpu.dma_semaphore, #tpu.memory_space<semaphore_mem>>
          %dma_start3A_343 = arith.constant 0 : i32
          %dma_start3A_344 = tpu.memref_slice %arg8[%run_scoped3A, %dma_start3A_343] : memref<8x128xi32, #tpu.memory_space<vmem>> -> memref<1x128xi32, #tpu.memory_space<vmem>>
          %dma_start3A_345 = tpu.memref_squeeze %dma_start3A_344 : memref<1x128xi32, #tpu.memory_space<vmem>> -> memref<128xi32, #tpu.memory_space<vmem>>
          %dma_start3A_346 = arith.constant 0 : i32
          %dma_start3A_347 = arith.constant 0 : i32
          %dma_start3A_348 = tpu.memref_slice %arg15[%dma_start3A_346, %dma_start3A_347] : memref<10240x16xf32, #tpu.memory_space<vmem_shared>> -> memref<10240x16xf32, #tpu.memory_space<vmem_shared>>
          tpu.enqueue_indirect_dma source(%arg12 : memref<128x16xf32, #tpu.memory_space<vmem>>) target(%dma_start3A_348 : memref<10240x16xf32, #tpu.memory_space<vmem_shared>>) offsets(%dma_start3A_345 : memref<128xi32, #tpu.memory_space<vmem>>) semaphore(%run_scoped3A_342 : memref<!tpu.dma_semaphore, #tpu.memory_space<semaphore_mem>>) {add = true}
          %dma_wait3A_349 = arith.constant 0 : i32
          %dma_wait3A_350 = tpu.memref_slice %arg8[%run_scoped3A, %dma_wait3A_349] : memref<8x128xi32, #tpu.memory_space<vmem>> -> memref<1x128xi32, #tpu.memory_space<vmem>>
          %dma_wait3A_351 = tpu.memref_squeeze %dma_wait3A_350 : memref<1x128xi32, #tpu.memory_space<vmem>> -> memref<128xi32, #tpu.memory_space<vmem>>
          %dma_wait3A_352 = arith.constant 0 : i32
          %dma_wait3A_353 = arith.constant 0 : i32
          %dma_wait3A_354 = tpu.memref_slice %arg15[%dma_wait3A_352, %dma_wait3A_353] : memref<10240x16xf32, #tpu.memory_space<vmem_shared>> -> memref<10240x16xf32, #tpu.memory_space<vmem_shared>>
          tpu.wait_indirect_dma semaphore(%run_scoped3A_342 : memref<!tpu.dma_semaphore, #tpu.memory_space<semaphore_mem>>) src(%arg12 : memref<128x16xf32, #tpu.memory_space<vmem>>) dst(%dma_wait3A_354 : memref<10240x16xf32, #tpu.memory_space<vmem_shared>>)
          tpu.yield
        }) : () -> ()
        %run_scoped3A_335 = arith.constant 1 : i32
        "tpu.region"() ({
          %run_scoped3A_342 = tpu.sem_alloc : memref<!tpu.dma_semaphore, #tpu.memory_space<semaphore_mem>>
          %dma_start3A_343 = arith.constant 0 : i32
          %dma_start3A_344 = tpu.memref_slice %arg8[%run_scoped3A_335, %dma_start3A_343] : memref<8x128xi32, #tpu.memory_space<vmem>> -> memref<1x128xi32, #tpu.memory_space<vmem>>
          %dma_start3A_345 = tpu.memref_squeeze %dma_start3A_344 : memref<1x128xi32, #tpu.memory_space<vmem>> -> memref<128xi32, #tpu.memory_space<vmem>>
          %dma_start3A_346 = arith.constant 0 : i32
          %dma_start3A_347 = arith.constant 0 : i32
          %dma_start3A_348 = tpu.memref_slice %arg15[%dma_start3A_346, %dma_start3A_347] : memref<10240x16xf32, #tpu.memory_space<vmem_shared>> -> memref<10240x16xf32, #tpu.memory_space<vmem_shared>>
          tpu.enqueue_indirect_dma source(%arg12 : memref<128x16xf32, #tpu.memory_space<vmem>>) target(%dma_start3A_348 : memref<10240x16xf32, #tpu.memory_space<vmem_shared>>) offsets(%dma_start3A_345 : memref<128xi32, #tpu.memory_space<vmem>>) semaphore(%run_scoped3A_342 : memref<!tpu.dma_semaphore, #tpu.memory_space<semaphore_mem>>) {add = true}
          %dma_wait3A_349 = arith.constant 0 : i32
          %dma_wait3A_350 = tpu.memref_slice %arg8[%run_scoped3A_335, %dma_wait3A_349] : memref<8x128xi32, #tpu.memory_space<vmem>> -> memref<1x128xi32, #tpu.memory_space<vmem>>
          %dma_wait3A_351 = tpu.memref_squeeze %dma_wait3A_350 : memref<1x128xi32, #tpu.memory_space<vmem>> -> memref<128xi32, #tpu.memory_space<vmem>>
          %dma_wait3A_352 = arith.constant 0 : i32
          %dma_wait3A_353 = arith.constant 0 : i32
          %dma_wait3A_354 = tpu.memref_slice %arg15[%dma_wait3A_352, %dma_wait3A_353] : memref<10240x16xf32, #tpu.memory_space<vmem_shared>> -> memref<10240x16xf32, #tpu.memory_space<vmem_shared>>
          tpu.wait_indirect_dma semaphore(%run_scoped3A_342 : memref<!tpu.dma_semaphore, #tpu.memory_space<semaphore_mem>>) src(%arg12 : memref<128x16xf32, #tpu.memory_space<vmem>>) dst(%dma_wait3A_354 : memref<10240x16xf32, #tpu.memory_space<vmem_shared>>)
          tpu.yield
        }) : () -> ()
        %run_scoped3A_336 = arith.constant 2 : i32
        "tpu.region"() ({
          %run_scoped3A_342 = tpu.sem_alloc : memref<!tpu.dma_semaphore, #tpu.memory_space<semaphore_mem>>
          %dma_start3A_343 = arith.constant 0 : i32
          %dma_start3A_344 = tpu.memref_slice %arg8[%run_scoped3A_336, %dma_start3A_343] : memref<8x128xi32, #tpu.memory_space<vmem>> -> memref<1x128xi32, #tpu.memory_space<vmem>>
          %dma_start3A_345 = tpu.memref_squeeze %dma_start3A_344 : memref<1x128xi32, #tpu.memory_space<vmem>> -> memref<128xi32, #tpu.memory_space<vmem>>
          %dma_start3A_346 = arith.constant 0 : i32
          %dma_start3A_347 = arith.constant 0 : i32
          %dma_start3A_348 = tpu.memref_slice %arg15[%dma_start3A_346, %dma_start3A_347] : memref<10240x16xf32, #tpu.memory_space<vmem_shared>> -> memref<10240x16xf32, #tpu.memory_space<vmem_shared>>
          tpu.enqueue_indirect_dma source(%arg12 : memref<128x16xf32, #tpu.memory_space<vmem>>) target(%dma_start3A_348 : memref<10240x16xf32, #tpu.memory_space<vmem_shared>>) offsets(%dma_start3A_345 : memref<128xi32, #tpu.memory_space<vmem>>) semaphore(%run_scoped3A_342 : memref<!tpu.dma_semaphore, #tpu.memory_space<semaphore_mem>>) {add = true}
          %dma_wait3A_349 = arith.constant 0 : i32
          %dma_wait3A_350 = tpu.memref_slice %arg8[%run_scoped3A_336, %dma_wait3A_349] : memref<8x128xi32, #tpu.memory_space<vmem>> -> memref<1x128xi32, #tpu.memory_space<vmem>>
          %dma_wait3A_351 = tpu.memref_squeeze %dma_wait3A_350 : memref<1x128xi32, #tpu.memory_space<vmem>> -> memref<128xi32, #tpu.memory_space<vmem>>
          %dma_wait3A_352 = arith.constant 0 : i32
          %dma_wait3A_353 = arith.constant 0 : i32
          %dma_wait3A_354 = tpu.memref_slice %arg15[%dma_wait3A_352, %dma_wait3A_353] : memref<10240x16xf32, #tpu.memory_space<vmem_shared>> -> memref<10240x16xf32, #tpu.memory_space<vmem_shared>>
          tpu.wait_indirect_dma semaphore(%run_scoped3A_342 : memref<!tpu.dma_semaphore, #tpu.memory_space<semaphore_mem>>) src(%arg12 : memref<128x16xf32, #tpu.memory_space<vmem>>) dst(%dma_wait3A_354 : memref<10240x16xf32, #tpu.memory_space<vmem_shared>>)
          tpu.yield
        }) : () -> ()
        %run_scoped3A_337 = arith.constant 3 : i32
        "tpu.region"() ({
          %run_scoped3A_342 = tpu.sem_alloc : memref<!tpu.dma_semaphore, #tpu.memory_space<semaphore_mem>>
          %dma_start3A_343 = arith.constant 0 : i32
          %dma_start3A_344 = tpu.memref_slice %arg8[%run_scoped3A_337, %dma_start3A_343] : memref<8x128xi32, #tpu.memory_space<vmem>> -> memref<1x128xi32, #tpu.memory_space<vmem>>
          %dma_start3A_345 = tpu.memref_squeeze %dma_start3A_344 : memref<1x128xi32, #tpu.memory_space<vmem>> -> memref<128xi32, #tpu.memory_space<vmem>>
          %dma_start3A_346 = arith.constant 0 : i32
          %dma_start3A_347 = arith.constant 0 : i32
          %dma_start3A_348 = tpu.memref_slice %arg15[%dma_start3A_346, %dma_start3A_347] : memref<10240x16xf32, #tpu.memory_space<vmem_shared>> -> memref<10240x16xf32, #tpu.memory_space<vmem_shared>>
          tpu.enqueue_indirect_dma source(%arg12 : memref<128x16xf32, #tpu.memory_space<vmem>>) target(%dma_start3A_348 : memref<10240x16xf32, #tpu.memory_space<vmem_shared>>) offsets(%dma_start3A_345 : memref<128xi32, #tpu.memory_space<vmem>>) semaphore(%run_scoped3A_342 : memref<!tpu.dma_semaphore, #tpu.memory_space<semaphore_mem>>) {add = true}
          %dma_wait3A_349 = arith.constant 0 : i32
          %dma_wait3A_350 = tpu.memref_slice %arg8[%run_scoped3A_337, %dma_wait3A_349] : memref<8x128xi32, #tpu.memory_space<vmem>> -> memref<1x128xi32, #tpu.memory_space<vmem>>
          %dma_wait3A_351 = tpu.memref_squeeze %dma_wait3A_350 : memref<1x128xi32, #tpu.memory_space<vmem>> -> memref<128xi32, #tpu.memory_space<vmem>>
          %dma_wait3A_352 = arith.constant 0 : i32
          %dma_wait3A_353 = arith.constant 0 : i32
          %dma_wait3A_354 = tpu.memref_slice %arg15[%dma_wait3A_352, %dma_wait3A_353] : memref<10240x16xf32, #tpu.memory_space<vmem_shared>> -> memref<10240x16xf32, #tpu.memory_space<vmem_shared>>
          tpu.wait_indirect_dma semaphore(%run_scoped3A_342 : memref<!tpu.dma_semaphore, #tpu.memory_space<semaphore_mem>>) src(%arg12 : memref<128x16xf32, #tpu.memory_space<vmem>>) dst(%dma_wait3A_354 : memref<10240x16xf32, #tpu.memory_space<vmem_shared>>)
          tpu.yield
        }) : () -> ()
        %run_scoped3A_338 = arith.constant 4 : i32
        "tpu.region"() ({
          %run_scoped3A_342 = tpu.sem_alloc : memref<!tpu.dma_semaphore, #tpu.memory_space<semaphore_mem>>
          %dma_start3A_343 = arith.constant 0 : i32
          %dma_start3A_344 = tpu.memref_slice %arg8[%run_scoped3A_338, %dma_start3A_343] : memref<8x128xi32, #tpu.memory_space<vmem>> -> memref<1x128xi32, #tpu.memory_space<vmem>>
          %dma_start3A_345 = tpu.memref_squeeze %dma_start3A_344 : memref<1x128xi32, #tpu.memory_space<vmem>> -> memref<128xi32, #tpu.memory_space<vmem>>
          %dma_start3A_346 = arith.constant 0 : i32
          %dma_start3A_347 = arith.constant 0 : i32
          %dma_start3A_348 = tpu.memref_slice %arg15[%dma_start3A_346, %dma_start3A_347] : memref<10240x16xf32, #tpu.memory_space<vmem_shared>> -> memref<10240x16xf32, #tpu.memory_space<vmem_shared>>
          tpu.enqueue_indirect_dma source(%arg12 : memref<128x16xf32, #tpu.memory_space<vmem>>) target(%dma_start3A_348 : memref<10240x16xf32, #tpu.memory_space<vmem_shared>>) offsets(%dma_start3A_345 : memref<128xi32, #tpu.memory_space<vmem>>) semaphore(%run_scoped3A_342 : memref<!tpu.dma_semaphore, #tpu.memory_space<semaphore_mem>>) {add = true}
          %dma_wait3A_349 = arith.constant 0 : i32
          %dma_wait3A_350 = tpu.memref_slice %arg8[%run_scoped3A_338, %dma_wait3A_349] : memref<8x128xi32, #tpu.memory_space<vmem>> -> memref<1x128xi32, #tpu.memory_space<vmem>>
          %dma_wait3A_351 = tpu.memref_squeeze %dma_wait3A_350 : memref<1x128xi32, #tpu.memory_space<vmem>> -> memref<128xi32, #tpu.memory_space<vmem>>
          %dma_wait3A_352 = arith.constant 0 : i32
          %dma_wait3A_353 = arith.constant 0 : i32
          %dma_wait3A_354 = tpu.memref_slice %arg15[%dma_wait3A_352, %dma_wait3A_353] : memref<10240x16xf32, #tpu.memory_space<vmem_shared>> -> memref<10240x16xf32, #tpu.memory_space<vmem_shared>>
          tpu.wait_indirect_dma semaphore(%run_scoped3A_342 : memref<!tpu.dma_semaphore, #tpu.memory_space<semaphore_mem>>) src(%arg12 : memref<128x16xf32, #tpu.memory_space<vmem>>) dst(%dma_wait3A_354 : memref<10240x16xf32, #tpu.memory_space<vmem_shared>>)
          tpu.yield
        }) : () -> ()
        %run_scoped3A_339 = arith.constant 5 : i32
        "tpu.region"() ({
          %run_scoped3A_342 = tpu.sem_alloc : memref<!tpu.dma_semaphore, #tpu.memory_space<semaphore_mem>>
          %dma_start3A_343 = arith.constant 0 : i32
          %dma_start3A_344 = tpu.memref_slice %arg8[%run_scoped3A_339, %dma_start3A_343] : memref<8x128xi32, #tpu.memory_space<vmem>> -> memref<1x128xi32, #tpu.memory_space<vmem>>
          %dma_start3A_345 = tpu.memref_squeeze %dma_start3A_344 : memref<1x128xi32, #tpu.memory_space<vmem>> -> memref<128xi32, #tpu.memory_space<vmem>>
          %dma_start3A_346 = arith.constant 0 : i32
          %dma_start3A_347 = arith.constant 0 : i32
          %dma_start3A_348 = tpu.memref_slice %arg15[%dma_start3A_346, %dma_start3A_347] : memref<10240x16xf32, #tpu.memory_space<vmem_shared>> -> memref<10240x16xf32, #tpu.memory_space<vmem_shared>>
          tpu.enqueue_indirect_dma source(%arg12 : memref<128x16xf32, #tpu.memory_space<vmem>>) target(%dma_start3A_348 : memref<10240x16xf32, #tpu.memory_space<vmem_shared>>) offsets(%dma_start3A_345 : memref<128xi32, #tpu.memory_space<vmem>>) semaphore(%run_scoped3A_342 : memref<!tpu.dma_semaphore, #tpu.memory_space<semaphore_mem>>) {add = true}
          %dma_wait3A_349 = arith.constant 0 : i32
          %dma_wait3A_350 = tpu.memref_slice %arg8[%run_scoped3A_339, %dma_wait3A_349] : memref<8x128xi32, #tpu.memory_space<vmem>> -> memref<1x128xi32, #tpu.memory_space<vmem>>
          %dma_wait3A_351 = tpu.memref_squeeze %dma_wait3A_350 : memref<1x128xi32, #tpu.memory_space<vmem>> -> memref<128xi32, #tpu.memory_space<vmem>>
          %dma_wait3A_352 = arith.constant 0 : i32
          %dma_wait3A_353 = arith.constant 0 : i32
          %dma_wait3A_354 = tpu.memref_slice %arg15[%dma_wait3A_352, %dma_wait3A_353] : memref<10240x16xf32, #tpu.memory_space<vmem_shared>> -> memref<10240x16xf32, #tpu.memory_space<vmem_shared>>
          tpu.wait_indirect_dma semaphore(%run_scoped3A_342 : memref<!tpu.dma_semaphore, #tpu.memory_space<semaphore_mem>>) src(%arg12 : memref<128x16xf32, #tpu.memory_space<vmem>>) dst(%dma_wait3A_354 : memref<10240x16xf32, #tpu.memory_space<vmem_shared>>)
          tpu.yield
        }) : () -> ()
        %run_scoped3A_340 = arith.constant 6 : i32
        "tpu.region"() ({
          %run_scoped3A_342 = tpu.sem_alloc : memref<!tpu.dma_semaphore, #tpu.memory_space<semaphore_mem>>
          %dma_start3A_343 = arith.constant 0 : i32
          %dma_start3A_344 = tpu.memref_slice %arg8[%run_scoped3A_340, %dma_start3A_343] : memref<8x128xi32, #tpu.memory_space<vmem>> -> memref<1x128xi32, #tpu.memory_space<vmem>>
          %dma_start3A_345 = tpu.memref_squeeze %dma_start3A_344 : memref<1x128xi32, #tpu.memory_space<vmem>> -> memref<128xi32, #tpu.memory_space<vmem>>
          %dma_start3A_346 = arith.constant 0 : i32
          %dma_start3A_347 = arith.constant 0 : i32
          %dma_start3A_348 = tpu.memref_slice %arg15[%dma_start3A_346, %dma_start3A_347] : memref<10240x16xf32, #tpu.memory_space<vmem_shared>> -> memref<10240x16xf32, #tpu.memory_space<vmem_shared>>
          tpu.enqueue_indirect_dma source(%arg12 : memref<128x16xf32, #tpu.memory_space<vmem>>) target(%dma_start3A_348 : memref<10240x16xf32, #tpu.memory_space<vmem_shared>>) offsets(%dma_start3A_345 : memref<128xi32, #tpu.memory_space<vmem>>) semaphore(%run_scoped3A_342 : memref<!tpu.dma_semaphore, #tpu.memory_space<semaphore_mem>>) {add = true}
          %dma_wait3A_349 = arith.constant 0 : i32
          %dma_wait3A_350 = tpu.memref_slice %arg8[%run_scoped3A_340, %dma_wait3A_349] : memref<8x128xi32, #tpu.memory_space<vmem>> -> memref<1x128xi32, #tpu.memory_space<vmem>>
          %dma_wait3A_351 = tpu.memref_squeeze %dma_wait3A_350 : memref<1x128xi32, #tpu.memory_space<vmem>> -> memref<128xi32, #tpu.memory_space<vmem>>
          %dma_wait3A_352 = arith.constant 0 : i32
          %dma_wait3A_353 = arith.constant 0 : i32
          %dma_wait3A_354 = tpu.memref_slice %arg15[%dma_wait3A_352, %dma_wait3A_353] : memref<10240x16xf32, #tpu.memory_space<vmem_shared>> -> memref<10240x16xf32, #tpu.memory_space<vmem_shared>>
          tpu.wait_indirect_dma semaphore(%run_scoped3A_342 : memref<!tpu.dma_semaphore, #tpu.memory_space<semaphore_mem>>) src(%arg12 : memref<128x16xf32, #tpu.memory_space<vmem>>) dst(%dma_wait3A_354 : memref<10240x16xf32, #tpu.memory_space<vmem_shared>>)
          tpu.yield
        }) : () -> ()
        %run_scoped3A_341 = arith.constant 7 : i32
        "tpu.region"() ({
          %run_scoped3A_342 = tpu.sem_alloc : memref<!tpu.dma_semaphore, #tpu.memory_space<semaphore_mem>>
          %dma_start3A_343 = arith.constant 0 : i32
          %dma_start3A_344 = tpu.memref_slice %arg8[%run_scoped3A_341, %dma_start3A_343] : memref<8x128xi32, #tpu.memory_space<vmem>> -> memref<1x128xi32, #tpu.memory_space<vmem>>
          %dma_start3A_345 = tpu.memref_squeeze %dma_start3A_344 : memref<1x128xi32, #tpu.memory_space<vmem>> -> memref<128xi32, #tpu.memory_space<vmem>>
          %dma_start3A_346 = arith.constant 0 : i32
          %dma_start3A_347 = arith.constant 0 : i32
          %dma_start3A_348 = tpu.memref_slice %arg15[%dma_start3A_346, %dma_start3A_347] : memref<10240x16xf32, #tpu.memory_space<vmem_shared>> -> memref<10240x16xf32, #tpu.memory_space<vmem_shared>>
          tpu.enqueue_indirect_dma source(%arg12 : memref<128x16xf32, #tpu.memory_space<vmem>>) target(%dma_start3A_348 : memref<10240x16xf32, #tpu.memory_space<vmem_shared>>) offsets(%dma_start3A_345 : memref<128xi32, #tpu.memory_space<vmem>>) semaphore(%run_scoped3A_342 : memref<!tpu.dma_semaphore, #tpu.memory_space<semaphore_mem>>) {add = true}
          %dma_wait3A_349 = arith.constant 0 : i32
          %dma_wait3A_350 = tpu.memref_slice %arg8[%run_scoped3A_341, %dma_wait3A_349] : memref<8x128xi32, #tpu.memory_space<vmem>> -> memref<1x128xi32, #tpu.memory_space<vmem>>
          %dma_wait3A_351 = tpu.memref_squeeze %dma_wait3A_350 : memref<1x128xi32, #tpu.memory_space<vmem>> -> memref<128xi32, #tpu.memory_space<vmem>>
          %dma_wait3A_352 = arith.constant 0 : i32
          %dma_wait3A_353 = arith.constant 0 : i32
          %dma_wait3A_354 = tpu.memref_slice %arg15[%dma_wait3A_352, %dma_wait3A_353] : memref<10240x16xf32, #tpu.memory_space<vmem_shared>> -> memref<10240x16xf32, #tpu.memory_space<vmem_shared>>
          tpu.wait_indirect_dma semaphore(%run_scoped3A_342 : memref<!tpu.dma_semaphore, #tpu.memory_space<semaphore_mem>>) src(%arg12 : memref<128x16xf32, #tpu.memory_space<vmem>>) dst(%dma_wait3A_354 : memref<10240x16xf32, #tpu.memory_space<vmem_shared>>)
          tpu.yield
        }) : () -> ()
      } else {
      }
      %dma_wait3A_313 = arith.constant 5 : i32
      %dma_wait3A_314 = arith.constant 0 : i32
      %dma_wait3A_315 = tpu.memref_slice %arg8[%dma_wait3A_313, %dma_wait3A_314] : memref<8x128xi32, #tpu.memory_space<vmem>> -> memref<1x128xi32, #tpu.memory_space<vmem>>
      %dma_wait3A_316 = tpu.memref_squeeze %dma_wait3A_315 : memref<1x128xi32, #tpu.memory_space<vmem>> -> memref<128xi32, #tpu.memory_space<vmem>>
      %dma_wait3A_317 = arith.constant 0 : i32
      %dma_wait3A_318 = arith.constant 0 : i32
      %dma_wait3A_319 = tpu.memref_slice %arg14[%dma_wait3A_317, %dma_wait3A_318] : memref<10240x64xf32, #tpu.memory_space<vmem_shared>> -> memref<10240x64xf32, #tpu.memory_space<vmem_shared>>
      tpu.wait_indirect_dma semaphore(%arg18 : memref<!tpu.dma_semaphore, #tpu.memory_space<semaphore_mem>>) src(%arg11 : memref<128x64xf32, #tpu.memory_space<vmem>>) dst(%dma_wait3A_319 : memref<10240x64xf32, #tpu.memory_space<vmem_shared>>)
      %dma_wait3A_320 = arith.constant 6 : i32
      %dma_wait3A_321 = arith.constant 0 : i32
      %dma_wait3A_322 = tpu.memref_slice %arg8[%dma_wait3A_320, %dma_wait3A_321] : memref<8x128xi32, #tpu.memory_space<vmem>> -> memref<1x128xi32, #tpu.memory_space<vmem>>
      %dma_wait3A_323 = tpu.memref_squeeze %dma_wait3A_322 : memref<1x128xi32, #tpu.memory_space<vmem>> -> memref<128xi32, #tpu.memory_space<vmem>>
      %dma_wait3A_324 = arith.constant 0 : i32
      %dma_wait3A_325 = arith.constant 0 : i32
      %dma_wait3A_326 = tpu.memref_slice %arg14[%dma_wait3A_324, %dma_wait3A_325] : memref<10240x64xf32, #tpu.memory_space<vmem_shared>> -> memref<10240x64xf32, #tpu.memory_space<vmem_shared>>
      tpu.wait_indirect_dma semaphore(%arg16 : memref<!tpu.dma_semaphore, #tpu.memory_space<semaphore_mem>>) src(%arg9 : memref<128x64xf32, #tpu.memory_space<vmem>>) dst(%dma_wait3A_326 : memref<10240x64xf32, #tpu.memory_space<vmem_shared>>)
      %dma_wait3A_327 = arith.constant 7 : i32
      %dma_wait3A_328 = arith.constant 0 : i32
      %dma_wait3A_329 = tpu.memref_slice %arg8[%dma_wait3A_327, %dma_wait3A_328] : memref<8x128xi32, #tpu.memory_space<vmem>> -> memref<1x128xi32, #tpu.memory_space<vmem>>
      %dma_wait3A_330 = tpu.memref_squeeze %dma_wait3A_329 : memref<1x128xi32, #tpu.memory_space<vmem>> -> memref<128xi32, #tpu.memory_space<vmem>>
      %dma_wait3A_331 = arith.constant 0 : i32
      %dma_wait3A_332 = arith.constant 0 : i32
      %dma_wait3A_333 = tpu.memref_slice %arg14[%dma_wait3A_331, %dma_wait3A_332] : memref<10240x64xf32, #tpu.memory_space<vmem_shared>> -> memref<10240x64xf32, #tpu.memory_space<vmem_shared>>
      tpu.wait_indirect_dma semaphore(%arg17 : memref<!tpu.dma_semaphore, #tpu.memory_space<semaphore_mem>>) src(%arg10 : memref<128x64xf32, #tpu.memory_space<vmem>>) dst(%dma_wait3A_333 : memref<10240x64xf32, #tpu.memory_space<vmem_shared>>)
      %scan3A_334 = arith.constant 0 : i32
      scf.yield %scan3A_334 : i32
    }
    %scan3A_75 = arith.constant 20 : i32
    %barrier3A_76 = arith.constant 0 : index
    tpu.barrier barrier_id(%barrier3A_76)
    %mul3A_77 = arith.constant 640 : i32
    %mul3A_78 = arith.muli %arg1, %mul3A_77 : i32
    %add3A_79 = arith.constant 0 : i32
    %add3A_80 = arith.addi %mul3A_78, %add3A_79 : i32
    "tpu.region"() ({
      %run_scoped3A = tpu.sem_alloc : memref<!tpu.dma_semaphore, #tpu.memory_space<semaphore_mem>>
      %dma_start3A = arith.constant 0 : i32
      %dma_start3A_99 = tpu.memref_slice %arg14[%add3A_80, %dma_start3A] : memref<10240x64xf32, #tpu.memory_space<vmem_shared>> -> memref<128x64xf32, #tpu.memory_space<vmem_shared>>
      %dma_start3A_100 = arith.constant 0 : i32
      %dma_start3A_101 = tpu.memref_slice %arg14[%add3A_80, %dma_start3A_100] : memref<10240x64xf32, #tpu.memory_space<vmem_shared>> -> memref<128x64xf32, #tpu.memory_space<vmem_shared>>
      tpu.enqueue_dma source(%dma_start3A_101 : memref<128x64xf32, #tpu.memory_space<vmem_shared>>) target(%arg9 : memref<128x64xf32, #tpu.memory_space<vmem>>) target_semaphore(%run_scoped3A : memref<!tpu.dma_semaphore, #tpu.memory_space<semaphore_mem>>)
      %dma_wait3A = arith.constant 0 : i32
      %dma_wait3A_102 = tpu.memref_slice %arg14[%add3A_80, %dma_wait3A] : memref<10240x64xf32, #tpu.memory_space<vmem_shared>> -> memref<128x64xf32, #tpu.memory_space<vmem_shared>>
      %dma_wait3A_103 = arith.constant 0 : i32
      %dma_wait3A_104 = tpu.memref_slice %arg14[%add3A_80, %dma_wait3A_103] : memref<10240x64xf32, #tpu.memory_space<vmem_shared>> -> memref<128x64xf32, #tpu.memory_space<vmem_shared>>
      tpu.wait_dma2 semaphore(%run_scoped3A : memref<!tpu.dma_semaphore, #tpu.memory_space<semaphore_mem>>) src(%dma_wait3A_104 : memref<128x64xf32, #tpu.memory_space<vmem_shared>>) dst(%arg9 : memref<128x64xf32, #tpu.memory_space<vmem>>)
      tpu.yield
    }) : () -> ()
    "tpu.region"() ({
      %run_scoped3A = tpu.sem_alloc : memref<!tpu.dma_semaphore, #tpu.memory_space<semaphore_mem>>
      %dma_start3A = arith.constant 0 : i32
      %dma_start3A_99 = tpu.memref_slice %arg5[%arg0, %add3A_80, %dma_start3A] : memref<2x10240x64xf32, #tpu.memory_space<hbm>> -> memref<1x128x64xf32, #tpu.memory_space<hbm>>
      %dma_start3A_100 = tpu.memref_squeeze %dma_start3A_99 : memref<1x128x64xf32, #tpu.memory_space<hbm>> -> memref<128x64xf32, #tpu.memory_space<hbm>>
      %dma_start3A_101 = arith.constant 0 : i32
      %dma_start3A_102 = tpu.memref_slice %arg5[%arg0, %add3A_80, %dma_start3A_101] : memref<2x10240x64xf32, #tpu.memory_space<hbm>> -> memref<1x128x64xf32, #tpu.memory_space<hbm>>
      %dma_start3A_103 = tpu.memref_squeeze %dma_start3A_102 : memref<1x128x64xf32, #tpu.memory_space<hbm>> -> memref<128x64xf32, #tpu.memory_space<hbm>>
      tpu.enqueue_dma source(%arg9 : memref<128x64xf32, #tpu.memory_space<vmem>>) target(%dma_start3A_103 : memref<128x64xf32, #tpu.memory_space<hbm>>) target_semaphore(%run_scoped3A : memref<!tpu.dma_semaphore, #tpu.memory_space<semaphore_mem>>)
      %dma_wait3A = arith.constant 0 : i32
      %dma_wait3A_104 = tpu.memref_slice %arg5[%arg0, %add3A_80, %dma_wait3A] : memref<2x10240x64xf32, #tpu.memory_space<hbm>> -> memref<1x128x64xf32, #tpu.memory_space<hbm>>
      %dma_wait3A_105 = tpu.memref_squeeze %dma_wait3A_104 : memref<1x128x64xf32, #tpu.memory_space<hbm>> -> memref<128x64xf32, #tpu.memory_space<hbm>>
      %dma_wait3A_106 = arith.constant 0 : i32
      %dma_wait3A_107 = tpu.memref_slice %arg5[%arg0, %add3A_80, %dma_wait3A_106] : memref<2x10240x64xf32, #tpu.memory_space<hbm>> -> memref<1x128x64xf32, #tpu.memory_space<hbm>>
      %dma_wait3A_108 = tpu.memref_squeeze %dma_wait3A_107 : memref<1x128x64xf32, #tpu.memory_space<hbm>> -> memref<128x64xf32, #tpu.memory_space<hbm>>
      tpu.wait_dma2 semaphore(%run_scoped3A : memref<!tpu.dma_semaphore, #tpu.memory_space<semaphore_mem>>) src(%arg9 : memref<128x64xf32, #tpu.memory_space<vmem>>) dst(%dma_wait3A_108 : memref<128x64xf32, #tpu.memory_space<hbm>>)
      tpu.yield
    }) : () -> ()
    %add3A_81 = arith.constant 128 : i32
    %add3A_82 = arith.addi %mul3A_78, %add3A_81 : i32
    "tpu.region"() ({
      %run_scoped3A = tpu.sem_alloc : memref<!tpu.dma_semaphore, #tpu.memory_space<semaphore_mem>>
      %dma_start3A = arith.constant 0 : i32
      %dma_start3A_99 = tpu.memref_slice %arg14[%add3A_82, %dma_start3A] : memref<10240x64xf32, #tpu.memory_space<vmem_shared>> -> memref<128x64xf32, #tpu.memory_space<vmem_shared>>
      %dma_start3A_100 = arith.constant 0 : i32
      %dma_start3A_101 = tpu.memref_slice %arg14[%add3A_82, %dma_start3A_100] : memref<10240x64xf32, #tpu.memory_space<vmem_shared>> -> memref<128x64xf32, #tpu.memory_space<vmem_shared>>
      tpu.enqueue_dma source(%dma_start3A_101 : memref<128x64xf32, #tpu.memory_space<vmem_shared>>) target(%arg9 : memref<128x64xf32, #tpu.memory_space<vmem>>) target_semaphore(%run_scoped3A : memref<!tpu.dma_semaphore, #tpu.memory_space<semaphore_mem>>)
      %dma_wait3A = arith.constant 0 : i32
      %dma_wait3A_102 = tpu.memref_slice %arg14[%add3A_82, %dma_wait3A] : memref<10240x64xf32, #tpu.memory_space<vmem_shared>> -> memref<128x64xf32, #tpu.memory_space<vmem_shared>>
      %dma_wait3A_103 = arith.constant 0 : i32
      %dma_wait3A_104 = tpu.memref_slice %arg14[%add3A_82, %dma_wait3A_103] : memref<10240x64xf32, #tpu.memory_space<vmem_shared>> -> memref<128x64xf32, #tpu.memory_space<vmem_shared>>
      tpu.wait_dma2 semaphore(%run_scoped3A : memref<!tpu.dma_semaphore, #tpu.memory_space<semaphore_mem>>) src(%dma_wait3A_104 : memref<128x64xf32, #tpu.memory_space<vmem_shared>>) dst(%arg9 : memref<128x64xf32, #tpu.memory_space<vmem>>)
      tpu.yield
    }) : () -> ()
    "tpu.region"() ({
      %run_scoped3A = tpu.sem_alloc : memref<!tpu.dma_semaphore, #tpu.memory_space<semaphore_mem>>
      %dma_start3A = arith.constant 0 : i32
      %dma_start3A_99 = tpu.memref_slice %arg5[%arg0, %add3A_82, %dma_start3A] : memref<2x10240x64xf32, #tpu.memory_space<hbm>> -> memref<1x128x64xf32, #tpu.memory_space<hbm>>
      %dma_start3A_100 = tpu.memref_squeeze %dma_start3A_99 : memref<1x128x64xf32, #tpu.memory_space<hbm>> -> memref<128x64xf32, #tpu.memory_space<hbm>>
      %dma_start3A_101 = arith.constant 0 : i32
      %dma_start3A_102 = tpu.memref_slice %arg5[%arg0, %add3A_82, %dma_start3A_101] : memref<2x10240x64xf32, #tpu.memory_space<hbm>> -> memref<1x128x64xf32, #tpu.memory_space<hbm>>
      %dma_start3A_103 = tpu.memref_squeeze %dma_start3A_102 : memref<1x128x64xf32, #tpu.memory_space<hbm>> -> memref<128x64xf32, #tpu.memory_space<hbm>>
      tpu.enqueue_dma source(%arg9 : memref<128x64xf32, #tpu.memory_space<vmem>>) target(%dma_start3A_103 : memref<128x64xf32, #tpu.memory_space<hbm>>) target_semaphore(%run_scoped3A : memref<!tpu.dma_semaphore, #tpu.memory_space<semaphore_mem>>)
      %dma_wait3A = arith.constant 0 : i32
      %dma_wait3A_104 = tpu.memref_slice %arg5[%arg0, %add3A_82, %dma_wait3A] : memref<2x10240x64xf32, #tpu.memory_space<hbm>> -> memref<1x128x64xf32, #tpu.memory_space<hbm>>
      %dma_wait3A_105 = tpu.memref_squeeze %dma_wait3A_104 : memref<1x128x64xf32, #tpu.memory_space<hbm>> -> memref<128x64xf32, #tpu.memory_space<hbm>>
      %dma_wait3A_106 = arith.constant 0 : i32
      %dma_wait3A_107 = tpu.memref_slice %arg5[%arg0, %add3A_82, %dma_wait3A_106] : memref<2x10240x64xf32, #tpu.memory_space<hbm>> -> memref<1x128x64xf32, #tpu.memory_space<hbm>>
      %dma_wait3A_108 = tpu.memref_squeeze %dma_wait3A_107 : memref<1x128x64xf32, #tpu.memory_space<hbm>> -> memref<128x64xf32, #tpu.memory_space<hbm>>
      tpu.wait_dma2 semaphore(%run_scoped3A : memref<!tpu.dma_semaphore, #tpu.memory_space<semaphore_mem>>) src(%arg9 : memref<128x64xf32, #tpu.memory_space<vmem>>) dst(%dma_wait3A_108 : memref<128x64xf32, #tpu.memory_space<hbm>>)
      tpu.yield
    }) : () -> ()
    %add3A_83 = arith.constant 256 : i32
    %add3A_84 = arith.addi %mul3A_78, %add3A_83 : i32
    "tpu.region"() ({
      %run_scoped3A = tpu.sem_alloc : memref<!tpu.dma_semaphore, #tpu.memory_space<semaphore_mem>>
      %dma_start3A = arith.constant 0 : i32
      %dma_start3A_99 = tpu.memref_slice %arg14[%add3A_84, %dma_start3A] : memref<10240x64xf32, #tpu.memory_space<vmem_shared>> -> memref<128x64xf32, #tpu.memory_space<vmem_shared>>
      %dma_start3A_100 = arith.constant 0 : i32
      %dma_start3A_101 = tpu.memref_slice %arg14[%add3A_84, %dma_start3A_100] : memref<10240x64xf32, #tpu.memory_space<vmem_shared>> -> memref<128x64xf32, #tpu.memory_space<vmem_shared>>
      tpu.enqueue_dma source(%dma_start3A_101 : memref<128x64xf32, #tpu.memory_space<vmem_shared>>) target(%arg9 : memref<128x64xf32, #tpu.memory_space<vmem>>) target_semaphore(%run_scoped3A : memref<!tpu.dma_semaphore, #tpu.memory_space<semaphore_mem>>)
      %dma_wait3A = arith.constant 0 : i32
      %dma_wait3A_102 = tpu.memref_slice %arg14[%add3A_84, %dma_wait3A] : memref<10240x64xf32, #tpu.memory_space<vmem_shared>> -> memref<128x64xf32, #tpu.memory_space<vmem_shared>>
      %dma_wait3A_103 = arith.constant 0 : i32
      %dma_wait3A_104 = tpu.memref_slice %arg14[%add3A_84, %dma_wait3A_103] : memref<10240x64xf32, #tpu.memory_space<vmem_shared>> -> memref<128x64xf32, #tpu.memory_space<vmem_shared>>
      tpu.wait_dma2 semaphore(%run_scoped3A : memref<!tpu.dma_semaphore, #tpu.memory_space<semaphore_mem>>) src(%dma_wait3A_104 : memref<128x64xf32, #tpu.memory_space<vmem_shared>>) dst(%arg9 : memref<128x64xf32, #tpu.memory_space<vmem>>)
      tpu.yield
    }) : () -> ()
    "tpu.region"() ({
      %run_scoped3A = tpu.sem_alloc : memref<!tpu.dma_semaphore, #tpu.memory_space<semaphore_mem>>
      %dma_start3A = arith.constant 0 : i32
      %dma_start3A_99 = tpu.memref_slice %arg5[%arg0, %add3A_84, %dma_start3A] : memref<2x10240x64xf32, #tpu.memory_space<hbm>> -> memref<1x128x64xf32, #tpu.memory_space<hbm>>
      %dma_start3A_100 = tpu.memref_squeeze %dma_start3A_99 : memref<1x128x64xf32, #tpu.memory_space<hbm>> -> memref<128x64xf32, #tpu.memory_space<hbm>>
      %dma_start3A_101 = arith.constant 0 : i32
      %dma_start3A_102 = tpu.memref_slice %arg5[%arg0, %add3A_84, %dma_start3A_101] : memref<2x10240x64xf32, #tpu.memory_space<hbm>> -> memref<1x128x64xf32, #tpu.memory_space<hbm>>
      %dma_start3A_103 = tpu.memref_squeeze %dma_start3A_102 : memref<1x128x64xf32, #tpu.memory_space<hbm>> -> memref<128x64xf32, #tpu.memory_space<hbm>>
      tpu.enqueue_dma source(%arg9 : memref<128x64xf32, #tpu.memory_space<vmem>>) target(%dma_start3A_103 : memref<128x64xf32, #tpu.memory_space<hbm>>) target_semaphore(%run_scoped3A : memref<!tpu.dma_semaphore, #tpu.memory_space<semaphore_mem>>)
      %dma_wait3A = arith.constant 0 : i32
      %dma_wait3A_104 = tpu.memref_slice %arg5[%arg0, %add3A_84, %dma_wait3A] : memref<2x10240x64xf32, #tpu.memory_space<hbm>> -> memref<1x128x64xf32, #tpu.memory_space<hbm>>
      %dma_wait3A_105 = tpu.memref_squeeze %dma_wait3A_104 : memref<1x128x64xf32, #tpu.memory_space<hbm>> -> memref<128x64xf32, #tpu.memory_space<hbm>>
      %dma_wait3A_106 = arith.constant 0 : i32
      %dma_wait3A_107 = tpu.memref_slice %arg5[%arg0, %add3A_84, %dma_wait3A_106] : memref<2x10240x64xf32, #tpu.memory_space<hbm>> -> memref<1x128x64xf32, #tpu.memory_space<hbm>>
      %dma_wait3A_108 = tpu.memref_squeeze %dma_wait3A_107 : memref<1x128x64xf32, #tpu.memory_space<hbm>> -> memref<128x64xf32, #tpu.memory_space<hbm>>
      tpu.wait_dma2 semaphore(%run_scoped3A : memref<!tpu.dma_semaphore, #tpu.memory_space<semaphore_mem>>) src(%arg9 : memref<128x64xf32, #tpu.memory_space<vmem>>) dst(%dma_wait3A_108 : memref<128x64xf32, #tpu.memory_space<hbm>>)
      tpu.yield
    }) : () -> ()
    %add3A_85 = arith.constant 384 : i32
    %add3A_86 = arith.addi %mul3A_78, %add3A_85 : i32
    "tpu.region"() ({
      %run_scoped3A = tpu.sem_alloc : memref<!tpu.dma_semaphore, #tpu.memory_space<semaphore_mem>>
      %dma_start3A = arith.constant 0 : i32
      %dma_start3A_99 = tpu.memref_slice %arg14[%add3A_86, %dma_start3A] : memref<10240x64xf32, #tpu.memory_space<vmem_shared>> -> memref<128x64xf32, #tpu.memory_space<vmem_shared>>
      %dma_start3A_100 = arith.constant 0 : i32
      %dma_start3A_101 = tpu.memref_slice %arg14[%add3A_86, %dma_start3A_100] : memref<10240x64xf32, #tpu.memory_space<vmem_shared>> -> memref<128x64xf32, #tpu.memory_space<vmem_shared>>
      tpu.enqueue_dma source(%dma_start3A_101 : memref<128x64xf32, #tpu.memory_space<vmem_shared>>) target(%arg9 : memref<128x64xf32, #tpu.memory_space<vmem>>) target_semaphore(%run_scoped3A : memref<!tpu.dma_semaphore, #tpu.memory_space<semaphore_mem>>)
      %dma_wait3A = arith.constant 0 : i32
      %dma_wait3A_102 = tpu.memref_slice %arg14[%add3A_86, %dma_wait3A] : memref<10240x64xf32, #tpu.memory_space<vmem_shared>> -> memref<128x64xf32, #tpu.memory_space<vmem_shared>>
      %dma_wait3A_103 = arith.constant 0 : i32
      %dma_wait3A_104 = tpu.memref_slice %arg14[%add3A_86, %dma_wait3A_103] : memref<10240x64xf32, #tpu.memory_space<vmem_shared>> -> memref<128x64xf32, #tpu.memory_space<vmem_shared>>
      tpu.wait_dma2 semaphore(%run_scoped3A : memref<!tpu.dma_semaphore, #tpu.memory_space<semaphore_mem>>) src(%dma_wait3A_104 : memref<128x64xf32, #tpu.memory_space<vmem_shared>>) dst(%arg9 : memref<128x64xf32, #tpu.memory_space<vmem>>)
      tpu.yield
    }) : () -> ()
    "tpu.region"() ({
      %run_scoped3A = tpu.sem_alloc : memref<!tpu.dma_semaphore, #tpu.memory_space<semaphore_mem>>
      %dma_start3A = arith.constant 0 : i32
      %dma_start3A_99 = tpu.memref_slice %arg5[%arg0, %add3A_86, %dma_start3A] : memref<2x10240x64xf32, #tpu.memory_space<hbm>> -> memref<1x128x64xf32, #tpu.memory_space<hbm>>
      %dma_start3A_100 = tpu.memref_squeeze %dma_start3A_99 : memref<1x128x64xf32, #tpu.memory_space<hbm>> -> memref<128x64xf32, #tpu.memory_space<hbm>>
      %dma_start3A_101 = arith.constant 0 : i32
      %dma_start3A_102 = tpu.memref_slice %arg5[%arg0, %add3A_86, %dma_start3A_101] : memref<2x10240x64xf32, #tpu.memory_space<hbm>> -> memref<1x128x64xf32, #tpu.memory_space<hbm>>
      %dma_start3A_103 = tpu.memref_squeeze %dma_start3A_102 : memref<1x128x64xf32, #tpu.memory_space<hbm>> -> memref<128x64xf32, #tpu.memory_space<hbm>>
      tpu.enqueue_dma source(%arg9 : memref<128x64xf32, #tpu.memory_space<vmem>>) target(%dma_start3A_103 : memref<128x64xf32, #tpu.memory_space<hbm>>) target_semaphore(%run_scoped3A : memref<!tpu.dma_semaphore, #tpu.memory_space<semaphore_mem>>)
      %dma_wait3A = arith.constant 0 : i32
      %dma_wait3A_104 = tpu.memref_slice %arg5[%arg0, %add3A_86, %dma_wait3A] : memref<2x10240x64xf32, #tpu.memory_space<hbm>> -> memref<1x128x64xf32, #tpu.memory_space<hbm>>
      %dma_wait3A_105 = tpu.memref_squeeze %dma_wait3A_104 : memref<1x128x64xf32, #tpu.memory_space<hbm>> -> memref<128x64xf32, #tpu.memory_space<hbm>>
      %dma_wait3A_106 = arith.constant 0 : i32
      %dma_wait3A_107 = tpu.memref_slice %arg5[%arg0, %add3A_86, %dma_wait3A_106] : memref<2x10240x64xf32, #tpu.memory_space<hbm>> -> memref<1x128x64xf32, #tpu.memory_space<hbm>>
      %dma_wait3A_108 = tpu.memref_squeeze %dma_wait3A_107 : memref<1x128x64xf32, #tpu.memory_space<hbm>> -> memref<128x64xf32, #tpu.memory_space<hbm>>
      tpu.wait_dma2 semaphore(%run_scoped3A : memref<!tpu.dma_semaphore, #tpu.memory_space<semaphore_mem>>) src(%arg9 : memref<128x64xf32, #tpu.memory_space<vmem>>) dst(%dma_wait3A_108 : memref<128x64xf32, #tpu.memory_space<hbm>>)
      tpu.yield
    }) : () -> ()
    %add3A_87 = arith.constant 512 : i32
    %add3A_88 = arith.addi %mul3A_78, %add3A_87 : i32
    "tpu.region"() ({
      %run_scoped3A = tpu.sem_alloc : memref<!tpu.dma_semaphore, #tpu.memory_space<semaphore_mem>>
      %dma_start3A = arith.constant 0 : i32
      %dma_start3A_99 = tpu.memref_slice %arg14[%add3A_88, %dma_start3A] : memref<10240x64xf32, #tpu.memory_space<vmem_shared>> -> memref<128x64xf32, #tpu.memory_space<vmem_shared>>
      %dma_start3A_100 = arith.constant 0 : i32
      %dma_start3A_101 = tpu.memref_slice %arg14[%add3A_88, %dma_start3A_100] : memref<10240x64xf32, #tpu.memory_space<vmem_shared>> -> memref<128x64xf32, #tpu.memory_space<vmem_shared>>
      tpu.enqueue_dma source(%dma_start3A_101 : memref<128x64xf32, #tpu.memory_space<vmem_shared>>) target(%arg9 : memref<128x64xf32, #tpu.memory_space<vmem>>) target_semaphore(%run_scoped3A : memref<!tpu.dma_semaphore, #tpu.memory_space<semaphore_mem>>)
      %dma_wait3A = arith.constant 0 : i32
      %dma_wait3A_102 = tpu.memref_slice %arg14[%add3A_88, %dma_wait3A] : memref<10240x64xf32, #tpu.memory_space<vmem_shared>> -> memref<128x64xf32, #tpu.memory_space<vmem_shared>>
      %dma_wait3A_103 = arith.constant 0 : i32
      %dma_wait3A_104 = tpu.memref_slice %arg14[%add3A_88, %dma_wait3A_103] : memref<10240x64xf32, #tpu.memory_space<vmem_shared>> -> memref<128x64xf32, #tpu.memory_space<vmem_shared>>
      tpu.wait_dma2 semaphore(%run_scoped3A : memref<!tpu.dma_semaphore, #tpu.memory_space<semaphore_mem>>) src(%dma_wait3A_104 : memref<128x64xf32, #tpu.memory_space<vmem_shared>>) dst(%arg9 : memref<128x64xf32, #tpu.memory_space<vmem>>)
      tpu.yield
    }) : () -> ()
    "tpu.region"() ({
      %run_scoped3A = tpu.sem_alloc : memref<!tpu.dma_semaphore, #tpu.memory_space<semaphore_mem>>
      %dma_start3A = arith.constant 0 : i32
      %dma_start3A_99 = tpu.memref_slice %arg5[%arg0, %add3A_88, %dma_start3A] : memref<2x10240x64xf32, #tpu.memory_space<hbm>> -> memref<1x128x64xf32, #tpu.memory_space<hbm>>
      %dma_start3A_100 = tpu.memref_squeeze %dma_start3A_99 : memref<1x128x64xf32, #tpu.memory_space<hbm>> -> memref<128x64xf32, #tpu.memory_space<hbm>>
      %dma_start3A_101 = arith.constant 0 : i32
      %dma_start3A_102 = tpu.memref_slice %arg5[%arg0, %add3A_88, %dma_start3A_101] : memref<2x10240x64xf32, #tpu.memory_space<hbm>> -> memref<1x128x64xf32, #tpu.memory_space<hbm>>
      %dma_start3A_103 = tpu.memref_squeeze %dma_start3A_102 : memref<1x128x64xf32, #tpu.memory_space<hbm>> -> memref<128x64xf32, #tpu.memory_space<hbm>>
      tpu.enqueue_dma source(%arg9 : memref<128x64xf32, #tpu.memory_space<vmem>>) target(%dma_start3A_103 : memref<128x64xf32, #tpu.memory_space<hbm>>) target_semaphore(%run_scoped3A : memref<!tpu.dma_semaphore, #tpu.memory_space<semaphore_mem>>)
      %dma_wait3A = arith.constant 0 : i32
      %dma_wait3A_104 = tpu.memref_slice %arg5[%arg0, %add3A_88, %dma_wait3A] : memref<2x10240x64xf32, #tpu.memory_space<hbm>> -> memref<1x128x64xf32, #tpu.memory_space<hbm>>
      %dma_wait3A_105 = tpu.memref_squeeze %dma_wait3A_104 : memref<1x128x64xf32, #tpu.memory_space<hbm>> -> memref<128x64xf32, #tpu.memory_space<hbm>>
      %dma_wait3A_106 = arith.constant 0 : i32
      %dma_wait3A_107 = tpu.memref_slice %arg5[%arg0, %add3A_88, %dma_wait3A_106] : memref<2x10240x64xf32, #tpu.memory_space<hbm>> -> memref<1x128x64xf32, #tpu.memory_space<hbm>>
      %dma_wait3A_108 = tpu.memref_squeeze %dma_wait3A_107 : memref<1x128x64xf32, #tpu.memory_space<hbm>> -> memref<128x64xf32, #tpu.memory_space<hbm>>
      tpu.wait_dma2 semaphore(%run_scoped3A : memref<!tpu.dma_semaphore, #tpu.memory_space<semaphore_mem>>) src(%arg9 : memref<128x64xf32, #tpu.memory_space<vmem>>) dst(%dma_wait3A_108 : memref<128x64xf32, #tpu.memory_space<hbm>>)
      tpu.yield
    }) : () -> ()
    %add3A_89 = arith.constant 0 : i32
    %add3A_90 = arith.addi %mul3A_49, %add3A_89 : i32
    "tpu.region"() ({
      %run_scoped3A = tpu.sem_alloc : memref<!tpu.dma_semaphore, #tpu.memory_space<semaphore_mem>>
      %dma_start3A = arith.constant 0 : i32
      %dma_start3A_99 = tpu.memref_slice %arg15[%add3A_90, %dma_start3A] : memref<10240x16xf32, #tpu.memory_space<vmem_shared>> -> memref<128x16xf32, #tpu.memory_space<vmem_shared>>
      %dma_start3A_100 = arith.constant 0 : i32
      %dma_start3A_101 = tpu.memref_slice %arg15[%add3A_90, %dma_start3A_100] : memref<10240x16xf32, #tpu.memory_space<vmem_shared>> -> memref<128x16xf32, #tpu.memory_space<vmem_shared>>
      tpu.enqueue_dma source(%dma_start3A_101 : memref<128x16xf32, #tpu.memory_space<vmem_shared>>) target(%arg12 : memref<128x16xf32, #tpu.memory_space<vmem>>) target_semaphore(%run_scoped3A : memref<!tpu.dma_semaphore, #tpu.memory_space<semaphore_mem>>)
      %dma_wait3A = arith.constant 0 : i32
      %dma_wait3A_102 = tpu.memref_slice %arg15[%add3A_90, %dma_wait3A] : memref<10240x16xf32, #tpu.memory_space<vmem_shared>> -> memref<128x16xf32, #tpu.memory_space<vmem_shared>>
      %dma_wait3A_103 = arith.constant 0 : i32
      %dma_wait3A_104 = tpu.memref_slice %arg15[%add3A_90, %dma_wait3A_103] : memref<10240x16xf32, #tpu.memory_space<vmem_shared>> -> memref<128x16xf32, #tpu.memory_space<vmem_shared>>
      tpu.wait_dma2 semaphore(%run_scoped3A : memref<!tpu.dma_semaphore, #tpu.memory_space<semaphore_mem>>) src(%dma_wait3A_104 : memref<128x16xf32, #tpu.memory_space<vmem_shared>>) dst(%arg12 : memref<128x16xf32, #tpu.memory_space<vmem>>)
      tpu.yield
    }) : () -> ()
    "tpu.region"() ({
      %run_scoped3A = tpu.sem_alloc : memref<!tpu.dma_semaphore, #tpu.memory_space<semaphore_mem>>
      %dma_start3A = arith.constant 0 : i32
      %dma_start3A_99 = tpu.memref_slice %arg6[%arg0, %add3A_90, %dma_start3A] : memref<2x10240x16xf32, #tpu.memory_space<hbm>> -> memref<1x128x16xf32, #tpu.memory_space<hbm>>
      %dma_start3A_100 = tpu.memref_squeeze %dma_start3A_99 : memref<1x128x16xf32, #tpu.memory_space<hbm>> -> memref<128x16xf32, #tpu.memory_space<hbm>>
      %dma_start3A_101 = arith.constant 0 : i32
      %dma_start3A_102 = tpu.memref_slice %arg6[%arg0, %add3A_90, %dma_start3A_101] : memref<2x10240x16xf32, #tpu.memory_space<hbm>> -> memref<1x128x16xf32, #tpu.memory_space<hbm>>
      %dma_start3A_103 = tpu.memref_squeeze %dma_start3A_102 : memref<1x128x16xf32, #tpu.memory_space<hbm>> -> memref<128x16xf32, #tpu.memory_space<hbm>>
      tpu.enqueue_dma source(%arg12 : memref<128x16xf32, #tpu.memory_space<vmem>>) target(%dma_start3A_103 : memref<128x16xf32, #tpu.memory_space<hbm>>) target_semaphore(%run_scoped3A : memref<!tpu.dma_semaphore, #tpu.memory_space<semaphore_mem>>)
      %dma_wait3A = arith.constant 0 : i32
      %dma_wait3A_104 = tpu.memref_slice %arg6[%arg0, %add3A_90, %dma_wait3A] : memref<2x10240x16xf32, #tpu.memory_space<hbm>> -> memref<1x128x16xf32, #tpu.memory_space<hbm>>
      %dma_wait3A_105 = tpu.memref_squeeze %dma_wait3A_104 : memref<1x128x16xf32, #tpu.memory_space<hbm>> -> memref<128x16xf32, #tpu.memory_space<hbm>>
      %dma_wait3A_106 = arith.constant 0 : i32
      %dma_wait3A_107 = tpu.memref_slice %arg6[%arg0, %add3A_90, %dma_wait3A_106] : memref<2x10240x16xf32, #tpu.memory_space<hbm>> -> memref<1x128x16xf32, #tpu.memory_space<hbm>>
      %dma_wait3A_108 = tpu.memref_squeeze %dma_wait3A_107 : memref<1x128x16xf32, #tpu.memory_space<hbm>> -> memref<128x16xf32, #tpu.memory_space<hbm>>
      tpu.wait_dma2 semaphore(%run_scoped3A : memref<!tpu.dma_semaphore, #tpu.memory_space<semaphore_mem>>) src(%arg12 : memref<128x16xf32, #tpu.memory_space<vmem>>) dst(%dma_wait3A_108 : memref<128x16xf32, #tpu.memory_space<hbm>>)
      tpu.yield
    }) : () -> ()
    %add3A_91 = arith.constant 128 : i32
    %add3A_92 = arith.addi %mul3A_49, %add3A_91 : i32
    "tpu.region"() ({
      %run_scoped3A = tpu.sem_alloc : memref<!tpu.dma_semaphore, #tpu.memory_space<semaphore_mem>>
      %dma_start3A = arith.constant 0 : i32
      %dma_start3A_99 = tpu.memref_slice %arg15[%add3A_92, %dma_start3A] : memref<10240x16xf32, #tpu.memory_space<vmem_shared>> -> memref<128x16xf32, #tpu.memory_space<vmem_shared>>
      %dma_start3A_100 = arith.constant 0 : i32
      %dma_start3A_101 = tpu.memref_slice %arg15[%add3A_92, %dma_start3A_100] : memref<10240x16xf32, #tpu.memory_space<vmem_shared>> -> memref<128x16xf32, #tpu.memory_space<vmem_shared>>
      tpu.enqueue_dma source(%dma_start3A_101 : memref<128x16xf32, #tpu.memory_space<vmem_shared>>) target(%arg12 : memref<128x16xf32, #tpu.memory_space<vmem>>) target_semaphore(%run_scoped3A : memref<!tpu.dma_semaphore, #tpu.memory_space<semaphore_mem>>)
      %dma_wait3A = arith.constant 0 : i32
      %dma_wait3A_102 = tpu.memref_slice %arg15[%add3A_92, %dma_wait3A] : memref<10240x16xf32, #tpu.memory_space<vmem_shared>> -> memref<128x16xf32, #tpu.memory_space<vmem_shared>>
      %dma_wait3A_103 = arith.constant 0 : i32
      %dma_wait3A_104 = tpu.memref_slice %arg15[%add3A_92, %dma_wait3A_103] : memref<10240x16xf32, #tpu.memory_space<vmem_shared>> -> memref<128x16xf32, #tpu.memory_space<vmem_shared>>
      tpu.wait_dma2 semaphore(%run_scoped3A : memref<!tpu.dma_semaphore, #tpu.memory_space<semaphore_mem>>) src(%dma_wait3A_104 : memref<128x16xf32, #tpu.memory_space<vmem_shared>>) dst(%arg12 : memref<128x16xf32, #tpu.memory_space<vmem>>)
      tpu.yield
    }) : () -> ()
    "tpu.region"() ({
      %run_scoped3A = tpu.sem_alloc : memref<!tpu.dma_semaphore, #tpu.memory_space<semaphore_mem>>
      %dma_start3A = arith.constant 0 : i32
      %dma_start3A_99 = tpu.memref_slice %arg6[%arg0, %add3A_92, %dma_start3A] : memref<2x10240x16xf32, #tpu.memory_space<hbm>> -> memref<1x128x16xf32, #tpu.memory_space<hbm>>
      %dma_start3A_100 = tpu.memref_squeeze %dma_start3A_99 : memref<1x128x16xf32, #tpu.memory_space<hbm>> -> memref<128x16xf32, #tpu.memory_space<hbm>>
      %dma_start3A_101 = arith.constant 0 : i32
      %dma_start3A_102 = tpu.memref_slice %arg6[%arg0, %add3A_92, %dma_start3A_101] : memref<2x10240x16xf32, #tpu.memory_space<hbm>> -> memref<1x128x16xf32, #tpu.memory_space<hbm>>
      %dma_start3A_103 = tpu.memref_squeeze %dma_start3A_102 : memref<1x128x16xf32, #tpu.memory_space<hbm>> -> memref<128x16xf32, #tpu.memory_space<hbm>>
      tpu.enqueue_dma source(%arg12 : memref<128x16xf32, #tpu.memory_space<vmem>>) target(%dma_start3A_103 : memref<128x16xf32, #tpu.memory_space<hbm>>) target_semaphore(%run_scoped3A : memref<!tpu.dma_semaphore, #tpu.memory_space<semaphore_mem>>)
      %dma_wait3A = arith.constant 0 : i32
      %dma_wait3A_104 = tpu.memref_slice %arg6[%arg0, %add3A_92, %dma_wait3A] : memref<2x10240x16xf32, #tpu.memory_space<hbm>> -> memref<1x128x16xf32, #tpu.memory_space<hbm>>
      %dma_wait3A_105 = tpu.memref_squeeze %dma_wait3A_104 : memref<1x128x16xf32, #tpu.memory_space<hbm>> -> memref<128x16xf32, #tpu.memory_space<hbm>>
      %dma_wait3A_106 = arith.constant 0 : i32
      %dma_wait3A_107 = tpu.memref_slice %arg6[%arg0, %add3A_92, %dma_wait3A_106] : memref<2x10240x16xf32, #tpu.memory_space<hbm>> -> memref<1x128x16xf32, #tpu.memory_space<hbm>>
      %dma_wait3A_108 = tpu.memref_squeeze %dma_wait3A_107 : memref<1x128x16xf32, #tpu.memory_space<hbm>> -> memref<128x16xf32, #tpu.memory_space<hbm>>
      tpu.wait_dma2 semaphore(%run_scoped3A : memref<!tpu.dma_semaphore, #tpu.memory_space<semaphore_mem>>) src(%arg12 : memref<128x16xf32, #tpu.memory_space<vmem>>) dst(%dma_wait3A_108 : memref<128x16xf32, #tpu.memory_space<hbm>>)
      tpu.yield
    }) : () -> ()
    %add3A_93 = arith.constant 256 : i32
    %add3A_94 = arith.addi %mul3A_49, %add3A_93 : i32
    "tpu.region"() ({
      %run_scoped3A = tpu.sem_alloc : memref<!tpu.dma_semaphore, #tpu.memory_space<semaphore_mem>>
      %dma_start3A = arith.constant 0 : i32
      %dma_start3A_99 = tpu.memref_slice %arg15[%add3A_94, %dma_start3A] : memref<10240x16xf32, #tpu.memory_space<vmem_shared>> -> memref<128x16xf32, #tpu.memory_space<vmem_shared>>
      %dma_start3A_100 = arith.constant 0 : i32
      %dma_start3A_101 = tpu.memref_slice %arg15[%add3A_94, %dma_start3A_100] : memref<10240x16xf32, #tpu.memory_space<vmem_shared>> -> memref<128x16xf32, #tpu.memory_space<vmem_shared>>
      tpu.enqueue_dma source(%dma_start3A_101 : memref<128x16xf32, #tpu.memory_space<vmem_shared>>) target(%arg12 : memref<128x16xf32, #tpu.memory_space<vmem>>) target_semaphore(%run_scoped3A : memref<!tpu.dma_semaphore, #tpu.memory_space<semaphore_mem>>)
      %dma_wait3A = arith.constant 0 : i32
      %dma_wait3A_102 = tpu.memref_slice %arg15[%add3A_94, %dma_wait3A] : memref<10240x16xf32, #tpu.memory_space<vmem_shared>> -> memref<128x16xf32, #tpu.memory_space<vmem_shared>>
      %dma_wait3A_103 = arith.constant 0 : i32
      %dma_wait3A_104 = tpu.memref_slice %arg15[%add3A_94, %dma_wait3A_103] : memref<10240x16xf32, #tpu.memory_space<vmem_shared>> -> memref<128x16xf32, #tpu.memory_space<vmem_shared>>
      tpu.wait_dma2 semaphore(%run_scoped3A : memref<!tpu.dma_semaphore, #tpu.memory_space<semaphore_mem>>) src(%dma_wait3A_104 : memref<128x16xf32, #tpu.memory_space<vmem_shared>>) dst(%arg12 : memref<128x16xf32, #tpu.memory_space<vmem>>)
      tpu.yield
    }) : () -> ()
    "tpu.region"() ({
      %run_scoped3A = tpu.sem_alloc : memref<!tpu.dma_semaphore, #tpu.memory_space<semaphore_mem>>
      %dma_start3A = arith.constant 0 : i32
      %dma_start3A_99 = tpu.memref_slice %arg6[%arg0, %add3A_94, %dma_start3A] : memref<2x10240x16xf32, #tpu.memory_space<hbm>> -> memref<1x128x16xf32, #tpu.memory_space<hbm>>
      %dma_start3A_100 = tpu.memref_squeeze %dma_start3A_99 : memref<1x128x16xf32, #tpu.memory_space<hbm>> -> memref<128x16xf32, #tpu.memory_space<hbm>>
      %dma_start3A_101 = arith.constant 0 : i32
      %dma_start3A_102 = tpu.memref_slice %arg6[%arg0, %add3A_94, %dma_start3A_101] : memref<2x10240x16xf32, #tpu.memory_space<hbm>> -> memref<1x128x16xf32, #tpu.memory_space<hbm>>
      %dma_start3A_103 = tpu.memref_squeeze %dma_start3A_102 : memref<1x128x16xf32, #tpu.memory_space<hbm>> -> memref<128x16xf32, #tpu.memory_space<hbm>>
      tpu.enqueue_dma source(%arg12 : memref<128x16xf32, #tpu.memory_space<vmem>>) target(%dma_start3A_103 : memref<128x16xf32, #tpu.memory_space<hbm>>) target_semaphore(%run_scoped3A : memref<!tpu.dma_semaphore, #tpu.memory_space<semaphore_mem>>)
      %dma_wait3A = arith.constant 0 : i32
      %dma_wait3A_104 = tpu.memref_slice %arg6[%arg0, %add3A_94, %dma_wait3A] : memref<2x10240x16xf32, #tpu.memory_space<hbm>> -> memref<1x128x16xf32, #tpu.memory_space<hbm>>
      %dma_wait3A_105 = tpu.memref_squeeze %dma_wait3A_104 : memref<1x128x16xf32, #tpu.memory_space<hbm>> -> memref<128x16xf32, #tpu.memory_space<hbm>>
      %dma_wait3A_106 = arith.constant 0 : i32
      %dma_wait3A_107 = tpu.memref_slice %arg6[%arg0, %add3A_94, %dma_wait3A_106] : memref<2x10240x16xf32, #tpu.memory_space<hbm>> -> memref<1x128x16xf32, #tpu.memory_space<hbm>>
      %dma_wait3A_108 = tpu.memref_squeeze %dma_wait3A_107 : memref<1x128x16xf32, #tpu.memory_space<hbm>> -> memref<128x16xf32, #tpu.memory_space<hbm>>
      tpu.wait_dma2 semaphore(%run_scoped3A : memref<!tpu.dma_semaphore, #tpu.memory_space<semaphore_mem>>) src(%arg12 : memref<128x16xf32, #tpu.memory_space<vmem>>) dst(%dma_wait3A_108 : memref<128x16xf32, #tpu.memory_space<hbm>>)
      tpu.yield
    }) : () -> ()
    %add3A_95 = arith.constant 384 : i32
    %add3A_96 = arith.addi %mul3A_49, %add3A_95 : i32
    "tpu.region"() ({
      %run_scoped3A = tpu.sem_alloc : memref<!tpu.dma_semaphore, #tpu.memory_space<semaphore_mem>>
      %dma_start3A = arith.constant 0 : i32
      %dma_start3A_99 = tpu.memref_slice %arg15[%add3A_96, %dma_start3A] : memref<10240x16xf32, #tpu.memory_space<vmem_shared>> -> memref<128x16xf32, #tpu.memory_space<vmem_shared>>
      %dma_start3A_100 = arith.constant 0 : i32
      %dma_start3A_101 = tpu.memref_slice %arg15[%add3A_96, %dma_start3A_100] : memref<10240x16xf32, #tpu.memory_space<vmem_shared>> -> memref<128x16xf32, #tpu.memory_space<vmem_shared>>
      tpu.enqueue_dma source(%dma_start3A_101 : memref<128x16xf32, #tpu.memory_space<vmem_shared>>) target(%arg12 : memref<128x16xf32, #tpu.memory_space<vmem>>) target_semaphore(%run_scoped3A : memref<!tpu.dma_semaphore, #tpu.memory_space<semaphore_mem>>)
      %dma_wait3A = arith.constant 0 : i32
      %dma_wait3A_102 = tpu.memref_slice %arg15[%add3A_96, %dma_wait3A] : memref<10240x16xf32, #tpu.memory_space<vmem_shared>> -> memref<128x16xf32, #tpu.memory_space<vmem_shared>>
      %dma_wait3A_103 = arith.constant 0 : i32
      %dma_wait3A_104 = tpu.memref_slice %arg15[%add3A_96, %dma_wait3A_103] : memref<10240x16xf32, #tpu.memory_space<vmem_shared>> -> memref<128x16xf32, #tpu.memory_space<vmem_shared>>
      tpu.wait_dma2 semaphore(%run_scoped3A : memref<!tpu.dma_semaphore, #tpu.memory_space<semaphore_mem>>) src(%dma_wait3A_104 : memref<128x16xf32, #tpu.memory_space<vmem_shared>>) dst(%arg12 : memref<128x16xf32, #tpu.memory_space<vmem>>)
      tpu.yield
    }) : () -> ()
    "tpu.region"() ({
      %run_scoped3A = tpu.sem_alloc : memref<!tpu.dma_semaphore, #tpu.memory_space<semaphore_mem>>
      %dma_start3A = arith.constant 0 : i32
      %dma_start3A_99 = tpu.memref_slice %arg6[%arg0, %add3A_96, %dma_start3A] : memref<2x10240x16xf32, #tpu.memory_space<hbm>> -> memref<1x128x16xf32, #tpu.memory_space<hbm>>
      %dma_start3A_100 = tpu.memref_squeeze %dma_start3A_99 : memref<1x128x16xf32, #tpu.memory_space<hbm>> -> memref<128x16xf32, #tpu.memory_space<hbm>>
      %dma_start3A_101 = arith.constant 0 : i32
      %dma_start3A_102 = tpu.memref_slice %arg6[%arg0, %add3A_96, %dma_start3A_101] : memref<2x10240x16xf32, #tpu.memory_space<hbm>> -> memref<1x128x16xf32, #tpu.memory_space<hbm>>
      %dma_start3A_103 = tpu.memref_squeeze %dma_start3A_102 : memref<1x128x16xf32, #tpu.memory_space<hbm>> -> memref<128x16xf32, #tpu.memory_space<hbm>>
      tpu.enqueue_dma source(%arg12 : memref<128x16xf32, #tpu.memory_space<vmem>>) target(%dma_start3A_103 : memref<128x16xf32, #tpu.memory_space<hbm>>) target_semaphore(%run_scoped3A : memref<!tpu.dma_semaphore, #tpu.memory_space<semaphore_mem>>)
      %dma_wait3A = arith.constant 0 : i32
      %dma_wait3A_104 = tpu.memref_slice %arg6[%arg0, %add3A_96, %dma_wait3A] : memref<2x10240x16xf32, #tpu.memory_space<hbm>> -> memref<1x128x16xf32, #tpu.memory_space<hbm>>
      %dma_wait3A_105 = tpu.memref_squeeze %dma_wait3A_104 : memref<1x128x16xf32, #tpu.memory_space<hbm>> -> memref<128x16xf32, #tpu.memory_space<hbm>>
      %dma_wait3A_106 = arith.constant 0 : i32
      %dma_wait3A_107 = tpu.memref_slice %arg6[%arg0, %add3A_96, %dma_wait3A_106] : memref<2x10240x16xf32, #tpu.memory_space<hbm>> -> memref<1x128x16xf32, #tpu.memory_space<hbm>>
      %dma_wait3A_108 = tpu.memref_squeeze %dma_wait3A_107 : memref<1x128x16xf32, #tpu.memory_space<hbm>> -> memref<128x16xf32, #tpu.memory_space<hbm>>
      tpu.wait_dma2 semaphore(%run_scoped3A : memref<!tpu.dma_semaphore, #tpu.memory_space<semaphore_mem>>) src(%arg12 : memref<128x16xf32, #tpu.memory_space<vmem>>) dst(%dma_wait3A_108 : memref<128x16xf32, #tpu.memory_space<hbm>>)
      tpu.yield
    }) : () -> ()
    %add3A_97 = arith.constant 512 : i32
    %add3A_98 = arith.addi %mul3A_49, %add3A_97 : i32
    "tpu.region"() ({
      %run_scoped3A = tpu.sem_alloc : memref<!tpu.dma_semaphore, #tpu.memory_space<semaphore_mem>>
      %dma_start3A = arith.constant 0 : i32
      %dma_start3A_99 = tpu.memref_slice %arg15[%add3A_98, %dma_start3A] : memref<10240x16xf32, #tpu.memory_space<vmem_shared>> -> memref<128x16xf32, #tpu.memory_space<vmem_shared>>
      %dma_start3A_100 = arith.constant 0 : i32
      %dma_start3A_101 = tpu.memref_slice %arg15[%add3A_98, %dma_start3A_100] : memref<10240x16xf32, #tpu.memory_space<vmem_shared>> -> memref<128x16xf32, #tpu.memory_space<vmem_shared>>
      tpu.enqueue_dma source(%dma_start3A_101 : memref<128x16xf32, #tpu.memory_space<vmem_shared>>) target(%arg12 : memref<128x16xf32, #tpu.memory_space<vmem>>) target_semaphore(%run_scoped3A : memref<!tpu.dma_semaphore, #tpu.memory_space<semaphore_mem>>)
      %dma_wait3A = arith.constant 0 : i32
      %dma_wait3A_102 = tpu.memref_slice %arg15[%add3A_98, %dma_wait3A] : memref<10240x16xf32, #tpu.memory_space<vmem_shared>> -> memref<128x16xf32, #tpu.memory_space<vmem_shared>>
      %dma_wait3A_103 = arith.constant 0 : i32
      %dma_wait3A_104 = tpu.memref_slice %arg15[%add3A_98, %dma_wait3A_103] : memref<10240x16xf32, #tpu.memory_space<vmem_shared>> -> memref<128x16xf32, #tpu.memory_space<vmem_shared>>
      tpu.wait_dma2 semaphore(%run_scoped3A : memref<!tpu.dma_semaphore, #tpu.memory_space<semaphore_mem>>) src(%dma_wait3A_104 : memref<128x16xf32, #tpu.memory_space<vmem_shared>>) dst(%arg12 : memref<128x16xf32, #tpu.memory_space<vmem>>)
      tpu.yield
    }) : () -> ()
    "tpu.region"() ({
      %run_scoped3A = tpu.sem_alloc : memref<!tpu.dma_semaphore, #tpu.memory_space<semaphore_mem>>
      %dma_start3A = arith.constant 0 : i32
      %dma_start3A_99 = tpu.memref_slice %arg6[%arg0, %add3A_98, %dma_start3A] : memref<2x10240x16xf32, #tpu.memory_space<hbm>> -> memref<1x128x16xf32, #tpu.memory_space<hbm>>
      %dma_start3A_100 = tpu.memref_squeeze %dma_start3A_99 : memref<1x128x16xf32, #tpu.memory_space<hbm>> -> memref<128x16xf32, #tpu.memory_space<hbm>>
      %dma_start3A_101 = arith.constant 0 : i32
      %dma_start3A_102 = tpu.memref_slice %arg6[%arg0, %add3A_98, %dma_start3A_101] : memref<2x10240x16xf32, #tpu.memory_space<hbm>> -> memref<1x128x16xf32, #tpu.memory_space<hbm>>
      %dma_start3A_103 = tpu.memref_squeeze %dma_start3A_102 : memref<1x128x16xf32, #tpu.memory_space<hbm>> -> memref<128x16xf32, #tpu.memory_space<hbm>>
      tpu.enqueue_dma source(%arg12 : memref<128x16xf32, #tpu.memory_space<vmem>>) target(%dma_start3A_103 : memref<128x16xf32, #tpu.memory_space<hbm>>) target_semaphore(%run_scoped3A : memref<!tpu.dma_semaphore, #tpu.memory_space<semaphore_mem>>)
      %dma_wait3A = arith.constant 0 : i32
      %dma_wait3A_104 = tpu.memref_slice %arg6[%arg0, %add3A_98, %dma_wait3A] : memref<2x10240x16xf32, #tpu.memory_space<hbm>> -> memref<1x128x16xf32, #tpu.memory_space<hbm>>
      %dma_wait3A_105 = tpu.memref_squeeze %dma_wait3A_104 : memref<1x128x16xf32, #tpu.memory_space<hbm>> -> memref<128x16xf32, #tpu.memory_space<hbm>>
      %dma_wait3A_106 = arith.constant 0 : i32
      %dma_wait3A_107 = tpu.memref_slice %arg6[%arg0, %add3A_98, %dma_wait3A_106] : memref<2x10240x16xf32, #tpu.memory_space<hbm>> -> memref<1x128x16xf32, #tpu.memory_space<hbm>>
      %dma_wait3A_108 = tpu.memref_squeeze %dma_wait3A_107 : memref<1x128x16xf32, #tpu.memory_space<hbm>> -> memref<128x16xf32, #tpu.memory_space<hbm>>
      tpu.wait_dma2 semaphore(%run_scoped3A : memref<!tpu.dma_semaphore, #tpu.memory_space<semaphore_mem>>) src(%arg12 : memref<128x16xf32, #tpu.memory_space<vmem>>) dst(%dma_wait3A_108 : memref<128x16xf32, #tpu.memory_space<hbm>>)
      tpu.yield
    }) : () -> ()
    return
  }
}

#map = affine_map<(d0, d1) -> (0, 0)>
#map1 = affine_map<(d0, d1) -> (0, 0, 0, 0)>
#map2 = affine_map<(d0, d1) -> (0, 0, 0)>
module attributes {stable_mosaic.version = 14 : i64} {
  func.func @_seg_sum_body(%arg0: i32, %arg1: i32, %arg2: memref<10000x128xf32, #tpu.memory_space<hbm>>, %arg3: memref<16x20x8x128xi32, #tpu.memory_space<hbm>>, %arg4: memref<16x20x8x128xi32, #tpu.memory_space<hbm>>, %arg5: memref<2x10240x64xf32, #tpu.memory_space<hbm>>, %arg6: memref<8x128xi32, #tpu.memory_space<vmem>>, %arg7: memref<8x128xi32, #tpu.memory_space<vmem>>, %arg8: memref<128x64xf32, #tpu.memory_space<vmem>>, %arg9: memref<128x64xf32, #tpu.memory_space<vmem>>, %arg10: memref<128x64xf32, #tpu.memory_space<vmem>>, %arg11: memref<10240x64xf32, #tpu.memory_space<vmem_shared>>, %arg12: memref<10240x64xf32, #tpu.memory_space<vmem_shared>>, %arg13: memref<!tpu.dma_semaphore, #tpu.memory_space<semaphore_mem>>, %arg14: memref<!tpu.dma_semaphore, #tpu.memory_space<semaphore_mem>>, %arg15: memref<!tpu.dma_semaphore, #tpu.memory_space<semaphore_mem>>, %arg16: memref<!tpu.dma_semaphore, #tpu.memory_space<semaphore_mem>>, %arg17: memref<!tpu.dma_semaphore, #tpu.memory_space<semaphore_mem>>, %arg18: memref<!tpu.dma_semaphore, #tpu.memory_space<semaphore_mem>>) attributes {dimension_semantics = [#tpu.dimension_semantics<core_parallel>, #tpu.dimension_semantics<subcore_parallel>], iteration_bounds = array<i64: 2, 16>, scalar_prefetch = 0 : i64, scratch_operands = 13 : i64, tpu.core_type = #tpu.core_type<sc_vector_subcore>, window_params = [{transform_indices = #map}, {transform_indices = #map1}, {transform_indices = #map1}, {transform_indices = #map2}]} {
    %broadcast_in_dim3A = arith.constant 0.000000e+00 : f32
    %broadcast_in_dim3A_0 = vector.broadcast %broadcast_in_dim3A : f32 to vector<16xf32>
    %scan3A = arith.constant 0 : i32
    %scan3A_1 = arith.constant 0 : i32
    %scan3A_2 = arith.constant 128 : i32
    %scan3A_3 = arith.addi %scan3A_1, %scan3A_2 : i32
    %scan3A_4 = arith.constant 1 : i32
    %scan3A_5 = scf.for %scan3A_59 = %scan3A_1 to %scan3A_3 step %scan3A_4 iter_args(%scan3A_60 = %scan3A) -> (i32)  : i32 {
      %swap3A = arith.index_cast %scan3A_59 : i32 to index
      %swap3A_61 = arith.constant 0 : index
      %swap3A_62 = tpu.vector_load %arg8[%swap3A, %swap3A_61] {strides = array<i32>} : memref<128x64xf32, #tpu.memory_space<vmem>>, vector<1x16xf32>,
      %swap3A_63 = vector.shape_cast %swap3A_62 : vector<1x16xf32> to vector<16xf32>
      %swap3A_64 = vector.shape_cast %broadcast_in_dim3A_0 : vector<16xf32> to vector<1x16xf32>
      tpu.vector_store %arg8[%swap3A, %swap3A_61], %swap3A_64 {strides = array<i32>} : memref<128x64xf32, #tpu.memory_space<vmem>>, vector<1x16xf32>,
      %swap3A_65 = arith.index_cast %scan3A_59 : i32 to index
      %swap3A_66 = arith.constant 16 : index
      %swap3A_67 = tpu.vector_load %arg8[%swap3A_65, %swap3A_66] {strides = array<i32>} : memref<128x64xf32, #tpu.memory_space<vmem>>, vector<1x16xf32>,
      %swap3A_68 = vector.shape_cast %swap3A_67 : vector<1x16xf32> to vector<16xf32>
      %swap3A_69 = vector.shape_cast %broadcast_in_dim3A_0 : vector<16xf32> to vector<1x16xf32>
      tpu.vector_store %arg8[%swap3A_65, %swap3A_66], %swap3A_69 {strides = array<i32>} : memref<128x64xf32, #tpu.memory_space<vmem>>, vector<1x16xf32>,
      %swap3A_70 = arith.index_cast %scan3A_59 : i32 to index
      %swap3A_71 = arith.constant 32 : index
      %swap3A_72 = tpu.vector_load %arg8[%swap3A_70, %swap3A_71] {strides = array<i32>} : memref<128x64xf32, #tpu.memory_space<vmem>>, vector<1x16xf32>,
      %swap3A_73 = vector.shape_cast %swap3A_72 : vector<1x16xf32> to vector<16xf32>
      %swap3A_74 = vector.shape_cast %broadcast_in_dim3A_0 : vector<16xf32> to vector<1x16xf32>
      tpu.vector_store %arg8[%swap3A_70, %swap3A_71], %swap3A_74 {strides = array<i32>} : memref<128x64xf32, #tpu.memory_space<vmem>>, vector<1x16xf32>,
      %swap3A_75 = arith.index_cast %scan3A_59 : i32 to index
      %swap3A_76 = arith.constant 48 : index
      %swap3A_77 = tpu.vector_load %arg8[%swap3A_75, %swap3A_76] {strides = array<i32>} : memref<128x64xf32, #tpu.memory_space<vmem>>, vector<1x16xf32>,
      %swap3A_78 = vector.shape_cast %swap3A_77 : vector<1x16xf32> to vector<16xf32>
      %swap3A_79 = vector.shape_cast %broadcast_in_dim3A_0 : vector<16xf32> to vector<1x16xf32>
      tpu.vector_store %arg8[%swap3A_75, %swap3A_76], %swap3A_79 {strides = array<i32>} : memref<128x64xf32, #tpu.memory_space<vmem>>, vector<1x16xf32>,
      %scan3A_80 = arith.constant 0 : i32
      scf.yield %scan3A_80 : i32
    }
    %scan3A_6 = arith.constant 128 : i32
    %mul3A = arith.constant 640 : i32
    %mul3A_7 = arith.muli %arg1, %mul3A : i32
    %add3A = arith.constant 0 : i32
    %add3A_8 = arith.addi %mul3A_7, %add3A : i32
    "tpu.region"() ({
      %run_scoped3A = tpu.sem_alloc : memref<!tpu.dma_semaphore, #tpu.memory_space<semaphore_mem>>
      %dma_start3A = arith.constant 0 : i32
      %dma_start3A_59 = tpu.memref_slice %arg12[%add3A_8, %dma_start3A] : memref<10240x64xf32, #tpu.memory_space<vmem_shared>> -> memref<128x64xf32, #tpu.memory_space<vmem_shared>>
      %dma_start3A_60 = arith.constant 0 : i32
      %dma_start3A_61 = tpu.memref_slice %arg12[%add3A_8, %dma_start3A_60] : memref<10240x64xf32, #tpu.memory_space<vmem_shared>> -> memref<128x64xf32, #tpu.memory_space<vmem_shared>>
      tpu.enqueue_dma source(%arg8 : memref<128x64xf32, #tpu.memory_space<vmem>>) target(%dma_start3A_61 : memref<128x64xf32, #tpu.memory_space<vmem_shared>>) target_semaphore(%run_scoped3A : memref<!tpu.dma_semaphore, #tpu.memory_space<semaphore_mem>>)
      %dma_wait3A = arith.constant 0 : i32
      %dma_wait3A_62 = tpu.memref_slice %arg12[%add3A_8, %dma_wait3A] : memref<10240x64xf32, #tpu.memory_space<vmem_shared>> -> memref<128x64xf32, #tpu.memory_space<vmem_shared>>
      %dma_wait3A_63 = arith.constant 0 : i32
      %dma_wait3A_64 = tpu.memref_slice %arg12[%add3A_8, %dma_wait3A_63] : memref<10240x64xf32, #tpu.memory_space<vmem_shared>> -> memref<128x64xf32, #tpu.memory_space<vmem_shared>>
      tpu.wait_dma2 semaphore(%run_scoped3A : memref<!tpu.dma_semaphore, #tpu.memory_space<semaphore_mem>>) src(%arg8 : memref<128x64xf32, #tpu.memory_space<vmem>>) dst(%dma_wait3A_64 : memref<128x64xf32, #tpu.memory_space<vmem_shared>>)
      tpu.yield
    }) : () -> ()
    %add3A_9 = arith.constant 128 : i32
    %add3A_10 = arith.addi %mul3A_7, %add3A_9 : i32
    "tpu.region"() ({
      %run_scoped3A = tpu.sem_alloc : memref<!tpu.dma_semaphore, #tpu.memory_space<semaphore_mem>>
      %dma_start3A = arith.constant 0 : i32
      %dma_start3A_59 = tpu.memref_slice %arg12[%add3A_10, %dma_start3A] : memref<10240x64xf32, #tpu.memory_space<vmem_shared>> -> memref<128x64xf32, #tpu.memory_space<vmem_shared>>
      %dma_start3A_60 = arith.constant 0 : i32
      %dma_start3A_61 = tpu.memref_slice %arg12[%add3A_10, %dma_start3A_60] : memref<10240x64xf32, #tpu.memory_space<vmem_shared>> -> memref<128x64xf32, #tpu.memory_space<vmem_shared>>
      tpu.enqueue_dma source(%arg8 : memref<128x64xf32, #tpu.memory_space<vmem>>) target(%dma_start3A_61 : memref<128x64xf32, #tpu.memory_space<vmem_shared>>) target_semaphore(%run_scoped3A : memref<!tpu.dma_semaphore, #tpu.memory_space<semaphore_mem>>)
      %dma_wait3A = arith.constant 0 : i32
      %dma_wait3A_62 = tpu.memref_slice %arg12[%add3A_10, %dma_wait3A] : memref<10240x64xf32, #tpu.memory_space<vmem_shared>> -> memref<128x64xf32, #tpu.memory_space<vmem_shared>>
      %dma_wait3A_63 = arith.constant 0 : i32
      %dma_wait3A_64 = tpu.memref_slice %arg12[%add3A_10, %dma_wait3A_63] : memref<10240x64xf32, #tpu.memory_space<vmem_shared>> -> memref<128x64xf32, #tpu.memory_space<vmem_shared>>
      tpu.wait_dma2 semaphore(%run_scoped3A : memref<!tpu.dma_semaphore, #tpu.memory_space<semaphore_mem>>) src(%arg8 : memref<128x64xf32, #tpu.memory_space<vmem>>) dst(%dma_wait3A_64 : memref<128x64xf32, #tpu.memory_space<vmem_shared>>)
      tpu.yield
    }) : () -> ()
    %add3A_11 = arith.constant 256 : i32
    %add3A_12 = arith.addi %mul3A_7, %add3A_11 : i32
    "tpu.region"() ({
      %run_scoped3A = tpu.sem_alloc : memref<!tpu.dma_semaphore, #tpu.memory_space<semaphore_mem>>
      %dma_start3A = arith.constant 0 : i32
      %dma_start3A_59 = tpu.memref_slice %arg12[%add3A_12, %dma_start3A] : memref<10240x64xf32, #tpu.memory_space<vmem_shared>> -> memref<128x64xf32, #tpu.memory_space<vmem_shared>>
      %dma_start3A_60 = arith.constant 0 : i32
      %dma_start3A_61 = tpu.memref_slice %arg12[%add3A_12, %dma_start3A_60] : memref<10240x64xf32, #tpu.memory_space<vmem_shared>> -> memref<128x64xf32, #tpu.memory_space<vmem_shared>>
      tpu.enqueue_dma source(%arg8 : memref<128x64xf32, #tpu.memory_space<vmem>>) target(%dma_start3A_61 : memref<128x64xf32, #tpu.memory_space<vmem_shared>>) target_semaphore(%run_scoped3A : memref<!tpu.dma_semaphore, #tpu.memory_space<semaphore_mem>>)
      %dma_wait3A = arith.constant 0 : i32
      %dma_wait3A_62 = tpu.memref_slice %arg12[%add3A_12, %dma_wait3A] : memref<10240x64xf32, #tpu.memory_space<vmem_shared>> -> memref<128x64xf32, #tpu.memory_space<vmem_shared>>
      %dma_wait3A_63 = arith.constant 0 : i32
      %dma_wait3A_64 = tpu.memref_slice %arg12[%add3A_12, %dma_wait3A_63] : memref<10240x64xf32, #tpu.memory_space<vmem_shared>> -> memref<128x64xf32, #tpu.memory_space<vmem_shared>>
      tpu.wait_dma2 semaphore(%run_scoped3A : memref<!tpu.dma_semaphore, #tpu.memory_space<semaphore_mem>>) src(%arg8 : memref<128x64xf32, #tpu.memory_space<vmem>>) dst(%dma_wait3A_64 : memref<128x64xf32, #tpu.memory_space<vmem_shared>>)
      tpu.yield
    }) : () -> ()
    %add3A_13 = arith.constant 384 : i32
    %add3A_14 = arith.addi %mul3A_7, %add3A_13 : i32
    "tpu.region"() ({
      %run_scoped3A = tpu.sem_alloc : memref<!tpu.dma_semaphore, #tpu.memory_space<semaphore_mem>>
      %dma_start3A = arith.constant 0 : i32
      %dma_start3A_59 = tpu.memref_slice %arg12[%add3A_14, %dma_start3A] : memref<10240x64xf32, #tpu.memory_space<vmem_shared>> -> memref<128x64xf32, #tpu.memory_space<vmem_shared>>
      %dma_start3A_60 = arith.constant 0 : i32
      %dma_start3A_61 = tpu.memref_slice %arg12[%add3A_14, %dma_start3A_60] : memref<10240x64xf32, #tpu.memory_space<vmem_shared>> -> memref<128x64xf32, #tpu.memory_space<vmem_shared>>
      tpu.enqueue_dma source(%arg8 : memref<128x64xf32, #tpu.memory_space<vmem>>) target(%dma_start3A_61 : memref<128x64xf32, #tpu.memory_space<vmem_shared>>) target_semaphore(%run_scoped3A : memref<!tpu.dma_semaphore, #tpu.memory_space<semaphore_mem>>)
      %dma_wait3A = arith.constant 0 : i32
      %dma_wait3A_62 = tpu.memref_slice %arg12[%add3A_14, %dma_wait3A] : memref<10240x64xf32, #tpu.memory_space<vmem_shared>> -> memref<128x64xf32, #tpu.memory_space<vmem_shared>>
      %dma_wait3A_63 = arith.constant 0 : i32
      %dma_wait3A_64 = tpu.memref_slice %arg12[%add3A_14, %dma_wait3A_63] : memref<10240x64xf32, #tpu.memory_space<vmem_shared>> -> memref<128x64xf32, #tpu.memory_space<vmem_shared>>
      tpu.wait_dma2 semaphore(%run_scoped3A : memref<!tpu.dma_semaphore, #tpu.memory_space<semaphore_mem>>) src(%arg8 : memref<128x64xf32, #tpu.memory_space<vmem>>) dst(%dma_wait3A_64 : memref<128x64xf32, #tpu.memory_space<vmem_shared>>)
      tpu.yield
    }) : () -> ()
    %add3A_15 = arith.constant 512 : i32
    %add3A_16 = arith.addi %mul3A_7, %add3A_15 : i32
    "tpu.region"() ({
      %run_scoped3A = tpu.sem_alloc : memref<!tpu.dma_semaphore, #tpu.memory_space<semaphore_mem>>
      %dma_start3A = arith.constant 0 : i32
      %dma_start3A_59 = tpu.memref_slice %arg12[%add3A_16, %dma_start3A] : memref<10240x64xf32, #tpu.memory_space<vmem_shared>> -> memref<128x64xf32, #tpu.memory_space<vmem_shared>>
      %dma_start3A_60 = arith.constant 0 : i32
      %dma_start3A_61 = tpu.memref_slice %arg12[%add3A_16, %dma_start3A_60] : memref<10240x64xf32, #tpu.memory_space<vmem_shared>> -> memref<128x64xf32, #tpu.memory_space<vmem_shared>>
      tpu.enqueue_dma source(%arg8 : memref<128x64xf32, #tpu.memory_space<vmem>>) target(%dma_start3A_61 : memref<128x64xf32, #tpu.memory_space<vmem_shared>>) target_semaphore(%run_scoped3A : memref<!tpu.dma_semaphore, #tpu.memory_space<semaphore_mem>>)
      %dma_wait3A = arith.constant 0 : i32
      %dma_wait3A_62 = tpu.memref_slice %arg12[%add3A_16, %dma_wait3A] : memref<10240x64xf32, #tpu.memory_space<vmem_shared>> -> memref<128x64xf32, #tpu.memory_space<vmem_shared>>
      %dma_wait3A_63 = arith.constant 0 : i32
      %dma_wait3A_64 = tpu.memref_slice %arg12[%add3A_16, %dma_wait3A_63] : memref<10240x64xf32, #tpu.memory_space<vmem_shared>> -> memref<128x64xf32, #tpu.memory_space<vmem_shared>>
      tpu.wait_dma2 semaphore(%run_scoped3A : memref<!tpu.dma_semaphore, #tpu.memory_space<semaphore_mem>>) src(%arg8 : memref<128x64xf32, #tpu.memory_space<vmem>>) dst(%dma_wait3A_64 : memref<128x64xf32, #tpu.memory_space<vmem_shared>>)
      tpu.yield
    }) : () -> ()
    %mul3A_17 = arith.constant 625 : i32
    %mul3A_18 = arith.muli %arg1, %mul3A_17 : i32
    %add3A_19 = arith.constant 0 : i32
    %add3A_20 = arith.addi %mul3A_18, %add3A_19 : i32
    %mul3A_21 = arith.constant 64 : i32
    %mul3A_22 = arith.muli %arg0, %mul3A_21 : i32
    "tpu.region"() ({
      %run_scoped3A = tpu.sem_alloc : memref<!tpu.dma_semaphore, #tpu.memory_space<semaphore_mem>>
      %dma_start3A = arith.constant 0 : i32
      %dma_start3A_59 = arith.constant 0 : i32
      %dma_start3A_60 = tpu.memref_slice %arg8[%dma_start3A, %dma_start3A_59] : memref<128x64xf32, #tpu.memory_space<vmem>> -> memref<125x64xf32, #tpu.memory_space<vmem>>
      %dma_start3A_61 = tpu.memref_slice %arg2[%add3A_20, %mul3A_22] : memref<10000x128xf32, #tpu.memory_space<hbm>> -> memref<125x64xf32, #tpu.memory_space<hbm>>
      %dma_start3A_62 = arith.constant 0 : i32
      %dma_start3A_63 = arith.constant 0 : i32
      %dma_start3A_64 = tpu.memref_slice %arg8[%dma_start3A_62, %dma_start3A_63] : memref<128x64xf32, #tpu.memory_space<vmem>> -> memref<125x64xf32, #tpu.memory_space<vmem>>
      %dma_start3A_65 = tpu.memref_slice %arg2[%add3A_20, %mul3A_22] : memref<10000x128xf32, #tpu.memory_space<hbm>> -> memref<125x64xf32, #tpu.memory_space<hbm>>
      tpu.enqueue_dma source(%dma_start3A_65 : memref<125x64xf32, #tpu.memory_space<hbm>>) target(%dma_start3A_64 : memref<125x64xf32, #tpu.memory_space<vmem>>) target_semaphore(%run_scoped3A : memref<!tpu.dma_semaphore, #tpu.memory_space<semaphore_mem>>)
      %dma_wait3A = arith.constant 0 : i32
      %dma_wait3A_66 = arith.constant 0 : i32
      %dma_wait3A_67 = tpu.memref_slice %arg8[%dma_wait3A, %dma_wait3A_66] : memref<128x64xf32, #tpu.memory_space<vmem>> -> memref<125x64xf32, #tpu.memory_space<vmem>>
      %dma_wait3A_68 = tpu.memref_slice %arg2[%add3A_20, %mul3A_22] : memref<10000x128xf32, #tpu.memory_space<hbm>> -> memref<125x64xf32, #tpu.memory_space<hbm>>
      %dma_wait3A_69 = arith.constant 0 : i32
      %dma_wait3A_70 = arith.constant 0 : i32
      %dma_wait3A_71 = tpu.memref_slice %arg8[%dma_wait3A_69, %dma_wait3A_70] : memref<128x64xf32, #tpu.memory_space<vmem>> -> memref<125x64xf32, #tpu.memory_space<vmem>>
      %dma_wait3A_72 = tpu.memref_slice %arg2[%add3A_20, %mul3A_22] : memref<10000x128xf32, #tpu.memory_space<hbm>> -> memref<125x64xf32, #tpu.memory_space<hbm>>
      tpu.wait_dma2 semaphore(%run_scoped3A : memref<!tpu.dma_semaphore, #tpu.memory_space<semaphore_mem>>) src(%dma_wait3A_72 : memref<125x64xf32, #tpu.memory_space<hbm>>) dst(%dma_wait3A_71 : memref<125x64xf32, #tpu.memory_space<vmem>>)
      tpu.yield
    }) : () -> ()
    "tpu.region"() ({
      %run_scoped3A = tpu.sem_alloc : memref<!tpu.dma_semaphore, #tpu.memory_space<semaphore_mem>>
      %dma_start3A = arith.constant 0 : i32
      %dma_start3A_59 = arith.constant 0 : i32
      %dma_start3A_60 = tpu.memref_slice %arg8[%dma_start3A, %dma_start3A_59] : memref<128x64xf32, #tpu.memory_space<vmem>> -> memref<125x64xf32, #tpu.memory_space<vmem>>
      %dma_start3A_61 = arith.constant 0 : i32
      %dma_start3A_62 = tpu.memref_slice %arg11[%add3A_20, %dma_start3A_61] : memref<10240x64xf32, #tpu.memory_space<vmem_shared>> -> memref<125x64xf32, #tpu.memory_space<vmem_shared>>
      %dma_start3A_63 = arith.constant 0 : i32
      %dma_start3A_64 = tpu.memref_slice %arg11[%add3A_20, %dma_start3A_63] : memref<10240x64xf32, #tpu.memory_space<vmem_shared>> -> memref<125x64xf32, #tpu.memory_space<vmem_shared>>
      %dma_start3A_65 = arith.constant 0 : i32
      %dma_start3A_66 = arith.constant 0 : i32
      %dma_start3A_67 = tpu.memref_slice %arg8[%dma_start3A_65, %dma_start3A_66] : memref<128x64xf32, #tpu.memory_space<vmem>> -> memref<125x64xf32, #tpu.memory_space<vmem>>
      tpu.enqueue_dma source(%dma_start3A_67 : memref<125x64xf32, #tpu.memory_space<vmem>>) target(%dma_start3A_64 : memref<125x64xf32, #tpu.memory_space<vmem_shared>>) target_semaphore(%run_scoped3A : memref<!tpu.dma_semaphore, #tpu.memory_space<semaphore_mem>>)
      %dma_wait3A = arith.constant 0 : i32
      %dma_wait3A_68 = arith.constant 0 : i32
      %dma_wait3A_69 = tpu.memref_slice %arg8[%dma_wait3A, %dma_wait3A_68] : memref<128x64xf32, #tpu.memory_space<vmem>> -> memref<125x64xf32, #tpu.memory_space<vmem>>
      %dma_wait3A_70 = arith.constant 0 : i32
      %dma_wait3A_71 = tpu.memref_slice %arg11[%add3A_20, %dma_wait3A_70] : memref<10240x64xf32, #tpu.memory_space<vmem_shared>> -> memref<125x64xf32, #tpu.memory_space<vmem_shared>>
      %dma_wait3A_72 = arith.constant 0 : i32
      %dma_wait3A_73 = tpu.memref_slice %arg11[%add3A_20, %dma_wait3A_72] : memref<10240x64xf32, #tpu.memory_space<vmem_shared>> -> memref<125x64xf32, #tpu.memory_space<vmem_shared>>
      %dma_wait3A_74 = arith.constant 0 : i32
      %dma_wait3A_75 = arith.constant 0 : i32
      %dma_wait3A_76 = tpu.memref_slice %arg8[%dma_wait3A_74, %dma_wait3A_75] : memref<128x64xf32, #tpu.memory_space<vmem>> -> memref<125x64xf32, #tpu.memory_space<vmem>>
      tpu.wait_dma2 semaphore(%run_scoped3A : memref<!tpu.dma_semaphore, #tpu.memory_space<semaphore_mem>>) src(%dma_wait3A_76 : memref<125x64xf32, #tpu.memory_space<vmem>>) dst(%dma_wait3A_73 : memref<125x64xf32, #tpu.memory_space<vmem_shared>>)
      tpu.yield
    }) : () -> ()
    %add3A_23 = arith.constant 125 : i32
    %add3A_24 = arith.addi %mul3A_18, %add3A_23 : i32
    %mul3A_25 = arith.constant 64 : i32
    %mul3A_26 = arith.muli %arg0, %mul3A_25 : i32
    "tpu.region"() ({
      %run_scoped3A = tpu.sem_alloc : memref<!tpu.dma_semaphore, #tpu.memory_space<semaphore_mem>>
      %dma_start3A = arith.constant 0 : i32
      %dma_start3A_59 = arith.constant 0 : i32
      %dma_start3A_60 = tpu.memref_slice %arg8[%dma_start3A, %dma_start3A_59] : memref<128x64xf32, #tpu.memory_space<vmem>> -> memref<125x64xf32, #tpu.memory_space<vmem>>
      %dma_start3A_61 = tpu.memref_slice %arg2[%add3A_24, %mul3A_26] : memref<10000x128xf32, #tpu.memory_space<hbm>> -> memref<125x64xf32, #tpu.memory_space<hbm>>
      %dma_start3A_62 = arith.constant 0 : i32
      %dma_start3A_63 = arith.constant 0 : i32
      %dma_start3A_64 = tpu.memref_slice %arg8[%dma_start3A_62, %dma_start3A_63] : memref<128x64xf32, #tpu.memory_space<vmem>> -> memref<125x64xf32, #tpu.memory_space<vmem>>
      %dma_start3A_65 = tpu.memref_slice %arg2[%add3A_24, %mul3A_26] : memref<10000x128xf32, #tpu.memory_space<hbm>> -> memref<125x64xf32, #tpu.memory_space<hbm>>
      tpu.enqueue_dma source(%dma_start3A_65 : memref<125x64xf32, #tpu.memory_space<hbm>>) target(%dma_start3A_64 : memref<125x64xf32, #tpu.memory_space<vmem>>) target_semaphore(%run_scoped3A : memref<!tpu.dma_semaphore, #tpu.memory_space<semaphore_mem>>)
      %dma_wait3A = arith.constant 0 : i32
      %dma_wait3A_66 = arith.constant 0 : i32
      %dma_wait3A_67 = tpu.memref_slice %arg8[%dma_wait3A, %dma_wait3A_66] : memref<128x64xf32, #tpu.memory_space<vmem>> -> memref<125x64xf32, #tpu.memory_space<vmem>>
      %dma_wait3A_68 = tpu.memref_slice %arg2[%add3A_24, %mul3A_26] : memref<10000x128xf32, #tpu.memory_space<hbm>> -> memref<125x64xf32, #tpu.memory_space<hbm>>
      %dma_wait3A_69 = arith.constant 0 : i32
      %dma_wait3A_70 = arith.constant 0 : i32
      %dma_wait3A_71 = tpu.memref_slice %arg8[%dma_wait3A_69, %dma_wait3A_70] : memref<128x64xf32, #tpu.memory_space<vmem>> -> memref<125x64xf32, #tpu.memory_space<vmem>>
      %dma_wait3A_72 = tpu.memref_slice %arg2[%add3A_24, %mul3A_26] : memref<10000x128xf32, #tpu.memory_space<hbm>> -> memref<125x64xf32, #tpu.memory_space<hbm>>
      tpu.wait_dma2 semaphore(%run_scoped3A : memref<!tpu.dma_semaphore, #tpu.memory_space<semaphore_mem>>) src(%dma_wait3A_72 : memref<125x64xf32, #tpu.memory_space<hbm>>) dst(%dma_wait3A_71 : memref<125x64xf32, #tpu.memory_space<vmem>>)
      tpu.yield
    }) : () -> ()
    "tpu.region"() ({
      %run_scoped3A = tpu.sem_alloc : memref<!tpu.dma_semaphore, #tpu.memory_space<semaphore_mem>>
      %dma_start3A = arith.constant 0 : i32
      %dma_start3A_59 = arith.constant 0 : i32
      %dma_start3A_60 = tpu.memref_slice %arg8[%dma_start3A, %dma_start3A_59] : memref<128x64xf32, #tpu.memory_space<vmem>> -> memref<125x64xf32, #tpu.memory_space<vmem>>
      %dma_start3A_61 = arith.constant 0 : i32
      %dma_start3A_62 = tpu.memref_slice %arg11[%add3A_24, %dma_start3A_61] : memref<10240x64xf32, #tpu.memory_space<vmem_shared>> -> memref<125x64xf32, #tpu.memory_space<vmem_shared>>
      %dma_start3A_63 = arith.constant 0 : i32
      %dma_start3A_64 = tpu.memref_slice %arg11[%add3A_24, %dma_start3A_63] : memref<10240x64xf32, #tpu.memory_space<vmem_shared>> -> memref<125x64xf32, #tpu.memory_space<vmem_shared>>
      %dma_start3A_65 = arith.constant 0 : i32
      %dma_start3A_66 = arith.constant 0 : i32
      %dma_start3A_67 = tpu.memref_slice %arg8[%dma_start3A_65, %dma_start3A_66] : memref<128x64xf32, #tpu.memory_space<vmem>> -> memref<125x64xf32, #tpu.memory_space<vmem>>
      tpu.enqueue_dma source(%dma_start3A_67 : memref<125x64xf32, #tpu.memory_space<vmem>>) target(%dma_start3A_64 : memref<125x64xf32, #tpu.memory_space<vmem_shared>>) target_semaphore(%run_scoped3A : memref<!tpu.dma_semaphore, #tpu.memory_space<semaphore_mem>>)
      %dma_wait3A = arith.constant 0 : i32
      %dma_wait3A_68 = arith.constant 0 : i32
      %dma_wait3A_69 = tpu.memref_slice %arg8[%dma_wait3A, %dma_wait3A_68] : memref<128x64xf32, #tpu.memory_space<vmem>> -> memref<125x64xf32, #tpu.memory_space<vmem>>
      %dma_wait3A_70 = arith.constant 0 : i32
      %dma_wait3A_71 = tpu.memref_slice %arg11[%add3A_24, %dma_wait3A_70] : memref<10240x64xf32, #tpu.memory_space<vmem_shared>> -> memref<125x64xf32, #tpu.memory_space<vmem_shared>>
      %dma_wait3A_72 = arith.constant 0 : i32
      %dma_wait3A_73 = tpu.memref_slice %arg11[%add3A_24, %dma_wait3A_72] : memref<10240x64xf32, #tpu.memory_space<vmem_shared>> -> memref<125x64xf32, #tpu.memory_space<vmem_shared>>
      %dma_wait3A_74 = arith.constant 0 : i32
      %dma_wait3A_75 = arith.constant 0 : i32
      %dma_wait3A_76 = tpu.memref_slice %arg8[%dma_wait3A_74, %dma_wait3A_75] : memref<128x64xf32, #tpu.memory_space<vmem>> -> memref<125x64xf32, #tpu.memory_space<vmem>>
      tpu.wait_dma2 semaphore(%run_scoped3A : memref<!tpu.dma_semaphore, #tpu.memory_space<semaphore_mem>>) src(%dma_wait3A_76 : memref<125x64xf32, #tpu.memory_space<vmem>>) dst(%dma_wait3A_73 : memref<125x64xf32, #tpu.memory_space<vmem_shared>>)
      tpu.yield
    }) : () -> ()
    %add3A_27 = arith.constant 250 : i32
    %add3A_28 = arith.addi %mul3A_18, %add3A_27 : i32
    %mul3A_29 = arith.constant 64 : i32
    %mul3A_30 = arith.muli %arg0, %mul3A_29 : i32
    "tpu.region"() ({
      %run_scoped3A = tpu.sem_alloc : memref<!tpu.dma_semaphore, #tpu.memory_space<semaphore_mem>>
      %dma_start3A = arith.constant 0 : i32
      %dma_start3A_59 = arith.constant 0 : i32
      %dma_start3A_60 = tpu.memref_slice %arg8[%dma_start3A, %dma_start3A_59] : memref<128x64xf32, #tpu.memory_space<vmem>> -> memref<125x64xf32, #tpu.memory_space<vmem>>
      %dma_start3A_61 = tpu.memref_slice %arg2[%add3A_28, %mul3A_30] : memref<10000x128xf32, #tpu.memory_space<hbm>> -> memref<125x64xf32, #tpu.memory_space<hbm>>
      %dma_start3A_62 = arith.constant 0 : i32
      %dma_start3A_63 = arith.constant 0 : i32
      %dma_start3A_64 = tpu.memref_slice %arg8[%dma_start3A_62, %dma_start3A_63] : memref<128x64xf32, #tpu.memory_space<vmem>> -> memref<125x64xf32, #tpu.memory_space<vmem>>
      %dma_start3A_65 = tpu.memref_slice %arg2[%add3A_28, %mul3A_30] : memref<10000x128xf32, #tpu.memory_space<hbm>> -> memref<125x64xf32, #tpu.memory_space<hbm>>
      tpu.enqueue_dma source(%dma_start3A_65 : memref<125x64xf32, #tpu.memory_space<hbm>>) target(%dma_start3A_64 : memref<125x64xf32, #tpu.memory_space<vmem>>) target_semaphore(%run_scoped3A : memref<!tpu.dma_semaphore, #tpu.memory_space<semaphore_mem>>)
      %dma_wait3A = arith.constant 0 : i32
      %dma_wait3A_66 = arith.constant 0 : i32
      %dma_wait3A_67 = tpu.memref_slice %arg8[%dma_wait3A, %dma_wait3A_66] : memref<128x64xf32, #tpu.memory_space<vmem>> -> memref<125x64xf32, #tpu.memory_space<vmem>>
      %dma_wait3A_68 = tpu.memref_slice %arg2[%add3A_28, %mul3A_30] : memref<10000x128xf32, #tpu.memory_space<hbm>> -> memref<125x64xf32, #tpu.memory_space<hbm>>
      %dma_wait3A_69 = arith.constant 0 : i32
      %dma_wait3A_70 = arith.constant 0 : i32
      %dma_wait3A_71 = tpu.memref_slice %arg8[%dma_wait3A_69, %dma_wait3A_70] : memref<128x64xf32, #tpu.memory_space<vmem>> -> memref<125x64xf32, #tpu.memory_space<vmem>>
      %dma_wait3A_72 = tpu.memref_slice %arg2[%add3A_28, %mul3A_30] : memref<10000x128xf32, #tpu.memory_space<hbm>> -> memref<125x64xf32, #tpu.memory_space<hbm>>
      tpu.wait_dma2 semaphore(%run_scoped3A : memref<!tpu.dma_semaphore, #tpu.memory_space<semaphore_mem>>) src(%dma_wait3A_72 : memref<125x64xf32, #tpu.memory_space<hbm>>) dst(%dma_wait3A_71 : memref<125x64xf32, #tpu.memory_space<vmem>>)
      tpu.yield
    }) : () -> ()
    "tpu.region"() ({
      %run_scoped3A = tpu.sem_alloc : memref<!tpu.dma_semaphore, #tpu.memory_space<semaphore_mem>>
      %dma_start3A = arith.constant 0 : i32
      %dma_start3A_59 = arith.constant 0 : i32
      %dma_start3A_60 = tpu.memref_slice %arg8[%dma_start3A, %dma_start3A_59] : memref<128x64xf32, #tpu.memory_space<vmem>> -> memref<125x64xf32, #tpu.memory_space<vmem>>
      %dma_start3A_61 = arith.constant 0 : i32
      %dma_start3A_62 = tpu.memref_slice %arg11[%add3A_28, %dma_start3A_61] : memref<10240x64xf32, #tpu.memory_space<vmem_shared>> -> memref<125x64xf32, #tpu.memory_space<vmem_shared>>
      %dma_start3A_63 = arith.constant 0 : i32
      %dma_start3A_64 = tpu.memref_slice %arg11[%add3A_28, %dma_start3A_63] : memref<10240x64xf32, #tpu.memory_space<vmem_shared>> -> memref<125x64xf32, #tpu.memory_space<vmem_shared>>
      %dma_start3A_65 = arith.constant 0 : i32
      %dma_start3A_66 = arith.constant 0 : i32
      %dma_start3A_67 = tpu.memref_slice %arg8[%dma_start3A_65, %dma_start3A_66] : memref<128x64xf32, #tpu.memory_space<vmem>> -> memref<125x64xf32, #tpu.memory_space<vmem>>
      tpu.enqueue_dma source(%dma_start3A_67 : memref<125x64xf32, #tpu.memory_space<vmem>>) target(%dma_start3A_64 : memref<125x64xf32, #tpu.memory_space<vmem_shared>>) target_semaphore(%run_scoped3A : memref<!tpu.dma_semaphore, #tpu.memory_space<semaphore_mem>>)
      %dma_wait3A = arith.constant 0 : i32
      %dma_wait3A_68 = arith.constant 0 : i32
      %dma_wait3A_69 = tpu.memref_slice %arg8[%dma_wait3A, %dma_wait3A_68] : memref<128x64xf32, #tpu.memory_space<vmem>> -> memref<125x64xf32, #tpu.memory_space<vmem>>
      %dma_wait3A_70 = arith.constant 0 : i32
      %dma_wait3A_71 = tpu.memref_slice %arg11[%add3A_28, %dma_wait3A_70] : memref<10240x64xf32, #tpu.memory_space<vmem_shared>> -> memref<125x64xf32, #tpu.memory_space<vmem_shared>>
      %dma_wait3A_72 = arith.constant 0 : i32
      %dma_wait3A_73 = tpu.memref_slice %arg11[%add3A_28, %dma_wait3A_72] : memref<10240x64xf32, #tpu.memory_space<vmem_shared>> -> memref<125x64xf32, #tpu.memory_space<vmem_shared>>
      %dma_wait3A_74 = arith.constant 0 : i32
      %dma_wait3A_75 = arith.constant 0 : i32
      %dma_wait3A_76 = tpu.memref_slice %arg8[%dma_wait3A_74, %dma_wait3A_75] : memref<128x64xf32, #tpu.memory_space<vmem>> -> memref<125x64xf32, #tpu.memory_space<vmem>>
      tpu.wait_dma2 semaphore(%run_scoped3A : memref<!tpu.dma_semaphore, #tpu.memory_space<semaphore_mem>>) src(%dma_wait3A_76 : memref<125x64xf32, #tpu.memory_space<vmem>>) dst(%dma_wait3A_73 : memref<125x64xf32, #tpu.memory_space<vmem_shared>>)
      tpu.yield
    }) : () -> ()
    %add3A_31 = arith.constant 375 : i32
    %add3A_32 = arith.addi %mul3A_18, %add3A_31 : i32
    %mul3A_33 = arith.constant 64 : i32
    %mul3A_34 = arith.muli %arg0, %mul3A_33 : i32
    "tpu.region"() ({
      %run_scoped3A = tpu.sem_alloc : memref<!tpu.dma_semaphore, #tpu.memory_space<semaphore_mem>>
      %dma_start3A = arith.constant 0 : i32
      %dma_start3A_59 = arith.constant 0 : i32
      %dma_start3A_60 = tpu.memref_slice %arg8[%dma_start3A, %dma_start3A_59] : memref<128x64xf32, #tpu.memory_space<vmem>> -> memref<125x64xf32, #tpu.memory_space<vmem>>
      %dma_start3A_61 = tpu.memref_slice %arg2[%add3A_32, %mul3A_34] : memref<10000x128xf32, #tpu.memory_space<hbm>> -> memref<125x64xf32, #tpu.memory_space<hbm>>
      %dma_start3A_62 = arith.constant 0 : i32
      %dma_start3A_63 = arith.constant 0 : i32
      %dma_start3A_64 = tpu.memref_slice %arg8[%dma_start3A_62, %dma_start3A_63] : memref<128x64xf32, #tpu.memory_space<vmem>> -> memref<125x64xf32, #tpu.memory_space<vmem>>
      %dma_start3A_65 = tpu.memref_slice %arg2[%add3A_32, %mul3A_34] : memref<10000x128xf32, #tpu.memory_space<hbm>> -> memref<125x64xf32, #tpu.memory_space<hbm>>
      tpu.enqueue_dma source(%dma_start3A_65 : memref<125x64xf32, #tpu.memory_space<hbm>>) target(%dma_start3A_64 : memref<125x64xf32, #tpu.memory_space<vmem>>) target_semaphore(%run_scoped3A : memref<!tpu.dma_semaphore, #tpu.memory_space<semaphore_mem>>)
      %dma_wait3A = arith.constant 0 : i32
      %dma_wait3A_66 = arith.constant 0 : i32
      %dma_wait3A_67 = tpu.memref_slice %arg8[%dma_wait3A, %dma_wait3A_66] : memref<128x64xf32, #tpu.memory_space<vmem>> -> memref<125x64xf32, #tpu.memory_space<vmem>>
      %dma_wait3A_68 = tpu.memref_slice %arg2[%add3A_32, %mul3A_34] : memref<10000x128xf32, #tpu.memory_space<hbm>> -> memref<125x64xf32, #tpu.memory_space<hbm>>
      %dma_wait3A_69 = arith.constant 0 : i32
      %dma_wait3A_70 = arith.constant 0 : i32
      %dma_wait3A_71 = tpu.memref_slice %arg8[%dma_wait3A_69, %dma_wait3A_70] : memref<128x64xf32, #tpu.memory_space<vmem>> -> memref<125x64xf32, #tpu.memory_space<vmem>>
      %dma_wait3A_72 = tpu.memref_slice %arg2[%add3A_32, %mul3A_34] : memref<10000x128xf32, #tpu.memory_space<hbm>> -> memref<125x64xf32, #tpu.memory_space<hbm>>
      tpu.wait_dma2 semaphore(%run_scoped3A : memref<!tpu.dma_semaphore, #tpu.memory_space<semaphore_mem>>) src(%dma_wait3A_72 : memref<125x64xf32, #tpu.memory_space<hbm>>) dst(%dma_wait3A_71 : memref<125x64xf32, #tpu.memory_space<vmem>>)
      tpu.yield
    }) : () -> ()
    "tpu.region"() ({
      %run_scoped3A = tpu.sem_alloc : memref<!tpu.dma_semaphore, #tpu.memory_space<semaphore_mem>>
      %dma_start3A = arith.constant 0 : i32
      %dma_start3A_59 = arith.constant 0 : i32
      %dma_start3A_60 = tpu.memref_slice %arg8[%dma_start3A, %dma_start3A_59] : memref<128x64xf32, #tpu.memory_space<vmem>> -> memref<125x64xf32, #tpu.memory_space<vmem>>
      %dma_start3A_61 = arith.constant 0 : i32
      %dma_start3A_62 = tpu.memref_slice %arg11[%add3A_32, %dma_start3A_61] : memref<10240x64xf32, #tpu.memory_space<vmem_shared>> -> memref<125x64xf32, #tpu.memory_space<vmem_shared>>
      %dma_start3A_63 = arith.constant 0 : i32
      %dma_start3A_64 = tpu.memref_slice %arg11[%add3A_32, %dma_start3A_63] : memref<10240x64xf32, #tpu.memory_space<vmem_shared>> -> memref<125x64xf32, #tpu.memory_space<vmem_shared>>
      %dma_start3A_65 = arith.constant 0 : i32
      %dma_start3A_66 = arith.constant 0 : i32
      %dma_start3A_67 = tpu.memref_slice %arg8[%dma_start3A_65, %dma_start3A_66] : memref<128x64xf32, #tpu.memory_space<vmem>> -> memref<125x64xf32, #tpu.memory_space<vmem>>
      tpu.enqueue_dma source(%dma_start3A_67 : memref<125x64xf32, #tpu.memory_space<vmem>>) target(%dma_start3A_64 : memref<125x64xf32, #tpu.memory_space<vmem_shared>>) target_semaphore(%run_scoped3A : memref<!tpu.dma_semaphore, #tpu.memory_space<semaphore_mem>>)
      %dma_wait3A = arith.constant 0 : i32
      %dma_wait3A_68 = arith.constant 0 : i32
      %dma_wait3A_69 = tpu.memref_slice %arg8[%dma_wait3A, %dma_wait3A_68] : memref<128x64xf32, #tpu.memory_space<vmem>> -> memref<125x64xf32, #tpu.memory_space<vmem>>
      %dma_wait3A_70 = arith.constant 0 : i32
      %dma_wait3A_71 = tpu.memref_slice %arg11[%add3A_32, %dma_wait3A_70] : memref<10240x64xf32, #tpu.memory_space<vmem_shared>> -> memref<125x64xf32, #tpu.memory_space<vmem_shared>>
      %dma_wait3A_72 = arith.constant 0 : i32
      %dma_wait3A_73 = tpu.memref_slice %arg11[%add3A_32, %dma_wait3A_72] : memref<10240x64xf32, #tpu.memory_space<vmem_shared>> -> memref<125x64xf32, #tpu.memory_space<vmem_shared>>
      %dma_wait3A_74 = arith.constant 0 : i32
      %dma_wait3A_75 = arith.constant 0 : i32
      %dma_wait3A_76 = tpu.memref_slice %arg8[%dma_wait3A_74, %dma_wait3A_75] : memref<128x64xf32, #tpu.memory_space<vmem>> -> memref<125x64xf32, #tpu.memory_space<vmem>>
      tpu.wait_dma2 semaphore(%run_scoped3A : memref<!tpu.dma_semaphore, #tpu.memory_space<semaphore_mem>>) src(%dma_wait3A_76 : memref<125x64xf32, #tpu.memory_space<vmem>>) dst(%dma_wait3A_73 : memref<125x64xf32, #tpu.memory_space<vmem_shared>>)
      tpu.yield
    }) : () -> ()
    %add3A_35 = arith.constant 500 : i32
    %add3A_36 = arith.addi %mul3A_18, %add3A_35 : i32
    %mul3A_37 = arith.constant 64 : i32
    %mul3A_38 = arith.muli %arg0, %mul3A_37 : i32
    "tpu.region"() ({
      %run_scoped3A = tpu.sem_alloc : memref<!tpu.dma_semaphore, #tpu.memory_space<semaphore_mem>>
      %dma_start3A = arith.constant 0 : i32
      %dma_start3A_59 = arith.constant 0 : i32
      %dma_start3A_60 = tpu.memref_slice %arg8[%dma_start3A, %dma_start3A_59] : memref<128x64xf32, #tpu.memory_space<vmem>> -> memref<125x64xf32, #tpu.memory_space<vmem>>
      %dma_start3A_61 = tpu.memref_slice %arg2[%add3A_36, %mul3A_38] : memref<10000x128xf32, #tpu.memory_space<hbm>> -> memref<125x64xf32, #tpu.memory_space<hbm>>
      %dma_start3A_62 = arith.constant 0 : i32
      %dma_start3A_63 = arith.constant 0 : i32
      %dma_start3A_64 = tpu.memref_slice %arg8[%dma_start3A_62, %dma_start3A_63] : memref<128x64xf32, #tpu.memory_space<vmem>> -> memref<125x64xf32, #tpu.memory_space<vmem>>
      %dma_start3A_65 = tpu.memref_slice %arg2[%add3A_36, %mul3A_38] : memref<10000x128xf32, #tpu.memory_space<hbm>> -> memref<125x64xf32, #tpu.memory_space<hbm>>
      tpu.enqueue_dma source(%dma_start3A_65 : memref<125x64xf32, #tpu.memory_space<hbm>>) target(%dma_start3A_64 : memref<125x64xf32, #tpu.memory_space<vmem>>) target_semaphore(%run_scoped3A : memref<!tpu.dma_semaphore, #tpu.memory_space<semaphore_mem>>)
      %dma_wait3A = arith.constant 0 : i32
      %dma_wait3A_66 = arith.constant 0 : i32
      %dma_wait3A_67 = tpu.memref_slice %arg8[%dma_wait3A, %dma_wait3A_66] : memref<128x64xf32, #tpu.memory_space<vmem>> -> memref<125x64xf32, #tpu.memory_space<vmem>>
      %dma_wait3A_68 = tpu.memref_slice %arg2[%add3A_36, %mul3A_38] : memref<10000x128xf32, #tpu.memory_space<hbm>> -> memref<125x64xf32, #tpu.memory_space<hbm>>
      %dma_wait3A_69 = arith.constant 0 : i32
      %dma_wait3A_70 = arith.constant 0 : i32
      %dma_wait3A_71 = tpu.memref_slice %arg8[%dma_wait3A_69, %dma_wait3A_70] : memref<128x64xf32, #tpu.memory_space<vmem>> -> memref<125x64xf32, #tpu.memory_space<vmem>>
      %dma_wait3A_72 = tpu.memref_slice %arg2[%add3A_36, %mul3A_38] : memref<10000x128xf32, #tpu.memory_space<hbm>> -> memref<125x64xf32, #tpu.memory_space<hbm>>
      tpu.wait_dma2 semaphore(%run_scoped3A : memref<!tpu.dma_semaphore, #tpu.memory_space<semaphore_mem>>) src(%dma_wait3A_72 : memref<125x64xf32, #tpu.memory_space<hbm>>) dst(%dma_wait3A_71 : memref<125x64xf32, #tpu.memory_space<vmem>>)
      tpu.yield
    }) : () -> ()
    "tpu.region"() ({
      %run_scoped3A = tpu.sem_alloc : memref<!tpu.dma_semaphore, #tpu.memory_space<semaphore_mem>>
      %dma_start3A = arith.constant 0 : i32
      %dma_start3A_59 = arith.constant 0 : i32
      %dma_start3A_60 = tpu.memref_slice %arg8[%dma_start3A, %dma_start3A_59] : memref<128x64xf32, #tpu.memory_space<vmem>> -> memref<125x64xf32, #tpu.memory_space<vmem>>
      %dma_start3A_61 = arith.constant 0 : i32
      %dma_start3A_62 = tpu.memref_slice %arg11[%add3A_36, %dma_start3A_61] : memref<10240x64xf32, #tpu.memory_space<vmem_shared>> -> memref<125x64xf32, #tpu.memory_space<vmem_shared>>
      %dma_start3A_63 = arith.constant 0 : i32
      %dma_start3A_64 = tpu.memref_slice %arg11[%add3A_36, %dma_start3A_63] : memref<10240x64xf32, #tpu.memory_space<vmem_shared>> -> memref<125x64xf32, #tpu.memory_space<vmem_shared>>
      %dma_start3A_65 = arith.constant 0 : i32
      %dma_start3A_66 = arith.constant 0 : i32
      %dma_start3A_67 = tpu.memref_slice %arg8[%dma_start3A_65, %dma_start3A_66] : memref<128x64xf32, #tpu.memory_space<vmem>> -> memref<125x64xf32, #tpu.memory_space<vmem>>
      tpu.enqueue_dma source(%dma_start3A_67 : memref<125x64xf32, #tpu.memory_space<vmem>>) target(%dma_start3A_64 : memref<125x64xf32, #tpu.memory_space<vmem_shared>>) target_semaphore(%run_scoped3A : memref<!tpu.dma_semaphore, #tpu.memory_space<semaphore_mem>>)
      %dma_wait3A = arith.constant 0 : i32
      %dma_wait3A_68 = arith.constant 0 : i32
      %dma_wait3A_69 = tpu.memref_slice %arg8[%dma_wait3A, %dma_wait3A_68] : memref<128x64xf32, #tpu.memory_space<vmem>> -> memref<125x64xf32, #tpu.memory_space<vmem>>
      %dma_wait3A_70 = arith.constant 0 : i32
      %dma_wait3A_71 = tpu.memref_slice %arg11[%add3A_36, %dma_wait3A_70] : memref<10240x64xf32, #tpu.memory_space<vmem_shared>> -> memref<125x64xf32, #tpu.memory_space<vmem_shared>>
      %dma_wait3A_72 = arith.constant 0 : i32
      %dma_wait3A_73 = tpu.memref_slice %arg11[%add3A_36, %dma_wait3A_72] : memref<10240x64xf32, #tpu.memory_space<vmem_shared>> -> memref<125x64xf32, #tpu.memory_space<vmem_shared>>
      %dma_wait3A_74 = arith.constant 0 : i32
      %dma_wait3A_75 = arith.constant 0 : i32
      %dma_wait3A_76 = tpu.memref_slice %arg8[%dma_wait3A_74, %dma_wait3A_75] : memref<128x64xf32, #tpu.memory_space<vmem>> -> memref<125x64xf32, #tpu.memory_space<vmem>>
      tpu.wait_dma2 semaphore(%run_scoped3A : memref<!tpu.dma_semaphore, #tpu.memory_space<semaphore_mem>>) src(%dma_wait3A_76 : memref<125x64xf32, #tpu.memory_space<vmem>>) dst(%dma_wait3A_73 : memref<125x64xf32, #tpu.memory_space<vmem_shared>>)
      tpu.yield
    }) : () -> ()
    %barrier3A = arith.constant 0 : index
    tpu.barrier barrier_id(%barrier3A)
    %scan3A_39 = arith.constant 0 : i32
    %scan3A_40 = arith.constant 0 : i32
    %scan3A_41 = arith.constant 20 : i32
    %scan3A_42 = arith.addi %scan3A_40, %scan3A_41 : i32
    %scan3A_43 = arith.constant 1 : i32
    %scan3A_44 = scf.for %scan3A_59 = %scan3A_40 to %scan3A_42 step %scan3A_43 iter_args(%scan3A_60 = %scan3A_39) -> (i32)  : i32 {
      "tpu.region"() ({
        %run_scoped3A = tpu.sem_alloc : memref<!tpu.dma_semaphore, #tpu.memory_space<semaphore_mem>>
        %dma_start3A_284 = arith.constant 0 : i32
        %dma_start3A_285 = arith.constant 0 : i32
        %dma_start3A_286 = tpu.memref_slice %arg3[%arg1, %scan3A_59, %dma_start3A_284, %dma_start3A_285] : memref<16x20x8x128xi32, #tpu.memory_space<hbm>> -> memref<1x1x8x128xi32, #tpu.memory_space<hbm>>
        %dma_start3A_287 = tpu.memref_squeeze %dma_start3A_286 : memref<1x1x8x128xi32, #tpu.memory_space<hbm>> -> memref<8x128xi32, #tpu.memory_space<hbm>>
        %dma_start3A_288 = arith.constant 0 : i32
        %dma_start3A_289 = arith.constant 0 : i32
        %dma_start3A_290 = tpu.memref_slice %arg3[%arg1, %scan3A_59, %dma_start3A_288, %dma_start3A_289] : memref<16x20x8x128xi32, #tpu.memory_space<hbm>> -> memref<1x1x8x128xi32, #tpu.memory_space<hbm>>
        %dma_start3A_291 = tpu.memref_squeeze %dma_start3A_290 : memref<1x1x8x128xi32, #tpu.memory_space<hbm>> -> memref<8x128xi32, #tpu.memory_space<hbm>>
        tpu.enqueue_dma source(%dma_start3A_291 : memref<8x128xi32, #tpu.memory_space<hbm>>) target(%arg6 : memref<8x128xi32, #tpu.memory_space<vmem>>) target_semaphore(%run_scoped3A : memref<!tpu.dma_semaphore, #tpu.memory_space<semaphore_mem>>)
        %dma_wait3A_292 = arith.constant 0 : i32
        %dma_wait3A_293 = arith.constant 0 : i32
        %dma_wait3A_294 = tpu.memref_slice %arg3[%arg1, %scan3A_59, %dma_wait3A_292, %dma_wait3A_293] : memref<16x20x8x128xi32, #tpu.memory_space<hbm>> -> memref<1x1x8x128xi32, #tpu.memory_space<hbm>>
        %dma_wait3A_295 = tpu.memref_squeeze %dma_wait3A_294 : memref<1x1x8x128xi32, #tpu.memory_space<hbm>> -> memref<8x128xi32, #tpu.memory_space<hbm>>
        %dma_wait3A_296 = arith.constant 0 : i32
        %dma_wait3A_297 = arith.constant 0 : i32
        %dma_wait3A_298 = tpu.memref_slice %arg3[%arg1, %scan3A_59, %dma_wait3A_296, %dma_wait3A_297] : memref<16x20x8x128xi32, #tpu.memory_space<hbm>> -> memref<1x1x8x128xi32, #tpu.memory_space<hbm>>
        %dma_wait3A_299 = tpu.memref_squeeze %dma_wait3A_298 : memref<1x1x8x128xi32, #tpu.memory_space<hbm>> -> memref<8x128xi32, #tpu.memory_space<hbm>>
        tpu.wait_dma2 semaphore(%run_scoped3A : memref<!tpu.dma_semaphore, #tpu.memory_space<semaphore_mem>>) src(%dma_wait3A_299 : memref<8x128xi32, #tpu.memory_space<hbm>>) dst(%arg6 : memref<8x128xi32, #tpu.memory_space<vmem>>)
        tpu.yield
      }) : () -> ()
      "tpu.region"() ({
        %run_scoped3A = tpu.sem_alloc : memref<!tpu.dma_semaphore, #tpu.memory_space<semaphore_mem>>
        %dma_start3A_284 = arith.constant 0 : i32
        %dma_start3A_285 = arith.constant 0 : i32
        %dma_start3A_286 = tpu.memref_slice %arg4[%arg1, %scan3A_59, %dma_start3A_284, %dma_start3A_285] : memref<16x20x8x128xi32, #tpu.memory_space<hbm>> -> memref<1x1x8x128xi32, #tpu.memory_space<hbm>>
        %dma_start3A_287 = tpu.memref_squeeze %dma_start3A_286 : memref<1x1x8x128xi32, #tpu.memory_space<hbm>> -> memref<8x128xi32, #tpu.memory_space<hbm>>
        %dma_start3A_288 = arith.constant 0 : i32
        %dma_start3A_289 = arith.constant 0 : i32
        %dma_start3A_290 = tpu.memref_slice %arg4[%arg1, %scan3A_59, %dma_start3A_288, %dma_start3A_289] : memref<16x20x8x128xi32, #tpu.memory_space<hbm>> -> memref<1x1x8x128xi32, #tpu.memory_space<hbm>>
        %dma_start3A_291 = tpu.memref_squeeze %dma_start3A_290 : memref<1x1x8x128xi32, #tpu.memory_space<hbm>> -> memref<8x128xi32, #tpu.memory_space<hbm>>
        tpu.enqueue_dma source(%dma_start3A_291 : memref<8x128xi32, #tpu.memory_space<hbm>>) target(%arg7 : memref<8x128xi32, #tpu.memory_space<vmem>>) target_semaphore(%run_scoped3A : memref<!tpu.dma_semaphore, #tpu.memory_space<semaphore_mem>>)
        %dma_wait3A_292 = arith.constant 0 : i32
        %dma_wait3A_293 = arith.constant 0 : i32
        %dma_wait3A_294 = tpu.memref_slice %arg4[%arg1, %scan3A_59, %dma_wait3A_292, %dma_wait3A_293] : memref<16x20x8x128xi32, #tpu.memory_space<hbm>> -> memref<1x1x8x128xi32, #tpu.memory_space<hbm>>
        %dma_wait3A_295 = tpu.memref_squeeze %dma_wait3A_294 : memref<1x1x8x128xi32, #tpu.memory_space<hbm>> -> memref<8x128xi32, #tpu.memory_space<hbm>>
        %dma_wait3A_296 = arith.constant 0 : i32
        %dma_wait3A_297 = arith.constant 0 : i32
        %dma_wait3A_298 = tpu.memref_slice %arg4[%arg1, %scan3A_59, %dma_wait3A_296, %dma_wait3A_297] : memref<16x20x8x128xi32, #tpu.memory_space<hbm>> -> memref<1x1x8x128xi32, #tpu.memory_space<hbm>>
        %dma_wait3A_299 = tpu.memref_squeeze %dma_wait3A_298 : memref<1x1x8x128xi32, #tpu.memory_space<hbm>> -> memref<8x128xi32, #tpu.memory_space<hbm>>
        tpu.wait_dma2 semaphore(%run_scoped3A : memref<!tpu.dma_semaphore, #tpu.memory_space<semaphore_mem>>) src(%dma_wait3A_299 : memref<8x128xi32, #tpu.memory_space<hbm>>) dst(%arg7 : memref<8x128xi32, #tpu.memory_space<vmem>>)
        tpu.yield
      }) : () -> ()
      %dma_start3A = arith.constant 0 : i32
      %dma_start3A_61 = arith.constant 0 : i32
      %dma_start3A_62 = tpu.memref_slice %arg6[%dma_start3A, %dma_start3A_61] : memref<8x128xi32, #tpu.memory_space<vmem>> -> memref<1x128xi32, #tpu.memory_space<vmem>>
      %dma_start3A_63 = tpu.memref_squeeze %dma_start3A_62 : memref<1x128xi32, #tpu.memory_space<vmem>> -> memref<128xi32, #tpu.memory_space<vmem>>
      %dma_start3A_64 = arith.constant 0 : i32
      %dma_start3A_65 = arith.constant 0 : i32
      %dma_start3A_66 = tpu.memref_slice %arg11[%dma_start3A_64, %dma_start3A_65] : memref<10240x64xf32, #tpu.memory_space<vmem_shared>> -> memref<10240x64xf32, #tpu.memory_space<vmem_shared>>
      tpu.enqueue_indirect_dma source(%dma_start3A_66 : memref<10240x64xf32, #tpu.memory_space<vmem_shared>>) target(%arg8 : memref<128x64xf32, #tpu.memory_space<vmem>>) offsets(%dma_start3A_63 : memref<128xi32, #tpu.memory_space<vmem>>) semaphore(%arg16 : memref<!tpu.dma_semaphore, #tpu.memory_space<semaphore_mem>>)
      %dma_start3A_67 = arith.constant 1 : i32
      %dma_start3A_68 = arith.constant 0 : i32
      %dma_start3A_69 = tpu.memref_slice %arg6[%dma_start3A_67, %dma_start3A_68] : memref<8x128xi32, #tpu.memory_space<vmem>> -> memref<1x128xi32, #tpu.memory_space<vmem>>
      %dma_start3A_70 = tpu.memref_squeeze %dma_start3A_69 : memref<1x128xi32, #tpu.memory_space<vmem>> -> memref<128xi32, #tpu.memory_space<vmem>>
      %dma_start3A_71 = arith.constant 0 : i32
      %dma_start3A_72 = arith.constant 0 : i32
      %dma_start3A_73 = tpu.memref_slice %arg11[%dma_start3A_71, %dma_start3A_72] : memref<10240x64xf32, #tpu.memory_space<vmem_shared>> -> memref<10240x64xf32, #tpu.memory_space<vmem_shared>>
      tpu.enqueue_indirect_dma source(%dma_start3A_73 : memref<10240x64xf32, #tpu.memory_space<vmem_shared>>) target(%arg9 : memref<128x64xf32, #tpu.memory_space<vmem>>) offsets(%dma_start3A_70 : memref<128xi32, #tpu.memory_space<vmem>>) semaphore(%arg17 : memref<!tpu.dma_semaphore, #tpu.memory_space<semaphore_mem>>)
      %dma_wait3A = arith.constant 0 : i32
      %dma_wait3A_74 = arith.constant 0 : i32
      %dma_wait3A_75 = tpu.memref_slice %arg6[%dma_wait3A, %dma_wait3A_74] : memref<8x128xi32, #tpu.memory_space<vmem>> -> memref<1x128xi32, #tpu.memory_space<vmem>>
      %dma_wait3A_76 = tpu.memref_squeeze %dma_wait3A_75 : memref<1x128xi32, #tpu.memory_space<vmem>> -> memref<128xi32, #tpu.memory_space<vmem>>
      %dma_wait3A_77 = arith.constant 0 : i32
      %dma_wait3A_78 = arith.constant 0 : i32
      %dma_wait3A_79 = tpu.memref_slice %arg11[%dma_wait3A_77, %dma_wait3A_78] : memref<10240x64xf32, #tpu.memory_space<vmem_shared>> -> memref<10240x64xf32, #tpu.memory_space<vmem_shared>>
      tpu.wait_indirect_dma semaphore(%arg16 : memref<!tpu.dma_semaphore, #tpu.memory_space<semaphore_mem>>) src(%dma_wait3A_79 : memref<10240x64xf32, #tpu.memory_space<vmem_shared>>) dst(%arg8 : memref<128x64xf32, #tpu.memory_space<vmem>>)
      %dma_start3A_80 = arith.constant 0 : i32
      %dma_start3A_81 = arith.constant 0 : i32
      %dma_start3A_82 = tpu.memref_slice %arg7[%dma_start3A_80, %dma_start3A_81] : memref<8x128xi32, #tpu.memory_space<vmem>> -> memref<1x128xi32, #tpu.memory_space<vmem>>
      %dma_start3A_83 = tpu.memref_squeeze %dma_start3A_82 : memref<1x128xi32, #tpu.memory_space<vmem>> -> memref<128xi32, #tpu.memory_space<vmem>>
      %dma_start3A_84 = arith.constant 0 : i32
      %dma_start3A_85 = arith.constant 0 : i32
      %dma_start3A_86 = tpu.memref_slice %arg12[%dma_start3A_84, %dma_start3A_85] : memref<10240x64xf32, #tpu.memory_space<vmem_shared>> -> memref<10240x64xf32, #tpu.memory_space<vmem_shared>>
      tpu.enqueue_indirect_dma source(%arg8 : memref<128x64xf32, #tpu.memory_space<vmem>>) target(%dma_start3A_86 : memref<10240x64xf32, #tpu.memory_space<vmem_shared>>) offsets(%dma_start3A_83 : memref<128xi32, #tpu.memory_space<vmem>>) semaphore(%arg13 : memref<!tpu.dma_semaphore, #tpu.memory_space<semaphore_mem>>) {add = true}
      %dma_start3A_87 = arith.constant 2 : i32
      %dma_start3A_88 = arith.constant 0 : i32
      %dma_start3A_89 = tpu.memref_slice %arg6[%dma_start3A_87, %dma_start3A_88] : memref<8x128xi32, #tpu.memory_space<vmem>> -> memref<1x128xi32, #tpu.memory_space<vmem>>
      %dma_start3A_90 = tpu.memref_squeeze %dma_start3A_89 : memref<1x128xi32, #tpu.memory_space<vmem>> -> memref<128xi32, #tpu.memory_space<vmem>>
      %dma_start3A_91 = arith.constant 0 : i32
      %dma_start3A_92 = arith.constant 0 : i32
      %dma_start3A_93 = tpu.memref_slice %arg11[%dma_start3A_91, %dma_start3A_92] : memref<10240x64xf32, #tpu.memory_space<vmem_shared>> -> memref<10240x64xf32, #tpu.memory_space<vmem_shared>>
      tpu.enqueue_indirect_dma source(%dma_start3A_93 : memref<10240x64xf32, #tpu.memory_space<vmem_shared>>) target(%arg10 : memref<128x64xf32, #tpu.memory_space<vmem>>) offsets(%dma_start3A_90 : memref<128xi32, #tpu.memory_space<vmem>>) semaphore(%arg18 : memref<!tpu.dma_semaphore, #tpu.memory_space<semaphore_mem>>)
      %dma_wait3A_94 = arith.constant 1 : i32
      %dma_wait3A_95 = arith.constant 0 : i32
      %dma_wait3A_96 = tpu.memref_slice %arg6[%dma_wait3A_94, %dma_wait3A_95] : memref<8x128xi32, #tpu.memory_space<vmem>> -> memref<1x128xi32, #tpu.memory_space<vmem>>
      %dma_wait3A_97 = tpu.memref_squeeze %dma_wait3A_96 : memref<1x128xi32, #tpu.memory_space<vmem>> -> memref<128xi32, #tpu.memory_space<vmem>>
      %dma_wait3A_98 = arith.constant 0 : i32
      %dma_wait3A_99 = arith.constant 0 : i32
      %dma_wait3A_100 = tpu.memref_slice %arg11[%dma_wait3A_98, %dma_wait3A_99] : memref<10240x64xf32, #tpu.memory_space<vmem_shared>> -> memref<10240x64xf32, #tpu.memory_space<vmem_shared>>
      tpu.wait_indirect_dma semaphore(%arg17 : memref<!tpu.dma_semaphore, #tpu.memory_space<semaphore_mem>>) src(%dma_wait3A_100 : memref<10240x64xf32, #tpu.memory_space<vmem_shared>>) dst(%arg9 : memref<128x64xf32, #tpu.memory_space<vmem>>)
      %dma_start3A_101 = arith.constant 1 : i32
      %dma_start3A_102 = arith.constant 0 : i32
      %dma_start3A_103 = tpu.memref_slice %arg7[%dma_start3A_101, %dma_start3A_102] : memref<8x128xi32, #tpu.memory_space<vmem>> -> memref<1x128xi32, #tpu.memory_space<vmem>>
      %dma_start3A_104 = tpu.memref_squeeze %dma_start3A_103 : memref<1x128xi32, #tpu.memory_space<vmem>> -> memref<128xi32, #tpu.memory_space<vmem>>
      %dma_start3A_105 = arith.constant 0 : i32
      %dma_start3A_106 = arith.constant 0 : i32
      %dma_start3A_107 = tpu.memref_slice %arg12[%dma_start3A_105, %dma_start3A_106] : memref<10240x64xf32, #tpu.memory_space<vmem_shared>> -> memref<10240x64xf32, #tpu.memory_space<vmem_shared>>
      tpu.enqueue_indirect_dma source(%arg9 : memref<128x64xf32, #tpu.memory_space<vmem>>) target(%dma_start3A_107 : memref<10240x64xf32, #tpu.memory_space<vmem_shared>>) offsets(%dma_start3A_104 : memref<128xi32, #tpu.memory_space<vmem>>) semaphore(%arg14 : memref<!tpu.dma_semaphore, #tpu.memory_space<semaphore_mem>>) {add = true}
      %dma_wait3A_108 = arith.constant 0 : i32
      %dma_wait3A_109 = arith.constant 0 : i32
      %dma_wait3A_110 = tpu.memref_slice %arg7[%dma_wait3A_108, %dma_wait3A_109] : memref<8x128xi32, #tpu.memory_space<vmem>> -> memref<1x128xi32, #tpu.memory_space<vmem>>
      %dma_wait3A_111 = tpu.memref_squeeze %dma_wait3A_110 : memref<1x128xi32, #tpu.memory_space<vmem>> -> memref<128xi32, #tpu.memory_space<vmem>>
      %dma_wait3A_112 = arith.constant 0 : i32
      %dma_wait3A_113 = arith.constant 0 : i32
      %dma_wait3A_114 = tpu.memref_slice %arg12[%dma_wait3A_112, %dma_wait3A_113] : memref<10240x64xf32, #tpu.memory_space<vmem_shared>> -> memref<10240x64xf32, #tpu.memory_space<vmem_shared>>
      tpu.wait_indirect_dma semaphore(%arg13 : memref<!tpu.dma_semaphore, #tpu.memory_space<semaphore_mem>>) src(%arg8 : memref<128x64xf32, #tpu.memory_space<vmem>>) dst(%dma_wait3A_114 : memref<10240x64xf32, #tpu.memory_space<vmem_shared>>)
      %dma_start3A_115 = arith.constant 3 : i32
      %dma_start3A_116 = arith.constant 0 : i32
      %dma_start3A_117 = tpu.memref_slice %arg6[%dma_start3A_115, %dma_start3A_116] : memref<8x128xi32, #tpu.memory_space<vmem>> -> memref<1x128xi32, #tpu.memory_space<vmem>>
      %dma_start3A_118 = tpu.memref_squeeze %dma_start3A_117 : memref<1x128xi32, #tpu.memory_space<vmem>> -> memref<128xi32, #tpu.memory_space<vmem>>
      %dma_start3A_119 = arith.constant 0 : i32
      %dma_start3A_120 = arith.constant 0 : i32
      %dma_start3A_121 = tpu.memref_slice %arg11[%dma_start3A_119, %dma_start3A_120] : memref<10240x64xf32, #tpu.memory_space<vmem_shared>> -> memref<10240x64xf32, #tpu.memory_space<vmem_shared>>
      tpu.enqueue_indirect_dma source(%dma_start3A_121 : memref<10240x64xf32, #tpu.memory_space<vmem_shared>>) target(%arg8 : memref<128x64xf32, #tpu.memory_space<vmem>>) offsets(%dma_start3A_118 : memref<128xi32, #tpu.memory_space<vmem>>) semaphore(%arg16 : memref<!tpu.dma_semaphore, #tpu.memory_space<semaphore_mem>>)
      %dma_wait3A_122 = arith.constant 2 : i32
      %dma_wait3A_123 = arith.constant 0 : i32
      %dma_wait3A_124 = tpu.memref_slice %arg6[%dma_wait3A_122, %dma_wait3A_123] : memref<8x128xi32, #tpu.memory_space<vmem>> -> memref<1x128xi32, #tpu.memory_space<vmem>>
      %dma_wait3A_125 = tpu.memref_squeeze %dma_wait3A_124 : memref<1x128xi32, #tpu.memory_space<vmem>> -> memref<128xi32, #tpu.memory_space<vmem>>
      %dma_wait3A_126 = arith.constant 0 : i32
      %dma_wait3A_127 = arith.constant 0 : i32
      %dma_wait3A_128 = tpu.memref_slice %arg11[%dma_wait3A_126, %dma_wait3A_127] : memref<10240x64xf32, #tpu.memory_space<vmem_shared>> -> memref<10240x64xf32, #tpu.memory_space<vmem_shared>>
      tpu.wait_indirect_dma semaphore(%arg18 : memref<!tpu.dma_semaphore, #tpu.memory_space<semaphore_mem>>) src(%dma_wait3A_128 : memref<10240x64xf32, #tpu.memory_space<vmem_shared>>) dst(%arg10 : memref<128x64xf32, #tpu.memory_space<vmem>>)
      %dma_start3A_129 = arith.constant 2 : i32
      %dma_start3A_130 = arith.constant 0 : i32
      %dma_start3A_131 = tpu.memref_slice %arg7[%dma_start3A_129, %dma_start3A_130] : memref<8x128xi32, #tpu.memory_space<vmem>> -> memref<1x128xi32, #tpu.memory_space<vmem>>
      %dma_start3A_132 = tpu.memref_squeeze %dma_start3A_131 : memref<1x128xi32, #tpu.memory_space<vmem>> -> memref<128xi32, #tpu.memory_space<vmem>>
      %dma_start3A_133 = arith.constant 0 : i32
      %dma_start3A_134 = arith.constant 0 : i32
      %dma_start3A_135 = tpu.memref_slice %arg12[%dma_start3A_133, %dma_start3A_134] : memref<10240x64xf32, #tpu.memory_space<vmem_shared>> -> memref<10240x64xf32, #tpu.memory_space<vmem_shared>>
      tpu.enqueue_indirect_dma source(%arg10 : memref<128x64xf32, #tpu.memory_space<vmem>>) target(%dma_start3A_135 : memref<10240x64xf32, #tpu.memory_space<vmem_shared>>) offsets(%dma_start3A_132 : memref<128xi32, #tpu.memory_space<vmem>>) semaphore(%arg15 : memref<!tpu.dma_semaphore, #tpu.memory_space<semaphore_mem>>) {add = true}
      %dma_wait3A_136 = arith.constant 1 : i32
      %dma_wait3A_137 = arith.constant 0 : i32
      %dma_wait3A_138 = tpu.memref_slice %arg7[%dma_wait3A_136, %dma_wait3A_137] : memref<8x128xi32, #tpu.memory_space<vmem>> -> memref<1x128xi32, #tpu.memory_space<vmem>>
      %dma_wait3A_139 = tpu.memref_squeeze %dma_wait3A_138 : memref<1x128xi32, #tpu.memory_space<vmem>> -> memref<128xi32, #tpu.memory_space<vmem>>
      %dma_wait3A_140 = arith.constant 0 : i32
      %dma_wait3A_141 = arith.constant 0 : i32
      %dma_wait3A_142 = tpu.memref_slice %arg12[%dma_wait3A_140, %dma_wait3A_141] : memref<10240x64xf32, #tpu.memory_space<vmem_shared>> -> memref<10240x64xf32, #tpu.memory_space<vmem_shared>>
      tpu.wait_indirect_dma semaphore(%arg14 : memref<!tpu.dma_semaphore, #tpu.memory_space<semaphore_mem>>) src(%arg9 : memref<128x64xf32, #tpu.memory_space<vmem>>) dst(%dma_wait3A_142 : memref<10240x64xf32, #tpu.memory_space<vmem_shared>>)
      %dma_start3A_143 = arith.constant 4 : i32
      %dma_start3A_144 = arith.constant 0 : i32
      %dma_start3A_145 = tpu.memref_slice %arg6[%dma_start3A_143, %dma_start3A_144] : memref<8x128xi32, #tpu.memory_space<vmem>> -> memref<1x128xi32, #tpu.memory_space<vmem>>
      %dma_start3A_146 = tpu.memref_squeeze %dma_start3A_145 : memref<1x128xi32, #tpu.memory_space<vmem>> -> memref<128xi32, #tpu.memory_space<vmem>>
      %dma_start3A_147 = arith.constant 0 : i32
      %dma_start3A_148 = arith.constant 0 : i32
      %dma_start3A_149 = tpu.memref_slice %arg11[%dma_start3A_147, %dma_start3A_148] : memref<10240x64xf32, #tpu.memory_space<vmem_shared>> -> memref<10240x64xf32, #tpu.memory_space<vmem_shared>>
      tpu.enqueue_indirect_dma source(%dma_start3A_149 : memref<10240x64xf32, #tpu.memory_space<vmem_shared>>) target(%arg9 : memref<128x64xf32, #tpu.memory_space<vmem>>) offsets(%dma_start3A_146 : memref<128xi32, #tpu.memory_space<vmem>>) semaphore(%arg17 : memref<!tpu.dma_semaphore, #tpu.memory_space<semaphore_mem>>)
      %dma_wait3A_150 = arith.constant 3 : i32
      %dma_wait3A_151 = arith.constant 0 : i32
      %dma_wait3A_152 = tpu.memref_slice %arg6[%dma_wait3A_150, %dma_wait3A_151] : memref<8x128xi32, #tpu.memory_space<vmem>> -> memref<1x128xi32, #tpu.memory_space<vmem>>
      %dma_wait3A_153 = tpu.memref_squeeze %dma_wait3A_152 : memref<1x128xi32, #tpu.memory_space<vmem>> -> memref<128xi32, #tpu.memory_space<vmem>>
      %dma_wait3A_154 = arith.constant 0 : i32
      %dma_wait3A_155 = arith.constant 0 : i32
      %dma_wait3A_156 = tpu.memref_slice %arg11[%dma_wait3A_154, %dma_wait3A_155] : memref<10240x64xf32, #tpu.memory_space<vmem_shared>> -> memref<10240x64xf32, #tpu.memory_space<vmem_shared>>
      tpu.wait_indirect_dma semaphore(%arg16 : memref<!tpu.dma_semaphore, #tpu.memory_space<semaphore_mem>>) src(%dma_wait3A_156 : memref<10240x64xf32, #tpu.memory_space<vmem_shared>>) dst(%arg8 : memref<128x64xf32, #tpu.memory_space<vmem>>)
      %dma_start3A_157 = arith.constant 3 : i32
      %dma_start3A_158 = arith.constant 0 : i32
      %dma_start3A_159 = tpu.memref_slice %arg7[%dma_start3A_157, %dma_start3A_158] : memref<8x128xi32, #tpu.memory_space<vmem>> -> memref<1x128xi32, #tpu.memory_space<vmem>>
      %dma_start3A_160 = tpu.memref_squeeze %dma_start3A_159 : memref<1x128xi32, #tpu.memory_space<vmem>> -> memref<128xi32, #tpu.memory_space<vmem>>
      %dma_start3A_161 = arith.constant 0 : i32
      %dma_start3A_162 = arith.constant 0 : i32
      %dma_start3A_163 = tpu.memref_slice %arg12[%dma_start3A_161, %dma_start3A_162] : memref<10240x64xf32, #tpu.memory_space<vmem_shared>> -> memref<10240x64xf32, #tpu.memory_space<vmem_shared>>
      tpu.enqueue_indirect_dma source(%arg8 : memref<128x64xf32, #tpu.memory_space<vmem>>) target(%dma_start3A_163 : memref<10240x64xf32, #tpu.memory_space<vmem_shared>>) offsets(%dma_start3A_160 : memref<128xi32, #tpu.memory_space<vmem>>) semaphore(%arg13 : memref<!tpu.dma_semaphore, #tpu.memory_space<semaphore_mem>>) {add = true}
      %dma_wait3A_164 = arith.constant 2 : i32
      %dma_wait3A_165 = arith.constant 0 : i32
      %dma_wait3A_166 = tpu.memref_slice %arg7[%dma_wait3A_164, %dma_wait3A_165] : memref<8x128xi32, #tpu.memory_space<vmem>> -> memref<1x128xi32, #tpu.memory_space<vmem>>
      %dma_wait3A_167 = tpu.memref_squeeze %dma_wait3A_166 : memref<1x128xi32, #tpu.memory_space<vmem>> -> memref<128xi32, #tpu.memory_space<vmem>>
      %dma_wait3A_168 = arith.constant 0 : i32
      %dma_wait3A_169 = arith.constant 0 : i32
      %dma_wait3A_170 = tpu.memref_slice %arg12[%dma_wait3A_168, %dma_wait3A_169] : memref<10240x64xf32, #tpu.memory_space<vmem_shared>> -> memref<10240x64xf32, #tpu.memory_space<vmem_shared>>
      tpu.wait_indirect_dma semaphore(%arg15 : memref<!tpu.dma_semaphore, #tpu.memory_space<semaphore_mem>>) src(%arg10 : memref<128x64xf32, #tpu.memory_space<vmem>>) dst(%dma_wait3A_170 : memref<10240x64xf32, #tpu.memory_space<vmem_shared>>)
      %dma_start3A_171 = arith.constant 5 : i32
      %dma_start3A_172 = arith.constant 0 : i32
      %dma_start3A_173 = tpu.memref_slice %arg6[%dma_start3A_171, %dma_start3A_172] : memref<8x128xi32, #tpu.memory_space<vmem>> -> memref<1x128xi32, #tpu.memory_space<vmem>>
      %dma_start3A_174 = tpu.memref_squeeze %dma_start3A_173 : memref<1x128xi32, #tpu.memory_space<vmem>> -> memref<128xi32, #tpu.memory_space<vmem>>
      %dma_start3A_175 = arith.constant 0 : i32
      %dma_start3A_176 = arith.constant 0 : i32
      %dma_start3A_177 = tpu.memref_slice %arg11[%dma_start3A_175, %dma_start3A_176] : memref<10240x64xf32, #tpu.memory_space<vmem_shared>> -> memref<10240x64xf32, #tpu.memory_space<vmem_shared>>
      tpu.enqueue_indirect_dma source(%dma_start3A_177 : memref<10240x64xf32, #tpu.memory_space<vmem_shared>>) target(%arg10 : memref<128x64xf32, #tpu.memory_space<vmem>>) offsets(%dma_start3A_174 : memref<128xi32, #tpu.memory_space<vmem>>) semaphore(%arg18 : memref<!tpu.dma_semaphore, #tpu.memory_space<semaphore_mem>>)
      %dma_wait3A_178 = arith.constant 4 : i32
      %dma_wait3A_179 = arith.constant 0 : i32
      %dma_wait3A_180 = tpu.memref_slice %arg6[%dma_wait3A_178, %dma_wait3A_179] : memref<8x128xi32, #tpu.memory_space<vmem>> -> memref<1x128xi32, #tpu.memory_space<vmem>>
      %dma_wait3A_181 = tpu.memref_squeeze %dma_wait3A_180 : memref<1x128xi32, #tpu.memory_space<vmem>> -> memref<128xi32, #tpu.memory_space<vmem>>
      %dma_wait3A_182 = arith.constant 0 : i32
      %dma_wait3A_183 = arith.constant 0 : i32
      %dma_wait3A_184 = tpu.memref_slice %arg11[%dma_wait3A_182, %dma_wait3A_183] : memref<10240x64xf32, #tpu.memory_space<vmem_shared>> -> memref<10240x64xf32, #tpu.memory_space<vmem_shared>>
      tpu.wait_indirect_dma semaphore(%arg17 : memref<!tpu.dma_semaphore, #tpu.memory_space<semaphore_mem>>) src(%dma_wait3A_184 : memref<10240x64xf32, #tpu.memory_space<vmem_shared>>) dst(%arg9 : memref<128x64xf32, #tpu.memory_space<vmem>>)
      %dma_start3A_185 = arith.constant 4 : i32
      %dma_start3A_186 = arith.constant 0 : i32
      %dma_start3A_187 = tpu.memref_slice %arg7[%dma_start3A_185, %dma_start3A_186] : memref<8x128xi32, #tpu.memory_space<vmem>> -> memref<1x128xi32, #tpu.memory_space<vmem>>
      %dma_start3A_188 = tpu.memref_squeeze %dma_start3A_187 : memref<1x128xi32, #tpu.memory_space<vmem>> -> memref<128xi32, #tpu.memory_space<vmem>>
      %dma_start3A_189 = arith.constant 0 : i32
      %dma_start3A_190 = arith.constant 0 : i32
      %dma_start3A_191 = tpu.memref_slice %arg12[%dma_start3A_189, %dma_start3A_190] : memref<10240x64xf32, #tpu.memory_space<vmem_shared>> -> memref<10240x64xf32, #tpu.memory_space<vmem_shared>>
      tpu.enqueue_indirect_dma source(%arg9 : memref<128x64xf32, #tpu.memory_space<vmem>>) target(%dma_start3A_191 : memref<10240x64xf32, #tpu.memory_space<vmem_shared>>) offsets(%dma_start3A_188 : memref<128xi32, #tpu.memory_space<vmem>>) semaphore(%arg14 : memref<!tpu.dma_semaphore, #tpu.memory_space<semaphore_mem>>) {add = true}
      %dma_wait3A_192 = arith.constant 3 : i32
      %dma_wait3A_193 = arith.constant 0 : i32
      %dma_wait3A_194 = tpu.memref_slice %arg7[%dma_wait3A_192, %dma_wait3A_193] : memref<8x128xi32, #tpu.memory_space<vmem>> -> memref<1x128xi32, #tpu.memory_space<vmem>>
      %dma_wait3A_195 = tpu.memref_squeeze %dma_wait3A_194 : memref<1x128xi32, #tpu.memory_space<vmem>> -> memref<128xi32, #tpu.memory_space<vmem>>
      %dma_wait3A_196 = arith.constant 0 : i32
      %dma_wait3A_197 = arith.constant 0 : i32
      %dma_wait3A_198 = tpu.memref_slice %arg12[%dma_wait3A_196, %dma_wait3A_197] : memref<10240x64xf32, #tpu.memory_space<vmem_shared>> -> memref<10240x64xf32, #tpu.memory_space<vmem_shared>>
      tpu.wait_indirect_dma semaphore(%arg13 : memref<!tpu.dma_semaphore, #tpu.memory_space<semaphore_mem>>) src(%arg8 : memref<128x64xf32, #tpu.memory_space<vmem>>) dst(%dma_wait3A_198 : memref<10240x64xf32, #tpu.memory_space<vmem_shared>>)
      %dma_start3A_199 = arith.constant 6 : i32
      %dma_start3A_200 = arith.constant 0 : i32
      %dma_start3A_201 = tpu.memref_slice %arg6[%dma_start3A_199, %dma_start3A_200] : memref<8x128xi32, #tpu.memory_space<vmem>> -> memref<1x128xi32, #tpu.memory_space<vmem>>
      %dma_start3A_202 = tpu.memref_squeeze %dma_start3A_201 : memref<1x128xi32, #tpu.memory_space<vmem>> -> memref<128xi32, #tpu.memory_space<vmem>>
      %dma_start3A_203 = arith.constant 0 : i32
      %dma_start3A_204 = arith.constant 0 : i32
      %dma_start3A_205 = tpu.memref_slice %arg11[%dma_start3A_203, %dma_start3A_204] : memref<10240x64xf32, #tpu.memory_space<vmem_shared>> -> memref<10240x64xf32, #tpu.memory_space<vmem_shared>>
      tpu.enqueue_indirect_dma source(%dma_start3A_205 : memref<10240x64xf32, #tpu.memory_space<vmem_shared>>) target(%arg8 : memref<128x64xf32, #tpu.memory_space<vmem>>) offsets(%dma_start3A_202 : memref<128xi32, #tpu.memory_space<vmem>>) semaphore(%arg16 : memref<!tpu.dma_semaphore, #tpu.memory_space<semaphore_mem>>)
      %dma_wait3A_206 = arith.constant 5 : i32
      %dma_wait3A_207 = arith.constant 0 : i32
      %dma_wait3A_208 = tpu.memref_slice %arg6[%dma_wait3A_206, %dma_wait3A_207] : memref<8x128xi32, #tpu.memory_space<vmem>> -> memref<1x128xi32, #tpu.memory_space<vmem>>
      %dma_wait3A_209 = tpu.memref_squeeze %dma_wait3A_208 : memref<1x128xi32, #tpu.memory_space<vmem>> -> memref<128xi32, #tpu.memory_space<vmem>>
      %dma_wait3A_210 = arith.constant 0 : i32
      %dma_wait3A_211 = arith.constant 0 : i32
      %dma_wait3A_212 = tpu.memref_slice %arg11[%dma_wait3A_210, %dma_wait3A_211] : memref<10240x64xf32, #tpu.memory_space<vmem_shared>> -> memref<10240x64xf32, #tpu.memory_space<vmem_shared>>
      tpu.wait_indirect_dma semaphore(%arg18 : memref<!tpu.dma_semaphore, #tpu.memory_space<semaphore_mem>>) src(%dma_wait3A_212 : memref<10240x64xf32, #tpu.memory_space<vmem_shared>>) dst(%arg10 : memref<128x64xf32, #tpu.memory_space<vmem>>)
      %dma_start3A_213 = arith.constant 5 : i32
      %dma_start3A_214 = arith.constant 0 : i32
      %dma_start3A_215 = tpu.memref_slice %arg7[%dma_start3A_213, %dma_start3A_214] : memref<8x128xi32, #tpu.memory_space<vmem>> -> memref<1x128xi32, #tpu.memory_space<vmem>>
      %dma_start3A_216 = tpu.memref_squeeze %dma_start3A_215 : memref<1x128xi32, #tpu.memory_space<vmem>> -> memref<128xi32, #tpu.memory_space<vmem>>
      %dma_start3A_217 = arith.constant 0 : i32
      %dma_start3A_218 = arith.constant 0 : i32
      %dma_start3A_219 = tpu.memref_slice %arg12[%dma_start3A_217, %dma_start3A_218] : memref<10240x64xf32, #tpu.memory_space<vmem_shared>> -> memref<10240x64xf32, #tpu.memory_space<vmem_shared>>
      tpu.enqueue_indirect_dma source(%arg10 : memref<128x64xf32, #tpu.memory_space<vmem>>) target(%dma_start3A_219 : memref<10240x64xf32, #tpu.memory_space<vmem_shared>>) offsets(%dma_start3A_216 : memref<128xi32, #tpu.memory_space<vmem>>) semaphore(%arg15 : memref<!tpu.dma_semaphore, #tpu.memory_space<semaphore_mem>>) {add = true}
      %dma_wait3A_220 = arith.constant 4 : i32
      %dma_wait3A_221 = arith.constant 0 : i32
      %dma_wait3A_222 = tpu.memref_slice %arg7[%dma_wait3A_220, %dma_wait3A_221] : memref<8x128xi32, #tpu.memory_space<vmem>> -> memref<1x128xi32, #tpu.memory_space<vmem>>
      %dma_wait3A_223 = tpu.memref_squeeze %dma_wait3A_222 : memref<1x128xi32, #tpu.memory_space<vmem>> -> memref<128xi32, #tpu.memory_space<vmem>>
      %dma_wait3A_224 = arith.constant 0 : i32
      %dma_wait3A_225 = arith.constant 0 : i32
      %dma_wait3A_226 = tpu.memref_slice %arg12[%dma_wait3A_224, %dma_wait3A_225] : memref<10240x64xf32, #tpu.memory_space<vmem_shared>> -> memref<10240x64xf32, #tpu.memory_space<vmem_shared>>
      tpu.wait_indirect_dma semaphore(%arg14 : memref<!tpu.dma_semaphore, #tpu.memory_space<semaphore_mem>>) src(%arg9 : memref<128x64xf32, #tpu.memory_space<vmem>>) dst(%dma_wait3A_226 : memref<10240x64xf32, #tpu.memory_space<vmem_shared>>)
      %dma_start3A_227 = arith.constant 7 : i32
      %dma_start3A_228 = arith.constant 0 : i32
      %dma_start3A_229 = tpu.memref_slice %arg6[%dma_start3A_227, %dma_start3A_228] : memref<8x128xi32, #tpu.memory_space<vmem>> -> memref<1x128xi32, #tpu.memory_space<vmem>>
      %dma_start3A_230 = tpu.memref_squeeze %dma_start3A_229 : memref<1x128xi32, #tpu.memory_space<vmem>> -> memref<128xi32, #tpu.memory_space<vmem>>
      %dma_start3A_231 = arith.constant 0 : i32
      %dma_start3A_232 = arith.constant 0 : i32
      %dma_start3A_233 = tpu.memref_slice %arg11[%dma_start3A_231, %dma_start3A_232] : memref<10240x64xf32, #tpu.memory_space<vmem_shared>> -> memref<10240x64xf32, #tpu.memory_space<vmem_shared>>
      tpu.enqueue_indirect_dma source(%dma_start3A_233 : memref<10240x64xf32, #tpu.memory_space<vmem_shared>>) target(%arg9 : memref<128x64xf32, #tpu.memory_space<vmem>>) offsets(%dma_start3A_230 : memref<128xi32, #tpu.memory_space<vmem>>) semaphore(%arg17 : memref<!tpu.dma_semaphore, #tpu.memory_space<semaphore_mem>>)
      %dma_wait3A_234 = arith.constant 6 : i32
      %dma_wait3A_235 = arith.constant 0 : i32
      %dma_wait3A_236 = tpu.memref_slice %arg6[%dma_wait3A_234, %dma_wait3A_235] : memref<8x128xi32, #tpu.memory_space<vmem>> -> memref<1x128xi32, #tpu.memory_space<vmem>>
      %dma_wait3A_237 = tpu.memref_squeeze %dma_wait3A_236 : memref<1x128xi32, #tpu.memory_space<vmem>> -> memref<128xi32, #tpu.memory_space<vmem>>
      %dma_wait3A_238 = arith.constant 0 : i32
      %dma_wait3A_239 = arith.constant 0 : i32
      %dma_wait3A_240 = tpu.memref_slice %arg11[%dma_wait3A_238, %dma_wait3A_239] : memref<10240x64xf32, #tpu.memory_space<vmem_shared>> -> memref<10240x64xf32, #tpu.memory_space<vmem_shared>>
      tpu.wait_indirect_dma semaphore(%arg16 : memref<!tpu.dma_semaphore, #tpu.memory_space<semaphore_mem>>) src(%dma_wait3A_240 : memref<10240x64xf32, #tpu.memory_space<vmem_shared>>) dst(%arg8 : memref<128x64xf32, #tpu.memory_space<vmem>>)
      %dma_start3A_241 = arith.constant 6 : i32
      %dma_start3A_242 = arith.constant 0 : i32
      %dma_start3A_243 = tpu.memref_slice %arg7[%dma_start3A_241, %dma_start3A_242] : memref<8x128xi32, #tpu.memory_space<vmem>> -> memref<1x128xi32, #tpu.memory_space<vmem>>
      %dma_start3A_244 = tpu.memref_squeeze %dma_start3A_243 : memref<1x128xi32, #tpu.memory_space<vmem>> -> memref<128xi32, #tpu.memory_space<vmem>>
      %dma_start3A_245 = arith.constant 0 : i32
      %dma_start3A_246 = arith.constant 0 : i32
      %dma_start3A_247 = tpu.memref_slice %arg12[%dma_start3A_245, %dma_start3A_246] : memref<10240x64xf32, #tpu.memory_space<vmem_shared>> -> memref<10240x64xf32, #tpu.memory_space<vmem_shared>>
      tpu.enqueue_indirect_dma source(%arg8 : memref<128x64xf32, #tpu.memory_space<vmem>>) target(%dma_start3A_247 : memref<10240x64xf32, #tpu.memory_space<vmem_shared>>) offsets(%dma_start3A_244 : memref<128xi32, #tpu.memory_space<vmem>>) semaphore(%arg13 : memref<!tpu.dma_semaphore, #tpu.memory_space<semaphore_mem>>) {add = true}
      %dma_wait3A_248 = arith.constant 7 : i32
      %dma_wait3A_249 = arith.constant 0 : i32
      %dma_wait3A_250 = tpu.memref_slice %arg6[%dma_wait3A_248, %dma_wait3A_249] : memref<8x128xi32, #tpu.memory_space<vmem>> -> memref<1x128xi32, #tpu.memory_space<vmem>>
      %dma_wait3A_251 = tpu.memref_squeeze %dma_wait3A_250 : memref<1x128xi32, #tpu.memory_space<vmem>> -> memref<128xi32, #tpu.memory_space<vmem>>
      %dma_wait3A_252 = arith.constant 0 : i32
      %dma_wait3A_253 = arith.constant 0 : i32
      %dma_wait3A_254 = tpu.memref_slice %arg11[%dma_wait3A_252, %dma_wait3A_253] : memref<10240x64xf32, #tpu.memory_space<vmem_shared>> -> memref<10240x64xf32, #tpu.memory_space<vmem_shared>>
      tpu.wait_indirect_dma semaphore(%arg17 : memref<!tpu.dma_semaphore, #tpu.memory_space<semaphore_mem>>) src(%dma_wait3A_254 : memref<10240x64xf32, #tpu.memory_space<vmem_shared>>) dst(%arg9 : memref<128x64xf32, #tpu.memory_space<vmem>>)
      %dma_start3A_255 = arith.constant 7 : i32
      %dma_start3A_256 = arith.constant 0 : i32
      %dma_start3A_257 = tpu.memref_slice %arg7[%dma_start3A_255, %dma_start3A_256] : memref<8x128xi32, #tpu.memory_space<vmem>> -> memref<1x128xi32, #tpu.memory_space<vmem>>
      %dma_start3A_258 = tpu.memref_squeeze %dma_start3A_257 : memref<1x128xi32, #tpu.memory_space<vmem>> -> memref<128xi32, #tpu.memory_space<vmem>>
      %dma_start3A_259 = arith.constant 0 : i32
      %dma_start3A_260 = arith.constant 0 : i32
      %dma_start3A_261 = tpu.memref_slice %arg12[%dma_start3A_259, %dma_start3A_260] : memref<10240x64xf32, #tpu.memory_space<vmem_shared>> -> memref<10240x64xf32, #tpu.memory_space<vmem_shared>>
      tpu.enqueue_indirect_dma source(%arg9 : memref<128x64xf32, #tpu.memory_space<vmem>>) target(%dma_start3A_261 : memref<10240x64xf32, #tpu.memory_space<vmem_shared>>) offsets(%dma_start3A_258 : memref<128xi32, #tpu.memory_space<vmem>>) semaphore(%arg14 : memref<!tpu.dma_semaphore, #tpu.memory_space<semaphore_mem>>) {add = true}
      %dma_wait3A_262 = arith.constant 5 : i32
      %dma_wait3A_263 = arith.constant 0 : i32
      %dma_wait3A_264 = tpu.memref_slice %arg7[%dma_wait3A_262, %dma_wait3A_263] : memref<8x128xi32, #tpu.memory_space<vmem>> -> memref<1x128xi32, #tpu.memory_space<vmem>>
      %dma_wait3A_265 = tpu.memref_squeeze %dma_wait3A_264 : memref<1x128xi32, #tpu.memory_space<vmem>> -> memref<128xi32, #tpu.memory_space<vmem>>
      %dma_wait3A_266 = arith.constant 0 : i32
      %dma_wait3A_267 = arith.constant 0 : i32
      %dma_wait3A_268 = tpu.memref_slice %arg12[%dma_wait3A_266, %dma_wait3A_267] : memref<10240x64xf32, #tpu.memory_space<vmem_shared>> -> memref<10240x64xf32, #tpu.memory_space<vmem_shared>>
      tpu.wait_indirect_dma semaphore(%arg15 : memref<!tpu.dma_semaphore, #tpu.memory_space<semaphore_mem>>) src(%arg10 : memref<128x64xf32, #tpu.memory_space<vmem>>) dst(%dma_wait3A_268 : memref<10240x64xf32, #tpu.memory_space<vmem_shared>>)
      %dma_wait3A_269 = arith.constant 6 : i32
      %dma_wait3A_270 = arith.constant 0 : i32
      %dma_wait3A_271 = tpu.memref_slice %arg7[%dma_wait3A_269, %dma_wait3A_270] : memref<8x128xi32, #tpu.memory_space<vmem>> -> memref<1x128xi32, #tpu.memory_space<vmem>>
      %dma_wait3A_272 = tpu.memref_squeeze %dma_wait3A_271 : memref<1x128xi32, #tpu.memory_space<vmem>> -> memref<128xi32, #tpu.memory_space<vmem>>
      %dma_wait3A_273 = arith.constant 0 : i32
      %dma_wait3A_274 = arith.constant 0 : i32
      %dma_wait3A_275 = tpu.memref_slice %arg12[%dma_wait3A_273, %dma_wait3A_274] : memref<10240x64xf32, #tpu.memory_space<vmem_shared>> -> memref<10240x64xf32, #tpu.memory_space<vmem_shared>>
      tpu.wait_indirect_dma semaphore(%arg13 : memref<!tpu.dma_semaphore, #tpu.memory_space<semaphore_mem>>) src(%arg8 : memref<128x64xf32, #tpu.memory_space<vmem>>) dst(%dma_wait3A_275 : memref<10240x64xf32, #tpu.memory_space<vmem_shared>>)
      %dma_wait3A_276 = arith.constant 7 : i32
      %dma_wait3A_277 = arith.constant 0 : i32
      %dma_wait3A_278 = tpu.memref_slice %arg7[%dma_wait3A_276, %dma_wait3A_277] : memref<8x128xi32, #tpu.memory_space<vmem>> -> memref<1x128xi32, #tpu.memory_space<vmem>>
      %dma_wait3A_279 = tpu.memref_squeeze %dma_wait3A_278 : memref<1x128xi32, #tpu.memory_space<vmem>> -> memref<128xi32, #tpu.memory_space<vmem>>
      %dma_wait3A_280 = arith.constant 0 : i32
      %dma_wait3A_281 = arith.constant 0 : i32
      %dma_wait3A_282 = tpu.memref_slice %arg12[%dma_wait3A_280, %dma_wait3A_281] : memref<10240x64xf32, #tpu.memory_space<vmem_shared>> -> memref<10240x64xf32, #tpu.memory_space<vmem_shared>>
      tpu.wait_indirect_dma semaphore(%arg14 : memref<!tpu.dma_semaphore, #tpu.memory_space<semaphore_mem>>) src(%arg9 : memref<128x64xf32, #tpu.memory_space<vmem>>) dst(%dma_wait3A_282 : memref<10240x64xf32, #tpu.memory_space<vmem_shared>>)
      %scan3A_283 = arith.constant 0 : i32
      scf.yield %scan3A_283 : i32
    }
    %scan3A_45 = arith.constant 20 : i32
    %barrier3A_46 = arith.constant 0 : index
    tpu.barrier barrier_id(%barrier3A_46)
    %mul3A_47 = arith.constant 640 : i32
    %mul3A_48 = arith.muli %arg1, %mul3A_47 : i32
    %add3A_49 = arith.constant 0 : i32
    %add3A_50 = arith.addi %mul3A_48, %add3A_49 : i32
    "tpu.region"() ({
      %run_scoped3A = tpu.sem_alloc : memref<!tpu.dma_semaphore, #tpu.memory_space<semaphore_mem>>
      %dma_start3A = arith.constant 0 : i32
      %dma_start3A_59 = tpu.memref_slice %arg12[%add3A_50, %dma_start3A] : memref<10240x64xf32, #tpu.memory_space<vmem_shared>> -> memref<128x64xf32, #tpu.memory_space<vmem_shared>>
      %dma_start3A_60 = arith.constant 0 : i32
      %dma_start3A_61 = tpu.memref_slice %arg12[%add3A_50, %dma_start3A_60] : memref<10240x64xf32, #tpu.memory_space<vmem_shared>> -> memref<128x64xf32, #tpu.memory_space<vmem_shared>>
      tpu.enqueue_dma source(%dma_start3A_61 : memref<128x64xf32, #tpu.memory_space<vmem_shared>>) target(%arg8 : memref<128x64xf32, #tpu.memory_space<vmem>>) target_semaphore(%run_scoped3A : memref<!tpu.dma_semaphore, #tpu.memory_space<semaphore_mem>>)
      %dma_wait3A = arith.constant 0 : i32
      %dma_wait3A_62 = tpu.memref_slice %arg12[%add3A_50, %dma_wait3A] : memref<10240x64xf32, #tpu.memory_space<vmem_shared>> -> memref<128x64xf32, #tpu.memory_space<vmem_shared>>
      %dma_wait3A_63 = arith.constant 0 : i32
      %dma_wait3A_64 = tpu.memref_slice %arg12[%add3A_50, %dma_wait3A_63] : memref<10240x64xf32, #tpu.memory_space<vmem_shared>> -> memref<128x64xf32, #tpu.memory_space<vmem_shared>>
      tpu.wait_dma2 semaphore(%run_scoped3A : memref<!tpu.dma_semaphore, #tpu.memory_space<semaphore_mem>>) src(%dma_wait3A_64 : memref<128x64xf32, #tpu.memory_space<vmem_shared>>) dst(%arg8 : memref<128x64xf32, #tpu.memory_space<vmem>>)
      tpu.yield
    }) : () -> ()
    "tpu.region"() ({
      %run_scoped3A = tpu.sem_alloc : memref<!tpu.dma_semaphore, #tpu.memory_space<semaphore_mem>>
      %dma_start3A = arith.constant 0 : i32
      %dma_start3A_59 = tpu.memref_slice %arg5[%arg0, %add3A_50, %dma_start3A] : memref<2x10240x64xf32, #tpu.memory_space<hbm>> -> memref<1x128x64xf32, #tpu.memory_space<hbm>>
      %dma_start3A_60 = tpu.memref_squeeze %dma_start3A_59 : memref<1x128x64xf32, #tpu.memory_space<hbm>> -> memref<128x64xf32, #tpu.memory_space<hbm>>
      %dma_start3A_61 = arith.constant 0 : i32
      %dma_start3A_62 = tpu.memref_slice %arg5[%arg0, %add3A_50, %dma_start3A_61] : memref<2x10240x64xf32, #tpu.memory_space<hbm>> -> memref<1x128x64xf32, #tpu.memory_space<hbm>>
      %dma_start3A_63 = tpu.memref_squeeze %dma_start3A_62 : memref<1x128x64xf32, #tpu.memory_space<hbm>> -> memref<128x64xf32, #tpu.memory_space<hbm>>
      tpu.enqueue_dma source(%arg8 : memref<128x64xf32, #tpu.memory_space<vmem>>) target(%dma_start3A_63 : memref<128x64xf32, #tpu.memory_space<hbm>>) target_semaphore(%run_scoped3A : memref<!tpu.dma_semaphore, #tpu.memory_space<semaphore_mem>>)
      %dma_wait3A = arith.constant 0 : i32
      %dma_wait3A_64 = tpu.memref_slice %arg5[%arg0, %add3A_50, %dma_wait3A] : memref<2x10240x64xf32, #tpu.memory_space<hbm>> -> memref<1x128x64xf32, #tpu.memory_space<hbm>>
      %dma_wait3A_65 = tpu.memref_squeeze %dma_wait3A_64 : memref<1x128x64xf32, #tpu.memory_space<hbm>> -> memref<128x64xf32, #tpu.memory_space<hbm>>
      %dma_wait3A_66 = arith.constant 0 : i32
      %dma_wait3A_67 = tpu.memref_slice %arg5[%arg0, %add3A_50, %dma_wait3A_66] : memref<2x10240x64xf32, #tpu.memory_space<hbm>> -> memref<1x128x64xf32, #tpu.memory_space<hbm>>
      %dma_wait3A_68 = tpu.memref_squeeze %dma_wait3A_67 : memref<1x128x64xf32, #tpu.memory_space<hbm>> -> memref<128x64xf32, #tpu.memory_space<hbm>>
      tpu.wait_dma2 semaphore(%run_scoped3A : memref<!tpu.dma_semaphore, #tpu.memory_space<semaphore_mem>>) src(%arg8 : memref<128x64xf32, #tpu.memory_space<vmem>>) dst(%dma_wait3A_68 : memref<128x64xf32, #tpu.memory_space<hbm>>)
      tpu.yield
    }) : () -> ()
    %add3A_51 = arith.constant 128 : i32
    %add3A_52 = arith.addi %mul3A_48, %add3A_51 : i32
    "tpu.region"() ({
      %run_scoped3A = tpu.sem_alloc : memref<!tpu.dma_semaphore, #tpu.memory_space<semaphore_mem>>
      %dma_start3A = arith.constant 0 : i32
      %dma_start3A_59 = tpu.memref_slice %arg12[%add3A_52, %dma_start3A] : memref<10240x64xf32, #tpu.memory_space<vmem_shared>> -> memref<128x64xf32, #tpu.memory_space<vmem_shared>>
      %dma_start3A_60 = arith.constant 0 : i32
      %dma_start3A_61 = tpu.memref_slice %arg12[%add3A_52, %dma_start3A_60] : memref<10240x64xf32, #tpu.memory_space<vmem_shared>> -> memref<128x64xf32, #tpu.memory_space<vmem_shared>>
      tpu.enqueue_dma source(%dma_start3A_61 : memref<128x64xf32, #tpu.memory_space<vmem_shared>>) target(%arg8 : memref<128x64xf32, #tpu.memory_space<vmem>>) target_semaphore(%run_scoped3A : memref<!tpu.dma_semaphore, #tpu.memory_space<semaphore_mem>>)
      %dma_wait3A = arith.constant 0 : i32
      %dma_wait3A_62 = tpu.memref_slice %arg12[%add3A_52, %dma_wait3A] : memref<10240x64xf32, #tpu.memory_space<vmem_shared>> -> memref<128x64xf32, #tpu.memory_space<vmem_shared>>
      %dma_wait3A_63 = arith.constant 0 : i32
      %dma_wait3A_64 = tpu.memref_slice %arg12[%add3A_52, %dma_wait3A_63] : memref<10240x64xf32, #tpu.memory_space<vmem_shared>> -> memref<128x64xf32, #tpu.memory_space<vmem_shared>>
      tpu.wait_dma2 semaphore(%run_scoped3A : memref<!tpu.dma_semaphore, #tpu.memory_space<semaphore_mem>>) src(%dma_wait3A_64 : memref<128x64xf32, #tpu.memory_space<vmem_shared>>) dst(%arg8 : memref<128x64xf32, #tpu.memory_space<vmem>>)
      tpu.yield
    }) : () -> ()
    "tpu.region"() ({
      %run_scoped3A = tpu.sem_alloc : memref<!tpu.dma_semaphore, #tpu.memory_space<semaphore_mem>>
      %dma_start3A = arith.constant 0 : i32
      %dma_start3A_59 = tpu.memref_slice %arg5[%arg0, %add3A_52, %dma_start3A] : memref<2x10240x64xf32, #tpu.memory_space<hbm>> -> memref<1x128x64xf32, #tpu.memory_space<hbm>>
      %dma_start3A_60 = tpu.memref_squeeze %dma_start3A_59 : memref<1x128x64xf32, #tpu.memory_space<hbm>> -> memref<128x64xf32, #tpu.memory_space<hbm>>
      %dma_start3A_61 = arith.constant 0 : i32
      %dma_start3A_62 = tpu.memref_slice %arg5[%arg0, %add3A_52, %dma_start3A_61] : memref<2x10240x64xf32, #tpu.memory_space<hbm>> -> memref<1x128x64xf32, #tpu.memory_space<hbm>>
      %dma_start3A_63 = tpu.memref_squeeze %dma_start3A_62 : memref<1x128x64xf32, #tpu.memory_space<hbm>> -> memref<128x64xf32, #tpu.memory_space<hbm>>
      tpu.enqueue_dma source(%arg8 : memref<128x64xf32, #tpu.memory_space<vmem>>) target(%dma_start3A_63 : memref<128x64xf32, #tpu.memory_space<hbm>>) target_semaphore(%run_scoped3A : memref<!tpu.dma_semaphore, #tpu.memory_space<semaphore_mem>>)
      %dma_wait3A = arith.constant 0 : i32
      %dma_wait3A_64 = tpu.memref_slice %arg5[%arg0, %add3A_52, %dma_wait3A] : memref<2x10240x64xf32, #tpu.memory_space<hbm>> -> memref<1x128x64xf32, #tpu.memory_space<hbm>>
      %dma_wait3A_65 = tpu.memref_squeeze %dma_wait3A_64 : memref<1x128x64xf32, #tpu.memory_space<hbm>> -> memref<128x64xf32, #tpu.memory_space<hbm>>
      %dma_wait3A_66 = arith.constant 0 : i32
      %dma_wait3A_67 = tpu.memref_slice %arg5[%arg0, %add3A_52, %dma_wait3A_66] : memref<2x10240x64xf32, #tpu.memory_space<hbm>> -> memref<1x128x64xf32, #tpu.memory_space<hbm>>
      %dma_wait3A_68 = tpu.memref_squeeze %dma_wait3A_67 : memref<1x128x64xf32, #tpu.memory_space<hbm>> -> memref<128x64xf32, #tpu.memory_space<hbm>>
      tpu.wait_dma2 semaphore(%run_scoped3A : memref<!tpu.dma_semaphore, #tpu.memory_space<semaphore_mem>>) src(%arg8 : memref<128x64xf32, #tpu.memory_space<vmem>>) dst(%dma_wait3A_68 : memref<128x64xf32, #tpu.memory_space<hbm>>)
      tpu.yield
    }) : () -> ()
    %add3A_53 = arith.constant 256 : i32
    %add3A_54 = arith.addi %mul3A_48, %add3A_53 : i32
    "tpu.region"() ({
      %run_scoped3A = tpu.sem_alloc : memref<!tpu.dma_semaphore, #tpu.memory_space<semaphore_mem>>
      %dma_start3A = arith.constant 0 : i32
      %dma_start3A_59 = tpu.memref_slice %arg12[%add3A_54, %dma_start3A] : memref<10240x64xf32, #tpu.memory_space<vmem_shared>> -> memref<128x64xf32, #tpu.memory_space<vmem_shared>>
      %dma_start3A_60 = arith.constant 0 : i32
      %dma_start3A_61 = tpu.memref_slice %arg12[%add3A_54, %dma_start3A_60] : memref<10240x64xf32, #tpu.memory_space<vmem_shared>> -> memref<128x64xf32, #tpu.memory_space<vmem_shared>>
      tpu.enqueue_dma source(%dma_start3A_61 : memref<128x64xf32, #tpu.memory_space<vmem_shared>>) target(%arg8 : memref<128x64xf32, #tpu.memory_space<vmem>>) target_semaphore(%run_scoped3A : memref<!tpu.dma_semaphore, #tpu.memory_space<semaphore_mem>>)
      %dma_wait3A = arith.constant 0 : i32
      %dma_wait3A_62 = tpu.memref_slice %arg12[%add3A_54, %dma_wait3A] : memref<10240x64xf32, #tpu.memory_space<vmem_shared>> -> memref<128x64xf32, #tpu.memory_space<vmem_shared>>
      %dma_wait3A_63 = arith.constant 0 : i32
      %dma_wait3A_64 = tpu.memref_slice %arg12[%add3A_54, %dma_wait3A_63] : memref<10240x64xf32, #tpu.memory_space<vmem_shared>> -> memref<128x64xf32, #tpu.memory_space<vmem_shared>>
      tpu.wait_dma2 semaphore(%run_scoped3A : memref<!tpu.dma_semaphore, #tpu.memory_space<semaphore_mem>>) src(%dma_wait3A_64 : memref<128x64xf32, #tpu.memory_space<vmem_shared>>) dst(%arg8 : memref<128x64xf32, #tpu.memory_space<vmem>>)
      tpu.yield
    }) : () -> ()
    "tpu.region"() ({
      %run_scoped3A = tpu.sem_alloc : memref<!tpu.dma_semaphore, #tpu.memory_space<semaphore_mem>>
      %dma_start3A = arith.constant 0 : i32
      %dma_start3A_59 = tpu.memref_slice %arg5[%arg0, %add3A_54, %dma_start3A] : memref<2x10240x64xf32, #tpu.memory_space<hbm>> -> memref<1x128x64xf32, #tpu.memory_space<hbm>>
      %dma_start3A_60 = tpu.memref_squeeze %dma_start3A_59 : memref<1x128x64xf32, #tpu.memory_space<hbm>> -> memref<128x64xf32, #tpu.memory_space<hbm>>
      %dma_start3A_61 = arith.constant 0 : i32
      %dma_start3A_62 = tpu.memref_slice %arg5[%arg0, %add3A_54, %dma_start3A_61] : memref<2x10240x64xf32, #tpu.memory_space<hbm>> -> memref<1x128x64xf32, #tpu.memory_space<hbm>>
      %dma_start3A_63 = tpu.memref_squeeze %dma_start3A_62 : memref<1x128x64xf32, #tpu.memory_space<hbm>> -> memref<128x64xf32, #tpu.memory_space<hbm>>
      tpu.enqueue_dma source(%arg8 : memref<128x64xf32, #tpu.memory_space<vmem>>) target(%dma_start3A_63 : memref<128x64xf32, #tpu.memory_space<hbm>>) target_semaphore(%run_scoped3A : memref<!tpu.dma_semaphore, #tpu.memory_space<semaphore_mem>>)
      %dma_wait3A = arith.constant 0 : i32
      %dma_wait3A_64 = tpu.memref_slice %arg5[%arg0, %add3A_54, %dma_wait3A] : memref<2x10240x64xf32, #tpu.memory_space<hbm>> -> memref<1x128x64xf32, #tpu.memory_space<hbm>>
      %dma_wait3A_65 = tpu.memref_squeeze %dma_wait3A_64 : memref<1x128x64xf32, #tpu.memory_space<hbm>> -> memref<128x64xf32, #tpu.memory_space<hbm>>
      %dma_wait3A_66 = arith.constant 0 : i32
      %dma_wait3A_67 = tpu.memref_slice %arg5[%arg0, %add3A_54, %dma_wait3A_66] : memref<2x10240x64xf32, #tpu.memory_space<hbm>> -> memref<1x128x64xf32, #tpu.memory_space<hbm>>
      %dma_wait3A_68 = tpu.memref_squeeze %dma_wait3A_67 : memref<1x128x64xf32, #tpu.memory_space<hbm>> -> memref<128x64xf32, #tpu.memory_space<hbm>>
      tpu.wait_dma2 semaphore(%run_scoped3A : memref<!tpu.dma_semaphore, #tpu.memory_space<semaphore_mem>>) src(%arg8 : memref<128x64xf32, #tpu.memory_space<vmem>>) dst(%dma_wait3A_68 : memref<128x64xf32, #tpu.memory_space<hbm>>)
      tpu.yield
    }) : () -> ()
    %add3A_55 = arith.constant 384 : i32
    %add3A_56 = arith.addi %mul3A_48, %add3A_55 : i32
    "tpu.region"() ({
      %run_scoped3A = tpu.sem_alloc : memref<!tpu.dma_semaphore, #tpu.memory_space<semaphore_mem>>
      %dma_start3A = arith.constant 0 : i32
      %dma_start3A_59 = tpu.memref_slice %arg12[%add3A_56, %dma_start3A] : memref<10240x64xf32, #tpu.memory_space<vmem_shared>> -> memref<128x64xf32, #tpu.memory_space<vmem_shared>>
      %dma_start3A_60 = arith.constant 0 : i32
      %dma_start3A_61 = tpu.memref_slice %arg12[%add3A_56, %dma_start3A_60] : memref<10240x64xf32, #tpu.memory_space<vmem_shared>> -> memref<128x64xf32, #tpu.memory_space<vmem_shared>>
      tpu.enqueue_dma source(%dma_start3A_61 : memref<128x64xf32, #tpu.memory_space<vmem_shared>>) target(%arg8 : memref<128x64xf32, #tpu.memory_space<vmem>>) target_semaphore(%run_scoped3A : memref<!tpu.dma_semaphore, #tpu.memory_space<semaphore_mem>>)
      %dma_wait3A = arith.constant 0 : i32
      %dma_wait3A_62 = tpu.memref_slice %arg12[%add3A_56, %dma_wait3A] : memref<10240x64xf32, #tpu.memory_space<vmem_shared>> -> memref<128x64xf32, #tpu.memory_space<vmem_shared>>
      %dma_wait3A_63 = arith.constant 0 : i32
      %dma_wait3A_64 = tpu.memref_slice %arg12[%add3A_56, %dma_wait3A_63] : memref<10240x64xf32, #tpu.memory_space<vmem_shared>> -> memref<128x64xf32, #tpu.memory_space<vmem_shared>>
      tpu.wait_dma2 semaphore(%run_scoped3A : memref<!tpu.dma_semaphore, #tpu.memory_space<semaphore_mem>>) src(%dma_wait3A_64 : memref<128x64xf32, #tpu.memory_space<vmem_shared>>) dst(%arg8 : memref<128x64xf32, #tpu.memory_space<vmem>>)
      tpu.yield
    }) : () -> ()
    "tpu.region"() ({
      %run_scoped3A = tpu.sem_alloc : memref<!tpu.dma_semaphore, #tpu.memory_space<semaphore_mem>>
      %dma_start3A = arith.constant 0 : i32
      %dma_start3A_59 = tpu.memref_slice %arg5[%arg0, %add3A_56, %dma_start3A] : memref<2x10240x64xf32, #tpu.memory_space<hbm>> -> memref<1x128x64xf32, #tpu.memory_space<hbm>>
      %dma_start3A_60 = tpu.memref_squeeze %dma_start3A_59 : memref<1x128x64xf32, #tpu.memory_space<hbm>> -> memref<128x64xf32, #tpu.memory_space<hbm>>
      %dma_start3A_61 = arith.constant 0 : i32
      %dma_start3A_62 = tpu.memref_slice %arg5[%arg0, %add3A_56, %dma_start3A_61] : memref<2x10240x64xf32, #tpu.memory_space<hbm>> -> memref<1x128x64xf32, #tpu.memory_space<hbm>>
      %dma_start3A_63 = tpu.memref_squeeze %dma_start3A_62 : memref<1x128x64xf32, #tpu.memory_space<hbm>> -> memref<128x64xf32, #tpu.memory_space<hbm>>
      tpu.enqueue_dma source(%arg8 : memref<128x64xf32, #tpu.memory_space<vmem>>) target(%dma_start3A_63 : memref<128x64xf32, #tpu.memory_space<hbm>>) target_semaphore(%run_scoped3A : memref<!tpu.dma_semaphore, #tpu.memory_space<semaphore_mem>>)
      %dma_wait3A = arith.constant 0 : i32
      %dma_wait3A_64 = tpu.memref_slice %arg5[%arg0, %add3A_56, %dma_wait3A] : memref<2x10240x64xf32, #tpu.memory_space<hbm>> -> memref<1x128x64xf32, #tpu.memory_space<hbm>>
      %dma_wait3A_65 = tpu.memref_squeeze %dma_wait3A_64 : memref<1x128x64xf32, #tpu.memory_space<hbm>> -> memref<128x64xf32, #tpu.memory_space<hbm>>
      %dma_wait3A_66 = arith.constant 0 : i32
      %dma_wait3A_67 = tpu.memref_slice %arg5[%arg0, %add3A_56, %dma_wait3A_66] : memref<2x10240x64xf32, #tpu.memory_space<hbm>> -> memref<1x128x64xf32, #tpu.memory_space<hbm>>
      %dma_wait3A_68 = tpu.memref_squeeze %dma_wait3A_67 : memref<1x128x64xf32, #tpu.memory_space<hbm>> -> memref<128x64xf32, #tpu.memory_space<hbm>>
      tpu.wait_dma2 semaphore(%run_scoped3A : memref<!tpu.dma_semaphore, #tpu.memory_space<semaphore_mem>>) src(%arg8 : memref<128x64xf32, #tpu.memory_space<vmem>>) dst(%dma_wait3A_68 : memref<128x64xf32, #tpu.memory_space<hbm>>)
      tpu.yield
    }) : () -> ()
    %add3A_57 = arith.constant 512 : i32
    %add3A_58 = arith.addi %mul3A_48, %add3A_57 : i32
    "tpu.region"() ({
      %run_scoped3A = tpu.sem_alloc : memref<!tpu.dma_semaphore, #tpu.memory_space<semaphore_mem>>
      %dma_start3A = arith.constant 0 : i32
      %dma_start3A_59 = tpu.memref_slice %arg12[%add3A_58, %dma_start3A] : memref<10240x64xf32, #tpu.memory_space<vmem_shared>> -> memref<128x64xf32, #tpu.memory_space<vmem_shared>>
      %dma_start3A_60 = arith.constant 0 : i32
      %dma_start3A_61 = tpu.memref_slice %arg12[%add3A_58, %dma_start3A_60] : memref<10240x64xf32, #tpu.memory_space<vmem_shared>> -> memref<128x64xf32, #tpu.memory_space<vmem_shared>>
      tpu.enqueue_dma source(%dma_start3A_61 : memref<128x64xf32, #tpu.memory_space<vmem_shared>>) target(%arg8 : memref<128x64xf32, #tpu.memory_space<vmem>>) target_semaphore(%run_scoped3A : memref<!tpu.dma_semaphore, #tpu.memory_space<semaphore_mem>>)
      %dma_wait3A = arith.constant 0 : i32
      %dma_wait3A_62 = tpu.memref_slice %arg12[%add3A_58, %dma_wait3A] : memref<10240x64xf32, #tpu.memory_space<vmem_shared>> -> memref<128x64xf32, #tpu.memory_space<vmem_shared>>
      %dma_wait3A_63 = arith.constant 0 : i32
      %dma_wait3A_64 = tpu.memref_slice %arg12[%add3A_58, %dma_wait3A_63] : memref<10240x64xf32, #tpu.memory_space<vmem_shared>> -> memref<128x64xf32, #tpu.memory_space<vmem_shared>>
      tpu.wait_dma2 semaphore(%run_scoped3A : memref<!tpu.dma_semaphore, #tpu.memory_space<semaphore_mem>>) src(%dma_wait3A_64 : memref<128x64xf32, #tpu.memory_space<vmem_shared>>) dst(%arg8 : memref<128x64xf32, #tpu.memory_space<vmem>>)
      tpu.yield
    }) : () -> ()
    "tpu.region"() ({
      %run_scoped3A = tpu.sem_alloc : memref<!tpu.dma_semaphore, #tpu.memory_space<semaphore_mem>>
      %dma_start3A = arith.constant 0 : i32
      %dma_start3A_59 = tpu.memref_slice %arg5[%arg0, %add3A_58, %dma_start3A] : memref<2x10240x64xf32, #tpu.memory_space<hbm>> -> memref<1x128x64xf32, #tpu.memory_space<hbm>>
      %dma_start3A_60 = tpu.memref_squeeze %dma_start3A_59 : memref<1x128x64xf32, #tpu.memory_space<hbm>> -> memref<128x64xf32, #tpu.memory_space<hbm>>
      %dma_start3A_61 = arith.constant 0 : i32
      %dma_start3A_62 = tpu.memref_slice %arg5[%arg0, %add3A_58, %dma_start3A_61] : memref<2x10240x64xf32, #tpu.memory_space<hbm>> -> memref<1x128x64xf32, #tpu.memory_space<hbm>>
      %dma_start3A_63 = tpu.memref_squeeze %dma_start3A_62 : memref<1x128x64xf32, #tpu.memory_space<hbm>> -> memref<128x64xf32, #tpu.memory_space<hbm>>
      tpu.enqueue_dma source(%arg8 : memref<128x64xf32, #tpu.memory_space<vmem>>) target(%dma_start3A_63 : memref<128x64xf32, #tpu.memory_space<hbm>>) target_semaphore(%run_scoped3A : memref<!tpu.dma_semaphore, #tpu.memory_space<semaphore_mem>>)
      %dma_wait3A = arith.constant 0 : i32
      %dma_wait3A_64 = tpu.memref_slice %arg5[%arg0, %add3A_58, %dma_wait3A] : memref<2x10240x64xf32, #tpu.memory_space<hbm>> -> memref<1x128x64xf32, #tpu.memory_space<hbm>>
      %dma_wait3A_65 = tpu.memref_squeeze %dma_wait3A_64 : memref<1x128x64xf32, #tpu.memory_space<hbm>> -> memref<128x64xf32, #tpu.memory_space<hbm>>
      %dma_wait3A_66 = arith.constant 0 : i32
      %dma_wait3A_67 = tpu.memref_slice %arg5[%arg0, %add3A_58, %dma_wait3A_66] : memref<2x10240x64xf32, #tpu.memory_space<hbm>> -> memref<1x128x64xf32, #tpu.memory_space<hbm>>
      %dma_wait3A_68 = tpu.memref_squeeze %dma_wait3A_67 : memref<1x128x64xf32, #tpu.memory_space<hbm>> -> memref<128x64xf32, #tpu.memory_space<hbm>>
      tpu.wait_dma2 semaphore(%run_scoped3A : memref<!tpu.dma_semaphore, #tpu.memory_space<semaphore_mem>>) src(%arg8 : memref<128x64xf32, #tpu.memory_space<vmem>>) dst(%dma_wait3A_68 : memref<128x64xf32, #tpu.memory_space<hbm>>)
      tpu.yield
    }) : () -> ()
    return
  }
}

module attributes {stable_mosaic.version = 14 : i64} {
  func.func @_sage_layer_body(%arg0: i32, %arg1: memref<2000x128xf32, #tpu.memory_space<vmem>>, %arg2: memref<2x2000x64xf32, #tpu.memory_space<vmem>>, %arg3: memref<2x2000x16xf32, #tpu.memory_space<vmem>>, %arg4: memref<128x128xf32, #tpu.memory_space<vmem>>, %arg5: memref<128x128xf32, #tpu.memory_space<vmem>>, %arg6: memref<1x128xf32, #tpu.memory_space<vmem>>, %arg7: memref<1x128xf32, #tpu.memory_space<vmem>>, %arg8: memref<1x128xf32, #tpu.memory_space<vmem>>, %arg9: memref<2000x128xf32, #tpu.memory_space<vmem>>) attributes {dimension_semantics = [#tpu.dimension_semantics<arbitrary>], iteration_bounds = array<i64: 5>, scalar_prefetch = 0 : i64, scratch_operands = 0 : i64, tpu.core_type = #tpu.core_type<tc>, window_params = [{transform_indices = @transform_0, window_bounds = array<i64: 2000, 128>}, {transform_indices = @transform_1, window_bounds = array<i64: 2, 2000, 64>}, {transform_indices = @transform_2, window_bounds = array<i64: 2, 2000, 16>}, {pipeline_mode = #tpu.pipeline_mode<synchronous>, transform_indices = @transform_3, window_bounds = array<i64: 128, 128>}, {pipeline_mode = #tpu.pipeline_mode<synchronous>, transform_indices = @transform_4, window_bounds = array<i64: 128, 128>}, {pipeline_mode = #tpu.pipeline_mode<synchronous>, transform_indices = @transform_5, window_bounds = array<i64: 1, 128>}, {pipeline_mode = #tpu.pipeline_mode<synchronous>, transform_indices = @transform_6, window_bounds = array<i64: 1, 128>}, {pipeline_mode = #tpu.pipeline_mode<synchronous>, transform_indices = @transform_7, window_bounds = array<i64: 1, 128>}, {transform_indices = @transform_8, window_bounds = array<i64: 2000, 128>}]} {
    %get3A = arith.constant 0 : index
    %get3A_0 = arith.constant 0 : index
    %get3A_1 = arith.constant 0 : index
    %get3A_2 = vector.load %arg2[%get3A, %get3A_0, %get3A_1] : memref<2x2000x64xf32, #tpu.memory_space<vmem>>, vector<1x2000x64xf32>
    %get3A_3 = vector.shape_cast %get3A_2 : vector<1x2000x64xf32> to vector<2000x64xf32>
    %get3A_4 = arith.constant 1 : index
    %get3A_5 = arith.constant 0 : index
    %get3A_6 = arith.constant 0 : index
    %get3A_7 = vector.load %arg2[%get3A_4, %get3A_5, %get3A_6] : memref<2x2000x64xf32, #tpu.memory_space<vmem>>, vector<1x2000x64xf32>
    %get3A_8 = vector.shape_cast %get3A_7 : vector<1x2000x64xf32> to vector<2000x64xf32>
    %concatenate3A = tpu.concatenate %get3A_3, %get3A_8 in 1 : vector<2000x64xf32>, vector<2000x64xf32> -> vector<2000x128xf32>
    %get3A_9 = arith.constant 0 : index
    %get3A_10 = arith.constant 0 : index
    %get3A_11 = arith.constant 0 : index
    %get3A_12 = vector.load %arg3[%get3A_9, %get3A_10, %get3A_11] : memref<2x2000x16xf32, #tpu.memory_space<vmem>>, vector<1x2000x16xf32>
    %get3A_13 = vector.shape_cast %get3A_12 : vector<1x2000x16xf32> to vector<2000x16xf32>
    %slice3A = vector.extract_strided_slice %get3A_13 {offsets = [0, 0], sizes = [2000, 1], strides = [1, 1]} : vector<2000x16xf32> to vector<2000x1xf32>
    %get3A_14 = arith.constant 1 : index
    %get3A_15 = arith.constant 0 : index
    %get3A_16 = arith.constant 0 : index
    %get3A_17 = vector.load %arg3[%get3A_14, %get3A_15, %get3A_16] : memref<2x2000x16xf32, #tpu.memory_space<vmem>>, vector<1x2000x16xf32>
    %get3A_18 = vector.shape_cast %get3A_17 : vector<1x2000x16xf32> to vector<2000x16xf32>
    %slice3A_19 = vector.extract_strided_slice %get3A_18 {offsets = [0, 0], sizes = [2000, 1], strides = [1, 1]} : vector<2000x16xf32> to vector<2000x1xf32>
    %add3A = arith.addf %slice3A, %slice3A_19 : vector<2000x1xf32>
    %max3A = arith.constant 1.000000e+00 : f32
    %max3A_20 = vector.broadcast %max3A : f32 to vector<2000x1xf32>
    %max3A_21 = arith.maximumf %add3A, %max3A_20 : vector<2000x1xf32>
    %div3A = vector.broadcast %max3A_21 : vector<2000x1xf32> to vector<2000x128xf32>
    %div3A_22 = arith.divf %concatenate3A, %div3A : vector<2000x128xf32>
    %get3A_23 = arith.constant 0 : index
    %get3A_24 = arith.constant 0 : index
    %get3A_25 = vector.load %arg4[%get3A_23, %get3A_24] : memref<128x128xf32, #tpu.memory_space<vmem>>, vector<128x128xf32>
    %dot_general3A = arith.constant dense<0.000000e+00> : vector<2000x128xf32>
    %dot_general3A_26 = tpu.matmul %div3A_22, %get3A_25, %dot_general3A {dimension_numbers = #tpu.dot_dimension_numbers<[1], [0], [0], [1], [0, 0, 1, 1], [], []>, transpose_lhs_hint = false} : vector<2000x128xf32>, vector<128x128xf32>, vector<2000x128xf32> -> vector<2000x128xf32>
    %get3A_27 = arith.constant 0 : index
    %get3A_28 = arith.constant 0 : index
    %get3A_29 = vector.load %arg1[%get3A_27, %get3A_28] : memref<2000x128xf32, #tpu.memory_space<vmem>>, vector<2000x128xf32>
    %get3A_30 = arith.constant 0 : index
    %get3A_31 = arith.constant 0 : index
    %get3A_32 = vector.load %arg5[%get3A_30, %get3A_31] : memref<128x128xf32, #tpu.memory_space<vmem>>, vector<128x128xf32>
    %dot_general3A_33 = arith.constant dense<0.000000e+00> : vector<2000x128xf32>
    %dot_general3A_34 = tpu.matmul %get3A_29, %get3A_32, %dot_general3A_33 {dimension_numbers = #tpu.dot_dimension_numbers<[1], [0], [0], [1], [0, 0, 1, 1], [], []>, transpose_lhs_hint = false} : vector<2000x128xf32>, vector<128x128xf32>, vector<2000x128xf32> -> vector<2000x128xf32>
    %add3A_35 = arith.addf %dot_general3A_26, %dot_general3A_34 : vector<2000x128xf32>
    %get3A_36 = arith.constant 0 : index
    %get3A_37 = arith.constant 0 : index
    %get3A_38 = vector.load %arg6[%get3A_36, %get3A_37] : memref<1x128xf32, #tpu.memory_space<vmem>>, vector<1x128xf32>
    %add3A_39 = vector.broadcast %get3A_38 : vector<1x128xf32> to vector<2000x128xf32>
    %add3A_40 = arith.addf %add3A_35, %add3A_39 : vector<2000x128xf32>
    %reduce_sum3A = arith.constant dense<0.000000e+00> : vector<2000xf32>
    %reduce_sum3A_41 = vector.multi_reduction <add>, %add3A_40, %reduce_sum3A [1] : vector<2000x128xf32> to vector<2000xf32>
    %broadcast_in_dim3A = vector.shape_cast %reduce_sum3A_41 : vector<2000xf32> to vector<2000x1xf32>
    %div3A_42 = arith.constant 1.280000e+02 : f32
    %div3A_43 = vector.broadcast %div3A_42 : f32 to vector<2000x1xf32>
    %div3A_44 = arith.divf %broadcast_in_dim3A, %div3A_43 : vector<2000x1xf32>
    %sub3A = vector.broadcast %div3A_44 : vector<2000x1xf32> to vector<2000x128xf32>
    %sub3A_45 = arith.subf %add3A_40, %sub3A : vector<2000x128xf32>
    %mul3A = arith.mulf %sub3A_45, %sub3A_45 : vector<2000x128xf32>
    %reduce_sum3A_46 = arith.constant dense<0.000000e+00> : vector<2000xf32>
    %reduce_sum3A_47 = vector.multi_reduction <add>, %mul3A, %reduce_sum3A_46 [1] : vector<2000x128xf32> to vector<2000xf32>
    %broadcast_in_dim3A_48 = vector.shape_cast %reduce_sum3A_47 : vector<2000xf32> to vector<2000x1xf32>
    %div3A_49 = arith.constant 1.280000e+02 : f32
    %div3A_50 = vector.broadcast %div3A_49 : f32 to vector<2000x1xf32>
    %div3A_51 = arith.divf %broadcast_in_dim3A_48, %div3A_50 : vector<2000x1xf32>
    %add3A_52 = arith.constant 9.99999974E-6 : f32
    %add3A_53 = vector.broadcast %add3A_52 : f32 to vector<2000x1xf32>
    %add3A_54 = arith.addf %div3A_51, %add3A_53 : vector<2000x1xf32>
    %rsqrt3A = math.rsqrt %add3A_54 : vector<2000x1xf32>
    %mul3A_55 = vector.broadcast %rsqrt3A : vector<2000x1xf32> to vector<2000x128xf32>
    %mul3A_56 = arith.mulf %sub3A_45, %mul3A_55 : vector<2000x128xf32>
    %get3A_57 = arith.constant 0 : index
    %get3A_58 = arith.constant 0 : index
    %get3A_59 = vector.load %arg7[%get3A_57, %get3A_58] : memref<1x128xf32, #tpu.memory_space<vmem>>, vector<1x128xf32>
    %mul3A_60 = vector.broadcast %get3A_59 : vector<1x128xf32> to vector<2000x128xf32>
    %mul3A_61 = arith.mulf %mul3A_56, %mul3A_60 : vector<2000x128xf32>
    %get3A_62 = arith.constant 0 : index
    %get3A_63 = arith.constant 0 : index
    %get3A_64 = vector.load %arg8[%get3A_62, %get3A_63] : memref<1x128xf32, #tpu.memory_space<vmem>>, vector<1x128xf32>
    %add3A_65 = vector.broadcast %get3A_64 : vector<1x128xf32> to vector<2000x128xf32>
    %add3A_66 = arith.addf %mul3A_61, %add3A_65 : vector<2000x128xf32>
    %max3A_67 = arith.constant 0.000000e+00 : f32
    %max3A_68 = vector.broadcast %max3A_67 : f32 to vector<2000x128xf32>
    %max3A_69 = arith.maximumf %add3A_66, %max3A_68 : vector<2000x128xf32>
    %swap3A = arith.constant 0 : index
    %swap3A_70 = arith.constant 0 : index
    %swap3A_71 = vector.load %arg9[%swap3A, %swap3A_70] : memref<2000x128xf32, #tpu.memory_space<vmem>>, vector<2000x128xf32>
    tpu.vector_store %arg9[%swap3A, %swap3A_70], %max3A_69 {strides = array<i32>} : memref<2000x128xf32, #tpu.memory_space<vmem>>, vector<2000x128xf32>,
    return
  }
  func.func @transform_0(%arg0: i32) -> (i32, i32) {
    %c0_i32 = arith.constant 0 : i32
    %c0_i32_0 = arith.constant 0 : i32
    return %arg0, %c0_i32 : i32, i32
  }
  func.func @transform_1(%arg0: i32) -> (i32, i32, i32) {
    %c0_i32 = arith.constant 0 : i32
    %c0_i32_0 = arith.constant 0 : i32
    %c0_i32_1 = arith.constant 0 : i32
    return %c0_i32, %arg0, %c0_i32_0 : i32, i32, i32
  }
  func.func @transform_2(%arg0: i32) -> (i32, i32, i32) {
    %c0_i32 = arith.constant 0 : i32
    %c0_i32_0 = arith.constant 0 : i32
    %c0_i32_1 = arith.constant 0 : i32
    return %c0_i32, %arg0, %c0_i32_0 : i32, i32, i32
  }
  func.func @transform_3(%arg0: i32) -> (i32, i32) {
    %c0_i32 = arith.constant 0 : i32
    %c0_i32_0 = arith.constant 0 : i32
    %c0_i32_1 = arith.constant 0 : i32
    return %c0_i32, %c0_i32_0 : i32, i32
  }
  func.func @transform_4(%arg0: i32) -> (i32, i32) {
    %c0_i32 = arith.constant 0 : i32
    %c0_i32_0 = arith.constant 0 : i32
    %c0_i32_1 = arith.constant 0 : i32
    return %c0_i32, %c0_i32_0 : i32, i32
  }
  func.func @transform_5(%arg0: i32) -> (i32, i32) {
    %c0_i32 = arith.constant 0 : i32
    %c0_i32_0 = arith.constant 0 : i32
    %c0_i32_1 = arith.constant 0 : i32
    return %c0_i32, %c0_i32_0 : i32, i32
  }
  func.func @transform_6(%arg0: i32) -> (i32, i32) {
    %c0_i32 = arith.constant 0 : i32
    %c0_i32_0 = arith.constant 0 : i32
    %c0_i32_1 = arith.constant 0 : i32
    return %c0_i32, %c0_i32_0 : i32, i32
  }
  func.func @transform_7(%arg0: i32) -> (i32, i32) {
    %c0_i32 = arith.constant 0 : i32
    %c0_i32_0 = arith.constant 0 : i32
    %c0_i32_1 = arith.constant 0 : i32
    return %c0_i32, %c0_i32_0 : i32, i32
  }
  func.func @transform_8(%arg0: i32) -> (i32, i32) {
    %c0_i32 = arith.constant 0 : i32
    %c0_i32_0 = arith.constant 0 : i32
    return %arg0, %c0_i32 : i32, i32
  }
}

module attributes {stable_mosaic.version = 14 : i64} {
  func.func @_sage_layer_pool_body(%arg0: i32, %arg1: memref<2000x128xf32, #tpu.memory_space<vmem>>, %arg2: memref<2x2000x64xf32, #tpu.memory_space<vmem>>, %arg3: memref<2x2000x16xf32, #tpu.memory_space<vmem>>, %arg4: memref<128x128xf32, #tpu.memory_space<vmem>>, %arg5: memref<128x128xf32, #tpu.memory_space<vmem>>, %arg6: memref<1x128xf32, #tpu.memory_space<vmem>>, %arg7: memref<1x128xf32, #tpu.memory_space<vmem>>, %arg8: memref<1x128xf32, #tpu.memory_space<vmem>>, %arg9: memref<2000x1xi32, #tpu.memory_space<vmem>>, %arg10: memref<128x64xf32, #tpu.memory_space<vmem>>, %arg11: memref<1x64xf32, #tpu.memory_space<vmem>>, %arg12: memref<128x64xf32, #tpu.memory_space<vmem>>, %arg13: memref<128x128xf32, #tpu.memory_space<vmem>>, %arg14: memref<128x1xf32, #tpu.memory_space<vmem>>) attributes {dimension_semantics = [#tpu.dimension_semantics<arbitrary>], iteration_bounds = array<i64: 5>, scalar_prefetch = 0 : i64, scratch_operands = 2 : i64, tpu.core_type = #tpu.core_type<tc>, window_params = [{transform_indices = @transform_0, window_bounds = array<i64: 2000, 128>}, {transform_indices = @transform_1, window_bounds = array<i64: 2, 2000, 64>}, {transform_indices = @transform_2, window_bounds = array<i64: 2, 2000, 16>}, {pipeline_mode = #tpu.pipeline_mode<synchronous>, transform_indices = @transform_3, window_bounds = array<i64: 128, 128>}, {pipeline_mode = #tpu.pipeline_mode<synchronous>, transform_indices = @transform_4, window_bounds = array<i64: 128, 128>}, {pipeline_mode = #tpu.pipeline_mode<synchronous>, transform_indices = @transform_5, window_bounds = array<i64: 1, 128>}, {pipeline_mode = #tpu.pipeline_mode<synchronous>, transform_indices = @transform_6, window_bounds = array<i64: 1, 128>}, {pipeline_mode = #tpu.pipeline_mode<synchronous>, transform_indices = @transform_7, window_bounds = array<i64: 1, 128>}, {transform_indices = @transform_8, window_bounds = array<i64: 2000, 1>}, {pipeline_mode = #tpu.pipeline_mode<synchronous>, transform_indices = @transform_9, window_bounds = array<i64: 128, 64>}, {pipeline_mode = #tpu.pipeline_mode<synchronous>, transform_indices = @transform_10, window_bounds = array<i64: 1, 64>}, {pipeline_mode = #tpu.pipeline_mode<synchronous>, transform_indices = @transform_11, window_bounds = array<i64: 128, 64>}]} {
    %get3A = arith.constant 0 : index
    %get3A_0 = arith.constant 0 : index
    %get3A_1 = arith.constant 0 : index
    %get3A_2 = vector.load %arg2[%get3A, %get3A_0, %get3A_1] : memref<2x2000x64xf32, #tpu.memory_space<vmem>>, vector<1x2000x64xf32>
    %get3A_3 = vector.shape_cast %get3A_2 : vector<1x2000x64xf32> to vector<2000x64xf32>
    %get3A_4 = arith.constant 1 : index
    %get3A_5 = arith.constant 0 : index
    %get3A_6 = arith.constant 0 : index
    %get3A_7 = vector.load %arg2[%get3A_4, %get3A_5, %get3A_6] : memref<2x2000x64xf32, #tpu.memory_space<vmem>>, vector<1x2000x64xf32>
    %get3A_8 = vector.shape_cast %get3A_7 : vector<1x2000x64xf32> to vector<2000x64xf32>
    %concatenate3A = tpu.concatenate %get3A_3, %get3A_8 in 1 : vector<2000x64xf32>, vector<2000x64xf32> -> vector<2000x128xf32>
    %get3A_9 = arith.constant 0 : index
    %get3A_10 = arith.constant 0 : index
    %get3A_11 = arith.constant 0 : index
    %get3A_12 = vector.load %arg3[%get3A_9, %get3A_10, %get3A_11] : memref<2x2000x16xf32, #tpu.memory_space<vmem>>, vector<1x2000x16xf32>
    %get3A_13 = vector.shape_cast %get3A_12 : vector<1x2000x16xf32> to vector<2000x16xf32>
    %slice3A = vector.extract_strided_slice %get3A_13 {offsets = [0, 0], sizes = [2000, 1], strides = [1, 1]} : vector<2000x16xf32> to vector<2000x1xf32>
    %get3A_14 = arith.constant 1 : index
    %get3A_15 = arith.constant 0 : index
    %get3A_16 = arith.constant 0 : index
    %get3A_17 = vector.load %arg3[%get3A_14, %get3A_15, %get3A_16] : memref<2x2000x16xf32, #tpu.memory_space<vmem>>, vector<1x2000x16xf32>
    %get3A_18 = vector.shape_cast %get3A_17 : vector<1x2000x16xf32> to vector<2000x16xf32>
    %slice3A_19 = vector.extract_strided_slice %get3A_18 {offsets = [0, 0], sizes = [2000, 1], strides = [1, 1]} : vector<2000x16xf32> to vector<2000x1xf32>
    %add3A = arith.addf %slice3A, %slice3A_19 : vector<2000x1xf32>
    %max3A = arith.constant 1.000000e+00 : f32
    %max3A_20 = vector.broadcast %max3A : f32 to vector<2000x1xf32>
    %max3A_21 = arith.maximumf %add3A, %max3A_20 : vector<2000x1xf32>
    %div3A = vector.broadcast %max3A_21 : vector<2000x1xf32> to vector<2000x128xf32>
    %div3A_22 = arith.divf %concatenate3A, %div3A : vector<2000x128xf32>
    %get3A_23 = arith.constant 0 : index
    %get3A_24 = arith.constant 0 : index
    %get3A_25 = vector.load %arg4[%get3A_23, %get3A_24] : memref<128x128xf32, #tpu.memory_space<vmem>>, vector<128x128xf32>
    %dot_general3A = arith.constant dense<0.000000e+00> : vector<2000x128xf32>
    %dot_general3A_26 = tpu.matmul %div3A_22, %get3A_25, %dot_general3A {dimension_numbers = #tpu.dot_dimension_numbers<[1], [0], [0], [1], [0, 0, 1, 1], [], []>, transpose_lhs_hint = false} : vector<2000x128xf32>, vector<128x128xf32>, vector<2000x128xf32> -> vector<2000x128xf32>
    %get3A_27 = arith.constant 0 : index
    %get3A_28 = arith.constant 0 : index
    %get3A_29 = vector.load %arg1[%get3A_27, %get3A_28] : memref<2000x128xf32, #tpu.memory_space<vmem>>, vector<2000x128xf32>
    %get3A_30 = arith.constant 0 : index
    %get3A_31 = arith.constant 0 : index
    %get3A_32 = vector.load %arg5[%get3A_30, %get3A_31] : memref<128x128xf32, #tpu.memory_space<vmem>>, vector<128x128xf32>
    %dot_general3A_33 = arith.constant dense<0.000000e+00> : vector<2000x128xf32>
    %dot_general3A_34 = tpu.matmul %get3A_29, %get3A_32, %dot_general3A_33 {dimension_numbers = #tpu.dot_dimension_numbers<[1], [0], [0], [1], [0, 0, 1, 1], [], []>, transpose_lhs_hint = false} : vector<2000x128xf32>, vector<128x128xf32>, vector<2000x128xf32> -> vector<2000x128xf32>
    %add3A_35 = arith.addf %dot_general3A_26, %dot_general3A_34 : vector<2000x128xf32>
    %get3A_36 = arith.constant 0 : index
    %get3A_37 = arith.constant 0 : index
    %get3A_38 = vector.load %arg6[%get3A_36, %get3A_37] : memref<1x128xf32, #tpu.memory_space<vmem>>, vector<1x128xf32>
    %add3A_39 = vector.broadcast %get3A_38 : vector<1x128xf32> to vector<2000x128xf32>
    %add3A_40 = arith.addf %add3A_35, %add3A_39 : vector<2000x128xf32>
    %reduce_sum3A = arith.constant dense<0.000000e+00> : vector<2000xf32>
    %reduce_sum3A_41 = vector.multi_reduction <add>, %add3A_40, %reduce_sum3A [1] : vector<2000x128xf32> to vector<2000xf32>
    %broadcast_in_dim3A = vector.shape_cast %reduce_sum3A_41 : vector<2000xf32> to vector<2000x1xf32>
    %div3A_42 = arith.constant 1.280000e+02 : f32
    %div3A_43 = vector.broadcast %div3A_42 : f32 to vector<2000x1xf32>
    %div3A_44 = arith.divf %broadcast_in_dim3A, %div3A_43 : vector<2000x1xf32>
    %sub3A = vector.broadcast %div3A_44 : vector<2000x1xf32> to vector<2000x128xf32>
    %sub3A_45 = arith.subf %add3A_40, %sub3A : vector<2000x128xf32>
    %mul3A = arith.mulf %sub3A_45, %sub3A_45 : vector<2000x128xf32>
    %reduce_sum3A_46 = arith.constant dense<0.000000e+00> : vector<2000xf32>
    %reduce_sum3A_47 = vector.multi_reduction <add>, %mul3A, %reduce_sum3A_46 [1] : vector<2000x128xf32> to vector<2000xf32>
    %broadcast_in_dim3A_48 = vector.shape_cast %reduce_sum3A_47 : vector<2000xf32> to vector<2000x1xf32>
    %div3A_49 = arith.constant 1.280000e+02 : f32
    %div3A_50 = vector.broadcast %div3A_49 : f32 to vector<2000x1xf32>
    %div3A_51 = arith.divf %broadcast_in_dim3A_48, %div3A_50 : vector<2000x1xf32>
    %add3A_52 = arith.constant 9.99999974E-6 : f32
    %add3A_53 = vector.broadcast %add3A_52 : f32 to vector<2000x1xf32>
    %add3A_54 = arith.addf %div3A_51, %add3A_53 : vector<2000x1xf32>
    %rsqrt3A = math.rsqrt %add3A_54 : vector<2000x1xf32>
    %mul3A_55 = vector.broadcast %rsqrt3A : vector<2000x1xf32> to vector<2000x128xf32>
    %mul3A_56 = arith.mulf %sub3A_45, %mul3A_55 : vector<2000x128xf32>
    %get3A_57 = arith.constant 0 : index
    %get3A_58 = arith.constant 0 : index
    %get3A_59 = vector.load %arg7[%get3A_57, %get3A_58] : memref<1x128xf32, #tpu.memory_space<vmem>>, vector<1x128xf32>
    %mul3A_60 = vector.broadcast %get3A_59 : vector<1x128xf32> to vector<2000x128xf32>
    %mul3A_61 = arith.mulf %mul3A_56, %mul3A_60 : vector<2000x128xf32>
    %get3A_62 = arith.constant 0 : index
    %get3A_63 = arith.constant 0 : index
    %get3A_64 = vector.load %arg8[%get3A_62, %get3A_63] : memref<1x128xf32, #tpu.memory_space<vmem>>, vector<1x128xf32>
    %add3A_65 = vector.broadcast %get3A_64 : vector<1x128xf32> to vector<2000x128xf32>
    %add3A_66 = arith.addf %mul3A_61, %add3A_65 : vector<2000x128xf32>
    %max3A_67 = arith.constant 0.000000e+00 : f32
    %max3A_68 = vector.broadcast %max3A_67 : f32 to vector<2000x128xf32>
    %max3A_69 = arith.maximumf %add3A_66, %max3A_68 : vector<2000x128xf32>
    %eq3A = arith.constant 0 : i32
    %eq3A_70 = arith.cmpi eq, %arg0, %eq3A : i32
    %convert_element_type3A = arith.extui %eq3A_70 : i1 to i32
    %cond3A = arith.constant 0 : i32
    %cond3A_71 = arith.cmpi ne, %convert_element_type3A, %cond3A : i32
    scf.if %cond3A_71 {
      %broadcast_in_dim3A_103 = arith.constant 0.000000e+00 : f32
      %broadcast_in_dim3A_104 = vector.broadcast %broadcast_in_dim3A_103 : f32 to vector<128x128xf32>
      %swap3A_105 = arith.constant 0 : index
      %swap3A_106 = arith.constant 0 : index
      %swap3A_107 = vector.load %arg13[%swap3A_105, %swap3A_106] : memref<128x128xf32, #tpu.memory_space<vmem>>, vector<128x128xf32>
      tpu.vector_store %arg13[%swap3A_105, %swap3A_106], %broadcast_in_dim3A_104 {strides = array<i32>} : memref<128x128xf32, #tpu.memory_space<vmem>>, vector<128x128xf32>,
      %broadcast_in_dim3A_108 = arith.constant 0.000000e+00 : f32
      %broadcast_in_dim3A_109 = vector.broadcast %broadcast_in_dim3A_108 : f32 to vector<128x1xf32>
      %swap3A_110 = arith.constant 0 : index
      %swap3A_111 = arith.constant 0 : index
      %swap3A_112 = vector.load %arg14[%swap3A_110, %swap3A_111] : memref<128x1xf32, #tpu.memory_space<vmem>>, vector<128x1xf32>
      tpu.vector_store %arg14[%swap3A_110, %swap3A_111], %broadcast_in_dim3A_109 {strides = array<i32>} : memref<128x1xf32, #tpu.memory_space<vmem>>, vector<128x1xf32>,
    } else {
    }
    %get3A_72 = arith.constant 0 : index
    %get3A_73 = arith.constant 0 : index
    %get3A_74 = vector.load %arg9[%get3A_72, %get3A_73] : memref<2000x1xi32, #tpu.memory_space<vmem>>, vector<2000x1xi32>
    %iota3A = tpu.iota {dimensions = array<i32: 1>} : vector<2000x128xi32>
    %eq3A_75 = vector.broadcast %get3A_74 : vector<2000x1xi32> to vector<2000x128xi32>
    %eq3A_76 = arith.cmpi eq, %eq3A_75, %iota3A : vector<2000x128xi32>
    %convert_element_type3A_77 = arith.extui %eq3A_76 : vector<2000x128xi1> to vector<2000x128xi32>
    %convert_element_type3A_78 = arith.sitofp %convert_element_type3A_77 : vector<2000x128xi32> to vector<2000x128xf32>
    %get3A_79 = arith.constant 0 : index
    %get3A_80 = arith.constant 0 : index
    %get3A_81 = vector.load %arg13[%get3A_79, %get3A_80] : memref<128x128xf32, #tpu.memory_space<vmem>>, vector<128x128xf32>
    %dot_general3A_82 = arith.constant dense<0.000000e+00> : vector<128x128xf32>
    %dot_general3A_83 = tpu.matmul %convert_element_type3A_78, %max3A_69, %dot_general3A_82 {dimension_numbers = #tpu.dot_dimension_numbers<[0], [0], [1], [1], [0, 1, 1, 1], [], []>, transpose_lhs_hint = false} : vector<2000x128xf32>, vector<2000x128xf32>, vector<128x128xf32> -> vector<128x128xf32>
    %add3A_84 = arith.addf %get3A_81, %dot_general3A_83 : vector<128x128xf32>
    %swap3A = arith.constant 0 : index
    %swap3A_85 = arith.constant 0 : index
    %swap3A_86 = vector.load %arg13[%swap3A, %swap3A_85] : memref<128x128xf32, #tpu.memory_space<vmem>>, vector<128x128xf32>
    tpu.vector_store %arg13[%swap3A, %swap3A_85], %add3A_84 {strides = array<i32>} : memref<128x128xf32, #tpu.memory_space<vmem>>, vector<128x128xf32>,
    %get3A_87 = arith.constant 0 : index
    %get3A_88 = arith.constant 0 : index
    %get3A_89 = vector.load %arg14[%get3A_87, %get3A_88] : memref<128x1xf32, #tpu.memory_space<vmem>>, vector<128x1xf32>
    %broadcast_in_dim3A_90 = arith.constant 1.000000e+00 : f32
    %broadcast_in_dim3A_91 = vector.broadcast %broadcast_in_dim3A_90 : f32 to vector<2000x1xf32>
    %dot_general3A_92 = arith.constant dense<0.000000e+00> : vector<128x1xf32>
    %dot_general3A_93 = tpu.matmul %convert_element_type3A_78, %broadcast_in_dim3A_91, %dot_general3A_92 {dimension_numbers = #tpu.dot_dimension_numbers<[0], [0], [1], [1], [0, 1, 1, 1], [], []>, transpose_lhs_hint = false} : vector<2000x128xf32>, vector<2000x1xf32>, vector<128x1xf32> -> vector<128x1xf32>
    %add3A_94 = arith.addf %get3A_89, %dot_general3A_93 : vector<128x1xf32>
    %swap3A_95 = arith.constant 0 : index
    %swap3A_96 = arith.constant 0 : index
    %swap3A_97 = vector.load %arg14[%swap3A_95, %swap3A_96] : memref<128x1xf32, #tpu.memory_space<vmem>>, vector<128x1xf32>
    tpu.vector_store %arg14[%swap3A_95, %swap3A_96], %add3A_94 {strides = array<i32>} : memref<128x1xf32, #tpu.memory_space<vmem>>, vector<128x1xf32>,
    %eq3A_98 = arith.constant 4 : i32
    %eq3A_99 = arith.cmpi eq, %arg0, %eq3A_98 : i32
    %convert_element_type3A_100 = arith.extui %eq3A_99 : i1 to i32
    %cond3A_101 = arith.constant 0 : i32
    %cond3A_102 = arith.cmpi ne, %convert_element_type3A_100, %cond3A_101 : i32
    scf.if %cond3A_102 {
      %get3A_103 = arith.constant 0 : index
      %get3A_104 = arith.constant 0 : index
      %get3A_105 = vector.load %arg13[%get3A_103, %get3A_104] : memref<128x128xf32, #tpu.memory_space<vmem>>, vector<128x128xf32>
      %get3A_106 = arith.constant 0 : index
      %get3A_107 = arith.constant 0 : index
      %get3A_108 = vector.load %arg14[%get3A_106, %get3A_107] : memref<128x1xf32, #tpu.memory_space<vmem>>, vector<128x1xf32>
      %max3A_109 = arith.constant 1.000000e+00 : f32
      %max3A_110 = vector.broadcast %max3A_109 : f32 to vector<128x1xf32>
      %max3A_111 = arith.maximumf %get3A_108, %max3A_110 : vector<128x1xf32>
      %div3A_112 = vector.broadcast %max3A_111 : vector<128x1xf32> to vector<128x128xf32>
      %div3A_113 = arith.divf %get3A_105, %div3A_112 : vector<128x128xf32>
      %get3A_114 = arith.constant 0 : index
      %get3A_115 = arith.constant 0 : index
      %get3A_116 = vector.load %arg10[%get3A_114, %get3A_115] : memref<128x64xf32, #tpu.memory_space<vmem>>, vector<128x64xf32>
      %dot_general3A_117 = arith.constant dense<0.000000e+00> : vector<128x64xf32>
      %dot_general3A_118 = tpu.matmul %div3A_113, %get3A_116, %dot_general3A_117 {dimension_numbers = #tpu.dot_dimension_numbers<[1], [0], [0], [1], [0, 0, 1, 1], [], []>, transpose_lhs_hint = false} : vector<128x128xf32>, vector<128x64xf32>, vector<128x64xf32> -> vector<128x64xf32>
      %get3A_119 = arith.constant 0 : index
      %get3A_120 = arith.constant 0 : index
      %get3A_121 = vector.load %arg11[%get3A_119, %get3A_120] : memref<1x64xf32, #tpu.memory_space<vmem>>, vector<1x64xf32>
      %add3A_122 = vector.broadcast %get3A_121 : vector<1x64xf32> to vector<128x64xf32>
      %add3A_123 = arith.addf %dot_general3A_118, %add3A_122 : vector<128x64xf32>
      %swap3A_124 = arith.constant 0 : index
      %swap3A_125 = arith.constant 0 : index
      %swap3A_126 = vector.load %arg12[%swap3A_124, %swap3A_125] : memref<128x64xf32, #tpu.memory_space<vmem>>, vector<128x64xf32>
      tpu.vector_store %arg12[%swap3A_124, %swap3A_125], %add3A_123 {strides = array<i32>} : memref<128x64xf32, #tpu.memory_space<vmem>>, vector<128x64xf32>,
    } else {
    }
    return
  }
  func.func @transform_0(%arg0: i32) -> (i32, i32) {
    %c0_i32 = arith.constant 0 : i32
    %c0_i32_0 = arith.constant 0 : i32
    return %arg0, %c0_i32 : i32, i32
  }
  func.func @transform_1(%arg0: i32) -> (i32, i32, i32) {
    %c0_i32 = arith.constant 0 : i32
    %c0_i32_0 = arith.constant 0 : i32
    %c0_i32_1 = arith.constant 0 : i32
    return %c0_i32, %arg0, %c0_i32_0 : i32, i32, i32
  }
  func.func @transform_2(%arg0: i32) -> (i32, i32, i32) {
    %c0_i32 = arith.constant 0 : i32
    %c0_i32_0 = arith.constant 0 : i32
    %c0_i32_1 = arith.constant 0 : i32
    return %c0_i32, %arg0, %c0_i32_0 : i32, i32, i32
  }
  func.func @transform_3(%arg0: i32) -> (i32, i32) {
    %c0_i32 = arith.constant 0 : i32
    %c0_i32_0 = arith.constant 0 : i32
    %c0_i32_1 = arith.constant 0 : i32
    return %c0_i32, %c0_i32_0 : i32, i32
  }
  func.func @transform_4(%arg0: i32) -> (i32, i32) {
    %c0_i32 = arith.constant 0 : i32
    %c0_i32_0 = arith.constant 0 : i32
    %c0_i32_1 = arith.constant 0 : i32
    return %c0_i32, %c0_i32_0 : i32, i32
  }
  func.func @transform_5(%arg0: i32) -> (i32, i32) {
    %c0_i32 = arith.constant 0 : i32
    %c0_i32_0 = arith.constant 0 : i32
    %c0_i32_1 = arith.constant 0 : i32
    return %c0_i32, %c0_i32_0 : i32, i32
  }
  func.func @transform_6(%arg0: i32) -> (i32, i32) {
    %c0_i32 = arith.constant 0 : i32
    %c0_i32_0 = arith.constant 0 : i32
    %c0_i32_1 = arith.constant 0 : i32
    return %c0_i32, %c0_i32_0 : i32, i32
  }
  func.func @transform_7(%arg0: i32) -> (i32, i32) {
    %c0_i32 = arith.constant 0 : i32
    %c0_i32_0 = arith.constant 0 : i32
    %c0_i32_1 = arith.constant 0 : i32
    return %c0_i32, %c0_i32_0 : i32, i32
  }
  func.func @transform_8(%arg0: i32) -> (i32, i32) {
    %c0_i32 = arith.constant 0 : i32
    %c0_i32_0 = arith.constant 0 : i32
    return %arg0, %c0_i32 : i32, i32
  }
  func.func @transform_9(%arg0: i32) -> (i32, i32) {
    %c0_i32 = arith.constant 0 : i32
    %c0_i32_0 = arith.constant 0 : i32
    %c0_i32_1 = arith.constant 0 : i32
    return %c0_i32, %c0_i32_0 : i32, i32
  }
  func.func @transform_10(%arg0: i32) -> (i32, i32) {
    %c0_i32 = arith.constant 0 : i32
    %c0_i32_0 = arith.constant 0 : i32
    %c0_i32_1 = arith.constant 0 : i32
    return %c0_i32, %c0_i32_0 : i32, i32
  }
  func.func @transform_11(%arg0: i32) -> (i32, i32) {
    %c0_i32 = arith.constant 0 : i32
    %c0_i32_0 = arith.constant 0 : i32
    %c0_i32_1 = arith.constant 0 : i32
    return %c0_i32, %c0_i32_0 : i32, i32
  }
}

</mosaic_0001>

<sc_bundles>
// kernel: kernel.6.cloned.1.call-start
scs
__scs_entry_jumppad:
0x0: {  	(pc) =	sbr.rel $0x88, $3  }
0x1: {  	(tag) =	ssettag $0x0;
	lr =	simm.s32 $0x1  }
0x2: {  	[smem:$0x3F92] =	sst lr;
	_ =	strace $0xD0000000  }
0x3: {  	_ = 	snop  }
0x4: {  	_ = 	snop  }
0x5: {  	_ = 	snop  }
0x6: {  	_ = 	snop  }
0x7: {  	_ = 	snop  }
__scs_overlays_trampoline_lowered:
0x8: {  	[smem:$0x3FA1] =	sst s0  }
0x9: {  	[smem:$0x3FA2] =	sst s1  }
0xa: {  	[smem:$0x3FA3] =	sst s2  }
0xb: {  	[smem:$0x3FA4] =	sst s3  }
0xc: {  	[smem:$0x3FA5] =	sst s4  }
0xd: {  	[smem:$0x3FA6] =	sst s5  }
0xe: {  	[smem:$0x3FA7] =	sst s6  }
0xf: {  	[smem:$0x3FA8] =	sst s7  }
0x10: {  	[smem:$0x3FA9] =	sst s8  }
0x11: {  	[smem:$0x3FAA] =	sst s9;
	s0 =	simm.s32 @!p0 $0x0  }
0x12: {  	s1 =	sld [smem:$0x3F90];
	s0 =	simm.s32 @p0 $0x1  }
0x13: {  	[smem:$0x3FAB] =	sst s0;
	s0 =	simm.s32 @!p1 $0x0  }
0x14: {  	s2 =	sld [smem:$0x3F8F];
	s0 =	simm.s32 @p1 $0x1  }
0x15: {  	[smem:$0x3FAC] =	sst s0;
	s0 =	simm.s32 @!p2 $0x0  }
0x16: {  	s3 =	sld [smem:$0x3FDB];
	s0 =	simm.s32 @p2 $0x1  }
0x17: {  	s4 =	simm.s32 $0x1BF5;
	[smem:$0x3FAE] =	sst s0  }
0x18: {  	s0 =	sld [smem:$0x3F91];
	_ =	swait.ge [sflag:s4], $0x0  }
0x19: {  	s7 =	sld [smem:$0x3F92]  }
0x1a: {  	s8 =	sadd.s32 $0xFFFFE003, lr  }
0x1b: {  	s9 =	sadd.s32 $0xFFFFFEF7, lr;
	s5 =	simm.s32 $0xFFFFFFFF;
	p2 =	slt.u32 s8, $0xFFFFF086  }
0x1c: {  	p1 =	slt.u32 s9, $0xF7A;
	s5 =	simm.s32 @!p2 $0x0  }
0x1d: {  	s5 =	simm.s32 @p1 $0x1;
	p0 =	seq.s32 s7, s2  }
0x1e: {  	s7 =	smul.u32 @!p0 $0xF7A, s2;
	p2 =	seq.s32 @!p0 s5, $0x0  }
0x1f: {  	s9 =	smul.u32 $0xF7A, s1;
	s8 =	simm.s32 @!p0 $0x1BF5;
	p2 =	por !p2, p0  }
0x20: {  	[sflag:s8] =	ssyncset.s32 @!p0 $0xFFFFF086;
	s6 =	sadd.s32 @!p0 s3, s7;
	s7 =	simm.s32 @!p0 $0x108  }
0x21: {  	s3 =	sadd.s32 s3, s9;
	s6 =	sadd.s32 @!p0 $0x88, s6;
	s7 =	simm.s32 @p2 $0x1082  }
0x22: {  	[simem:s7], [sflag:s8] =	dma.local @!p0 [hbm:s6], $0xF7A  }
0x23: {  	s9 =	sor.u32 $0xD0000000, s2;
	s6 =	simm.s32 $0x108;
	_ =	swait.ge @!p0 [sflag:s8], $0x0  }
0x24: {  	s3 =	sadd.s32 $0x88, s3;
	s6 =	simm.s32 @!p1 $0x1082;
	[sflag:s4] =	ssyncset.s32 $0xFFFFF086  }
0x25: {  	[simem:s6], [sflag:s4] =	dma.local [hbm:s3], $0xF7A  }
0x26: {  	[smem:$0x3F92] =	sst s1;
	(tag) =	ssettag s2;
	_ =	strace s9  }
0x27: {  	s1 =	sld [smem:$0x3FA2]  }
0x28: {  	s2 =	sld [smem:$0x3FA3]  }
0x29: {  	s4 =	sld [smem:$0x3FA5]  }
0x2a: {  	p0 =	seq.s32 s5, $0x0;
	s5 =	sld [smem:$0x3FA6]  }
0x2b: {  	s6 =	sld [smem:$0x3FA7]  }
0x2c: {  	s7 =	sld [smem:$0x3FA8]  }
0x2d: {  	s3 =	simm.s32 $0x108;
	s8 =	sld [smem:$0x3FA9]  }
0x2e: {  	s3 =	simm.s32 @!p0 $0x1082;
	s9 =	sld [smem:$0x3FAA]  }
0x2f: {  	lr =	sadd.s32 s0, s3;
	s0 =	sld [smem:$0x3FA1]  }
0x30: {  	s3 =	sld [smem:$0x3FA4]  }
0x31: {  	[smem:$0x3FAD] =	sst s10  }
0x32: {  	s10 =	sld [smem:$0x3FAB];
	_ =	sdelay $0x3  }
0x33: {  	p0 =	seq.s32 s10, $0x1;
	s10 =	sld [smem:$0x3FAD];
	_ =	sdelay $0x3  }
0x34: {  	[smem:$0x3FAD] =	sst s10  }
0x35: {  	s10 =	sld [smem:$0x3FAC];
	_ =	sdelay $0x3  }
0x36: {  	p1 =	seq.s32 s10, $0x1;
	s10 =	sld [smem:$0x3FAD];
	_ =	sdelay $0x3  }
0x37: {  	[smem:$0x3FAD] =	sst s10  }
0x38: {  	s10 =	sld [smem:$0x3FAE]  }
0x39: {  	_ = 	snop;
	(pc) =	sbr.ind lr, $3  }
0x3a: {  	_ = 	snop  }
0x3b: {  	_ = 	snop  }
0x3c: {  	p2 =	seq.s32 s10, $0x1;
	s10 =	sld [smem:$0x3FAD]  }
0x3d: {  	_ =	shalt  }
0x3e: {  	_ =	shalt  }
0x3f: {  	_ =	shalt  }
0x40: {  	_ =	shalt  }
0x41: {  	_ =	shalt  }
0x42: {  	_ =	shalt  }
0x43: {  	_ =	shalt  }
0x44: {  	_ =	shalt  }
0x45: {  	_ =	shalt  }
0x46: {  	_ =	shalt  }
0x47: {  	_ =	shalt  }
0x48: {  	_ =	shalt  }
0x49: {  	_ =	shalt  }
0x4a: {  	_ =	shalt  }
0x4b: {  	_ =	shalt  }
0x4c: {  	_ =	shalt  }
0x4d: {  	_ =	shalt  }
0x4e: {  	_ =	shalt  }
0x4f: {  	_ =	shalt  }
0x50: {  	_ =	shalt  }
0x51: {  	_ =	shalt  }
0x52: {  	_ =	shalt  }
0x53: {  	_ =	shalt  }
0x54: {  	_ =	shalt  }
0x55: {  	_ =	shalt  }
0x56: {  	_ =	shalt  }
0x57: {  	_ =	shalt  }
0x58: {  	_ =	shalt  }
0x59: {  	_ =	shalt  }
0x5a: {  	_ =	shalt  }
0x5b: {  	_ =	shalt  }
0x5c: {  	_ =	shalt  }
0x5d: {  	_ =	shalt  }
0x5e: {  	_ =	shalt  }
0x5f: {  	_ =	shalt  }
0x60: {  	_ =	shalt  }
0x61: {  	_ =	shalt  }
0x62: {  	_ =	shalt  }
0x63: {  	_ =	shalt  }
0x64: {  	_ =	shalt  }
0x65: {  	_ =	shalt  }
0x66: {  	_ =	shalt  }
0x67: {  	_ =	shalt  }
0x68: {  	_ =	shalt  }
0x69: {  	_ =	shalt  }
0x6a: {  	_ =	shalt  }
0x6b: {  	_ =	shalt  }
0x6c: {  	_ =	shalt  }
0x6d: {  	_ =	shalt  }
0x6e: {  	_ =	shalt  }
0x6f: {  	_ =	shalt  }
0x70: {  	_ =	shalt  }
0x71: {  	_ =	shalt  }
0x72: {  	_ =	shalt  }
0x73: {  	_ =	shalt  }
0x74: {  	_ =	shalt  }
0x75: {  	_ =	shalt  }
0x76: {  	_ =	shalt  }
0x77: {  	_ =	shalt  }
0x78: {  	_ =	shalt  }
0x79: {  	_ =	shalt  }
0x7a: {  	_ =	shalt  }
0x7b: {  	_ =	shalt  }
0x7c: {  	_ =	shalt  }
0x7d: {  	_ =	shalt  }
0x7e: {  	_ =	shalt  }
0x7f: {  	_ =	shalt  }
0x80: {  	_ =	shalt  }
0x81: {  	_ =	shalt  }
0x82: {  	_ =	shalt  }
0x83: {  	_ =	shalt  }
0x84: {  	_ =	shalt  }
0x85: {  	_ =	shalt  }
0x86: {  	_ =	shalt  }
0x87: {  	_ =	shalt  }
.Lfunc_end0:
.L_simem_size_0:
called_computation_lowered:
.L_overlay_start_0:
0x88: {  	s2 =	sld [smem:$0x3FD9]  }
0x89: {  	s3 =	sld [smem:$0x3FFE];
	_ =	sdelay $0x1  }
0x8a: {  	s1 =	srdreg.scid  }
0x8b: {  	s0 =	sand.u32 $0x1, s1  }
0x8c: {  	s17 =	sshll.u32 s0, $0xA;
	s2 =	sadd.s32 s3, s2  }
0x8d: {  	s2 =	sadd.s32 s2, s17  }
0x8e: {  	[smem:$0x3FB9] =	sst s2  }
0x8f: {  	_ = 	snop  }
0x90: {  	s2 =	sld [smem:$0x3FC9];
	(tm) =	ssettm $0x1  }
0x91: {  	s18 =	sld [smem:$0x3FFB];
	_ =	sdelay $0x3  }
0x92: {  	_ =	strace s18  }
0x93: {  	s3 =	sld [smem:$0x3FFC];
	_ =	sdelay $0x3  }
0x94: {  	_ =	strace s3  }
0x95: {  	s3 =	sld [smem:$0x3FFD];
	_ =	sdelay $0x3  }
0x96: {  	_ =	strace s3  }
0x97: {  	_ =	strace $0x8FFFFFFF  }
0x98: {  	s19 =	sld [smem:$0x3FDB];
	_ =	sdelay $0x1  }
0x99: {  	s4 =	simm.s32 $_scs_section_size  }
0x9a: {  	s5 =	simm.s32 $_size__tile_overlayer_lowered;
	s6 =	simm.s32 $_tile_overlayer_lowered  }
0x9b: {  	s22 =	simm.s32 $0x1BFF;
	s21 =	sshll.u32 s6, $0x1;
	s3 =	sadd.s32 s4, s19  }
0x9c: {  	s7 =	simm.s32 $0x0;
	s20 =	sshll.u32 s5, $0x1;
	s5 =	sadd.s32 s21, s3  }
0x9d: {  	[timem:s7], [sflag:s22] =	dma.local [hbm:s5], s20  }
0x9e: {  	_ =	swait.ge [sflag:s22], s20  }
0x9f: {  	s4 =	ssub.s32 $0x0, s20;
	[sflag:s22] =	ssyncset.done $0x0  }
0xa0: {  	[sflag:s22] =	ssyncadd.s32 s4;
	_ =	sdelay $0x1  }
0xa1: {  	s23 =	simm.s32 $0x1B8B  }
0xa2: {  	_ =	swait.ge [sflag:s23], $0x1  }
0xa3: {  	[sflag:s23] =	ssyncset.done $0x0  }
0xa4: {  	s25 =	simm.s32 $0x1B8E;
	s24 =	sld [smem:$0x3FFE];
	[sflag:s23] =	ssyncadd.s32 $0xFFFFFFFF  }
0xa5: {  	s26 =	simm.s32 $execute0_lowered;
	[smem:$0x3FD2] =	sst s25  }
0xa6: {  	s5 =	sshll.u32 s26, $0x1;
	_ =	strace $0x80000046;
	[dreg:$0x1] =	wrdreg $0xFFFFFFFF  }
0xa7: {  	s28 =	simm.s32 $_size_execute0_lowered;
	s3 =	sadd.s32 s3, s5;
	[dreg:$0x0] =	wrdreg $0x0  }
0xa8: {  	s5 =	sshll.u32 s28, $0x1;
	[dreg:$0x2] =	wrdreg s3  }
0xa9: {  	[dreg:$0x3] =	wrdreg s5  }
0xaa: {  	[dreg:$0x4] =	wrdreg $0xC0  }
0xab: {  	_ =	task [dreg:s7], $0x5FFFF  }
0xac: {  	[dreg:$0x1] =	wrdreg $0xFFFFFFFF  }
0xad: {  	[dreg:$0x0] =	wrdreg $0x60  }
0xae: {  	[dreg:$0x2] =	wrdreg s2  }
0xaf: {  	[dreg:$0x3] =	wrdreg s24  }
0xb0: {  	[dreg:$0x4] =	wrdreg $0x110000  }
0xb1: {  	[dreg:$0x5] =	wrdreg $0x70000  }
0xb2: {  	[dreg:$0x6] =	wrdreg $0x1B0000  }
0xb3: {  	[dreg:$0x7] =	wrdreg $0x9  }
0xb4: {  	_ =	task.clear_ibuf [dreg:s7], $0x8FFFF;
	_ =	strace $0x90000046  }
0xb5: {  	s29 =	simm.s32 $0x9;
	_ =	strace $0x80000048  }
0xb6: {  	_ =	swait.ge [sflag:s29], $0x1  }
0xb7: {  	[sflag:s29] =	ssyncadd.s32 $0xFFFFFFFF  }
0xb8: {  	_ =	strace $0x90000048  }
0xb9: {  	_ =	sfence  }
0xba: {  	s30 =	sld [smem:$0x0];
	_ =	sdelay $0x2  }
0xbb: {  	s31 =	sshll.u32 s1, $0xD;
	s1 =	sshrl.u32 s1, $0x2  }
0xbc: {  	s3 =	sand.u32 $0x4000, s31;
	s1 =	sadd.s32 s1, s30  }
0xbd: {  	s0 =	sor.u32 s3, s0;
	s1 =	sshll.u32 s1, $0x11  }
0xbe: {  	s0 =	sor.u32 s1, s0  }
0xbf: {  	s0 =	sadd.s32 $0x8F2B, s0  }
0xc0: {  	[sflag:s0] =	ssyncadd.remote.s32 $0x1  }
0xc1: {  	_ =	sfence.sel $0xFFFF  }
0xc2: {  	[dreg:$0x0] =	wrdreg $0xFFFFFFFF;
	(pc) =	sbr.abs _section_cstart, $3  }
0xc3: {  	[dreg:$0x1] =	wrdreg $0xFFFFFFFF  }
0xc4: {  	_ =	task.clear_ibuf [dreg:s7], $0x2FFFF;
	_ =	strace $0x9FFFFFFF  }
0xc5: {  	(tm) =	ssettm $0x7FFFFFFF  }
tec
execute0_lowered:
.L_overlay_start_1:
0x0: {  	(tag) =	ssettag $0x1  }
0x1: {  	s15 =	rddreg [dreg:$0x0]  }
0x2: {  	s10 =	rddreg [dreg:$0x1]  }
0x3: {  	s1 =	rddreg [dreg:$0x2]  }
0x4: {  	s2 =	rddreg [dreg:$0x3]  }
0x5: {  	s4 =	rddreg [dreg:$0x4]  }
0x6: {  	s0 =	srdreg.scid;
	s5 =	simm.s32 $0x0;
	s25 =	stileid.u32  }
0x7: {  	s24 =	simm.s32 $0x100;
	s26 =	simm.s32 $0x480;
	s28 =	simm.s32 $0x4800  }
0x8: {  	s29 =	simm.s32 $0x5;
	s30 =	simm.s32 $0x1;
	s16 =	smul.u32 $0x280, s25  }
0x9: {  	s31 =	simm.s32 $0x6;
	s6 =	sand.u32 $0x1, s0;
	s11 =	smul.u32 $0x271, s25  }
0xa: {  	[smem:$0x7FF] =	sst s5;
	s13 =	sadd.s32 $0x21200, s10;
	s19 =	smul.u32 $0x13880, s25  }
0xb: {  	s8 =	smul.u32 $0xA000, s25;
	_ =	strace $0x80000047;
	[dreg:$0x6] =	wrdreg s24  }
0xc: {  	s0 =	ssub.s32 $0x2, s6;
	s17 =	sshll.u32 s6, $0x6;
	[dreg:$0x7] =	wrdreg s26  }
0xd: {  	s24 =	simm.s32 $0x280;
	s26 =	simm.s32 $0x600;
	s3 =	sshrl.u32 s0, $0x1  }
0xe: {  	s12 =	sadd.s32 $0x80, s16;
	s14 =	sadd.s32 $0x100, s16;
	[dreg:$0xc] =	wrdreg s24  }
0xf: {  	s7 =	sor.u32 s17, s19;
	[dreg:$0xd] =	wrdreg s26;
	s26 =	smul.u32 $0xA00, s25  }
0x10: {  	s0 =	ssub.s32 s0, s3;
	s3 =	sadd.s32 $0x7D, s11;
	s9 =	sshrl.u32 s7, $0x3  }
0x11: {  	s7 =	sadd.s32 $0xFA, s11;
	s18 =	sshll.u32 s3, $0x7;
	s9 =	sadd.s32 s15, s9  }
0x12: {  	s21 =	sshll.u32 s7, $0x7;
	s3 =	sshll.u32 s3, $0x6;
	s0 =	smax.u32 s0, $0x1  }
0x13: {  	[dreg:$0x13] =	wrdreg s9;
	s20 =	sor.u32 s17, s18;
	s18 =	sor.u32 s17, s21  }
0x14: {  	s9 =	sadd.s32 $0x177, s11;
	s11 =	sadd.s32 $0x1F4, s11;
	s3 =	sadd.s32 s3, s2  }
0x15: {  	[smem:$0x7FA] =	sst s0;
	s0 =	simm.s32 $0x2;
	s19 =	sshrl.u32 s20, $0x3  }
0x16: {  	s18 =	sshrl.u32 s18, $0x3;
	s20 =	simm.s32 $0x500;
	[smem:$0x7F3] =	sst s3  }
0x17: {  	s22 =	sshll.u32 s9, $0x7;
	s19 =	sadd.s32 s15, s19;
	[dreg:$0x9] =	wrdreg s20  }
0x18: {  	s21 =	sshll.u32 s11, $0x7;
	s18 =	sadd.s32 s15, s18;
	[dreg:$0x14] =	wrdreg s19  }
0x19: {  	s23 =	sor.u32 s17, s22;
	s22 =	simm.s32 $0x200;
	[dreg:$0x15] =	wrdreg s18  }
0x1a: {  	s17 =	sor.u32 s17, s21;
	s20 =	simm.s32 $0x300;
	[dreg:$0xa] =	wrdreg s22  }
0x1b: {  	s18 =	sshrl.u32 s23, $0x3;
	s19 =	simm.s32 $0x180;
	[dreg:$0xe] =	wrdreg s20  }
0x1c: {  	s23 =	simm.s32 $0x580;
	s17 =	sshrl.u32 s17, $0x3;
	[dreg:$0x8] =	wrdreg s19  }
0x1d: {  	s18 =	sadd.s32 s15, s18;
	[dreg:$0xb] =	wrdreg s23;
	s19 =	smul.u32 $0xA0000, s6  }
0x1e: {  	s15 =	sadd.s32 s15, s17;
	s17 =	sadd.s32 $0x180, s16;
	s16 =	sadd.s32 $0x200, s16  }
0x1f: {  	[dreg:$0x16] =	wrdreg s18;
	s18 =	sshll.u32 s12, $0x6;
	s21 =	sadd.s32 s8, s19  }
0x20: {  	[dreg:$0x17] =	wrdreg s15;
	s20 =	sadd.s32 s19, s18;
	s15 =	sshrl.u32 s21, $0x3  }
0x21: {  	s12 =	sshll.u32 s12, $0x4;
	s20 =	sshrl.u32 s20, $0x3;
	s15 =	sadd.s32 s13, s15  }
0x22: {  	s21 =	sshll.u32 s17, $0x6;
	[dreg:$0x18] =	wrdreg s15;
	s15 =	sshll.u32 s14, $0x6  }
0x23: {  	s17 =	sshll.u32 s17, $0x4;
	s20 =	sadd.s32 s13, s20;
	s22 =	sadd.s32 s19, s15  }
0x24: {  	s23 =	sadd.s32 s19, s21;
	s21 =	sadd.s32 s21, s1;
	s22 =	sshrl.u32 s22, $0x3  }
0x25: {  	[dreg:$0x19] =	wrdreg s20;
	s20 =	sadd.s32 s13, s22;
	s22 =	sshll.u32 s16, $0x6  }
0x26: {  	s24 =	sshrl.u32 s23, $0x3;
	s23 =	smul.u32 $0x2800, s25;
	s19 =	sadd.s32 s19, s22  }
0x27: {  	s25 =	smul.u32 $0x27100, s25;
	[smem:$0x7F1] =	sst s21;
	s19 =	sshrl.u32 s19, $0x3  }
0x28: {  	[dreg:$0x1a] =	wrdreg s20;
	s20 =	sadd.s32 s13, s24;
	s13 =	sadd.s32 s13, s19  }
0x29: {  	s14 =	sshll.u32 s14, $0x4;
	[dreg:$0x1c] =	wrdreg s13;
	s13 =	smul.u32 $0x28000, s6  }
0x2a: {  	s16 =	sshll.u32 s16, $0x4;
	s24 =	simm.s32 $0x680;
	[dreg:$0x1b] =	wrdreg s20  }
0x2b: {  	s21 =	sadd.s32 s16, s4;
	[dreg:$0xf] =	wrdreg s24;
	s24 =	sadd.s32 s23, s13  }
0x2c: {  	s19 =	sadd.s32 s26, s10;
	s10 =	sadd.s32 $0x17200, s10;
	s20 =	sshrl.u32 s24, $0x3  }
0x2d: {  	[smem:$0x7F9] =	sst s21;
	s26 =	sadd.s32 s13, s12;
	s20 =	sadd.s32 s10, s20  }
0x2e: {  	s24 =	sshrl.u32 s26, $0x3;
	s26 =	sadd.s32 s13, s14;
	[dreg:$0x1d] =	wrdreg s20  }
0x2f: {  	s20 =	sadd.s32 s10, s24;
	s24 =	sshrl.u32 s26, $0x3;
	s26 =	sadd.s32 s13, s17  }
0x30: {  	s13 =	sadd.s32 s13, s16;
	[dreg:$0x1e] =	wrdreg s20;
	s20 =	sadd.s32 s10, s24  }
0x31: {  	s24 =	sshrl.u32 s26, $0x3;
	s26 =	simm.s32 $0x380;
	[dreg:$0x1f] =	wrdreg s20  }
0x32: {  	s13 =	sshrl.u32 s13, $0x3;
	s20 =	sadd.s32 s10, s24;
	[dreg:$0x10] =	wrdreg s26  }
0x33: {  	s9 =	sshll.u32 s9, $0x6;
	s10 =	sadd.s32 s10, s13;
	[smem:$0x7EE] =	sst s20  }
0x34: {  	s25 =	sshrl.u32 s25, $0x2;
	s24 =	simm.s32 $0x700;
	[smem:$0x7EF] =	sst s10  }
0x35: {  	s21 =	simm.s32 $0x4;
	s26 =	simm.s32 $0x780;
	[dreg:$0x11] =	wrdreg s24  }
0x36: {  	s16 =	simm.s32 $0x40;
	s13 =	sadd.s32 s9, s2;
	[dreg:$0x12] =	wrdreg s26  }
0x37: {  	s24 =	sadd.s32 s8, s1;
	s26 =	sadd.s32 s18, s1;
	s20 =	sadd.s32 s15, s1  }
0x38: {  	s10 =	sadd.s32 s22, s1;
	s8 =	sadd.s32 s25, s2;
	[smem:$0x7F5] =	sst s13  }
0x39: {  	s15 =	sshll.u32 s11, $0x6;
	s18 =	sadd.s32 s14, s4;
	[smem:$0x7F0] =	sst s20  }
0x3a: {  	s22 =	sadd.s32 $0x3200, s19;
	s25 =	sadd.s32 $0xD200, s19;
	[smem:$0x7F2] =	sst s8  }
0x3b: {  	s14 =	simm.s32 $0x800;
	s19 =	simm.s32 $0x400;
	[smem:$0x7F7] =	sst s18  }
0x3c: {  	s11 =	simm.s32 $0x3;
	s8 =	sshll.u32 s7, $0x6;
	[smem:$0x7FB] =	sst s22  }
0x3d: {  	s20 =	sadd.s32 s17, s4;
	[smem:$0x7FC] =	sst s25;
	s17 =	simm.s32 $0x80  }
0x3e: {  	s18 =	simm.s32 $0x6800;
	s22 =	simm.s32 $0x0;
	[smem:$0x7FD] =	sst s10  }
0x3f: {  	s3 =	sadd.s32 s8, s2;
	s8 =	sadd.s32 s23, s4;
	[smem:$0x7F8] =	sst s20  }
0x40: {  	s23 =	sadd.s32 s12, s4;
	[smem:$0x7F4] =	sst s3;
	s3 =	sadd.s32 s15, s2  }
0x41: {  	v0 =	vimm.f32 $0.0e+00;
	v1 =	vimm.f32 $1.000000000e+00;
	s20 =	simm.s32 $0x2800;
	s15 =	simm.s32 $0x7;
	[smem:$0x7F6] =	sst s3  }
.LBB2_1:
0x42: {  	s7 =	simm.s32 $0x100;
	s3 =	simm.s32 $0x0  }
.LBB2_2:
0x43: {  	p0 =	sne.s32 s7, $0x7F00;
	[tilespmem:s3+$0x830] =	vst v0;
	s12 =	smov.u32 s7;
	s7 =	sadd.s32 $0x100, s7  }
.Ltmp0:
0x44: {  	[tilespmem:s3+$0x820] =	vst v0;
	(pc) =	sbr.rel @p0 .LBB2_2-.Ltmp0, $3  }
0x45: {  	[tilespmem:s3+$0x800] =	vst v0  }
0x46: {  	[tilespmem:s3+$0x810] =	vst v0;
	_ =	sdelay $0x1  }
0x47: {  	s3 =	sshra.s32 s12, $0x2  }
0x48: {  	[tilespmem:s3+$0x830] =	vst v0  }
0x49: {  	[tilespmem:s3+$0x820] =	vst v0  }
0x4a: {  	[tilespmem:s3+$0x800] =	vst v0  }
0x4b: {  	[tilespmem:s3+$0x810] =	vst v0  }
0x4c: {  	[spmem:s24] =	stream.linear.scatter [tilespmem:s14], [sflag:$0x7], $0x2000, $0x38;
	[tilespmem:$0x1D800] =	vst v63  }
0x4d: {  	_ =	swait.ge [sflag:s15], $0x2000  }
0x4e: {  	[sflag:s15] =	ssyncset.done $0x0  }
0x4f: {  	[sflag:s15] =	ssyncadd.s32 $0xFFFFE000  }
0x50: {  	[spmem:s26] =	stream.linear.scatter [tilespmem:s14], [sflag:$0x7], $0x2000, $0x38;
	[tilespmem:$0x1D800] =	vst v63  }
0x51: {  	_ =	swait.ge [sflag:s15], $0x2000  }
0x52: {  	s7 =	sld [smem:$0x7F0]  }
0x53: {  	[sflag:s15] =	ssyncset.done $0x0  }
0x54: {  	[sflag:s15] =	ssyncadd.s32 $0xFFFFE000  }
0x55: {  	[spmem:s7] =	stream.linear.scatter [tilespmem:s14], [sflag:$0x7], $0x2000, $0x38;
	[tilespmem:$0x1D800] =	vst v63  }
0x56: {  	_ =	swait.ge [sflag:s15], $0x2000  }
0x57: {  	s9 =	sld [smem:$0x7F1]  }
0x58: {  	[sflag:s15] =	ssyncset.done $0x0  }
0x59: {  	[sflag:s15] =	ssyncadd.s32 $0xFFFFE000  }
0x5a: {  	[spmem:s9] =	stream.linear.scatter [tilespmem:s14], [sflag:$0x7], $0x2000, $0x38;
	[tilespmem:$0x1D800] =	vst v63  }
0x5b: {  	_ =	swait.ge [sflag:s15], $0x2000  }
0x5c: {  	[sflag:s15] =	ssyncset.done $0x0  }
0x5d: {  	[sflag:s15] =	ssyncadd.s32 $0xFFFFE000  }
0x5e: {  	[spmem:s10] =	stream.linear.scatter [tilespmem:s14], [sflag:$0x7], $0x2000, $0x38;
	[tilespmem:$0x1D800] =	vst v63  }
0x5f: {  	_ =	swait.ge [sflag:s15], $0x2000  }
0x60: {  	[sflag:s15] =	ssyncset.done $0x0  }
0x61: {  	s10 =	rddreg [dreg:$0x13];
	[sflag:s15] =	ssyncadd.s32 $0xFFFFE000  }
0x62: {  	[tilespmem:s14], [sflag:$0x7] =	stream.strided.gather [hbm4b:s10+s16], $0x1F40, s17, s16, $0x38;
	[tilespmem:$0x1D800] =	vst v63  }
0x63: {  	_ =	swait.ge [sflag:s15], $0x1F40  }
0x64: {  	s12 =	sld [smem:$0x7F2]  }
0x65: {  	[sflag:s15] =	ssyncset.done $0x0  }
0x66: {  	[sflag:s15] =	ssyncadd.s32 $0xFFFFE0C0  }
0x67: {  	[spmem:s12] =	stream.linear.scatter [tilespmem:s14], [sflag:$0x7], $0x1F40, $0x38;
	[tilespmem:$0x1D800] =	vst v63  }
0x68: {  	_ =	swait.ge [sflag:s15], $0x1F40  }
0x69: {  	[sflag:s15] =	ssyncset.done $0x0  }
0x6a: {  	s13 =	rddreg [dreg:$0x14];
	[sflag:s15] =	ssyncadd.s32 $0xFFFFE0C0  }
0x6b: {  	[tilespmem:s14], [sflag:$0x7] =	stream.strided.gather [hbm4b:s13+s16], $0x1F40, s17, s16, $0x38;
	[tilespmem:$0x1D800] =	vst v63  }
0x6c: {  	_ =	swait.ge [sflag:s15], $0x1F40  }
0x6d: {  	s25 =	sld [smem:$0x7F3]  }
0x6e: {  	[sflag:s15] =	ssyncset.done $0x0  }
0x6f: {  	[sflag:s15] =	ssyncadd.s32 $0xFFFFE0C0  }
0x70: {  	[spmem:s25] =	stream.linear.scatter [tilespmem:s14], [sflag:$0x7], $0x1F40, $0x38;
	[tilespmem:$0x1D800] =	vst v63  }
0x71: {  	_ =	swait.ge [sflag:s15], $0x1F40  }
0x72: {  	[sflag:s15] =	ssyncset.done $0x0  }
0x73: {  	s7 =	rddreg [dreg:$0x15];
	[sflag:s15] =	ssyncadd.s32 $0xFFFFE0C0  }
0x74: {  	[tilespmem:s14], [sflag:$0x7] =	stream.strided.gather [hbm4b:s7+s16], $0x1F40, s17, s16, $0x38;
	[tilespmem:$0x1D800] =	vst v63  }
0x75: {  	_ =	swait.ge [sflag:s15], $0x1F40  }
0x76: {  	s9 =	sld [smem:$0x7F4]  }
0x77: {  	[sflag:s15] =	ssyncset.done $0x0  }
0x78: {  	[sflag:s15] =	ssyncadd.s32 $0xFFFFE0C0  }
0x79: {  	[spmem:s9] =	stream.linear.scatter [tilespmem:s14], [sflag:$0x7], $0x1F40, $0x38;
	[tilespmem:$0x1D800] =	vst v63  }
0x7a: {  	_ =	swait.ge [sflag:s15], $0x1F40  }
0x7b: {  	[sflag:s15] =	ssyncset.done $0x0  }
0x7c: {  	s10 =	rddreg [dreg:$0x16];
	[sflag:s15] =	ssyncadd.s32 $0xFFFFE0C0  }
0x7d: {  	[tilespmem:s14], [sflag:$0x7] =	stream.strided.gather [hbm4b:s10+s16], $0x1F40, s17, s16, $0x38;
	[tilespmem:$0x1D800] =	vst v63  }
0x7e: {  	_ =	swait.ge [sflag:s15], $0x1F40  }
0x7f: {  	s12 =	sld [smem:$0x7F5]  }
0x80: {  	[sflag:s15] =	ssyncset.done $0x0  }
0x81: {  	[sflag:s15] =	ssyncadd.s32 $0xFFFFE0C0  }
0x82: {  	[spmem:s12] =	stream.linear.scatter [tilespmem:s14], [sflag:$0x7], $0x1F40, $0x38;
	[tilespmem:$0x1D800] =	vst v63  }
0x83: {  	_ =	swait.ge [sflag:s15], $0x1F40  }
0x84: {  	[sflag:s15] =	ssyncset.done $0x0  }
0x85: {  	s13 =	rddreg [dreg:$0x17];
	[sflag:s15] =	ssyncadd.s32 $0xFFFFE0C0  }
0x86: {  	[tilespmem:s14], [sflag:$0x7] =	stream.strided.gather [hbm4b:s13+s16], $0x1F40, s17, s16, $0x38;
	[tilespmem:$0x1D800] =	vst v63  }
0x87: {  	_ =	swait.ge [sflag:s15], $0x1F40  }
0x88: {  	s25 =	sld [smem:$0x7F6]  }
0x89: {  	[sflag:s15] =	ssyncset.done $0x0  }
0x8a: {  	[sflag:s15] =	ssyncadd.s32 $0xFFFFE0C0  }
0x8b: {  	[spmem:s25] =	stream.linear.scatter [tilespmem:s14], [sflag:$0x7], $0x1F40, $0x38;
	[tilespmem:$0x1D800] =	vst v63  }
0x8c: {  	_ =	swait.ge [sflag:s15], $0x1F40  }
0x8d: {  	[sflag:s15] =	ssyncset.done $0x0  }
0x8e: {  	s3 =	simm.s32 $0x40;
	s7 =	simm.s32 $0x0;
	[sflag:s15] =	ssyncadd.s32 $0xFFFFE0C0  }
.LBB2_4:
0x8f: {  	p0 =	sne.s32 s3, $0x1FC0;
	[tilespmem:s7+$0x6800] =	vst v0;
	s7 =	smov.u32 s3;
	s3 =	sadd.s32 $0x40, s3  }
.Ltmp1:
0x90: {  	(pc) =	sbr.rel @p0 .LBB2_4-.Ltmp1, $2  }
0x91: {  	_ =	sdelay $0x2  }
0x92: {  	s7 =	sshra.s32 s7, $0x2  }
0x93: {  	[tilespmem:s7+$0x6800] =	vst v0  }
0x94: {  	[spmem:s8] =	stream.linear.scatter [tilespmem:s18], [sflag:$0x7], $0x800, $0x38;
	[tilespmem:$0x1D800] =	vst v63  }
0x95: {  	_ =	swait.ge [sflag:s15], $0x800  }
0x96: {  	[sflag:s15] =	ssyncset.done $0x0  }
0x97: {  	[sflag:s15] =	ssyncadd.s32 $0xFFFFF800  }
0x98: {  	[spmem:s23] =	stream.linear.scatter [tilespmem:s18], [sflag:$0x7], $0x800, $0x38;
	[tilespmem:$0x1D800] =	vst v63  }
0x99: {  	_ =	swait.ge [sflag:s15], $0x800  }
0x9a: {  	s3 =	sld [smem:$0x7F7]  }
0x9b: {  	[sflag:s15] =	ssyncset.done $0x0  }
0x9c: {  	[sflag:s15] =	ssyncadd.s32 $0xFFFFF800  }
0x9d: {  	[spmem:s3] =	stream.linear.scatter [tilespmem:s18], [sflag:$0x7], $0x800, $0x38;
	[tilespmem:$0x1D800] =	vst v63  }
0x9e: {  	_ =	swait.ge [sflag:s15], $0x800  }
0x9f: {  	s9 =	smov.u32 s24;
	s24 =	sld [smem:$0x7F8]  }
0xa0: {  	[sflag:s15] =	ssyncset.done $0x0  }
0xa1: {  	[sflag:s15] =	ssyncadd.s32 $0xFFFFF800  }
0xa2: {  	[spmem:s24] =	stream.linear.scatter [tilespmem:s18], [sflag:$0x7], $0x800, $0x38;
	[tilespmem:$0x1D800] =	vst v63  }
0xa3: {  	_ =	swait.ge [sflag:s15], $0x800  }
0xa4: {  	s10 =	smov.u32 s26;
	s26 =	sld [smem:$0x7F9]  }
0xa5: {  	[sflag:s15] =	ssyncset.done $0x0  }
0xa6: {  	[sflag:s15] =	ssyncadd.s32 $0xFFFFF800  }
0xa7: {  	[spmem:s26] =	stream.linear.scatter [tilespmem:s18], [sflag:$0x7], $0x800, $0x38;
	[tilespmem:$0x1D800] =	vst v63  }
0xa8: {  	_ =	swait.ge [sflag:s15], $0x800  }
0xa9: {  	s25 =	smov.u32 s8;
	s13 =	smov.u32 s23;
	[sflag:s15] =	ssyncset.done $0x0  }
0xaa: {  	s7 =	simm.s32 $0x0;
	s3 =	simm.s32 $0x40;
	[sflag:s15] =	ssyncadd.s32 $0xFFFFF800  }
.LBB2_6:
0xab: {  	p0 =	sne.s32 s3, $0x1FC0;
	[tilespmem:s7+$0x6800] =	vst v1;
	s7 =	smov.u32 s3;
	s3 =	sadd.s32 $0x40, s3  }
.Ltmp2:
0xac: {  	(pc) =	sbr.rel @p0 .LBB2_6-.Ltmp2, $2  }
0xad: {  	_ =	sdelay $0x2  }
0xae: {  	s7 =	sshra.s32 s7, $0x2  }
0xaf: {  	[tilespmem:s7+$0x6800] =	vst v1  }
0xb0: {  	[bflag:$0x0] =	sbarrier.arrive $0xFFFF  }
0xb1: {  	s24 =	sld [smem:$0x7FC];
	_ =	sdelay $0x2  }
0xb2: {  	[tilespmem:s5], [sflag:$0x7] =	stream.linear.gather [hbm4b:s24+s5], $0x400, $0x38;
	[tilespmem:$0x1D800] =	vst v63  }
0xb3: {  	_ =	swait.ge [sflag:s15], $0x400  }
0xb4: {  	s8 =	sld [smem:$0x7FB]  }
0xb5: {  	[sflag:s15] =	ssyncset.done $0x0  }
0xb6: {  	[sflag:s15] =	ssyncadd.s32 $0xFFFFFC00  }
0xb7: {  	[tilespmem:s19], [sflag:$0x7] =	stream.linear.gather [hbm4b:s8+s5], $0x400, $0x38;
	[tilespmem:$0x1D800] =	vst v63  }
0xb8: {  	_ =	swait.ge [sflag:s15], $0x400  }
0xb9: {  	[sflag:s15] =	ssyncset.done $0x0  }
0xba: {  	[sflag:s15] =	ssyncadd.s32 $0xFFFFFC00  }
0xbb: {  	[tilespmem:s14], [sflag:$0x4] =	stream.indirect.gather [spmem:s2], $0x40, s5, s17, $0xb8;
	[tilespmem:$0x1D800] =	vst v63  }
0xbc: {  	_ = 	snop  }
0xbd: {  	[tilespmem:s20], [sflag:$0x5] =	stream.indirect.gather [spmem:s2], $0x40, s17, s17, $0xb8;
	[tilespmem:$0x1D800] =	vst v63  }
0xbe: {  	_ =	swait.ge [sflag:s21], $0x2000  }
0xbf: {  	[sflag:s21] =	ssyncset.done $0x0  }
0xc0: {  	[sflag:s21] =	ssyncadd.s32 $0xFFFFE000  }
0xc1: {  	[spmem:s1] =	stream.indirect.scatter.add.f32 [tilespmem:s14], [sflag:$0x1], $0x40, s19, s17, $0xb8;
	[tilespmem:$0x1D800] =	vst v63  }
0xc2: {  	s3 =	rddreg [dreg:$0x6]  }
0xc3: {  	[tilespmem:s28], [sflag:$0x6] =	stream.indirect.gather [spmem:s2], $0x40, s3, s17, $0xb8;
	[tilespmem:$0x1D800] =	vst v63  }
0xc4: {  	_ =	swait.ge [sflag:s29], $0x2000  }
0xc5: {  	[sflag:s29] =	ssyncset.done $0x0  }
0xc6: {  	s26 =	rddreg [dreg:$0x7];
	[sflag:s29] =	ssyncadd.s32 $0xFFFFE000  }
0xc7: {  	[spmem:s1] =	stream.indirect.scatter.add.f32 [tilespmem:s20], [sflag:$0x2], $0x40, s26, s17, $0xb8;
	[tilespmem:$0x1D800] =	vst v63  }
0xc8: {  	_ =	swait.ge [sflag:s30], $0x2000  }
0xc9: {  	[sflag:s30] =	ssyncset.done $0x0  }
0xca: {  	s7 =	rddreg [dreg:$0x8];
	[sflag:s30] =	ssyncadd.s32 $0xFFFFE000  }
0xcb: {  	[tilespmem:s14], [sflag:$0x4] =	stream.indirect.gather [spmem:s2], $0x40, s7, s17, $0xb8;
	[tilespmem:$0x1D800] =	vst v63  }
0xcc: {  	_ =	swait.ge [sflag:s31], $0x2000  }
0xcd: {  	[sflag:s31] =	ssyncset.done $0x0  }
0xce: {  	s12 =	rddreg [dreg:$0x9];
	[sflag:s31] =	ssyncadd.s32 $0xFFFFE000  }
0xcf: {  	[spmem:s1] =	stream.indirect.scatter.add.f32 [tilespmem:s28], [sflag:$0x3], $0x40, s12, s17, $0xb8;
	[tilespmem:$0x1D800] =	vst v63  }
0xd0: {  	_ =	swait.ge [sflag:s0], $0x2000  }
0xd1: {  	[sflag:s0] =	ssyncset.done $0x0  }
0xd2: {  	s23 =	rddreg [dreg:$0xa];
	[sflag:s0] =	ssyncadd.s32 $0xFFFFE000  }
0xd3: {  	[tilespmem:s20], [sflag:$0x5] =	stream.indirect.gather [spmem:s2], $0x40, s23, s17, $0xb8;
	[tilespmem:$0x1D800] =	vst v63  }
0xd4: {  	_ =	swait.ge [sflag:s21], $0x2000  }
0xd5: {  	[sflag:s21] =	ssyncset.done $0x0  }
0xd6: {  	s26 =	rddreg [dreg:$0xb];
	[sflag:s21] =	ssyncadd.s32 $0xFFFFE000  }
0xd7: {  	[spmem:s1] =	stream.indirect.scatter.add.f32 [tilespmem:s14], [sflag:$0x1], $0x40, s26, s17, $0xb8;
	[tilespmem:$0x1D800] =	vst v63  }
0xd8: {  	_ =	swait.ge [sflag:s11], $0x2000  }
0xd9: {  	[sflag:s11] =	ssyncset.done $0x0  }
0xda: {  	s7 =	rddreg [dreg:$0xc];
	[sflag:s11] =	ssyncadd.s32 $0xFFFFE000  }
0xdb: {  	[tilespmem:s28], [sflag:$0x6] =	stream.indirect.gather [spmem:s2], $0x40, s7, s17, $0xb8;
	[tilespmem:$0x1D800] =	vst v63  }
0xdc: {  	_ =	swait.ge [sflag:s29], $0x2000  }
0xdd: {  	[sflag:s29] =	ssyncset.done $0x0  }
0xde: {  	s12 =	rddreg [dreg:$0xd];
	[sflag:s29] =	ssyncadd.s32 $0xFFFFE000  }
0xdf: {  	[spmem:s1] =	stream.indirect.scatter.add.f32 [tilespmem:s20], [sflag:$0x2], $0x40, s12, s17, $0xb8;
	[tilespmem:$0x1D800] =	vst v63  }
0xe0: {  	_ =	swait.ge [sflag:s30], $0x2000  }
0xe1: {  	[sflag:s30] =	ssyncset.done $0x0  }
0xe2: {  	s23 =	rddreg [dreg:$0xe];
	[sflag:s30] =	ssyncadd.s32 $0xFFFFE000  }
0xe3: {  	[tilespmem:s14], [sflag:$0x4] =	stream.indirect.gather [spmem:s2], $0x40, s23, s17, $0xb8;
	[tilespmem:$0x1D800] =	vst v63  }
0xe4: {  	_ =	swait.ge [sflag:s31], $0x2000  }
0xe5: {  	[sflag:s31] =	ssyncset.done $0x0  }
0xe6: {  	s26 =	rddreg [dreg:$0xf];
	[sflag:s31] =	ssyncadd.s32 $0xFFFFE000  }
0xe7: {  	[spmem:s1] =	stream.indirect.scatter.add.f32 [tilespmem:s28], [sflag:$0x3], $0x40, s26, s17, $0xb8;
	[tilespmem:$0x1D800] =	vst v63  }
0xe8: {  	_ =	swait.ge [sflag:s0], $0x2000  }
0xe9: {  	[sflag:s0] =	ssyncset.done $0x0  }
0xea: {  	s7 =	rddreg [dreg:$0x10];
	[sflag:s0] =	ssyncadd.s32 $0xFFFFE000  }
0xeb: {  	[tilespmem:s20], [sflag:$0x5] =	stream.indirect.gather [spmem:s2], $0x40, s7, s17, $0xb8;
	[tilespmem:$0x1D800] =	vst v63  }
0xec: {  	_ =	swait.ge [sflag:s21], $0x2000  }
0xed: {  	[sflag:s21] =	ssyncset.done $0x0  }
0xee: {  	s23 =	simm.s32 $0x0;
	s12 =	rddreg [dreg:$0x11];
	[sflag:s21] =	ssyncadd.s32 $0xFFFFE000  }
0xef: {  	[spmem:s1] =	stream.indirect.scatter.add.f32 [tilespmem:s14], [sflag:$0x1], $0x40, s12, s17, $0xb8;
	[tilespmem:$0x1D800] =	vst v63  }
0xf0: {  	s3 =	sand.u32 $0x1, s23;
	_ =	swait.ge [sflag:s29], $0x2000  }
0xf1: {  	p0 =	sne.s32 s3, s6;
	[sflag:s29] =	ssyncset.done $0x0  }
0xf2: {  	s3 =	simm.s32 @!p0 $0x6800;
	s26 =	rddreg [dreg:$0x12];
	[sflag:s29] =	ssyncadd.s32 $0xFFFFE000  }
0xf3: {  	[spmem:s1] =	stream.indirect.scatter.add.f32 [tilespmem:s20], [sflag:$0x2], $0x40, s26, s17, $0xb8;
	[tilespmem:$0x1D800] =	vst v63  }
0xf4: {  	s23 =	simm.s32 @!p0 $0x400;
	s7 =	simm.s32 @!p0 $0x7;
	s12 =	simm.s32 @!p0 $0x80  }
0xf5: {  	[spmem:s4] =	stream.indirect.scatter.add.f32 @!p0 [tilespmem:s3], [sflag:$0x7], $0x10, s23, s12, $0xb8;
	[tilespmem:$0x1D800] =	vst v63  }
0xf6: {  	_ =	swait.ge @!p0 [sflag:s7], $0x800  }
0xf7: {  	[sflag:s7] =	ssyncset.done @!p0 $0x0  }
0xf8: {  	s23 =	simm.s32 @!p0 $0x480;
	[sflag:s7] =	ssyncadd.s32 @!p0 $0xFFFFF800  }
0xf9: {  	[spmem:s4] =	stream.indirect.scatter.add.f32 @!p0 [tilespmem:s3], [sflag:$0x7], $0x10, s23, s12, $0xb8;
	[tilespmem:$0x1D800] =	vst v63  }
0xfa: {  	_ =	swait.ge @!p0 [sflag:s7], $0x800  }
0xfb: {  	[sflag:s7] =	ssyncset.done @!p0 $0x0  }
0xfc: {  	s23 =	simm.s32 @!p0 $0x500;
	[sflag:s7] =	ssyncadd.s32 @!p0 $0xFFFFF800  }
0xfd: {  	[spmem:s4] =	stream.indirect.scatter.add.f32 @!p0 [tilespmem:s3], [sflag:$0x7], $0x10, s23, s12, $0xb8;
	[tilespmem:$0x1D800] =	vst v63  }
0xfe: {  	_ =	swait.ge @!p0 [sflag:s7], $0x800  }
0xff: {  	[sflag:s7] =	ssyncset.done @!p0 $0x0  }
0x100: {  	s23 =	simm.s32 @!p0 $0x580;
	[sflag:s7] =	ssyncadd.s32 @!p0 $0xFFFFF800  }
0x101: {  	[spmem:s4] =	stream.indirect.scatter.add.f32 @!p0 [tilespmem:s3], [sflag:$0x7], $0x10, s23, s12, $0xb8;
	[tilespmem:$0x1D800] =	vst v63  }
0x102: {  	_ =	swait.ge @!p0 [sflag:s7], $0x800  }
0x103: {  	[sflag:s7] =	ssyncset.done @!p0 $0x0  }
0x104: {  	s23 =	simm.s32 @!p0 $0x600;
	[sflag:s7] =	ssyncadd.s32 @!p0 $0xFFFFF800  }
0x105: {  	[spmem:s4] =	stream.indirect.scatter.add.f32 @!p0 [tilespmem:s3], [sflag:$0x7], $0x10, s23, s12, $0xb8;
	[tilespmem:$0x1D800] =	vst v63  }
0x106: {  	_ =	swait.ge @!p0 [sflag:s7], $0x800  }
0x107: {  	[sflag:s7] =	ssyncset.done @!p0 $0x0  }
0x108: {  	s23 =	simm.s32 @!p0 $0x680;
	[sflag:s7] =	ssyncadd.s32 @!p0 $0xFFFFF800  }
0x109: {  	[spmem:s4] =	stream.indirect.scatter.add.f32 @!p0 [tilespmem:s3], [sflag:$0x7], $0x10, s23, s12, $0xb8;
	[tilespmem:$0x1D800] =	vst v63  }
0x10a: {  	_ =	swait.ge @!p0 [sflag:s7], $0x800  }
0x10b: {  	[sflag:s7] =	ssyncset.done @!p0 $0x0  }
0x10c: {  	s23 =	simm.s32 @!p0 $0x700;
	[sflag:s7] =	ssyncadd.s32 @!p0 $0xFFFFF800  }
0x10d: {  	[spmem:s4] =	stream.indirect.scatter.add.f32 @!p0 [tilespmem:s3], [sflag:$0x7], $0x10, s23, s12, $0xb8;
	[tilespmem:$0x1D800] =	vst v63  }
0x10e: {  	_ =	swait.ge @!p0 [sflag:s7], $0x800  }
0x10f: {  	[sflag:s7] =	ssyncset.done @!p0 $0x0  }
0x110: {  	s23 =	simm.s32 @!p0 $0x780;
	[sflag:s7] =	ssyncadd.s32 @!p0 $0xFFFFF800  }
0x111: {  	[spmem:s4] =	stream.indirect.scatter.add.f32 @!p0 [tilespmem:s3], [sflag:$0x7], $0x10, s23, s12, $0xb8;
	[tilespmem:$0x1D800] =	vst v63  }
0x112: {  	_ =	swait.ge @!p0 [sflag:s7], $0x800  }
0x113: {  	[sflag:s7] =	ssyncset.done @!p0 $0x0  }
0x114: {  	[sflag:s7] =	ssyncadd.s32 @!p0 $0xFFFFF800  }
0x115: {  	_ =	swait.ge [sflag:s11], $0x2000  }
0x116: {  	[sflag:s11] =	ssyncset.done $0x0  }
0x117: {  	[sflag:s11] =	ssyncadd.s32 $0xFFFFE000  }
0x118: {  	_ =	swait.ge [sflag:s30], $0x2000  }
0x119: {  	s24 =	sadd.s32 $0x80, s24;
	[sflag:s30] =	ssyncset.done $0x0  }
0x11a: {  	s23 =	simm.s32 $0x1;
	s12 =	smov.u32 s8;
	[sflag:s30] =	ssyncadd.s32 $0xFFFFE000  }
.LBB2_8:
0x11b: {  	_ =	swait.ge [sflag:s0], $0x2000  }
0x11c: {  	[sflag:s0] =	ssyncset.done $0x0  }
0x11d: {  	[sflag:s0] =	ssyncadd.s32 $0xFFFFE000  }
0x11e: {  	[tilespmem:s5], [sflag:$0x7] =	stream.linear.gather [hbm4b:s24+s5], $0x400, $0x38;
	[tilespmem:$0x1D800] =	vst v63  }
0x11f: {  	_ =	swait.ge [sflag:s15], $0x400  }
0x120: {  	[sflag:s15] =	ssyncset.done $0x0  }
0x121: {  	s12 =	sadd.s32 $0x80, s12;
	[sflag:s15] =	ssyncadd.s32 $0xFFFFFC00  }
0x122: {  	[tilespmem:s19], [sflag:$0x7] =	stream.linear.gather [hbm4b:s12+s5], $0x400, $0x38;
	[tilespmem:$0x1D800] =	vst v63  }
0x123: {  	_ =	swait.ge [sflag:s15], $0x400  }
0x124: {  	[sflag:s15] =	ssyncset.done $0x0  }
0x125: {  	[sflag:s15] =	ssyncadd.s32 $0xFFFFFC00  }
0x126: {  	[tilespmem:s14], [sflag:$0x4] =	stream.indirect.gather [spmem:s2], $0x40, s5, s17, $0xb8;
	[tilespmem:$0x1D800] =	vst v63  }
0x127: {  	_ = 	snop  }
0x128: {  	[tilespmem:s20], [sflag:$0x5] =	stream.indirect.gather [spmem:s2], $0x40, s17, s17, $0xb8;
	[tilespmem:$0x1D800] =	vst v63  }
0x129: {  	_ =	swait.ge [sflag:s21], $0x2000  }
0x12a: {  	[sflag:s21] =	ssyncset.done $0x0  }
0x12b: {  	[sflag:s21] =	ssyncadd.s32 $0xFFFFE000  }
0x12c: {  	[spmem:s1] =	stream.indirect.scatter.add.f32 [tilespmem:s14], [sflag:$0x1], $0x40, s19, s17, $0xb8;
	[tilespmem:$0x1D800] =	vst v63  }
0x12d: {  	s3 =	rddreg [dreg:$0x6]  }
0x12e: {  	[tilespmem:s28], [sflag:$0x6] =	stream.indirect.gather [spmem:s2], $0x40, s3, s17, $0xb8;
	[tilespmem:$0x1D800] =	vst v63  }
0x12f: {  	_ =	swait.ge [sflag:s29], $0x2000  }
0x130: {  	[sflag:s29] =	ssyncset.done $0x0  }
0x131: {  	s8 =	rddreg [dreg:$0x7];
	[sflag:s29] =	ssyncadd.s32 $0xFFFFE000  }
0x132: {  	[spmem:s1] =	stream.indirect.scatter.add.f32 [tilespmem:s20], [sflag:$0x2], $0x40, s8, s17, $0xb8;
	[tilespmem:$0x1D800] =	vst v63  }
0x133: {  	_ =	swait.ge [sflag:s30], $0x2000  }
0x134: {  	[sflag:s30] =	ssyncset.done $0x0  }
0x135: {  	s7 =	rddreg [dreg:$0x8];
	[sflag:s30] =	ssyncadd.s32 $0xFFFFE000  }
0x136: {  	[tilespmem:s14], [sflag:$0x4] =	stream.indirect.gather [spmem:s2], $0x40, s7, s17, $0xb8;
	[tilespmem:$0x1D800] =	vst v63  }
0x137: {  	_ =	swait.ge [sflag:s31], $0x2000  }
0x138: {  	[sflag:s31] =	ssyncset.done $0x0  }
0x139: {  	s8 =	rddreg [dreg:$0x9];
	[sflag:s31] =	ssyncadd.s32 $0xFFFFE000  }
0x13a: {  	[spmem:s1] =	stream.indirect.scatter.add.f32 [tilespmem:s28], [sflag:$0x3], $0x40, s8, s17, $0xb8;
	[tilespmem:$0x1D800] =	vst v63  }
0x13b: {  	_ =	swait.ge [sflag:s0], $0x2000  }
0x13c: {  	[sflag:s0] =	ssyncset.done $0x0  }
0x13d: {  	s7 =	rddreg [dreg:$0xa];
	[sflag:s0] =	ssyncadd.s32 $0xFFFFE000  }
0x13e: {  	[tilespmem:s20], [sflag:$0x5] =	stream.indirect.gather [spmem:s2], $0x40, s7, s17, $0xb8;
	[tilespmem:$0x1D800] =	vst v63  }
0x13f: {  	_ =	swait.ge [sflag:s21], $0x2000  }
0x140: {  	[sflag:s21] =	ssyncset.done $0x0  }
0x141: {  	s8 =	rddreg [dreg:$0xb];
	[sflag:s21] =	ssyncadd.s32 $0xFFFFE000  }
0x142: {  	[spmem:s1] =	stream.indirect.scatter.add.f32 [tilespmem:s14], [sflag:$0x1], $0x40, s8, s17, $0xb8;
	[tilespmem:$0x1D800] =	vst v63  }
0x143: {  	_ =	swait.ge [sflag:s11], $0x2000  }
0x144: {  	[sflag:s11] =	ssyncset.done $0x0  }
0x145: {  	s7 =	rddreg [dreg:$0xc];
	[sflag:s11] =	ssyncadd.s32 $0xFFFFE000  }
0x146: {  	[tilespmem:s28], [sflag:$0x6] =	stream.indirect.gather [spmem:s2], $0x40, s7, s17, $0xb8;
	[tilespmem:$0x1D800] =	vst v63  }
0x147: {  	_ =	swait.ge [sflag:s29], $0x2000  }
0x148: {  	[sflag:s29] =	ssyncset.done $0x0  }
0x149: {  	s8 =	rddreg [dreg:$0xd];
	[sflag:s29] =	ssyncadd.s32 $0xFFFFE000  }
0x14a: {  	[spmem:s1] =	stream.indirect.scatter.add.f32 [tilespmem:s20], [sflag:$0x2], $0x40, s8, s17, $0xb8;
	[tilespmem:$0x1D800] =	vst v63  }
0x14b: {  	_ =	swait.ge [sflag:s30], $0x2000  }
0x14c: {  	[sflag:s30] =	ssyncset.done $0x0  }
0x14d: {  	s7 =	rddreg [dreg:$0xe];
	[sflag:s30] =	ssyncadd.s32 $0xFFFFE000  }
0x14e: {  	[tilespmem:s14], [sflag:$0x4] =	stream.indirect.gather [spmem:s2], $0x40, s7, s17, $0xb8;
	[tilespmem:$0x1D800] =	vst v63  }
0x14f: {  	_ =	swait.ge [sflag:s31], $0x2000  }
0x150: {  	[sflag:s31] =	ssyncset.done $0x0  }
0x151: {  	s8 =	rddreg [dreg:$0xf];
	[sflag:s31] =	ssyncadd.s32 $0xFFFFE000  }
0x152: {  	[spmem:s1] =	stream.indirect.scatter.add.f32 [tilespmem:s28], [sflag:$0x3], $0x40, s8, s17, $0xb8;
	[tilespmem:$0x1D800] =	vst v63  }
0x153: {  	_ =	swait.ge [sflag:s0], $0x2000  }
0x154: {  	[sflag:s0] =	ssyncset.done $0x0  }
0x155: {  	s7 =	rddreg [dreg:$0x10];
	[sflag:s0] =	ssyncadd.s32 $0xFFFFE000  }
0x156: {  	[tilespmem:s20], [sflag:$0x5] =	stream.indirect.gather [spmem:s2], $0x40, s7, s17, $0xb8;
	[tilespmem:$0x1D800] =	vst v63  }
0x157: {  	_ =	swait.ge [sflag:s21], $0x2000  }
0x158: {  	[sflag:s21] =	ssyncset.done $0x0  }
0x159: {  	s26 =	smov.u32 s23;
	s8 =	rddreg [dreg:$0x11];
	[sflag:s21] =	ssyncadd.s32 $0xFFFFE000  }
0x15a: {  	[spmem:s1] =	stream.indirect.scatter.add.f32 [tilespmem:s14], [sflag:$0x1], $0x40, s8, s17, $0xb8;
	[tilespmem:$0x1D800] =	vst v63  }
0x15b: {  	s26 =	sand.u32 $0x1, s26;
	_ =	swait.ge [sflag:s29], $0x2000  }
0x15c: {  	p1 =	sne.s32 s26, s6;
	[sflag:s29] =	ssyncset.done $0x0  }
0x15d: {  	s26 =	simm.s32 @!p1 $0x7;
	s7 =	rddreg [dreg:$0x12];
	[sflag:s29] =	ssyncadd.s32 $0xFFFFE000  }
0x15e: {  	[spmem:s1] =	stream.indirect.scatter.add.f32 [tilespmem:s20], [sflag:$0x2], $0x40, s7, s17, $0xb8;
	[tilespmem:$0x1D800] =	vst v63  }
0x15f: {  	s3 =	simm.s32 @!p1 $0x6800;
	s8 =	simm.s32 @!p1 $0x400;
	s7 =	simm.s32 @!p1 $0x80  }
0x160: {  	[spmem:s4] =	stream.indirect.scatter.add.f32 @!p1 [tilespmem:s3], [sflag:$0x7], $0x10, s8, s7, $0xb8;
	[tilespmem:$0x1D800] =	vst v63  }
0x161: {  	_ =	swait.ge @!p1 [sflag:s26], $0x800  }
0x162: {  	[sflag:s26] =	ssyncset.done @!p1 $0x0  }
0x163: {  	s8 =	simm.s32 @!p1 $0x480;
	[sflag:s26] =	ssyncadd.s32 @!p1 $0xFFFFF800  }
0x164: {  	[spmem:s4] =	stream.indirect.scatter.add.f32 @!p1 [tilespmem:s3], [sflag:$0x7], $0x10, s8, s7, $0xb8;
	[tilespmem:$0x1D800] =	vst v63  }
0x165: {  	_ =	swait.ge @!p1 [sflag:s26], $0x800  }
0x166: {  	[sflag:s26] =	ssyncset.done @!p1 $0x0  }
0x167: {  	s8 =	simm.s32 @!p1 $0x500;
	[sflag:s26] =	ssyncadd.s32 @!p1 $0xFFFFF800  }
0x168: {  	[spmem:s4] =	stream.indirect.scatter.add.f32 @!p1 [tilespmem:s3], [sflag:$0x7], $0x10, s8, s7, $0xb8;
	[tilespmem:$0x1D800] =	vst v63  }
0x169: {  	_ =	swait.ge @!p1 [sflag:s26], $0x800  }
0x16a: {  	[sflag:s26] =	ssyncset.done @!p1 $0x0  }
0x16b: {  	s8 =	simm.s32 @!p1 $0x580;
	[sflag:s26] =	ssyncadd.s32 @!p1 $0xFFFFF800  }
0x16c: {  	[spmem:s4] =	stream.indirect.scatter.add.f32 @!p1 [tilespmem:s3], [sflag:$0x7], $0x10, s8, s7, $0xb8;
	[tilespmem:$0x1D800] =	vst v63  }
0x16d: {  	_ =	swait.ge @!p1 [sflag:s26], $0x800  }
0x16e: {  	[sflag:s26] =	ssyncset.done @!p1 $0x0  }
0x16f: {  	s8 =	simm.s32 @!p1 $0x600;
	[sflag:s26] =	ssyncadd.s32 @!p1 $0xFFFFF800  }
0x170: {  	[spmem:s4] =	stream.indirect.scatter.add.f32 @!p1 [tilespmem:s3], [sflag:$0x7], $0x10, s8, s7, $0xb8;
	[tilespmem:$0x1D800] =	vst v63  }
0x171: {  	_ =	swait.ge @!p1 [sflag:s26], $0x800  }
0x172: {  	[sflag:s26] =	ssyncset.done @!p1 $0x0  }
0x173: {  	s8 =	simm.s32 @!p1 $0x680;
	[sflag:s26] =	ssyncadd.s32 @!p1 $0xFFFFF800  }
0x174: {  	[spmem:s4] =	stream.indirect.scatter.add.f32 @!p1 [tilespmem:s3], [sflag:$0x7], $0x10, s8, s7, $0xb8;
	[tilespmem:$0x1D800] =	vst v63  }
0x175: {  	_ =	swait.ge @!p1 [sflag:s26], $0x800  }
0x176: {  	[sflag:s26] =	ssyncset.done @!p1 $0x0  }
0x177: {  	s8 =	simm.s32 @!p1 $0x700;
	[sflag:s26] =	ssyncadd.s32 @!p1 $0xFFFFF800  }
0x178: {  	[spmem:s4] =	stream.indirect.scatter.add.f32 @!p1 [tilespmem:s3], [sflag:$0x7], $0x10, s8, s7, $0xb8;
	[tilespmem:$0x1D800] =	vst v63  }
0x179: {  	_ =	swait.ge @!p1 [sflag:s26], $0x800  }
0x17a: {  	[sflag:s26] =	ssyncset.done @!p1 $0x0  }
0x17b: {  	s8 =	simm.s32 @!p1 $0x780;
	[sflag:s26] =	ssyncadd.s32 @!p1 $0xFFFFF800  }
0x17c: {  	[spmem:s4] =	stream.indirect.scatter.add.f32 @!p1 [tilespmem:s3], [sflag:$0x7], $0x10, s8, s7, $0xb8;
	[tilespmem:$0x1D800] =	vst v63  }
0x17d: {  	_ =	swait.ge @!p1 [sflag:s26], $0x800  }
0x17e: {  	[sflag:s26] =	ssyncset.done @!p1 $0x0  }
0x17f: {  	s23 =	sadd.s32 $0x1, s23;
	[sflag:s26] =	ssyncadd.s32 @!p1 $0xFFFFF800  }
0x180: {  	p0 =	sne.s32 s23, $0x14;
	_ =	swait.ge [sflag:s11], $0x2000  }
.Ltmp3:
0x181: {  	[sflag:s11] =	ssyncset.done $0x0;
	(pc) =	sbr.rel @p0 .LBB2_8-.Ltmp3, $4  }
0x182: {  	[sflag:s11] =	ssyncadd.s32 $0xFFFFE000  }
0x183: {  	_ =	swait.ge [sflag:s30], $0x2000  }
0x184: {  	[sflag:s30] =	ssyncset.done $0x0  }
0x185: {  	s24 =	sadd.s32 $0x80, s24;
	[sflag:s30] =	ssyncadd.s32 $0xFFFFE000  }
0x186: {  	_ =	swait.ge [sflag:s0], $0x2000  }
0x187: {  	[sflag:s0] =	ssyncset.done $0x0  }
0x188: {  	[sflag:s0] =	ssyncadd.s32 $0xFFFFE000  }
0x189: {  	[bflag:$0x0] =	sbarrier.arrive $0xFFFF  }
0x18a: {  	[tilespmem:s14], [sflag:$0x7] =	stream.linear.gather [spmem:s9], $0x2000, $0x38;
	[tilespmem:$0x1D800] =	vst v63  }
0x18b: {  	_ =	swait.ge [sflag:s15], $0x2000  }
0x18c: {  	[sflag:s15] =	ssyncset.done $0x0  }
0x18d: {  	s3 =	rddreg [dreg:$0x18];
	[sflag:s15] =	ssyncadd.s32 $0xFFFFE000  }
0x18e: {  	[hbm4b:s3+s5] =	stream.linear.scatter [tilespmem:s14], [sflag:$0x7], $0x2000, $0x38;
	[tilespmem:$0x1D800] =	vst v63  }
0x18f: {  	_ =	swait.ge [sflag:s15], $0x2000  }
0x190: {  	[sflag:s15] =	ssyncset.done $0x0  }
0x191: {  	[sflag:s15] =	ssyncadd.s32 $0xFFFFE000  }
0x192: {  	[tilespmem:s14], [sflag:$0x7] =	stream.linear.gather [spmem:s10], $0x2000, $0x38;
	[tilespmem:$0x1D800] =	vst v63  }
0x193: {  	_ =	swait.ge [sflag:s15], $0x2000  }
0x194: {  	[sflag:s15] =	ssyncset.done $0x0  }
0x195: {  	s24 =	smov.u32 s9;
	s9 =	rddreg [dreg:$0x19];
	[sflag:s15] =	ssyncadd.s32 $0xFFFFE000  }
0x196: {  	[hbm4b:s9+s5] =	stream.linear.scatter [tilespmem:s14], [sflag:$0x7], $0x2000, $0x38;
	[tilespmem:$0x1D800] =	vst v63  }
0x197: {  	_ =	swait.ge [sflag:s15], $0x2000  }
0x198: {  	s26 =	smov.u32 s10;
	s10 =	sld [smem:$0x7F0]  }
0x199: {  	[sflag:s15] =	ssyncset.done $0x0  }
0x19a: {  	[sflag:s15] =	ssyncadd.s32 $0xFFFFE000  }
0x19b: {  	[tilespmem:s14], [sflag:$0x7] =	stream.linear.gather [spmem:s10], $0x2000, $0x38;
	[tilespmem:$0x1D800] =	vst v63  }
0x19c: {  	_ =	swait.ge [sflag:s15], $0x2000  }
0x19d: {  	[sflag:s15] =	ssyncset.done $0x0  }
0x19e: {  	s12 =	rddreg [dreg:$0x1a];
	[sflag:s15] =	ssyncadd.s32 $0xFFFFE000  }
0x19f: {  	[hbm4b:s12+s5] =	stream.linear.scatter [tilespmem:s14], [sflag:$0x7], $0x2000, $0x38;
	[tilespmem:$0x1D800] =	vst v63  }
0x1a0: {  	_ =	swait.ge [sflag:s15], $0x2000  }
0x1a1: {  	s23 =	sld [smem:$0x7F1]  }
0x1a2: {  	[sflag:s15] =	ssyncset.done $0x0  }
0x1a3: {  	[sflag:s15] =	ssyncadd.s32 $0xFFFFE000  }
0x1a4: {  	[tilespmem:s14], [sflag:$0x7] =	stream.linear.gather [spmem:s23], $0x2000, $0x38;
	[tilespmem:$0x1D800] =	vst v63  }
0x1a5: {  	_ =	swait.ge [sflag:s15], $0x2000  }
0x1a6: {  	[sflag:s15] =	ssyncset.done $0x0  }
0x1a7: {  	s7 =	rddreg [dreg:$0x1b];
	[sflag:s15] =	ssyncadd.s32 $0xFFFFE000  }
0x1a8: {  	[hbm4b:s7+s5] =	stream.linear.scatter [tilespmem:s14], [sflag:$0x7], $0x2000, $0x38;
	[tilespmem:$0x1D800] =	vst v63  }
0x1a9: {  	_ =	swait.ge [sflag:s15], $0x2000  }
0x1aa: {  	s10 =	sld [smem:$0x7FD]  }
0x1ab: {  	[sflag:s15] =	ssyncset.done $0x0  }
0x1ac: {  	[sflag:s15] =	ssyncadd.s32 $0xFFFFE000  }
0x1ad: {  	[tilespmem:s14], [sflag:$0x7] =	stream.linear.gather [spmem:s10], $0x2000, $0x38;
	[tilespmem:$0x1D800] =	vst v63  }
0x1ae: {  	_ =	swait.ge [sflag:s15], $0x2000  }
0x1af: {  	[sflag:s15] =	ssyncset.done $0x0  }
0x1b0: {  	s8 =	rddreg [dreg:$0x1c];
	[sflag:s15] =	ssyncadd.s32 $0xFFFFE000  }
0x1b1: {  	[hbm4b:s8+s5] =	stream.linear.scatter [tilespmem:s14], [sflag:$0x7], $0x2000, $0x38;
	[tilespmem:$0x1D800] =	vst v63  }
0x1b2: {  	_ =	swait.ge [sflag:s15], $0x2000  }
0x1b3: {  	[sflag:s15] =	ssyncset.done $0x0  }
0x1b4: {  	[sflag:s15] =	ssyncadd.s32 $0xFFFFE000  }
0x1b5: {  	[tilespmem:s18], [sflag:$0x7] =	stream.linear.gather [spmem:s25], $0x800, $0x38;
	[tilespmem:$0x1D800] =	vst v63  }
0x1b6: {  	_ =	swait.ge [sflag:s15], $0x800  }
0x1b7: {  	[sflag:s15] =	ssyncset.done $0x0  }
0x1b8: {  	s9 =	rddreg [dreg:$0x1d];
	[sflag:s15] =	ssyncadd.s32 $0xFFFFF800  }
0x1b9: {  	[hbm4b:s9+s5] =	stream.linear.scatter [tilespmem:s18], [sflag:$0x7], $0x800, $0x38;
	[tilespmem:$0x1D800] =	vst v63  }
0x1ba: {  	_ =	swait.ge [sflag:s15], $0x800  }
0x1bb: {  	[sflag:s15] =	ssyncset.done $0x0  }
0x1bc: {  	[sflag:s15] =	ssyncadd.s32 $0xFFFFF800  }
0x1bd: {  	[tilespmem:s18], [sflag:$0x7] =	stream.linear.gather [spmem:s13], $0x800, $0x38;
	[tilespmem:$0x1D800] =	vst v63  }
0x1be: {  	_ =	swait.ge [sflag:s15], $0x800  }
0x1bf: {  	[sflag:s15] =	ssyncset.done $0x0  }
0x1c0: {  	s12 =	rddreg [dreg:$0x1e];
	[sflag:s15] =	ssyncadd.s32 $0xFFFFF800  }
0x1c1: {  	[hbm4b:s12+s5] =	stream.linear.scatter [tilespmem:s18], [sflag:$0x7], $0x800, $0x38;
	[tilespmem:$0x1D800] =	vst v63  }
0x1c2: {  	_ =	swait.ge [sflag:s15], $0x800  }
0x1c3: {  	s23 =	smov.u32 s13;
	s13 =	sld [smem:$0x7F7]  }
0x1c4: {  	[sflag:s15] =	ssyncset.done $0x0  }
0x1c5: {  	[sflag:s15] =	ssyncadd.s32 $0xFFFFF800  }
0x1c6: {  	[tilespmem:s18], [sflag:$0x7] =	stream.linear.gather [spmem:s13], $0x800, $0x38;
	[tilespmem:$0x1D800] =	vst v63  }
0x1c7: {  	_ =	swait.ge [sflag:s15], $0x800  }
0x1c8: {  	[sflag:s15] =	ssyncset.done $0x0  }
0x1c9: {  	s8 =	smov.u32 s25;
	s25 =	rddreg [dreg:$0x1f];
	[sflag:s15] =	ssyncadd.s32 $0xFFFFF800  }
0x1ca: {  	[hbm4b:s25+s5] =	stream.linear.scatter [tilespmem:s18], [sflag:$0x7], $0x800, $0x38;
	[tilespmem:$0x1D800] =	vst v63  }
0x1cb: {  	_ =	swait.ge [sflag:s15], $0x800  }
0x1cc: {  	s7 =	sld [smem:$0x7F8]  }
0x1cd: {  	[sflag:s15] =	ssyncset.done $0x0  }
0x1ce: {  	[sflag:s15] =	ssyncadd.s32 $0xFFFFF800  }
0x1cf: {  	[tilespmem:s18], [sflag:$0x7] =	stream.linear.gather [spmem:s7], $0x800, $0x38;
	[tilespmem:$0x1D800] =	vst v63  }
0x1d0: {  	_ =	swait.ge [sflag:s15], $0x800  }
0x1d1: {  	s9 =	sld [smem:$0x7EE]  }
0x1d2: {  	[sflag:s15] =	ssyncset.done $0x0  }
0x1d3: {  	[sflag:s15] =	ssyncadd.s32 $0xFFFFF800  }
0x1d4: {  	[hbm4b:s9+s5] =	stream.linear.scatter [tilespmem:s18], [sflag:$0x7], $0x800, $0x38;
	[tilespmem:$0x1D800] =	vst v63  }
0x1d5: {  	_ =	swait.ge [sflag:s15], $0x800  }
0x1d6: {  	s12 =	sld [smem:$0x7F9]  }
0x1d7: {  	[sflag:s15] =	ssyncset.done $0x0  }
0x1d8: {  	[sflag:s15] =	ssyncadd.s32 $0xFFFFF800  }
0x1d9: {  	[tilespmem:s18], [sflag:$0x7] =	stream.linear.gather [spmem:s12], $0x800, $0x38;
	[tilespmem:$0x1D800] =	vst v63  }
0x1da: {  	_ =	swait.ge [sflag:s15], $0x800  }
0x1db: {  	s13 =	sld [smem:$0x7EF]  }
0x1dc: {  	[sflag:s15] =	ssyncset.done $0x0  }
0x1dd: {  	[sflag:s15] =	ssyncadd.s32 $0xFFFFF800  }
0x1de: {  	[hbm4b:s13+s5] =	stream.linear.scatter [tilespmem:s18], [sflag:$0x7], $0x800, $0x38;
	[tilespmem:$0x1D800] =	vst v63  }
0x1df: {  	_ =	swait.ge [sflag:s15], $0x800  }
0x1e0: {  	s25 =	sld [smem:$0x7FA];
	_ =	sdelay $0x1  }
0x1e1: {  	s22 =	sadd.s32 $0x1, s22  }
0x1e2: {  	p0 =	sne.s32 s22, s25  }
.Ltmp4:
0x1e3: {  	_ = 	snop;
	(pc) =	sbr.rel @p0 .LBB2_1-.Ltmp4, $3  }
0x1e4: {  	_ =	sdelay $0x1  }
0x1e5: {  	[sflag:s15] =	ssyncset.done $0x0  }
0x1e6: {  	[sflag:s15] =	ssyncadd.s32 $0xFFFFF800  }
0x1e7: {  	_ =	sfence.sel $0x180000  }
0x1e8: {  	[bflag:$0x0] =	sbarrier.arrive $0xFFFF  }
0x1e9: {  	_ =	strace $0x90000047  }
0x1ea: {  	s0 =	stileid.u32;
	[bflag:$0x2] =	sbarrier.arrive $0xFFFF  }
0x1eb: {  	p0 =	sne.s32 s0, $0x0;
	s0 =	rddreg [dreg:$0x5]  }
0x1ec: {  	s0 =	sadd.s32 @!p0 $0x100000, s0  }
0x1ed: {  	[sflag:s0] =	ssyncadd.tile.s32 @!p0 $0x1;
	_ =	shalt  }
.Lfunc_end2:
_tile_overlayer_lowered:
.L_overlay_start_2:
0x1ee: {  	(tag) =	ssettag $0x2  }
0x1ef: {  	s0 =	rddreg [dreg:$0x0];
	s2 =	stileid.u32  }
0x1f0: {  	s1 =	rddreg [dreg:$0x1];
	p0 =	sne.s32 s2, $0x0  }
0x1f1: {  	s3 =	rddreg [dreg:$0x2];
	[bflag:$0x3] =	sbarrier.arrive $0xFFFF;
	s2 =	simm.s32 @!p0 $0x1C07  }
0x1f2: {  	[timem:s3], [sflag:s2] =	dma.local @!p0 [hbm:s0], s1  }
0x1f3: {  	s0 =	simm.s32 @!p0 $0x7  }
0x1f4: {  	_ =	swait.ge @!p0 [sflag:s0], s1  }
0x1f5: {  	s1 =	ssub.s32 @!p0 $0x0, s1;
	[sflag:s0] =	ssyncset.done @!p0 $0x0  }
0x1f6: {  	[sflag:s0] =	ssyncadd.s32 @!p0 s1  }
0x1f7: {  	[bflag:$0x3] =	sbarrier.arrive $0xFFFF  }
0x1f8: {  	_ =	shalt  }

// kernel: kernel.9.cloned.1.call-start
scs
__scs_entry_jumppad:
0x0: {  	(pc) =	sbr.rel $0x88, $3  }
0x1: {  	(tag) =	ssettag $0x0;
	lr =	simm.s32 $0x1  }
0x2: {  	[smem:$0x3F92] =	sst lr;
	_ =	strace $0xD0000000  }
0x3: {  	_ = 	snop  }
0x4: {  	_ = 	snop  }
0x5: {  	_ = 	snop  }
0x6: {  	_ = 	snop  }
0x7: {  	_ = 	snop  }
__scs_overlays_trampoline_lowered:
0x8: {  	[smem:$0x3FA1] =	sst s0  }
0x9: {  	[smem:$0x3FA2] =	sst s1  }
0xa: {  	[smem:$0x3FA3] =	sst s2  }
0xb: {  	[smem:$0x3FA4] =	sst s3  }
0xc: {  	[smem:$0x3FA5] =	sst s4  }
0xd: {  	[smem:$0x3FA6] =	sst s5  }
0xe: {  	[smem:$0x3FA7] =	sst s6  }
0xf: {  	[smem:$0x3FA8] =	sst s7  }
0x10: {  	[smem:$0x3FA9] =	sst s8  }
0x11: {  	[smem:$0x3FAA] =	sst s9;
	s0 =	simm.s32 @!p0 $0x0  }
0x12: {  	s1 =	sld [smem:$0x3F90];
	s0 =	simm.s32 @p0 $0x1  }
0x13: {  	[smem:$0x3FAB] =	sst s0;
	s0 =	simm.s32 @!p1 $0x0  }
0x14: {  	s2 =	sld [smem:$0x3F8F];
	s0 =	simm.s32 @p1 $0x1  }
0x15: {  	[smem:$0x3FAC] =	sst s0;
	s0 =	simm.s32 @!p2 $0x0  }
0x16: {  	s3 =	sld [smem:$0x3FDB];
	s0 =	simm.s32 @p2 $0x1  }
0x17: {  	s4 =	simm.s32 $0x1BF5;
	[smem:$0x3FAE] =	sst s0  }
0x18: {  	s0 =	sld [smem:$0x3F91];
	_ =	swait.ge [sflag:s4], $0x0  }
0x19: {  	s7 =	sld [smem:$0x3F92]  }
0x1a: {  	s8 =	sadd.s32 $0xFFFFE003, lr  }
0x1b: {  	s9 =	sadd.s32 $0xFFFFFEF7, lr;
	s5 =	simm.s32 $0xFFFFFFFF;
	p2 =	slt.u32 s8, $0xFFFFF086  }
0x1c: {  	p1 =	slt.u32 s9, $0xF7A;
	s5 =	simm.s32 @!p2 $0x0  }
0x1d: {  	s5 =	simm.s32 @p1 $0x1;
	p0 =	seq.s32 s7, s2  }
0x1e: {  	s7 =	smul.u32 @!p0 $0xF7A, s2;
	p2 =	seq.s32 @!p0 s5, $0x0  }
0x1f: {  	s9 =	smul.u32 $0xF7A, s1;
	s8 =	simm.s32 @!p0 $0x1BF5;
	p2 =	por !p2, p0  }
0x20: {  	[sflag:s8] =	ssyncset.s32 @!p0 $0xFFFFF086;
	s6 =	sadd.s32 @!p0 s3, s7;
	s7 =	simm.s32 @!p0 $0x108  }
0x21: {  	s3 =	sadd.s32 s3, s9;
	s6 =	sadd.s32 @!p0 $0x88, s6;
	s7 =	simm.s32 @p2 $0x1082  }
0x22: {  	[simem:s7], [sflag:s8] =	dma.local @!p0 [hbm:s6], $0xF7A  }
0x23: {  	s9 =	sor.u32 $0xD0000000, s2;
	s6 =	simm.s32 $0x108;
	_ =	swait.ge @!p0 [sflag:s8], $0x0  }
0x24: {  	s3 =	sadd.s32 $0x88, s3;
	s6 =	simm.s32 @!p1 $0x1082;
	[sflag:s4] =	ssyncset.s32 $0xFFFFF086  }
0x25: {  	[simem:s6], [sflag:s4] =	dma.local [hbm:s3], $0xF7A  }
0x26: {  	[smem:$0x3F92] =	sst s1;
	(tag) =	ssettag s2;
	_ =	strace s9  }
0x27: {  	s1 =	sld [smem:$0x3FA2]  }
0x28: {  	s2 =	sld [smem:$0x3FA3]  }
0x29: {  	s4 =	sld [smem:$0x3FA5]  }
0x2a: {  	p0 =	seq.s32 s5, $0x0;
	s5 =	sld [smem:$0x3FA6]  }
0x2b: {  	s6 =	sld [smem:$0x3FA7]  }
0x2c: {  	s7 =	sld [smem:$0x3FA8]  }
0x2d: {  	s3 =	simm.s32 $0x108;
	s8 =	sld [smem:$0x3FA9]  }
0x2e: {  	s3 =	simm.s32 @!p0 $0x1082;
	s9 =	sld [smem:$0x3FAA]  }
0x2f: {  	lr =	sadd.s32 s0, s3;
	s0 =	sld [smem:$0x3FA1]  }
0x30: {  	s3 =	sld [smem:$0x3FA4]  }
0x31: {  	[smem:$0x3FAD] =	sst s10  }
0x32: {  	s10 =	sld [smem:$0x3FAB];
	_ =	sdelay $0x3  }
0x33: {  	p0 =	seq.s32 s10, $0x1;
	s10 =	sld [smem:$0x3FAD];
	_ =	sdelay $0x3  }
0x34: {  	[smem:$0x3FAD] =	sst s10  }
0x35: {  	s10 =	sld [smem:$0x3FAC];
	_ =	sdelay $0x3  }
0x36: {  	p1 =	seq.s32 s10, $0x1;
	s10 =	sld [smem:$0x3FAD];
	_ =	sdelay $0x3  }
0x37: {  	[smem:$0x3FAD] =	sst s10  }
0x38: {  	s10 =	sld [smem:$0x3FAE]  }
0x39: {  	_ = 	snop;
	(pc) =	sbr.ind lr, $3  }
0x3a: {  	_ = 	snop  }
0x3b: {  	_ = 	snop  }
0x3c: {  	p2 =	seq.s32 s10, $0x1;
	s10 =	sld [smem:$0x3FAD]  }
0x3d: {  	_ =	shalt  }
0x3e: {  	_ =	shalt  }
0x3f: {  	_ =	shalt  }
0x40: {  	_ =	shalt  }
0x41: {  	_ =	shalt  }
0x42: {  	_ =	shalt  }
0x43: {  	_ =	shalt  }
0x44: {  	_ =	shalt  }
0x45: {  	_ =	shalt  }
0x46: {  	_ =	shalt  }
0x47: {  	_ =	shalt  }
0x48: {  	_ =	shalt  }
0x49: {  	_ =	shalt  }
0x4a: {  	_ =	shalt  }
0x4b: {  	_ =	shalt  }
0x4c: {  	_ =	shalt  }
0x4d: {  	_ =	shalt  }
0x4e: {  	_ =	shalt  }
0x4f: {  	_ =	shalt  }
0x50: {  	_ =	shalt  }
0x51: {  	_ =	shalt  }
0x52: {  	_ =	shalt  }
0x53: {  	_ =	shalt  }
0x54: {  	_ =	shalt  }
0x55: {  	_ =	shalt  }
0x56: {  	_ =	shalt  }
0x57: {  	_ =	shalt  }
0x58: {  	_ =	shalt  }
0x59: {  	_ =	shalt  }
0x5a: {  	_ =	shalt  }
0x5b: {  	_ =	shalt  }
0x5c: {  	_ =	shalt  }
0x5d: {  	_ =	shalt  }
0x5e: {  	_ =	shalt  }
0x5f: {  	_ =	shalt  }
0x60: {  	_ =	shalt  }
0x61: {  	_ =	shalt  }
0x62: {  	_ =	shalt  }
0x63: {  	_ =	shalt  }
0x64: {  	_ =	shalt  }
0x65: {  	_ =	shalt  }
0x66: {  	_ =	shalt  }
0x67: {  	_ =	shalt  }
0x68: {  	_ =	shalt  }
0x69: {  	_ =	shalt  }
0x6a: {  	_ =	shalt  }
0x6b: {  	_ =	shalt  }
0x6c: {  	_ =	shalt  }
0x6d: {  	_ =	shalt  }
0x6e: {  	_ =	shalt  }
0x6f: {  	_ =	shalt  }
0x70: {  	_ =	shalt  }
0x71: {  	_ =	shalt  }
0x72: {  	_ =	shalt  }
0x73: {  	_ =	shalt  }
0x74: {  	_ =	shalt  }
0x75: {  	_ =	shalt  }
0x76: {  	_ =	shalt  }
0x77: {  	_ =	shalt  }
0x78: {  	_ =	shalt  }
0x79: {  	_ =	shalt  }
0x7a: {  	_ =	shalt  }
0x7b: {  	_ =	shalt  }
0x7c: {  	_ =	shalt  }
0x7d: {  	_ =	shalt  }
0x7e: {  	_ =	shalt  }
0x7f: {  	_ =	shalt  }
0x80: {  	_ =	shalt  }
0x81: {  	_ =	shalt  }
0x82: {  	_ =	shalt  }
0x83: {  	_ =	shalt  }
0x84: {  	_ =	shalt  }
0x85: {  	_ =	shalt  }
0x86: {  	_ =	shalt  }
0x87: {  	_ =	shalt  }
.Lfunc_end0:
.L_simem_size_0:
called_computation.1_lowered:
.L_overlay_start_0:
0x88: {  	s2 =	sld [smem:$0x3FD9]  }
0x89: {  	s3 =	sld [smem:$0x3FFE];
	_ =	sdelay $0x1  }
0x8a: {  	s1 =	srdreg.scid  }
0x8b: {  	s0 =	sand.u32 $0x1, s1  }
0x8c: {  	s16 =	sshll.u32 s0, $0xA;
	s2 =	sadd.s32 s3, s2  }
0x8d: {  	s2 =	sadd.s32 s2, s16  }
0x8e: {  	[smem:$0x3FB9] =	sst s2  }
0x8f: {  	_ = 	snop  }
0x90: {  	(tm) =	ssettm $0x1  }
0x91: {  	s17 =	sld [smem:$0x3FFB];
	_ =	sdelay $0x3  }
0x92: {  	_ =	strace s17  }
0x93: {  	s2 =	sld [smem:$0x3FFC];
	_ =	sdelay $0x3  }
0x94: {  	_ =	strace s2  }
0x95: {  	s2 =	sld [smem:$0x3FFD];
	_ =	sdelay $0x3  }
0x96: {  	_ =	strace s2  }
0x97: {  	_ =	strace $0x8FFFFFFF  }
0x98: {  	s18 =	sld [smem:$0x3FDB];
	_ =	sdelay $0x1  }
0x99: {  	s19 =	simm.s32 $_scs_section_size  }
0x9a: {  	s4 =	simm.s32 $_size__tile_overlayer_lowered;
	s5 =	simm.s32 $_tile_overlayer_lowered  }
0x9b: {  	s22 =	simm.s32 $0x1BFF;
	s21 =	sshll.u32 s5, $0x1;
	s2 =	sadd.s32 s19, s18  }
0x9c: {  	s6 =	simm.s32 $0x0;
	s20 =	sshll.u32 s4, $0x1;
	s4 =	sadd.s32 s21, s2  }
0x9d: {  	[timem:s6], [sflag:s22] =	dma.local [hbm:s4], s20  }
0x9e: {  	_ =	swait.ge [sflag:s22], s20  }
0x9f: {  	s3 =	ssub.s32 $0x0, s20;
	[sflag:s22] =	ssyncset.done $0x0  }
0xa0: {  	[sflag:s22] =	ssyncadd.s32 s3;
	_ =	sdelay $0x1  }
0xa1: {  	s23 =	simm.s32 $0x1B8B  }
0xa2: {  	_ =	swait.ge [sflag:s23], $0x1  }
0xa3: {  	[sflag:s23] =	ssyncset.done $0x0  }
0xa4: {  	s25 =	simm.s32 $0x1B8E;
	s24 =	sld [smem:$0x3FFE];
	[sflag:s23] =	ssyncadd.s32 $0xFFFFFFFF  }
0xa5: {  	s26 =	simm.s32 $execute0_lowered;
	[smem:$0x3FD2] =	sst s25  }
0xa6: {  	s4 =	sshll.u32 s26, $0x1;
	_ =	strace $0x80000049;
	[dreg:$0x1] =	wrdreg $0xFFFFFFFF  }
0xa7: {  	s28 =	simm.s32 $_size_execute0_lowered;
	s2 =	sadd.s32 s2, s4;
	[dreg:$0x0] =	wrdreg $0x0  }
0xa8: {  	s4 =	sshll.u32 s28, $0x1;
	[dreg:$0x2] =	wrdreg s2  }
0xa9: {  	[dreg:$0x3] =	wrdreg s4  }
0xaa: {  	[dreg:$0x4] =	wrdreg $0xC0  }
0xab: {  	_ =	task [dreg:s6], $0x5FFFF  }
0xac: {  	[dreg:$0x1] =	wrdreg $0xFFFFFFFF  }
0xad: {  	[dreg:$0x0] =	wrdreg $0x60  }
0xae: {  	[dreg:$0x2] =	wrdreg s24  }
0xaf: {  	[dreg:$0x3] =	wrdreg $0x108000  }
0xb0: {  	[dreg:$0x4] =	wrdreg $0x68000  }
0xb1: {  	[dreg:$0x5] =	wrdreg $0x9  }
0xb2: {  	_ =	task.clear_ibuf [dreg:s6], $0x6FFFF;
	_ =	strace $0x90000049  }
0xb3: {  	s29 =	simm.s32 $0x9;
	_ =	strace $0x8000004B  }
0xb4: {  	_ =	swait.ge [sflag:s29], $0x1  }
0xb5: {  	[sflag:s29] =	ssyncadd.s32 $0xFFFFFFFF  }
0xb6: {  	_ =	strace $0x9000004B  }
0xb7: {  	_ =	sfence  }
0xb8: {  	s30 =	sld [smem:$0x0];
	_ =	sdelay $0x2  }
0xb9: {  	s31 =	sshll.u32 s1, $0xD;
	s1 =	sshrl.u32 s1, $0x2  }
0xba: {  	s3 =	sand.u32 $0x4000, s31;
	s1 =	sadd.s32 s1, s30  }
0xbb: {  	s0 =	sor.u32 s3, s0;
	s1 =	sshll.u32 s1, $0x11  }
0xbc: {  	s0 =	sor.u32 s1, s0  }
0xbd: {  	s0 =	sadd.s32 $0x8F2B, s0  }
0xbe: {  	[sflag:s0] =	ssyncadd.remote.s32 $0x1  }
0xbf: {  	_ =	sfence.sel $0xFFFF  }
0xc0: {  	[dreg:$0x0] =	wrdreg $0xFFFFFFFF;
	(pc) =	sbr.abs _section_cstart, $3  }
0xc1: {  	[dreg:$0x1] =	wrdreg $0xFFFFFFFF  }
0xc2: {  	_ =	task.clear_ibuf [dreg:s6], $0x2FFFF;
	_ =	strace $0x9FFFFFFF  }
0xc3: {  	(tm) =	ssettm $0x7FFFFFFF  }
tec
execute0_lowered:
.L_overlay_start_1:
0x0: {  	(tag) =	ssettag $0x1  }
0x1: {  	s0 =	rddreg [dreg:$0x0]  }
0x2: {  	s1 =	rddreg [dreg:$0x1]  }
0x3: {  	s3 =	rddreg [dreg:$0x2]  }
0x4: {  	s4 =	simm.s32 $0x0;
	s21 =	stileid.u32;
	s2 =	srdreg.scid  }
0x5: {  	s28 =	simm.s32 $0x7;
	s30 =	simm.s32 $0x80;
	s5 =	smul.u32 $0xA00, s21  }
0x6: {  	s31 =	simm.s32 $0x400;
	[smem:$0x7FF] =	sst s4;
	s8 =	smul.u32 $0xA000, s21  }
0x7: {  	s2 =	sand.u32 $0x1, s2;
	s6 =	sadd.s32 $0x17200, s0;
	s10 =	smul.u32 $0x271, s21  }
0x8: {  	s11 =	sadd.s32 $0x99200, s0;
	s23 =	smul.u32 $0x13880, s21;
	_ =	strace $0x8000004A  }
0x9: {  	s7 =	ssub.s32 $0x2, s2;
	s13 =	sshll.u32 s2, $0x6;
	s2 =	smul.u32 $0xA0000, s2  }
0xa: {  	s5 =	sadd.s32 s5, s0;
	s9 =	sshrl.u32 s7, $0x1;
	s12 =	sadd.s32 $0x4000, s8  }
0xb: {  	s14 =	sadd.s32 $0x6000, s8;
	s15 =	sadd.s32 $0x7D, s10;
	s16 =	sadd.s32 $0x8000, s8  }
0xc: {  	s19 =	sadd.s32 $0x177, s10;
	s0 =	ssub.s32 s7, s9;
	s9 =	sadd.s32 $0x2000, s8  }
0xd: {  	s7 =	sor.u32 s13, s23;
	s17 =	sshll.u32 s15, $0x7;
	s26 =	sshll.u32 s19, $0x7  }
0xe: {  	s7 =	sshrl.u32 s7, $0x3;
	s24 =	sor.u32 s13, s17;
	s17 =	sadd.s32 $0xFA, s10  }
0xf: {  	s10 =	sadd.s32 $0x1F4, s10;
	s0 =	smax.u32 s0, $0x1;
	s7 =	sadd.s32 s6, s7  }
0x10: {  	s18 =	sshll.u32 s17, $0x7;
	s20 =	sshll.u32 s10, $0x7;
	[dreg:$0x1b] =	wrdreg s0  }
0x11: {  	s0 =	simm.s32 $0x2800;
	[dreg:$0x7] =	wrdreg s7;
	s7 =	sshrl.u32 s24, $0x3  }
0x12: {  	s25 =	sor.u32 s13, s18;
	s18 =	sor.u32 s13, s26;
	s13 =	sor.u32 s13, s20  }
0x13: {  	s20 =	sadd.s32 s2, s9;
	s26 =	sadd.s32 s2, s12;
	s7 =	sadd.s32 s6, s7  }
0x14: {  	s18 =	sshrl.u32 s18, $0x3;
	s23 =	sshrl.u32 s20, $0x3;
	s20 =	sshll.u32 s15, $0x6  }
0x15: {  	s15 =	simm.s32 $0x700;
	[dreg:$0x8] =	wrdreg s7;
	s7 =	sshrl.u32 s25, $0x3  }
0x16: {  	s29 =	sadd.s32 s6, s18;
	s18 =	sadd.s32 s8, s2;
	s24 =	sadd.s32 s11, s23  }
0x17: {  	s25 =	sadd.s32 $0x3200, s5;
	s5 =	sadd.s32 $0xD200, s5;
	[dreg:$0xa] =	wrdreg s29  }
0x18: {  	s8 =	sadd.s32 s8, s1;
	s23 =	sshll.u32 s17, $0x6;
	[dreg:$0xd] =	wrdreg s24  }
0x19: {  	s17 =	simm.s32 $0x0;
	s7 =	sadd.s32 s6, s7;
	[dreg:$0x4] =	wrdreg s25  }
0x1a: {  	s22 =	sshrl.u32 s18, $0x3;
	[dreg:$0x5] =	wrdreg s5;
	s29 =	sadd.s32 s2, s14  }
0x1b: {  	s2 =	sadd.s32 s2, s16;
	[dreg:$0x11] =	wrdreg s8;
	s18 =	sadd.s32 s14, s1  }
0x1c: {  	s24 =	sshll.u32 s19, $0x6;
	s25 =	sshll.u32 s10, $0x6;
	s8 =	simm.s32 $0x1  }
0x1d: {  	s10 =	simm.s32 $0x6;
	s14 =	simm.s32 $0x580;
	[dreg:$0x9] =	wrdreg s7  }
0x1e: {  	s7 =	sshrl.u32 s13, $0x3;
	s5 =	sshrl.u32 s29, $0x3;
	s2 =	sshrl.u32 s2, $0x3  }
0x1f: {  	s13 =	sadd.s32 s12, s1;
	[dreg:$0x14] =	wrdreg s18;
	s29 =	sadd.s32 s25, s3  }
0x20: {  	s12 =	simm.s32 $0x2;
	s25 =	simm.s32 $0x380;
	[dreg:$0x13] =	wrdreg s13  }
0x21: {  	s6 =	sadd.s32 s6, s7;
	s5 =	sadd.s32 s11, s5;
	[dreg:$0x1a] =	wrdreg s29  }
0x22: {  	s2 =	sadd.s32 s11, s2;
	s7 =	smul.u32 $0x27100, s21;
	[dreg:$0xb] =	wrdreg s6  }
0x23: {  	s21 =	sadd.s32 s16, s1;
	s13 =	simm.s32 $0x200;
	[dreg:$0xf] =	wrdreg s5  }
0x24: {  	s16 =	simm.s32 $0x780;
	s6 =	sadd.s32 s11, s22;
	[dreg:$0x10] =	wrdreg s2  }
0x25: {  	[dreg:$0x15] =	wrdreg s21;
	s22 =	sadd.s32 s20, s3;
	s5 =	simm.s32 $0x4800  }
0x26: {  	s20 =	simm.s32 $0x3;
	s21 =	simm.s32 $0x280;
	[dreg:$0xc] =	wrdreg s6  }
0x27: {  	s6 =	sshrl.u32 s26, $0x3;
	s2 =	sshrl.u32 s7, $0x2;
	[dreg:$0x17] =	wrdreg s22  }
0x28: {  	s26 =	sadd.s32 s24, s3;
	s7 =	simm.s32 $0x480;
	s22 =	simm.s32 $0x600  }
0x29: {  	s24 =	simm.s32 $0x680;
	s6 =	sadd.s32 s11, s6;
	[dreg:$0x19] =	wrdreg s26  }
0x2a: {  	s11 =	sadd.s32 s9, s1;
	s2 =	sadd.s32 s2, s3;
	[dreg:$0xe] =	wrdreg s6  }
0x2b: {  	s26 =	simm.s32 $0x800;
	s9 =	simm.s32 $0x180;
	[dreg:$0x12] =	wrdreg s11  }
0x2c: {  	s6 =	simm.s32 $0x100;
	[dreg:$0x16] =	wrdreg s2;
	s2 =	sadd.s32 s23, s3  }
0x2d: {  	s11 =	simm.s32 $0x500;
	s23 =	simm.s32 $0x300;
	[dreg:$0x6] =	wrdreg s6  }
0x2e: {  	v0 =	vimm.f32 $0.0e+00;
	[dreg:$0x18] =	wrdreg s2;
	s2 =	simm.s32 $0x4;
	s6 =	simm.s32 $0x5  }
.LBB2_1:
0x2f: {  	s19 =	simm.s32 $0x100;
	s18 =	simm.s32 $0x0  }
.LBB2_2:
0x30: {  	p0 =	sne.s32 s19, $0x7F00;
	[tilespmem:s18+$0x830] =	vst v0;
	s29 =	smov.u32 s19;
	s19 =	sadd.s32 $0x100, s19  }
.Ltmp0:
0x31: {  	[tilespmem:s18+$0x820] =	vst v0;
	(pc) =	sbr.rel @p0 .LBB2_2-.Ltmp0, $3  }
0x32: {  	[tilespmem:s18+$0x800] =	vst v0  }
0x33: {  	[tilespmem:s18+$0x810] =	vst v0;
	_ =	sdelay $0x1  }
0x34: {  	s18 =	sshra.s32 s29, $0x2  }
0x35: {  	[tilespmem:s18+$0x830] =	vst v0  }
0x36: {  	[tilespmem:s18+$0x820] =	vst v0  }
0x37: {  	[tilespmem:s18+$0x800] =	vst v0  }
0x38: {  	[tilespmem:s18+$0x810] =	vst v0;
	s19 =	rddreg [dreg:$0x11]  }
0x39: {  	[spmem:s19] =	stream.linear.scatter [tilespmem:s26], [sflag:$0x7], $0x2000, $0x38;
	[tilespmem:$0x1A800] =	vst v63  }
0x3a: {  	_ =	swait.ge [sflag:s28], $0x2000  }
0x3b: {  	[sflag:s28] =	ssyncset.done $0x0  }
0x3c: {  	s29 =	rddreg [dreg:$0x12];
	[sflag:s28] =	ssyncadd.s32 $0xFFFFE000  }
0x3d: {  	[spmem:s29] =	stream.linear.scatter [tilespmem:s26], [sflag:$0x7], $0x2000, $0x38;
	[tilespmem:$0x1A800] =	vst v63  }
0x3e: {  	_ =	swait.ge [sflag:s28], $0x2000  }
0x3f: {  	[sflag:s28] =	ssyncset.done $0x0  }
0x40: {  	s19 =	rddreg [dreg:$0x13];
	[sflag:s28] =	ssyncadd.s32 $0xFFFFE000  }
0x41: {  	[spmem:s19] =	stream.linear.scatter [tilespmem:s26], [sflag:$0x7], $0x2000, $0x38;
	[tilespmem:$0x1A800] =	vst v63  }
0x42: {  	_ =	swait.ge [sflag:s28], $0x2000  }
0x43: {  	[sflag:s28] =	ssyncset.done $0x0  }
0x44: {  	s29 =	rddreg [dreg:$0x14];
	[sflag:s28] =	ssyncadd.s32 $0xFFFFE000  }
0x45: {  	[spmem:s29] =	stream.linear.scatter [tilespmem:s26], [sflag:$0x7], $0x2000, $0x38;
	[tilespmem:$0x1A800] =	vst v63  }
0x46: {  	_ =	swait.ge [sflag:s28], $0x2000  }
0x47: {  	[sflag:s28] =	ssyncset.done $0x0  }
0x48: {  	s19 =	rddreg [dreg:$0x15];
	[sflag:s28] =	ssyncadd.s32 $0xFFFFE000  }
0x49: {  	[spmem:s19] =	stream.linear.scatter [tilespmem:s26], [sflag:$0x7], $0x2000, $0x38;
	[tilespmem:$0x1A800] =	vst v63  }
0x4a: {  	_ =	swait.ge [sflag:s28], $0x2000  }
0x4b: {  	[sflag:s28] =	ssyncset.done $0x0  }
0x4c: {  	s19 =	simm.s32 $0x40;
	s29 =	rddreg [dreg:$0x7];
	[sflag:s28] =	ssyncadd.s32 $0xFFFFE000  }
0x4d: {  	[tilespmem:s26], [sflag:$0x7] =	stream.strided.gather [hbm4b:s29+s19], $0x1F40, s30, s19, $0x38;
	[tilespmem:$0x1A800] =	vst v63  }
0x4e: {  	_ =	swait.ge [sflag:s28], $0x1F40  }
0x4f: {  	[sflag:s28] =	ssyncset.done $0x0  }
0x50: {  	s29 =	rddreg [dreg:$0x16];
	[sflag:s28] =	ssyncadd.s32 $0xFFFFE0C0  }
0x51: {  	[spmem:s29] =	stream.linear.scatter [tilespmem:s26], [sflag:$0x7], $0x1F40, $0x38;
	[tilespmem:$0x1A800] =	vst v63  }
0x52: {  	_ =	swait.ge [sflag:s28], $0x1F40  }
0x53: {  	[sflag:s28] =	ssyncset.done $0x0  }
0x54: {  	s29 =	rddreg [dreg:$0x8];
	[sflag:s28] =	ssyncadd.s32 $0xFFFFE0C0  }
0x55: {  	[tilespmem:s26], [sflag:$0x7] =	stream.strided.gather [hbm4b:s29+s19], $0x1F40, s30, s19, $0x38;
	[tilespmem:$0x1A800] =	vst v63  }
0x56: {  	_ =	swait.ge [sflag:s28], $0x1F40  }
0x57: {  	[sflag:s28] =	ssyncset.done $0x0  }
0x58: {  	s29 =	rddreg [dreg:$0x17];
	[sflag:s28] =	ssyncadd.s32 $0xFFFFE0C0  }
0x59: {  	[spmem:s29] =	stream.linear.scatter [tilespmem:s26], [sflag:$0x7], $0x1F40, $0x38;
	[tilespmem:$0x1A800] =	vst v63  }
0x5a: {  	_ =	swait.ge [sflag:s28], $0x1F40  }
0x5b: {  	[sflag:s28] =	ssyncset.done $0x0  }
0x5c: {  	s29 =	rddreg [dreg:$0x9];
	[sflag:s28] =	ssyncadd.s32 $0xFFFFE0C0  }
0x5d: {  	[tilespmem:s26], [sflag:$0x7] =	stream.strided.gather [hbm4b:s29+s19], $0x1F40, s30, s19, $0x38;
	[tilespmem:$0x1A800] =	vst v63  }
0x5e: {  	_ =	swait.ge [sflag:s28], $0x1F40  }
0x5f: {  	[sflag:s28] =	ssyncset.done $0x0  }
0x60: {  	s29 =	rddreg [dreg:$0x18];
	[sflag:s28] =	ssyncadd.s32 $0xFFFFE0C0  }
0x61: {  	[spmem:s29] =	stream.linear.scatter [tilespmem:s26], [sflag:$0x7], $0x1F40, $0x38;
	[tilespmem:$0x1A800] =	vst v63  }
0x62: {  	_ =	swait.ge [sflag:s28], $0x1F40  }
0x63: {  	[sflag:s28] =	ssyncset.done $0x0  }
0x64: {  	s29 =	rddreg [dreg:$0xa];
	[sflag:s28] =	ssyncadd.s32 $0xFFFFE0C0  }
0x65: {  	[tilespmem:s26], [sflag:$0x7] =	stream.strided.gather [hbm4b:s29+s19], $0x1F40, s30, s19, $0x38;
	[tilespmem:$0x1A800] =	vst v63  }
0x66: {  	_ =	swait.ge [sflag:s28], $0x1F40  }
0x67: {  	[sflag:s28] =	ssyncset.done $0x0  }
0x68: {  	s29 =	rddreg [dreg:$0x19];
	[sflag:s28] =	ssyncadd.s32 $0xFFFFE0C0  }
0x69: {  	[spmem:s29] =	stream.linear.scatter [tilespmem:s26], [sflag:$0x7], $0x1F40, $0x38;
	[tilespmem:$0x1A800] =	vst v63  }
0x6a: {  	_ =	swait.ge [sflag:s28], $0x1F40  }
0x6b: {  	[sflag:s28] =	ssyncset.done $0x0  }
0x6c: {  	s29 =	rddreg [dreg:$0xb];
	[sflag:s28] =	ssyncadd.s32 $0xFFFFE0C0  }
0x6d: {  	[tilespmem:s26], [sflag:$0x7] =	stream.strided.gather [hbm4b:s29+s19], $0x1F40, s30, s19, $0x38;
	[tilespmem:$0x1A800] =	vst v63  }
0x6e: {  	_ =	swait.ge [sflag:s28], $0x1F40  }
0x6f: {  	[sflag:s28] =	ssyncset.done $0x0  }
0x70: {  	s19 =	rddreg [dreg:$0x1a];
	[sflag:s28] =	ssyncadd.s32 $0xFFFFE0C0  }
0x71: {  	[spmem:s19] =	stream.linear.scatter [tilespmem:s26], [sflag:$0x7], $0x1F40, $0x38;
	[tilespmem:$0x1A800] =	vst v63  }
0x72: {  	_ =	swait.ge [sflag:s28], $0x1F40  }
0x73: {  	[sflag:s28] =	ssyncset.done $0x0  }
0x74: {  	[sflag:s28] =	ssyncadd.s32 $0xFFFFE0C0  }
0x75: {  	[bflag:$0x0] =	sbarrier.arrive $0xFFFF  }
0x76: {  	s29 =	rddreg [dreg:$0x5]  }
0x77: {  	s18 =	sadd.s32 $0x0, s29  }
0x78: {  	[tilespmem:s4], [sflag:$0x7] =	stream.linear.gather [hbm4b:s18+s4], $0x400, $0x38;
	[tilespmem:$0x1A800] =	vst v63  }
0x79: {  	_ =	swait.ge [sflag:s28], $0x400  }
0x7a: {  	s19 =	rddreg [dreg:$0x4];
	[sflag:s28] =	ssyncset.done $0x0  }
0x7b: {  	[sflag:s28] =	ssyncadd.s32 $0xFFFFFC00;
	s18 =	sadd.s32 $0x0, s19  }
0x7c: {  	[tilespmem:s31], [sflag:$0x7] =	stream.linear.gather [hbm4b:s18+s4], $0x400, $0x38;
	[tilespmem:$0x1A800] =	vst v63  }
0x7d: {  	_ =	swait.ge [sflag:s28], $0x400  }
0x7e: {  	[sflag:s28] =	ssyncset.done $0x0  }
0x7f: {  	[sflag:s28] =	ssyncadd.s32 $0xFFFFFC00  }
0x80: {  	[tilespmem:s26], [sflag:$0x4] =	stream.indirect.gather [spmem:s3], $0x40, s4, s30, $0xb8;
	[tilespmem:$0x1A800] =	vst v63  }
0x81: {  	_ = 	snop  }
0x82: {  	[tilespmem:s0], [sflag:$0x5] =	stream.indirect.gather [spmem:s3], $0x40, s30, s30, $0xb8;
	[tilespmem:$0x1A800] =	vst v63  }
0x83: {  	_ =	swait.ge [sflag:s2], $0x2000  }
0x84: {  	[sflag:s2] =	ssyncset.done $0x0  }
0x85: {  	[sflag:s2] =	ssyncadd.s32 $0xFFFFE000  }
0x86: {  	[spmem:s1] =	stream.indirect.scatter.add.f32 [tilespmem:s26], [sflag:$0x1], $0x40, s31, s30, $0xb8;
	[tilespmem:$0x1A800] =	vst v63  }
0x87: {  	s29 =	rddreg [dreg:$0x6]  }
0x88: {  	[tilespmem:s5], [sflag:$0x6] =	stream.indirect.gather [spmem:s3], $0x40, s29, s30, $0xb8;
	[tilespmem:$0x1A800] =	vst v63  }
0x89: {  	_ =	swait.ge [sflag:s6], $0x2000  }
0x8a: {  	[sflag:s6] =	ssyncset.done $0x0  }
0x8b: {  	[sflag:s6] =	ssyncadd.s32 $0xFFFFE000  }
0x8c: {  	[spmem:s1] =	stream.indirect.scatter.add.f32 [tilespmem:s0], [sflag:$0x2], $0x40, s7, s30, $0xb8;
	[tilespmem:$0x1A800] =	vst v63  }
0x8d: {  	_ =	swait.ge [sflag:s8], $0x2000  }
0x8e: {  	[sflag:s8] =	ssyncset.done $0x0  }
0x8f: {  	[sflag:s8] =	ssyncadd.s32 $0xFFFFE000  }
0x90: {  	[tilespmem:s26], [sflag:$0x4] =	stream.indirect.gather [spmem:s3], $0x40, s9, s30, $0xb8;
	[tilespmem:$0x1A800] =	vst v63  }
0x91: {  	_ =	swait.ge [sflag:s10], $0x2000  }
0x92: {  	[sflag:s10] =	ssyncset.done $0x0  }
0x93: {  	[sflag:s10] =	ssyncadd.s32 $0xFFFFE000  }
0x94: {  	[spmem:s1] =	stream.indirect.scatter.add.f32 [tilespmem:s5], [sflag:$0x3], $0x40, s11, s30, $0xb8;
	[tilespmem:$0x1A800] =	vst v63  }
0x95: {  	_ =	swait.ge [sflag:s12], $0x2000  }
0x96: {  	[sflag:s12] =	ssyncset.done $0x0  }
0x97: {  	[sflag:s12] =	ssyncadd.s32 $0xFFFFE000  }
0x98: {  	[tilespmem:s0], [sflag:$0x5] =	stream.indirect.gather [spmem:s3], $0x40, s13, s30, $0xb8;
	[tilespmem:$0x1A800] =	vst v63  }
0x99: {  	_ =	swait.ge [sflag:s2], $0x2000  }
0x9a: {  	[sflag:s2] =	ssyncset.done $0x0  }
0x9b: {  	[sflag:s2] =	ssyncadd.s32 $0xFFFFE000  }
0x9c: {  	[spmem:s1] =	stream.indirect.scatter.add.f32 [tilespmem:s26], [sflag:$0x1], $0x40, s14, s30, $0xb8;
	[tilespmem:$0x1A800] =	vst v63  }
0x9d: {  	_ =	swait.ge [sflag:s20], $0x2000  }
0x9e: {  	[sflag:s20] =	ssyncset.done $0x0  }
0x9f: {  	[sflag:s20] =	ssyncadd.s32 $0xFFFFE000  }
0xa0: {  	[tilespmem:s5], [sflag:$0x6] =	stream.indirect.gather [spmem:s3], $0x40, s21, s30, $0xb8;
	[tilespmem:$0x1A800] =	vst v63  }
0xa1: {  	_ =	swait.ge [sflag:s6], $0x2000  }
0xa2: {  	[sflag:s6] =	ssyncset.done $0x0  }
0xa3: {  	[sflag:s6] =	ssyncadd.s32 $0xFFFFE000  }
0xa4: {  	[spmem:s1] =	stream.indirect.scatter.add.f32 [tilespmem:s0], [sflag:$0x2], $0x40, s22, s30, $0xb8;
	[tilespmem:$0x1A800] =	vst v63  }
0xa5: {  	_ =	swait.ge [sflag:s8], $0x2000  }
0xa6: {  	[sflag:s8] =	ssyncset.done $0x0  }
0xa7: {  	[sflag:s8] =	ssyncadd.s32 $0xFFFFE000  }
0xa8: {  	[tilespmem:s26], [sflag:$0x4] =	stream.indirect.gather [spmem:s3], $0x40, s23, s30, $0xb8;
	[tilespmem:$0x1A800] =	vst v63  }
0xa9: {  	_ =	swait.ge [sflag:s10], $0x2000  }
0xaa: {  	[sflag:s10] =	ssyncset.done $0x0  }
0xab: {  	[sflag:s10] =	ssyncadd.s32 $0xFFFFE000  }
0xac: {  	[spmem:s1] =	stream.indirect.scatter.add.f32 [tilespmem:s5], [sflag:$0x3], $0x40, s24, s30, $0xb8;
	[tilespmem:$0x1A800] =	vst v63  }
0xad: {  	_ =	swait.ge [sflag:s12], $0x2000  }
0xae: {  	[sflag:s12] =	ssyncset.done $0x0  }
0xaf: {  	[sflag:s12] =	ssyncadd.s32 $0xFFFFE000  }
0xb0: {  	[tilespmem:s0], [sflag:$0x5] =	stream.indirect.gather [spmem:s3], $0x40, s25, s30, $0xb8;
	[tilespmem:$0x1A800] =	vst v63  }
0xb1: {  	_ =	swait.ge [sflag:s2], $0x2000  }
0xb2: {  	[sflag:s2] =	ssyncset.done $0x0  }
0xb3: {  	[sflag:s2] =	ssyncadd.s32 $0xFFFFE000  }
0xb4: {  	[spmem:s1] =	stream.indirect.scatter.add.f32 [tilespmem:s26], [sflag:$0x1], $0x40, s15, s30, $0xb8;
	[tilespmem:$0x1A800] =	vst v63  }
0xb5: {  	_ =	swait.ge [sflag:s6], $0x2000  }
0xb6: {  	[sflag:s6] =	ssyncset.done $0x0  }
0xb7: {  	[sflag:s6] =	ssyncadd.s32 $0xFFFFE000  }
0xb8: {  	[spmem:s1] =	stream.indirect.scatter.add.f32 [tilespmem:s0], [sflag:$0x2], $0x40, s16, s30, $0xb8;
	[tilespmem:$0x1A800] =	vst v63  }
0xb9: {  	_ =	swait.ge [sflag:s20], $0x2000  }
0xba: {  	[sflag:s20] =	ssyncset.done $0x0  }
0xbb: {  	[sflag:s20] =	ssyncadd.s32 $0xFFFFE000  }
0xbc: {  	_ =	swait.ge [sflag:s8], $0x2000  }
0xbd: {  	[sflag:s8] =	ssyncset.done $0x0  }
0xbe: {  	[sflag:s8] =	ssyncadd.s32 $0xFFFFE000  }
0xbf: {  	s18 =	simm.s32 $0x80;
	_ =	swait.ge [sflag:s12], $0x2000  }
.LBB2_4:
0xc0: {  	s19 =	rddreg [dreg:$0x5];
	s29 =	smov.u32 s18;
	[sflag:s12] =	ssyncset.done $0x0  }
0xc1: {  	s19 =	sadd.s32 s29, s19;
	[sflag:s12] =	ssyncadd.s32 $0xFFFFE000  }
0xc2: {  	[tilespmem:s4], [sflag:$0x7] =	stream.linear.gather [hbm4b:s19+s4], $0x400, $0x38;
	[tilespmem:$0x1A800] =	vst v63  }
0xc3: {  	_ =	swait.ge [sflag:s28], $0x400  }
0xc4: {  	s19 =	rddreg [dreg:$0x4];
	[sflag:s28] =	ssyncset.done $0x0  }
0xc5: {  	[sflag:s28] =	ssyncadd.s32 $0xFFFFFC00;
	s19 =	sadd.s32 s29, s19  }
0xc6: {  	[tilespmem:s31], [sflag:$0x7] =	stream.linear.gather [hbm4b:s19+s4], $0x400, $0x38;
	[tilespmem:$0x1A800] =	vst v63  }
0xc7: {  	_ =	swait.ge [sflag:s28], $0x400  }
0xc8: {  	[sflag:s28] =	ssyncset.done $0x0  }
0xc9: {  	[sflag:s28] =	ssyncadd.s32 $0xFFFFFC00  }
0xca: {  	[tilespmem:s26], [sflag:$0x4] =	stream.indirect.gather [spmem:s3], $0x40, s4, s30, $0xb8;
	[tilespmem:$0x1A800] =	vst v63  }
0xcb: {  	_ = 	snop  }
0xcc: {  	[tilespmem:s0], [sflag:$0x5] =	stream.indirect.gather [spmem:s3], $0x40, s30, s30, $0xb8;
	[tilespmem:$0x1A800] =	vst v63  }
0xcd: {  	_ =	swait.ge [sflag:s2], $0x2000  }
0xce: {  	[sflag:s2] =	ssyncset.done $0x0  }
0xcf: {  	[sflag:s2] =	ssyncadd.s32 $0xFFFFE000  }
0xd0: {  	[spmem:s1] =	stream.indirect.scatter.add.f32 [tilespmem:s26], [sflag:$0x1], $0x40, s31, s30, $0xb8;
	[tilespmem:$0x1A800] =	vst v63  }
0xd1: {  	s29 =	rddreg [dreg:$0x6]  }
0xd2: {  	[tilespmem:s5], [sflag:$0x6] =	stream.indirect.gather [spmem:s3], $0x40, s29, s30, $0xb8;
	[tilespmem:$0x1A800] =	vst v63  }
0xd3: {  	_ =	swait.ge [sflag:s6], $0x2000  }
0xd4: {  	[sflag:s6] =	ssyncset.done $0x0  }
0xd5: {  	[sflag:s6] =	ssyncadd.s32 $0xFFFFE000  }
0xd6: {  	[spmem:s1] =	stream.indirect.scatter.add.f32 [tilespmem:s0], [sflag:$0x2], $0x40, s7, s30, $0xb8;
	[tilespmem:$0x1A800] =	vst v63  }
0xd7: {  	_ =	swait.ge [sflag:s8], $0x2000  }
0xd8: {  	[sflag:s8] =	ssyncset.done $0x0  }
0xd9: {  	[sflag:s8] =	ssyncadd.s32 $0xFFFFE000  }
0xda: {  	[tilespmem:s26], [sflag:$0x4] =	stream.indirect.gather [spmem:s3], $0x40, s9, s30, $0xb8;
	[tilespmem:$0x1A800] =	vst v63  }
0xdb: {  	_ =	swait.ge [sflag:s10], $0x2000  }
0xdc: {  	[sflag:s10] =	ssyncset.done $0x0  }
0xdd: {  	[sflag:s10] =	ssyncadd.s32 $0xFFFFE000  }
0xde: {  	[spmem:s1] =	stream.indirect.scatter.add.f32 [tilespmem:s5], [sflag:$0x3], $0x40, s11, s30, $0xb8;
	[tilespmem:$0x1A800] =	vst v63  }
0xdf: {  	_ =	swait.ge [sflag:s12], $0x2000  }
0xe0: {  	[sflag:s12] =	ssyncset.done $0x0  }
0xe1: {  	[sflag:s12] =	ssyncadd.s32 $0xFFFFE000  }
0xe2: {  	[tilespmem:s0], [sflag:$0x5] =	stream.indirect.gather [spmem:s3], $0x40, s13, s30, $0xb8;
	[tilespmem:$0x1A800] =	vst v63  }
0xe3: {  	_ =	swait.ge [sflag:s2], $0x2000  }
0xe4: {  	[sflag:s2] =	ssyncset.done $0x0  }
0xe5: {  	[sflag:s2] =	ssyncadd.s32 $0xFFFFE000  }
0xe6: {  	[spmem:s1] =	stream.indirect.scatter.add.f32 [tilespmem:s26], [sflag:$0x1], $0x40, s14, s30, $0xb8;
	[tilespmem:$0x1A800] =	vst v63  }
0xe7: {  	_ =	swait.ge [sflag:s20], $0x2000  }
0xe8: {  	[sflag:s20] =	ssyncset.done $0x0  }
0xe9: {  	[sflag:s20] =	ssyncadd.s32 $0xFFFFE000  }
0xea: {  	[tilespmem:s5], [sflag:$0x6] =	stream.indirect.gather [spmem:s3], $0x40, s21, s30, $0xb8;
	[tilespmem:$0x1A800] =	vst v63  }
0xeb: {  	_ =	swait.ge [sflag:s6], $0x2000  }
0xec: {  	[sflag:s6] =	ssyncset.done $0x0  }
0xed: {  	[sflag:s6] =	ssyncadd.s32 $0xFFFFE000  }
0xee: {  	[spmem:s1] =	stream.indirect.scatter.add.f32 [tilespmem:s0], [sflag:$0x2], $0x40, s22, s30, $0xb8;
	[tilespmem:$0x1A800] =	vst v63  }
0xef: {  	_ =	swait.ge [sflag:s8], $0x2000  }
0xf0: {  	[sflag:s8] =	ssyncset.done $0x0  }
0xf1: {  	[sflag:s8] =	ssyncadd.s32 $0xFFFFE000  }
0xf2: {  	[tilespmem:s26], [sflag:$0x4] =	stream.indirect.gather [spmem:s3], $0x40, s23, s30, $0xb8;
	[tilespmem:$0x1A800] =	vst v63  }
0xf3: {  	_ =	swait.ge [sflag:s10], $0x2000  }
0xf4: {  	[sflag:s10] =	ssyncset.done $0x0  }
0xf5: {  	[sflag:s10] =	ssyncadd.s32 $0xFFFFE000  }
0xf6: {  	[spmem:s1] =	stream.indirect.scatter.add.f32 [tilespmem:s5], [sflag:$0x3], $0x40, s24, s30, $0xb8;
	[tilespmem:$0x1A800] =	vst v63  }
0xf7: {  	_ =	swait.ge [sflag:s12], $0x2000  }
0xf8: {  	[sflag:s12] =	ssyncset.done $0x0  }
0xf9: {  	[sflag:s12] =	ssyncadd.s32 $0xFFFFE000  }
0xfa: {  	[tilespmem:s0], [sflag:$0x5] =	stream.indirect.gather [spmem:s3], $0x40, s25, s30, $0xb8;
	[tilespmem:$0x1A800] =	vst v63  }
0xfb: {  	_ =	swait.ge [sflag:s2], $0x2000  }
0xfc: {  	[sflag:s2] =	ssyncset.done $0x0  }
0xfd: {  	[sflag:s2] =	ssyncadd.s32 $0xFFFFE000  }
0xfe: {  	[spmem:s1] =	stream.indirect.scatter.add.f32 [tilespmem:s26], [sflag:$0x1], $0x40, s15, s30, $0xb8;
	[tilespmem:$0x1A800] =	vst v63  }
0xff: {  	_ =	swait.ge [sflag:s6], $0x2000  }
0x100: {  	[sflag:s6] =	ssyncset.done $0x0  }
0x101: {  	[sflag:s6] =	ssyncadd.s32 $0xFFFFE000  }
0x102: {  	[spmem:s1] =	stream.indirect.scatter.add.f32 [tilespmem:s0], [sflag:$0x2], $0x40, s16, s30, $0xb8;
	[tilespmem:$0x1A800] =	vst v63  }
0x103: {  	_ =	swait.ge [sflag:s20], $0x2000  }
0x104: {  	p0 =	sne.s32 s18, $0x980;
	[sflag:s20] =	ssyncset.done $0x0  }
.Ltmp1:
0x105: {  	[sflag:s20] =	ssyncadd.s32 $0xFFFFE000;
	(pc) =	sbr.rel @p0 .LBB2_4-.Ltmp1, $4  }
0x106: {  	_ =	swait.ge [sflag:s8], $0x2000  }
0x107: {  	[sflag:s8] =	ssyncset.done $0x0  }
0x108: {  	[sflag:s8] =	ssyncadd.s32 $0xFFFFE000  }
0x109: {  	s18 =	sadd.s32 $0x80, s18;
	_ =	swait.ge [sflag:s12], $0x2000  }
0x10a: {  	[sflag:s12] =	ssyncset.done $0x0  }
0x10b: {  	[sflag:s12] =	ssyncadd.s32 $0xFFFFE000  }
0x10c: {  	[bflag:$0x0] =	sbarrier.arrive $0xFFFF  }
0x10d: {  	s18 =	rddreg [dreg:$0x11]  }
0x10e: {  	[tilespmem:s26], [sflag:$0x7] =	stream.linear.gather [spmem:s18], $0x2000, $0x38;
	[tilespmem:$0x1A800] =	vst v63  }
0x10f: {  	_ =	swait.ge [sflag:s28], $0x2000  }
0x110: {  	[sflag:s28] =	ssyncset.done $0x0  }
0x111: {  	s19 =	rddreg [dreg:$0xc];
	[sflag:s28] =	ssyncadd.s32 $0xFFFFE000  }
0x112: {  	[hbm4b:s19+s4] =	stream.linear.scatter [tilespmem:s26], [sflag:$0x7], $0x2000, $0x38;
	[tilespmem:$0x1A800] =	vst v63  }
0x113: {  	_ =	swait.ge [sflag:s28], $0x2000  }
0x114: {  	[sflag:s28] =	ssyncset.done $0x0  }
0x115: {  	s29 =	rddreg [dreg:$0x12];
	[sflag:s28] =	ssyncadd.s32 $0xFFFFE000  }
0x116: {  	[tilespmem:s26], [sflag:$0x7] =	stream.linear.gather [spmem:s29], $0x2000, $0x38;
	[tilespmem:$0x1A800] =	vst v63  }
0x117: {  	_ =	swait.ge [sflag:s28], $0x2000  }
0x118: {  	[sflag:s28] =	ssyncset.done $0x0  }
0x119: {  	s19 =	rddreg [dreg:$0xd];
	[sflag:s28] =	ssyncadd.s32 $0xFFFFE000  }
0x11a: {  	[hbm4b:s19+s4] =	stream.linear.scatter [tilespmem:s26], [sflag:$0x7], $0x2000, $0x38;
	[tilespmem:$0x1A800] =	vst v63  }
0x11b: {  	_ =	swait.ge [sflag:s28], $0x2000  }
0x11c: {  	[sflag:s28] =	ssyncset.done $0x0  }
0x11d: {  	s29 =	rddreg [dreg:$0x13];
	[sflag:s28] =	ssyncadd.s32 $0xFFFFE000  }
0x11e: {  	[tilespmem:s26], [sflag:$0x7] =	stream.linear.gather [spmem:s29], $0x2000, $0x38;
	[tilespmem:$0x1A800] =	vst v63  }
0x11f: {  	_ =	swait.ge [sflag:s28], $0x2000  }
0x120: {  	[sflag:s28] =	ssyncset.done $0x0  }
0x121: {  	s19 =	rddreg [dreg:$0xe];
	[sflag:s28] =	ssyncadd.s32 $0xFFFFE000  }
0x122: {  	[hbm4b:s19+s4] =	stream.linear.scatter [tilespmem:s26], [sflag:$0x7], $0x2000, $0x38;
	[tilespmem:$0x1A800] =	vst v63  }
0x123: {  	_ =	swait.ge [sflag:s28], $0x2000  }
0x124: {  	[sflag:s28] =	ssyncset.done $0x0  }
0x125: {  	s29 =	rddreg [dreg:$0x14];
	[sflag:s28] =	ssyncadd.s32 $0xFFFFE000  }
0x126: {  	[tilespmem:s26], [sflag:$0x7] =	stream.linear.gather [spmem:s29], $0x2000, $0x38;
	[tilespmem:$0x1A800] =	vst v63  }
0x127: {  	_ =	swait.ge [sflag:s28], $0x2000  }
0x128: {  	[sflag:s28] =	ssyncset.done $0x0  }
0x129: {  	s19 =	rddreg [dreg:$0xf];
	[sflag:s28] =	ssyncadd.s32 $0xFFFFE000  }
0x12a: {  	[hbm4b:s19+s4] =	stream.linear.scatter [tilespmem:s26], [sflag:$0x7], $0x2000, $0x38;
	[tilespmem:$0x1A800] =	vst v63  }
0x12b: {  	_ =	swait.ge [sflag:s28], $0x2000  }
0x12c: {  	[sflag:s28] =	ssyncset.done $0x0  }
0x12d: {  	s29 =	rddreg [dreg:$0x15];
	[sflag:s28] =	ssyncadd.s32 $0xFFFFE000  }
0x12e: {  	[tilespmem:s26], [sflag:$0x7] =	stream.linear.gather [spmem:s29], $0x2000, $0x38;
	[tilespmem:$0x1A800] =	vst v63  }
0x12f: {  	_ =	swait.ge [sflag:s28], $0x2000  }
0x130: {  	[sflag:s28] =	ssyncset.done $0x0  }
0x131: {  	s19 =	rddreg [dreg:$0x10];
	[sflag:s28] =	ssyncadd.s32 $0xFFFFE000  }
0x132: {  	[hbm4b:s19+s4] =	stream.linear.scatter [tilespmem:s26], [sflag:$0x7], $0x2000, $0x38;
	[tilespmem:$0x1A800] =	vst v63  }
0x133: {  	_ =	swait.ge [sflag:s28], $0x2000  }
0x134: {  	s17 =	sadd.s32 $0x1, s17;
	s29 =	rddreg [dreg:$0x1b]  }
0x135: {  	p0 =	sne.s32 s17, s29  }
.Ltmp2:
0x136: {  	_ = 	snop;
	(pc) =	sbr.rel @p0 .LBB2_1-.Ltmp2, $3  }
0x137: {  	_ =	sdelay $0x1  }
0x138: {  	[sflag:s28] =	ssyncset.done $0x0  }
0x139: {  	[sflag:s28] =	ssyncadd.s32 $0xFFFFE000  }
0x13a: {  	_ =	sfence.sel $0x180000  }
0x13b: {  	[bflag:$0x0] =	sbarrier.arrive $0xFFFF  }
0x13c: {  	_ =	strace $0x9000004A  }
0x13d: {  	s0 =	stileid.u32;
	[bflag:$0x2] =	sbarrier.arrive $0xFFFF  }
0x13e: {  	p0 =	sne.s32 s0, $0x0;
	s0 =	rddreg [dreg:$0x3]  }
0x13f: {  	s0 =	sadd.s32 @!p0 $0x100000, s0  }
0x140: {  	[sflag:s0] =	ssyncadd.tile.s32 @!p0 $0x1;
	_ =	shalt  }
.Lfunc_end2:
_tile_overlayer_lowered:
.L_overlay_start_2:
0x141: {  	(tag) =	ssettag $0x2  }
0x142: {  	s0 =	rddreg [dreg:$0x0];
	s2 =	stileid.u32  }
0x143: {  	s1 =	rddreg [dreg:$0x1];
	p0 =	sne.s32 s2, $0x0  }
0x144: {  	s3 =	rddreg [dreg:$0x2];
	[bflag:$0x3] =	sbarrier.arrive $0xFFFF;
	s2 =	simm.s32 @!p0 $0x1C07  }
0x145: {  	[timem:s3], [sflag:s2] =	dma.local @!p0 [hbm:s0], s1  }
0x146: {  	s0 =	simm.s32 @!p0 $0x7  }
0x147: {  	_ =	swait.ge @!p0 [sflag:s0], s1  }
0x148: {  	s1 =	ssub.s32 @!p0 $0x0, s1;
	[sflag:s0] =	ssyncset.done @!p0 $0x0  }
0x149: {  	[sflag:s0] =	ssyncadd.s32 @!p0 s1  }
0x14a: {  	[bflag:$0x3] =	sbarrier.arrive $0xFFFF  }
0x14b: {  	_ =	shalt  }

</sc_bundles>
